<compile_context>
chip_gen: v7x
topology: tpu7x:2x2x1
jax: 0.10.2.dev20260603
libtpu: 0.0.44.dev20260713+nightly
codegen_flags: <defaults>
</compile_context>

<pallas_src>
import functools

import jax
import jax.numpy as jnp
from jax import lax
from jax.experimental import pallas as pl
from jax.experimental.pallas import tpu as pltpu
from jax.experimental.pallas import tpu_sc as plsc

_C = 128
_NBUF = 4
_OBUF = 2


@functools.lru_cache(maxsize=None)
def _build(N, D, HB):
    info = plsc.get_sparse_core_info()
    nw = info.num_cores * info.num_subcores
    nper = N // nw
    steps = nper // _C
    outer = steps // _NBUF
    nfa = D // 8
    bblocks = HB // _C
    mesh = plsc.VectorSubcoreMesh(core_axis_name="c", subcore_axis_name="s")

    def body(t1, i1, t2, i2, out, i1v, i2v, r1, r2, ob, *sems):
        sg1 = sems[:_NBUF]
        sg2 = sems[_NBUF:2 * _NBUF]
        so = sems[2 * _NBUF:]
        wid = lax.axis_index("s") * info.num_cores + lax.axis_index("c")
        base = wid * nper
        iota = jax.lax.iota(jnp.int32, 16)
        pltpu.sync_copy(i1.at[pl.ds(base, nper)], i1v)
        pltpu.sync_copy(i2.at[pl.ds(base, nper)], i2v)

        def issue(g, b):
            o = g * _C
            pltpu.async_copy(t1.at[i1v.at[pl.ds(o, _C)]], r1.at[b], sg1[b])
            pltpu.async_copy(t2.at[i2v.at[pl.ds(o, _C)]], r2.at[b], sg2[b])

        def wait_gather(b):
            pltpu.make_async_copy(
                t1.at[i1v.at[pl.ds(0, _C)]], r1.at[b], sg1[b]).wait()
            pltpu.make_async_copy(
                t2.at[i2v.at[pl.ds(0, _C)]], r2.at[b], sg2[b]).wait()

        def wait_scatter(b2):
            for fa in range(nfa):
                pltpu.make_async_copy(
                    ob.at[b2, pl.ds(0, 8), pl.ds(0, _C)],
                    out.at[pl.ds(0, 8), :], so[b2]).wait()

        for b in range(_NBUF):
            issue(b, b)

        def outer_step(g2, carry):
            for b in range(_NBUF):
                g = g2 * _NBUF + b
                s = wid * steps + g
                h = s // bblocks
                ba = s % bblocks
                wait_gather(b)
                b2 = b % _OBUF
                if b < _OBUF:
                    @pl.when(g2 > 0)
                    def _():
                        wait_scatter(b2)
                else:
                    wait_scatter(b2)

                def tr_body(bb, c):
                    bs = jnp.full((16,), bb, jnp.int32)
                    for f0 in (0, 16):
                        sl = pl.ds(f0, 16)
                        v = r1[b, bb, sl] + r2[b, bb, sl]
                        plsc.store_scatter(ob.at[b2], [f0 + iota, bs], v)
                    return c

                lax.fori_loop(0, _C, tr_body, 0, unroll=8)

                @pl.when(g2 < outer - 1)
                def _():
                    issue(g + _NBUF, b)

                for fa in range(nfa):
                    off8 = (h * nfa + fa) * (bblocks * 8) + ba * 8
                    pltpu.async_copy(ob.at[b2, pl.ds(fa * 8, 8), pl.ds(0, _C)],
                                     out.at[pl.ds(off8, 8), :], so[b2])
            return carry

        lax.fori_loop(0, outer, outer_step, 0)
        for b2 in range(_OBUF):
            wait_scatter(b2)

    return pl.kernel(
        body,
        mesh=mesh,
        out_type=jax.ShapeDtypeStruct((N * D // _C, _C), jnp.float32),
        scratch_types=[
            pltpu.VMEM((nper,), jnp.int32),
            pltpu.VMEM((nper,), jnp.int32),
            pltpu.VMEM((_NBUF, _C, D), jnp.float32),
            pltpu.VMEM((_NBUF, _C, D), jnp.float32),
            pltpu.VMEM((_OBUF, nfa * 8, _C + 1), jnp.float32),
        ] + [pltpu.SemaphoreType.DMA] * (2 * _NBUF + _OBUF),
        compiler_params=pltpu.CompilerParams(use_tc_tiling_on_sc=False,
                                             needs_layout_passes=False),
    )


def kernel(input, another_input, table1, table2):
    B, H = input.shape
    V, D = table1.shape
    N = B * H
    full_cols = V // _C
    i1 = input.T.reshape(N).astype(jnp.int32)
    i2 = another_input.T.reshape(N).astype(jnp.int32)
    flat = _build(N, D, B)(table1, i1, table2, i2)
    out5 = flat.reshape(H, D // 8, B // 128, 8, 128)
    return out5.transpose(2, 4, 0, 1, 3).reshape(B, H, D)

# --- scband reference (transcript-rebuilt; emitter-appended) ---
"""Pipeline reference for scband-text-module-52432960749694 (READ-ONLY COPY).

The authoritative reference and input builder live on the scoring server;
editing this copy changes nothing except your own understanding.
"""

import jax, jax.numpy as jnp
import numpy as np

NUM_EMBEDDINGS = 1000000
EMBEDDING_DIM = 32
BATCH = 16384
HIST = 50

def setup_inputs(seed: int = 0) -> dict:
    key = jax.random.key(seed)
    k1, k2, k3, k4 = jax.random.split(key, 4)
    inp = jax.random.randint(k1, (BATCH, HIST), 0, NUM_EMBEDDINGS, dtype=jnp.int64) if jax.config.jax_enable_x64 else jax.random.randint(k1, (BATCH, HIST), 0, NUM_EMBEDDINGS, dtype=jnp.int32)
    another = jax.random.randint(k2, (BATCH, HIST), 0, NUM_EMBEDDINGS, dtype=jnp.int64) if jax.config.jax_enable_x64 else jax.random.randint(k2, (BATCH, HIST), 0, NUM_EMBEDDINGS, dtype=jnp.int32)
    table1 = jax.random.normal(k3, (NUM_EMBEDDINGS, EMBEDDING_DIM), dtype=jnp.float32)
    table2 = jax.random.normal(k4, (NUM_EMBEDDINGS, EMBEDDING_DIM), dtype=jnp.float32)
    return {"input": inp, "another_input": another, "table1": table1, "table2": table2}

def reference(input, another_input, table1, table2):
    # embedding = self.inner_embedding(input)
    embedding = jnp.take(table1, input, axis=0)
    # second_embedding=True and another_input is not None ->
    # another_embedding = self.inner_embedding2(another_input)
    another_embedding = jnp.take(table2, another_input, axis=0)
    # another_input is not None -> return embedding + another_embedding
    return embedding + another_embedding

if __name__ == "__main__":
    import jax
    _d = setup_inputs()
    print(jax.jit(kernel)(*tuple(_d.values())))

</pallas_src>

<mosaic_0001>
#map = affine_map<(d0, d1) -> (0, 0)>
#map1 = affine_map<(d0, d1) -> (0)>
module attributes {stable_mosaic.version = 14 : i64} {
  func.func @body(%arg0: i32, %arg1: i32, %arg2: memref<1000000x32xf32, #tpu.memory_space<hbm>>, %arg3: memref<819200xi32, #tpu.memory_space<hbm>>, %arg4: memref<1000000x32xf32, #tpu.memory_space<hbm>>, %arg5: memref<819200xi32, #tpu.memory_space<hbm>>, %arg6: memref<204800x128xf32, #tpu.memory_space<hbm>>, %arg7: memref<25600xi32, #tpu.memory_space<vmem>>, %arg8: memref<25600xi32, #tpu.memory_space<vmem>>, %arg9: memref<4x128x32xf32, #tpu.memory_space<vmem>>, %arg10: memref<4x128x32xf32, #tpu.memory_space<vmem>>, %arg11: memref<2x32x129xf32, #tpu.memory_space<vmem>>, %arg12: memref<!tpu.dma_semaphore, #tpu.memory_space<semaphore_mem>>, %arg13: memref<!tpu.dma_semaphore, #tpu.memory_space<semaphore_mem>>, %arg14: memref<!tpu.dma_semaphore, #tpu.memory_space<semaphore_mem>>, %arg15: memref<!tpu.dma_semaphore, #tpu.memory_space<semaphore_mem>>, %arg16: memref<!tpu.dma_semaphore, #tpu.memory_space<semaphore_mem>>, %arg17: memref<!tpu.dma_semaphore, #tpu.memory_space<semaphore_mem>>, %arg18: memref<!tpu.dma_semaphore, #tpu.memory_space<semaphore_mem>>, %arg19: memref<!tpu.dma_semaphore, #tpu.memory_space<semaphore_mem>>, %arg20: memref<!tpu.dma_semaphore, #tpu.memory_space<semaphore_mem>>, %arg21: memref<!tpu.dma_semaphore, #tpu.memory_space<semaphore_mem>>) attributes {dimension_semantics = [#tpu.dimension_semantics<core_parallel>, #tpu.dimension_semantics<subcore_parallel>], iteration_bounds = array<i64: 2, 16>, scalar_prefetch = 0 : i64, scratch_operands = 15 : i64, tpu.core_type = #tpu.core_type<sc_vector_subcore>, window_params = [{transform_indices = #map}, {transform_indices = #map1}, {transform_indices = #map}, {transform_indices = #map1}, {transform_indices = #map}]} {
    %mul3A = arith.constant 2 : i32
    %mul3A_0 = arith.muli %arg1, %mul3A : i32
    %add3A = arith.addi %mul3A_0, %arg0 : i32
    %mul3A_1 = arith.constant 25600 : i32
    %mul3A_2 = arith.muli %add3A, %mul3A_1 : i32
    %iota3A = tpu.iota {dimensions = array<i32: 0>} : vector<16xi32>
    "tpu.region"() ({
      %run_scoped3A = tpu.sem_alloc : memref<!tpu.dma_semaphore, #tpu.memory_space<semaphore_mem>>
      %dma_start3A_206 = tpu.memref_slice %arg3[%mul3A_2] : memref<819200xi32, #tpu.memory_space<hbm>> -> memref<25600xi32, #tpu.memory_space<hbm>>
      %dma_start3A_207 = tpu.memref_slice %arg3[%mul3A_2] : memref<819200xi32, #tpu.memory_space<hbm>> -> memref<25600xi32, #tpu.memory_space<hbm>>
      tpu.enqueue_dma source(%dma_start3A_207 : memref<25600xi32, #tpu.memory_space<hbm>>) target(%arg7 : memref<25600xi32, #tpu.memory_space<vmem>>) target_semaphore(%run_scoped3A : memref<!tpu.dma_semaphore, #tpu.memory_space<semaphore_mem>>)
      %dma_wait3A_208 = tpu.memref_slice %arg3[%mul3A_2] : memref<819200xi32, #tpu.memory_space<hbm>> -> memref<25600xi32, #tpu.memory_space<hbm>>
      %dma_wait3A_209 = tpu.memref_slice %arg3[%mul3A_2] : memref<819200xi32, #tpu.memory_space<hbm>> -> memref<25600xi32, #tpu.memory_space<hbm>>
      tpu.wait_dma2 semaphore(%run_scoped3A : memref<!tpu.dma_semaphore, #tpu.memory_space<semaphore_mem>>) src(%dma_wait3A_209 : memref<25600xi32, #tpu.memory_space<hbm>>) dst(%arg7 : memref<25600xi32, #tpu.memory_space<vmem>>)
      tpu.yield
    }) : () -> ()
    "tpu.region"() ({
      %run_scoped3A = tpu.sem_alloc : memref<!tpu.dma_semaphore, #tpu.memory_space<semaphore_mem>>
      %dma_start3A_206 = tpu.memref_slice %arg5[%mul3A_2] : memref<819200xi32, #tpu.memory_space<hbm>> -> memref<25600xi32, #tpu.memory_space<hbm>>
      %dma_start3A_207 = tpu.memref_slice %arg5[%mul3A_2] : memref<819200xi32, #tpu.memory_space<hbm>> -> memref<25600xi32, #tpu.memory_space<hbm>>
      tpu.enqueue_dma source(%dma_start3A_207 : memref<25600xi32, #tpu.memory_space<hbm>>) target(%arg8 : memref<25600xi32, #tpu.memory_space<vmem>>) target_semaphore(%run_scoped3A : memref<!tpu.dma_semaphore, #tpu.memory_space<semaphore_mem>>)
      %dma_wait3A_208 = tpu.memref_slice %arg5[%mul3A_2] : memref<819200xi32, #tpu.memory_space<hbm>> -> memref<25600xi32, #tpu.memory_space<hbm>>
      %dma_wait3A_209 = tpu.memref_slice %arg5[%mul3A_2] : memref<819200xi32, #tpu.memory_space<hbm>> -> memref<25600xi32, #tpu.memory_space<hbm>>
      tpu.wait_dma2 semaphore(%run_scoped3A : memref<!tpu.dma_semaphore, #tpu.memory_space<semaphore_mem>>) src(%dma_wait3A_209 : memref<25600xi32, #tpu.memory_space<hbm>>) dst(%arg8 : memref<25600xi32, #tpu.memory_space<vmem>>)
      tpu.yield
    }) : () -> ()
    %dma_start3A = arith.constant 0 : i32
    %dma_start3A_3 = arith.constant 0 : i32
    %dma_start3A_4 = arith.constant 0 : i32
    %dma_start3A_5 = tpu.memref_slice %arg9[%dma_start3A, %dma_start3A_3, %dma_start3A_4] : memref<4x128x32xf32, #tpu.memory_space<vmem>> -> memref<1x128x32xf32, #tpu.memory_space<vmem>>
    %dma_start3A_6 = tpu.memref_squeeze %dma_start3A_5 : memref<1x128x32xf32, #tpu.memory_space<vmem>> -> memref<128x32xf32, #tpu.memory_space<vmem>>
    %dma_start3A_7 = arith.constant 0 : i32
    %dma_start3A_8 = tpu.memref_slice %arg7[%dma_start3A_7] : memref<25600xi32, #tpu.memory_space<vmem>> -> memref<128xi32, #tpu.memory_space<vmem>>
    %dma_start3A_9 = arith.constant 0 : i32
    %dma_start3A_10 = arith.constant 0 : i32
    %dma_start3A_11 = tpu.memref_slice %arg2[%dma_start3A_9, %dma_start3A_10] : memref<1000000x32xf32, #tpu.memory_space<hbm>> -> memref<1000000x32xf32, #tpu.memory_space<hbm>>
    tpu.enqueue_indirect_dma source(%dma_start3A_11 : memref<1000000x32xf32, #tpu.memory_space<hbm>>) target(%dma_start3A_6 : memref<128x32xf32, #tpu.memory_space<vmem>>) offsets(%dma_start3A_8 : memref<128xi32, #tpu.memory_space<vmem>>) semaphore(%arg12 : memref<!tpu.dma_semaphore, #tpu.memory_space<semaphore_mem>>)
    %dma_start3A_12 = arith.constant 0 : i32
    %dma_start3A_13 = arith.constant 0 : i32
    %dma_start3A_14 = arith.constant 0 : i32
    %dma_start3A_15 = tpu.memref_slice %arg10[%dma_start3A_12, %dma_start3A_13, %dma_start3A_14] : memref<4x128x32xf32, #tpu.memory_space<vmem>> -> memref<1x128x32xf32, #tpu.memory_space<vmem>>
    %dma_start3A_16 = tpu.memref_squeeze %dma_start3A_15 : memref<1x128x32xf32, #tpu.memory_space<vmem>> -> memref<128x32xf32, #tpu.memory_space<vmem>>
    %dma_start3A_17 = arith.constant 0 : i32
    %dma_start3A_18 = tpu.memref_slice %arg8[%dma_start3A_17] : memref<25600xi32, #tpu.memory_space<vmem>> -> memref<128xi32, #tpu.memory_space<vmem>>
    %dma_start3A_19 = arith.constant 0 : i32
    %dma_start3A_20 = arith.constant 0 : i32
    %dma_start3A_21 = tpu.memref_slice %arg4[%dma_start3A_19, %dma_start3A_20] : memref<1000000x32xf32, #tpu.memory_space<hbm>> -> memref<1000000x32xf32, #tpu.memory_space<hbm>>
    tpu.enqueue_indirect_dma source(%dma_start3A_21 : memref<1000000x32xf32, #tpu.memory_space<hbm>>) target(%dma_start3A_16 : memref<128x32xf32, #tpu.memory_space<vmem>>) offsets(%dma_start3A_18 : memref<128xi32, #tpu.memory_space<vmem>>) semaphore(%arg16 : memref<!tpu.dma_semaphore, #tpu.memory_space<semaphore_mem>>)
    %dma_start3A_22 = arith.constant 1 : i32
    %dma_start3A_23 = arith.constant 0 : i32
    %dma_start3A_24 = arith.constant 0 : i32
    %dma_start3A_25 = tpu.memref_slice %arg9[%dma_start3A_22, %dma_start3A_23, %dma_start3A_24] : memref<4x128x32xf32, #tpu.memory_space<vmem>> -> memref<1x128x32xf32, #tpu.memory_space<vmem>>
    %dma_start3A_26 = tpu.memref_squeeze %dma_start3A_25 : memref<1x128x32xf32, #tpu.memory_space<vmem>> -> memref<128x32xf32, #tpu.memory_space<vmem>>
    %dma_start3A_27 = arith.constant 128 : i32
    %dma_start3A_28 = tpu.memref_slice %arg7[%dma_start3A_27] : memref<25600xi32, #tpu.memory_space<vmem>> -> memref<128xi32, #tpu.memory_space<vmem>>
    %dma_start3A_29 = arith.constant 0 : i32
    %dma_start3A_30 = arith.constant 0 : i32
    %dma_start3A_31 = tpu.memref_slice %arg2[%dma_start3A_29, %dma_start3A_30] : memref<1000000x32xf32, #tpu.memory_space<hbm>> -> memref<1000000x32xf32, #tpu.memory_space<hbm>>
    tpu.enqueue_indirect_dma source(%dma_start3A_31 : memref<1000000x32xf32, #tpu.memory_space<hbm>>) target(%dma_start3A_26 : memref<128x32xf32, #tpu.memory_space<vmem>>) offsets(%dma_start3A_28 : memref<128xi32, #tpu.memory_space<vmem>>) semaphore(%arg13 : memref<!tpu.dma_semaphore, #tpu.memory_space<semaphore_mem>>)
    %dma_start3A_32 = arith.constant 1 : i32
    %dma_start3A_33 = arith.constant 0 : i32
    %dma_start3A_34 = arith.constant 0 : i32
    %dma_start3A_35 = tpu.memref_slice %arg10[%dma_start3A_32, %dma_start3A_33, %dma_start3A_34] : memref<4x128x32xf32, #tpu.memory_space<vmem>> -> memref<1x128x32xf32, #tpu.memory_space<vmem>>
    %dma_start3A_36 = tpu.memref_squeeze %dma_start3A_35 : memref<1x128x32xf32, #tpu.memory_space<vmem>> -> memref<128x32xf32, #tpu.memory_space<vmem>>
    %dma_start3A_37 = arith.constant 128 : i32
    %dma_start3A_38 = tpu.memref_slice %arg8[%dma_start3A_37] : memref<25600xi32, #tpu.memory_space<vmem>> -> memref<128xi32, #tpu.memory_space<vmem>>
    %dma_start3A_39 = arith.constant 0 : i32
    %dma_start3A_40 = arith.constant 0 : i32
    %dma_start3A_41 = tpu.memref_slice %arg4[%dma_start3A_39, %dma_start3A_40] : memref<1000000x32xf32, #tpu.memory_space<hbm>> -> memref<1000000x32xf32, #tpu.memory_space<hbm>>
    tpu.enqueue_indirect_dma source(%dma_start3A_41 : memref<1000000x32xf32, #tpu.memory_space<hbm>>) target(%dma_start3A_36 : memref<128x32xf32, #tpu.memory_space<vmem>>) offsets(%dma_start3A_38 : memref<128xi32, #tpu.memory_space<vmem>>) semaphore(%arg17 : memref<!tpu.dma_semaphore, #tpu.memory_space<semaphore_mem>>)
    %dma_start3A_42 = arith.constant 2 : i32
    %dma_start3A_43 = arith.constant 0 : i32
    %dma_start3A_44 = arith.constant 0 : i32
    %dma_start3A_45 = tpu.memref_slice %arg9[%dma_start3A_42, %dma_start3A_43, %dma_start3A_44] : memref<4x128x32xf32, #tpu.memory_space<vmem>> -> memref<1x128x32xf32, #tpu.memory_space<vmem>>
    %dma_start3A_46 = tpu.memref_squeeze %dma_start3A_45 : memref<1x128x32xf32, #tpu.memory_space<vmem>> -> memref<128x32xf32, #tpu.memory_space<vmem>>
    %dma_start3A_47 = arith.constant 256 : i32
    %dma_start3A_48 = tpu.memref_slice %arg7[%dma_start3A_47] : memref<25600xi32, #tpu.memory_space<vmem>> -> memref<128xi32, #tpu.memory_space<vmem>>
    %dma_start3A_49 = arith.constant 0 : i32
    %dma_start3A_50 = arith.constant 0 : i32
    %dma_start3A_51 = tpu.memref_slice %arg2[%dma_start3A_49, %dma_start3A_50] : memref<1000000x32xf32, #tpu.memory_space<hbm>> -> memref<1000000x32xf32, #tpu.memory_space<hbm>>
    tpu.enqueue_indirect_dma source(%dma_start3A_51 : memref<1000000x32xf32, #tpu.memory_space<hbm>>) target(%dma_start3A_46 : memref<128x32xf32, #tpu.memory_space<vmem>>) offsets(%dma_start3A_48 : memref<128xi32, #tpu.memory_space<vmem>>) semaphore(%arg14 : memref<!tpu.dma_semaphore, #tpu.memory_space<semaphore_mem>>)
    %dma_start3A_52 = arith.constant 2 : i32
    %dma_start3A_53 = arith.constant 0 : i32
    %dma_start3A_54 = arith.constant 0 : i32
    %dma_start3A_55 = tpu.memref_slice %arg10[%dma_start3A_52, %dma_start3A_53, %dma_start3A_54] : memref<4x128x32xf32, #tpu.memory_space<vmem>> -> memref<1x128x32xf32, #tpu.memory_space<vmem>>
    %dma_start3A_56 = tpu.memref_squeeze %dma_start3A_55 : memref<1x128x32xf32, #tpu.memory_space<vmem>> -> memref<128x32xf32, #tpu.memory_space<vmem>>
    %dma_start3A_57 = arith.constant 256 : i32
    %dma_start3A_58 = tpu.memref_slice %arg8[%dma_start3A_57] : memref<25600xi32, #tpu.memory_space<vmem>> -> memref<128xi32, #tpu.memory_space<vmem>>
    %dma_start3A_59 = arith.constant 0 : i32
    %dma_start3A_60 = arith.constant 0 : i32
    %dma_start3A_61 = tpu.memref_slice %arg4[%dma_start3A_59, %dma_start3A_60] : memref<1000000x32xf32, #tpu.memory_space<hbm>> -> memref<1000000x32xf32, #tpu.memory_space<hbm>>
    tpu.enqueue_indirect_dma source(%dma_start3A_61 : memref<1000000x32xf32, #tpu.memory_space<hbm>>) target(%dma_start3A_56 : memref<128x32xf32, #tpu.memory_space<vmem>>) offsets(%dma_start3A_58 : memref<128xi32, #tpu.memory_space<vmem>>) semaphore(%arg18 : memref<!tpu.dma_semaphore, #tpu.memory_space<semaphore_mem>>)
    %dma_start3A_62 = arith.constant 3 : i32
    %dma_start3A_63 = arith.constant 0 : i32
    %dma_start3A_64 = arith.constant 0 : i32
    %dma_start3A_65 = tpu.memref_slice %arg9[%dma_start3A_62, %dma_start3A_63, %dma_start3A_64] : memref<4x128x32xf32, #tpu.memory_space<vmem>> -> memref<1x128x32xf32, #tpu.memory_space<vmem>>
    %dma_start3A_66 = tpu.memref_squeeze %dma_start3A_65 : memref<1x128x32xf32, #tpu.memory_space<vmem>> -> memref<128x32xf32, #tpu.memory_space<vmem>>
    %dma_start3A_67 = arith.constant 384 : i32
    %dma_start3A_68 = tpu.memref_slice %arg7[%dma_start3A_67] : memref<25600xi32, #tpu.memory_space<vmem>> -> memref<128xi32, #tpu.memory_space<vmem>>
    %dma_start3A_69 = arith.constant 0 : i32
    %dma_start3A_70 = arith.constant 0 : i32
    %dma_start3A_71 = tpu.memref_slice %arg2[%dma_start3A_69, %dma_start3A_70] : memref<1000000x32xf32, #tpu.memory_space<hbm>> -> memref<1000000x32xf32, #tpu.memory_space<hbm>>
    tpu.enqueue_indirect_dma source(%dma_start3A_71 : memref<1000000x32xf32, #tpu.memory_space<hbm>>) target(%dma_start3A_66 : memref<128x32xf32, #tpu.memory_space<vmem>>) offsets(%dma_start3A_68 : memref<128xi32, #tpu.memory_space<vmem>>) semaphore(%arg15 : memref<!tpu.dma_semaphore, #tpu.memory_space<semaphore_mem>>)
    %dma_start3A_72 = arith.constant 3 : i32
    %dma_start3A_73 = arith.constant 0 : i32
    %dma_start3A_74 = arith.constant 0 : i32
    %dma_start3A_75 = tpu.memref_slice %arg10[%dma_start3A_72, %dma_start3A_73, %dma_start3A_74] : memref<4x128x32xf32, #tpu.memory_space<vmem>> -> memref<1x128x32xf32, #tpu.memory_space<vmem>>
    %dma_start3A_76 = tpu.memref_squeeze %dma_start3A_75 : memref<1x128x32xf32, #tpu.memory_space<vmem>> -> memref<128x32xf32, #tpu.memory_space<vmem>>
    %dma_start3A_77 = arith.constant 384 : i32
    %dma_start3A_78 = tpu.memref_slice %arg8[%dma_start3A_77] : memref<25600xi32, #tpu.memory_space<vmem>> -> memref<128xi32, #tpu.memory_space<vmem>>
    %dma_start3A_79 = arith.constant 0 : i32
    %dma_start3A_80 = arith.constant 0 : i32
    %dma_start3A_81 = tpu.memref_slice %arg4[%dma_start3A_79, %dma_start3A_80] : memref<1000000x32xf32, #tpu.memory_space<hbm>> -> memref<1000000x32xf32, #tpu.memory_space<hbm>>
    tpu.enqueue_indirect_dma source(%dma_start3A_81 : memref<1000000x32xf32, #tpu.memory_space<hbm>>) target(%dma_start3A_76 : memref<128x32xf32, #tpu.memory_space<vmem>>) offsets(%dma_start3A_78 : memref<128xi32, #tpu.memory_space<vmem>>) semaphore(%arg19 : memref<!tpu.dma_semaphore, #tpu.memory_space<semaphore_mem>>)
    %scan3A = arith.constant 0 : i32
    %scan3A_82 = arith.constant 0 : i32
    %scan3A_83 = arith.constant 50 : i32
    %scan3A_84 = arith.addi %scan3A_82, %scan3A_83 : i32
    %scan3A_85 = arith.constant 1 : i32
    scf.for %scan3A_206 = %scan3A_82 to %scan3A_84 step %scan3A_85  : i32 {
      %mul3A_207 = arith.constant 4 : i32
      %mul3A_208 = arith.muli %scan3A_206, %mul3A_207 : i32
      %add3A_209 = arith.constant 0 : i32
      %add3A_210 = arith.addi %mul3A_208, %add3A_209 : i32
      %mul3A_211 = arith.constant 200 : i32
      %mul3A_212 = arith.muli %add3A, %mul3A_211 : i32
      %add3A_213 = arith.addi %mul3A_212, %add3A_210 : i32
      %jit3A = arith.constant 128 : i32
      %div3A = arith.divsi %add3A_213, %jit3A : i32
      %sign3A = arith.constant 0 : i32
      %sign3A_214 = arith.cmpi sgt, %add3A_213, %sign3A : i32
      %sign3A_215 = arith.extui %sign3A_214 : i1 to i32
      %sign3A_216 = arith.constant 0 : i32
      %sign3A_217 = arith.cmpi slt, %add3A_213, %sign3A_216 : i32
      %sign3A_218 = arith.extui %sign3A_217 : i1 to i32
      %sign3A_219 = arith.subi %sign3A_215, %sign3A_218 : i32
      %sign3A_220 = arith.constant 0 : i32
      %sign3A_221 = arith.cmpi sgt, %jit3A, %sign3A_220 : i32
      %sign3A_222 = arith.extui %sign3A_221 : i1 to i32
      %sign3A_223 = arith.constant 0 : i32
      %sign3A_224 = arith.cmpi slt, %jit3A, %sign3A_223 : i32
      %sign3A_225 = arith.extui %sign3A_224 : i1 to i32
      %sign3A_226 = arith.subi %sign3A_222, %sign3A_225 : i32
      %ne3A = arith.cmpi ne, %sign3A_219, %sign3A_226 : i32
      %rem3A = arith.remsi %add3A_213, %jit3A : i32
      %ne3A_227 = arith.constant 0 : i32
      %ne3A_228 = arith.cmpi ne, %rem3A, %ne3A_227 : i32
      %and3A = arith.andi %ne3A, %ne3A_228 : i1
      %sub3A = arith.constant 1 : i32
      %sub3A_229 = arith.subi %div3A, %sub3A : i32
      %select_n3A = arith.select %and3A, %sub3A_229, %div3A : i32
      %jit3A_230 = arith.constant 128 : i32
      %eq3A = arith.constant 0 : i32
      %eq3A_231 = arith.cmpi eq, %jit3A_230, %eq3A : i32
      %jit3A_232 = arith.constant 1 : i32
      %select_n3A_233 = arith.select %eq3A_231, %jit3A_232, %jit3A_230 : i32
      %rem3A_234 = arith.remsi %add3A_213, %select_n3A_233 : i32
      %ne3A_235 = arith.constant 0 : i32
      %ne3A_236 = arith.cmpi ne, %rem3A_234, %ne3A_235 : i32
      %lt3A = arith.constant 0 : i32
      %lt3A_237 = arith.cmpi slt, %rem3A_234, %lt3A : i32
      %lt3A_238 = arith.constant 0 : i32
      %lt3A_239 = arith.cmpi slt, %select_n3A_233, %lt3A_238 : i32
      %ne3A_240 = arith.xori %lt3A_237, %lt3A_239 : i1
      %and3A_241 = arith.andi %ne3A_240, %ne3A_236 : i1
      %add3A_242 = arith.addi %rem3A_234, %select_n3A_233 : i32
      %select_n3A_243 = arith.select %and3A_241, %add3A_242, %rem3A_234 : i32
      %dma_wait3A_244 = arith.constant 0 : i32
      %dma_wait3A_245 = arith.constant 0 : i32
      %dma_wait3A_246 = arith.constant 0 : i32
      %dma_wait3A_247 = tpu.memref_slice %arg9[%dma_wait3A_244, %dma_wait3A_245, %dma_wait3A_246] : memref<4x128x32xf32, #tpu.memory_space<vmem>> -> memref<1x128x32xf32, #tpu.memory_space<vmem>>
      %dma_wait3A_248 = tpu.memref_squeeze %dma_wait3A_247 : memref<1x128x32xf32, #tpu.memory_space<vmem>> -> memref<128x32xf32, #tpu.memory_space<vmem>>
      %dma_wait3A_249 = arith.constant 0 : i32
      %dma_wait3A_250 = tpu.memref_slice %arg7[%dma_wait3A_249] : memref<25600xi32, #tpu.memory_space<vmem>> -> memref<128xi32, #tpu.memory_space<vmem>>
      %dma_wait3A_251 = arith.constant 0 : i32
      %dma_wait3A_252 = arith.constant 0 : i32
      %dma_wait3A_253 = tpu.memref_slice %arg2[%dma_wait3A_251, %dma_wait3A_252] : memref<1000000x32xf32, #tpu.memory_space<hbm>> -> memref<1000000x32xf32, #tpu.memory_space<hbm>>
      tpu.wait_indirect_dma semaphore(%arg12 : memref<!tpu.dma_semaphore, #tpu.memory_space<semaphore_mem>>) src(%dma_wait3A_253 : memref<1000000x32xf32, #tpu.memory_space<hbm>>) dst(%dma_wait3A_248 : memref<128x32xf32, #tpu.memory_space<vmem>>)
      %dma_wait3A_254 = arith.constant 0 : i32
      %dma_wait3A_255 = arith.constant 0 : i32
      %dma_wait3A_256 = arith.constant 0 : i32
      %dma_wait3A_257 = tpu.memref_slice %arg10[%dma_wait3A_254, %dma_wait3A_255, %dma_wait3A_256] : memref<4x128x32xf32, #tpu.memory_space<vmem>> -> memref<1x128x32xf32, #tpu.memory_space<vmem>>
      %dma_wait3A_258 = tpu.memref_squeeze %dma_wait3A_257 : memref<1x128x32xf32, #tpu.memory_space<vmem>> -> memref<128x32xf32, #tpu.memory_space<vmem>>
      %dma_wait3A_259 = arith.constant 0 : i32
      %dma_wait3A_260 = tpu.memref_slice %arg8[%dma_wait3A_259] : memref<25600xi32, #tpu.memory_space<vmem>> -> memref<128xi32, #tpu.memory_space<vmem>>
      %dma_wait3A_261 = arith.constant 0 : i32
      %dma_wait3A_262 = arith.constant 0 : i32
      %dma_wait3A_263 = tpu.memref_slice %arg4[%dma_wait3A_261, %dma_wait3A_262] : memref<1000000x32xf32, #tpu.memory_space<hbm>> -> memref<1000000x32xf32, #tpu.memory_space<hbm>>
      tpu.wait_indirect_dma semaphore(%arg16 : memref<!tpu.dma_semaphore, #tpu.memory_space<semaphore_mem>>) src(%dma_wait3A_263 : memref<1000000x32xf32, #tpu.memory_space<hbm>>) dst(%dma_wait3A_258 : memref<128x32xf32, #tpu.memory_space<vmem>>)
      %gt3A = arith.constant 0 : i32
      %gt3A_264 = arith.cmpi sgt, %scan3A_206, %gt3A : i32
      %convert_element_type3A = arith.extui %gt3A_264 : i1 to i32
      %cond3A = arith.constant 0 : i32
      %cond3A_265 = arith.cmpi ne, %convert_element_type3A, %cond3A : i32
      scf.if %cond3A_265 {
        %dma_wait3A_988 = arith.constant 0 : i32
        %dma_wait3A_989 = arith.constant 0 : i32
        %dma_wait3A_990 = arith.constant 0 : i32
        %dma_wait3A_991 = tpu.memref_slice %arg11[%dma_wait3A_988, %dma_wait3A_989, %dma_wait3A_990] : memref<2x32x129xf32, #tpu.memory_space<vmem>> -> memref<1x8x128xf32, #tpu.memory_space<vmem>>
        %dma_wait3A_992 = tpu.memref_squeeze %dma_wait3A_991 : memref<1x8x128xf32, #tpu.memory_space<vmem>> -> memref<8x128xf32, #tpu.memory_space<vmem>>
        %dma_wait3A_993 = arith.constant 0 : i32
        %dma_wait3A_994 = arith.constant 0 : i32
        %dma_wait3A_995 = tpu.memref_slice %arg6[%dma_wait3A_993, %dma_wait3A_994] : memref<204800x128xf32, #tpu.memory_space<hbm>> -> memref<8x128xf32, #tpu.memory_space<hbm>>
        %dma_wait3A_996 = arith.constant 0 : i32
        %dma_wait3A_997 = arith.constant 0 : i32
        %dma_wait3A_998 = tpu.memref_slice %arg6[%dma_wait3A_996, %dma_wait3A_997] : memref<204800x128xf32, #tpu.memory_space<hbm>> -> memref<8x128xf32, #tpu.memory_space<hbm>>
        %dma_wait3A_999 = arith.constant 0 : i32
        %dma_wait3A_1000 = arith.constant 0 : i32
        %dma_wait3A_1001 = tpu.memref_slice %arg11[%dma_wait3A_988, %dma_wait3A_999, %dma_wait3A_1000] : memref<2x32x129xf32, #tpu.memory_space<vmem>> -> memref<1x8x128xf32, #tpu.memory_space<vmem>>
        %dma_wait3A_1002 = tpu.memref_squeeze %dma_wait3A_1001 : memref<1x8x128xf32, #tpu.memory_space<vmem>> -> memref<8x128xf32, #tpu.memory_space<vmem>>
        tpu.wait_dma2 semaphore(%arg20 : memref<!tpu.dma_semaphore, #tpu.memory_space<semaphore_mem>>) src(%dma_wait3A_1002 : memref<8x128xf32, #tpu.memory_space<vmem>>) dst(%dma_wait3A_998 : memref<8x128xf32, #tpu.memory_space<hbm>>)
        %dma_wait3A_1003 = arith.constant 0 : i32
        %dma_wait3A_1004 = arith.constant 0 : i32
        %dma_wait3A_1005 = arith.constant 0 : i32
        %dma_wait3A_1006 = tpu.memref_slice %arg11[%dma_wait3A_1003, %dma_wait3A_1004, %dma_wait3A_1005] : memref<2x32x129xf32, #tpu.memory_space<vmem>> -> memref<1x8x128xf32, #tpu.memory_space<vmem>>
        %dma_wait3A_1007 = tpu.memref_squeeze %dma_wait3A_1006 : memref<1x8x128xf32, #tpu.memory_space<vmem>> -> memref<8x128xf32, #tpu.memory_space<vmem>>
        %dma_wait3A_1008 = arith.constant 0 : i32
        %dma_wait3A_1009 = arith.constant 0 : i32
        %dma_wait3A_1010 = tpu.memref_slice %arg6[%dma_wait3A_1008, %dma_wait3A_1009] : memref<204800x128xf32, #tpu.memory_space<hbm>> -> memref<8x128xf32, #tpu.memory_space<hbm>>
        %dma_wait3A_1011 = arith.constant 0 : i32
        %dma_wait3A_1012 = arith.constant 0 : i32
        %dma_wait3A_1013 = tpu.memref_slice %arg6[%dma_wait3A_1011, %dma_wait3A_1012] : memref<204800x128xf32, #tpu.memory_space<hbm>> -> memref<8x128xf32, #tpu.memory_space<hbm>>
        %dma_wait3A_1014 = arith.constant 0 : i32
        %dma_wait3A_1015 = arith.constant 0 : i32
        %dma_wait3A_1016 = tpu.memref_slice %arg11[%dma_wait3A_1003, %dma_wait3A_1014, %dma_wait3A_1015] : memref<2x32x129xf32, #tpu.memory_space<vmem>> -> memref<1x8x128xf32, #tpu.memory_space<vmem>>
        %dma_wait3A_1017 = tpu.memref_squeeze %dma_wait3A_1016 : memref<1x8x128xf32, #tpu.memory_space<vmem>> -> memref<8x128xf32, #tpu.memory_space<vmem>>
        tpu.wait_dma2 semaphore(%arg20 : memref<!tpu.dma_semaphore, #tpu.memory_space<semaphore_mem>>) src(%dma_wait3A_1017 : memref<8x128xf32, #tpu.memory_space<vmem>>) dst(%dma_wait3A_1013 : memref<8x128xf32, #tpu.memory_space<hbm>>)
        %dma_wait3A_1018 = arith.constant 0 : i32
        %dma_wait3A_1019 = arith.constant 0 : i32
        %dma_wait3A_1020 = arith.constant 0 : i32
        %dma_wait3A_1021 = tpu.memref_slice %arg11[%dma_wait3A_1018, %dma_wait3A_1019, %dma_wait3A_1020] : memref<2x32x129xf32, #tpu.memory_space<vmem>> -> memref<1x8x128xf32, #tpu.memory_space<vmem>>
        %dma_wait3A_1022 = tpu.memref_squeeze %dma_wait3A_1021 : memref<1x8x128xf32, #tpu.memory_space<vmem>> -> memref<8x128xf32, #tpu.memory_space<vmem>>
        %dma_wait3A_1023 = arith.constant 0 : i32
        %dma_wait3A_1024 = arith.constant 0 : i32
        %dma_wait3A_1025 = tpu.memref_slice %arg6[%dma_wait3A_1023, %dma_wait3A_1024] : memref<204800x128xf32, #tpu.memory_space<hbm>> -> memref<8x128xf32, #tpu.memory_space<hbm>>
        %dma_wait3A_1026 = arith.constant 0 : i32
        %dma_wait3A_1027 = arith.constant 0 : i32
        %dma_wait3A_1028 = tpu.memref_slice %arg6[%dma_wait3A_1026, %dma_wait3A_1027] : memref<204800x128xf32, #tpu.memory_space<hbm>> -> memref<8x128xf32, #tpu.memory_space<hbm>>
        %dma_wait3A_1029 = arith.constant 0 : i32
        %dma_wait3A_1030 = arith.constant 0 : i32
        %dma_wait3A_1031 = tpu.memref_slice %arg11[%dma_wait3A_1018, %dma_wait3A_1029, %dma_wait3A_1030] : memref<2x32x129xf32, #tpu.memory_space<vmem>> -> memref<1x8x128xf32, #tpu.memory_space<vmem>>
        %dma_wait3A_1032 = tpu.memref_squeeze %dma_wait3A_1031 : memref<1x8x128xf32, #tpu.memory_space<vmem>> -> memref<8x128xf32, #tpu.memory_space<vmem>>
        tpu.wait_dma2 semaphore(%arg20 : memref<!tpu.dma_semaphore, #tpu.memory_space<semaphore_mem>>) src(%dma_wait3A_1032 : memref<8x128xf32, #tpu.memory_space<vmem>>) dst(%dma_wait3A_1028 : memref<8x128xf32, #tpu.memory_space<hbm>>)
        %dma_wait3A_1033 = arith.constant 0 : i32
        %dma_wait3A_1034 = arith.constant 0 : i32
        %dma_wait3A_1035 = arith.constant 0 : i32
        %dma_wait3A_1036 = tpu.memref_slice %arg11[%dma_wait3A_1033, %dma_wait3A_1034, %dma_wait3A_1035] : memref<2x32x129xf32, #tpu.memory_space<vmem>> -> memref<1x8x128xf32, #tpu.memory_space<vmem>>
        %dma_wait3A_1037 = tpu.memref_squeeze %dma_wait3A_1036 : memref<1x8x128xf32, #tpu.memory_space<vmem>> -> memref<8x128xf32, #tpu.memory_space<vmem>>
        %dma_wait3A_1038 = arith.constant 0 : i32
        %dma_wait3A_1039 = arith.constant 0 : i32
        %dma_wait3A_1040 = tpu.memref_slice %arg6[%dma_wait3A_1038, %dma_wait3A_1039] : memref<204800x128xf32, #tpu.memory_space<hbm>> -> memref<8x128xf32, #tpu.memory_space<hbm>>
        %dma_wait3A_1041 = arith.constant 0 : i32
        %dma_wait3A_1042 = arith.constant 0 : i32
        %dma_wait3A_1043 = tpu.memref_slice %arg6[%dma_wait3A_1041, %dma_wait3A_1042] : memref<204800x128xf32, #tpu.memory_space<hbm>> -> memref<8x128xf32, #tpu.memory_space<hbm>>
        %dma_wait3A_1044 = arith.constant 0 : i32
        %dma_wait3A_1045 = arith.constant 0 : i32
        %dma_wait3A_1046 = tpu.memref_slice %arg11[%dma_wait3A_1033, %dma_wait3A_1044, %dma_wait3A_1045] : memref<2x32x129xf32, #tpu.memory_space<vmem>> -> memref<1x8x128xf32, #tpu.memory_space<vmem>>
        %dma_wait3A_1047 = tpu.memref_squeeze %dma_wait3A_1046 : memref<1x8x128xf32, #tpu.memory_space<vmem>> -> memref<8x128xf32, #tpu.memory_space<vmem>>
        tpu.wait_dma2 semaphore(%arg20 : memref<!tpu.dma_semaphore, #tpu.memory_space<semaphore_mem>>) src(%dma_wait3A_1047 : memref<8x128xf32, #tpu.memory_space<vmem>>) dst(%dma_wait3A_1043 : memref<8x128xf32, #tpu.memory_space<hbm>>)
      } else {
      }
      %scan3A_266 = arith.constant 0 : i32
      %scan3A_267 = arith.constant 0 : i32
      %scan3A_268 = arith.constant 128 : i32
      %scan3A_269 = arith.addi %scan3A_267, %scan3A_268 : i32
      %scan3A_270 = arith.constant 8 : i32
      scf.for %scan3A_988 = %scan3A_267 to %scan3A_269 step %scan3A_270  : i32 {
        %broadcast_in_dim3A = vector.broadcast %scan3A_988 : i32 to vector<16xi32>
        %get3A = arith.constant 0 : i32
        %get3A_989 = arith.index_cast %get3A : i32 to index
        %get3A_990 = arith.index_cast %scan3A_988 : i32 to index
        %get3A_991 = arith.constant 0 : index
        %get3A_992 = tpu.vector_load %arg9[%get3A_989, %get3A_990, %get3A_991] {strides = array<i32>} : memref<4x128x32xf32, #tpu.memory_space<vmem>>, vector<16xf32>,
        %get3A_993 = arith.constant 0 : i32
        %get3A_994 = arith.index_cast %get3A_993 : i32 to index
        %get3A_995 = arith.index_cast %scan3A_988 : i32 to index
        %get3A_996 = arith.constant 0 : index
        %get3A_997 = tpu.vector_load %arg10[%get3A_994, %get3A_995, %get3A_996] {strides = array<i32>} : memref<4x128x32xf32, #tpu.memory_space<vmem>>, vector<16xf32>,
        %add3A_998 = arith.addf %get3A_992, %get3A_997 : vector<16xf32>
        %add3A_999 = arith.constant 0 : i32
        %add3A_1000 = vector.broadcast %add3A_999 : i32 to vector<16xi32>
        %add3A_1001 = arith.addi %add3A_1000, %iota3A : vector<16xi32>
        %scatter3A = arith.constant 0 : i32
        %scatter3A_1002 = arith.constant 0 : i32
        %scatter3A_1003 = arith.constant 0 : i32
        %scatter3A_1004 = tpu.memref_slice %arg11[%scatter3A, %scatter3A_1002, %scatter3A_1003] : memref<2x32x129xf32, #tpu.memory_space<vmem>> -> memref<1x32x129xf32, #tpu.memory_space<vmem>>
        %scatter3A_1005 = tpu.memref_squeeze %scatter3A_1004 : memref<1x32x129xf32, #tpu.memory_space<vmem>> -> memref<32x129xf32, #tpu.memory_space<vmem>>
        tpu.vector_store_idx %scatter3A_1005[%add3A_1001, %broadcast_in_dim3A], %add3A_998 : memref<32x129xf32, #tpu.memory_space<vmem>>[vector<16xi32>, vector<16xi32>], vector<16xf32>,
        %get3A_1006 = arith.constant 0 : i32
        %get3A_1007 = arith.index_cast %get3A_1006 : i32 to index
        %get3A_1008 = arith.index_cast %scan3A_988 : i32 to index
        %get3A_1009 = arith.constant 16 : index
        %get3A_1010 = tpu.vector_load %arg9[%get3A_1007, %get3A_1008, %get3A_1009] {strides = array<i32>} : memref<4x128x32xf32, #tpu.memory_space<vmem>>, vector<16xf32>,
        %get3A_1011 = arith.constant 0 : i32
        %get3A_1012 = arith.index_cast %get3A_1011 : i32 to index
        %get3A_1013 = arith.index_cast %scan3A_988 : i32 to index
        %get3A_1014 = arith.constant 16 : index
        %get3A_1015 = tpu.vector_load %arg10[%get3A_1012, %get3A_1013, %get3A_1014] {strides = array<i32>} : memref<4x128x32xf32, #tpu.memory_space<vmem>>, vector<16xf32>,
        %add3A_1016 = arith.addf %get3A_1010, %get3A_1015 : vector<16xf32>
        %add3A_1017 = arith.constant 16 : i32
        %add3A_1018 = vector.broadcast %add3A_1017 : i32 to vector<16xi32>
        %add3A_1019 = arith.addi %add3A_1018, %iota3A : vector<16xi32>
        %scatter3A_1020 = arith.constant 0 : i32
        %scatter3A_1021 = arith.constant 0 : i32
        %scatter3A_1022 = arith.constant 0 : i32
        %scatter3A_1023 = tpu.memref_slice %arg11[%scatter3A_1020, %scatter3A_1021, %scatter3A_1022] : memref<2x32x129xf32, #tpu.memory_space<vmem>> -> memref<1x32x129xf32, #tpu.memory_space<vmem>>
        %scatter3A_1024 = tpu.memref_squeeze %scatter3A_1023 : memref<1x32x129xf32, #tpu.memory_space<vmem>> -> memref<32x129xf32, #tpu.memory_space<vmem>>
        tpu.vector_store_idx %scatter3A_1024[%add3A_1019, %broadcast_in_dim3A], %add3A_1016 : memref<32x129xf32, #tpu.memory_space<vmem>>[vector<16xi32>, vector<16xi32>], vector<16xf32>,
        %scan3A_1025 = arith.constant 1 : i32
        %scan3A_1026 = arith.addi %scan3A_988, %scan3A_1025 : i32
        %broadcast_in_dim3A_1027 = vector.broadcast %scan3A_1026 : i32 to vector<16xi32>
        %get3A_1028 = arith.constant 0 : i32
        %get3A_1029 = arith.index_cast %get3A_1028 : i32 to index
        %get3A_1030 = arith.index_cast %scan3A_1026 : i32 to index
        %get3A_1031 = arith.constant 0 : index
        %get3A_1032 = tpu.vector_load %arg9[%get3A_1029, %get3A_1030, %get3A_1031] {strides = array<i32>} : memref<4x128x32xf32, #tpu.memory_space<vmem>>, vector<16xf32>,
        %get3A_1033 = arith.constant 0 : i32
        %get3A_1034 = arith.index_cast %get3A_1033 : i32 to index
        %get3A_1035 = arith.index_cast %scan3A_1026 : i32 to index
        %get3A_1036 = arith.constant 0 : index
        %get3A_1037 = tpu.vector_load %arg10[%get3A_1034, %get3A_1035, %get3A_1036] {strides = array<i32>} : memref<4x128x32xf32, #tpu.memory_space<vmem>>, vector<16xf32>,
        %add3A_1038 = arith.addf %get3A_1032, %get3A_1037 : vector<16xf32>
        %add3A_1039 = arith.constant 0 : i32
        %add3A_1040 = vector.broadcast %add3A_1039 : i32 to vector<16xi32>
        %add3A_1041 = arith.addi %add3A_1040, %iota3A : vector<16xi32>
        %scatter3A_1042 = arith.constant 0 : i32
        %scatter3A_1043 = arith.constant 0 : i32
        %scatter3A_1044 = arith.constant 0 : i32
        %scatter3A_1045 = tpu.memref_slice %arg11[%scatter3A_1042, %scatter3A_1043, %scatter3A_1044] : memref<2x32x129xf32, #tpu.memory_space<vmem>> -> memref<1x32x129xf32, #tpu.memory_space<vmem>>
        %scatter3A_1046 = tpu.memref_squeeze %scatter3A_1045 : memref<1x32x129xf32, #tpu.memory_space<vmem>> -> memref<32x129xf32, #tpu.memory_space<vmem>>
        tpu.vector_store_idx %scatter3A_1046[%add3A_1041, %broadcast_in_dim3A_1027], %add3A_1038 : memref<32x129xf32, #tpu.memory_space<vmem>>[vector<16xi32>, vector<16xi32>], vector<16xf32>,
        %get3A_1047 = arith.constant 0 : i32
        %get3A_1048 = arith.index_cast %get3A_1047 : i32 to index
        %get3A_1049 = arith.index_cast %scan3A_1026 : i32 to index
        %get3A_1050 = arith.constant 16 : index
        %get3A_1051 = tpu.vector_load %arg9[%get3A_1048, %get3A_1049, %get3A_1050] {strides = array<i32>} : memref<4x128x32xf32, #tpu.memory_space<vmem>>, vector<16xf32>,
        %get3A_1052 = arith.constant 0 : i32
        %get3A_1053 = arith.index_cast %get3A_1052 : i32 to index
        %get3A_1054 = arith.index_cast %scan3A_1026 : i32 to index
        %get3A_1055 = arith.constant 16 : index
        %get3A_1056 = tpu.vector_load %arg10[%get3A_1053, %get3A_1054, %get3A_1055] {strides = array<i32>} : memref<4x128x32xf32, #tpu.memory_space<vmem>>, vector<16xf32>,
        %add3A_1057 = arith.addf %get3A_1051, %get3A_1056 : vector<16xf32>
        %add3A_1058 = arith.constant 16 : i32
        %add3A_1059 = vector.broadcast %add3A_1058 : i32 to vector<16xi32>
        %add3A_1060 = arith.addi %add3A_1059, %iota3A : vector<16xi32>
        %scatter3A_1061 = arith.constant 0 : i32
        %scatter3A_1062 = arith.constant 0 : i32
        %scatter3A_1063 = arith.constant 0 : i32
        %scatter3A_1064 = tpu.memref_slice %arg11[%scatter3A_1061, %scatter3A_1062, %scatter3A_1063] : memref<2x32x129xf32, #tpu.memory_space<vmem>> -> memref<1x32x129xf32, #tpu.memory_space<vmem>>
        %scatter3A_1065 = tpu.memref_squeeze %scatter3A_1064 : memref<1x32x129xf32, #tpu.memory_space<vmem>> -> memref<32x129xf32, #tpu.memory_space<vmem>>
        tpu.vector_store_idx %scatter3A_1065[%add3A_1060, %broadcast_in_dim3A_1027], %add3A_1057 : memref<32x129xf32, #tpu.memory_space<vmem>>[vector<16xi32>, vector<16xi32>], vector<16xf32>,
        %scan3A_1066 = arith.constant 2 : i32
        %scan3A_1067 = arith.addi %scan3A_988, %scan3A_1066 : i32
        %broadcast_in_dim3A_1068 = vector.broadcast %scan3A_1067 : i32 to vector<16xi32>
        %get3A_1069 = arith.constant 0 : i32
        %get3A_1070 = arith.index_cast %get3A_1069 : i32 to index
        %get3A_1071 = arith.index_cast %scan3A_1067 : i32 to index
        %get3A_1072 = arith.constant 0 : index
        %get3A_1073 = tpu.vector_load %arg9[%get3A_1070, %get3A_1071, %get3A_1072] {strides = array<i32>} : memref<4x128x32xf32, #tpu.memory_space<vmem>>, vector<16xf32>,
        %get3A_1074 = arith.constant 0 : i32
        %get3A_1075 = arith.index_cast %get3A_1074 : i32 to index
        %get3A_1076 = arith.index_cast %scan3A_1067 : i32 to index
        %get3A_1077 = arith.constant 0 : index
        %get3A_1078 = tpu.vector_load %arg10[%get3A_1075, %get3A_1076, %get3A_1077] {strides = array<i32>} : memref<4x128x32xf32, #tpu.memory_space<vmem>>, vector<16xf32>,
        %add3A_1079 = arith.addf %get3A_1073, %get3A_1078 : vector<16xf32>
        %add3A_1080 = arith.constant 0 : i32
        %add3A_1081 = vector.broadcast %add3A_1080 : i32 to vector<16xi32>
        %add3A_1082 = arith.addi %add3A_1081, %iota3A : vector<16xi32>
        %scatter3A_1083 = arith.constant 0 : i32
        %scatter3A_1084 = arith.constant 0 : i32
        %scatter3A_1085 = arith.constant 0 : i32
        %scatter3A_1086 = tpu.memref_slice %arg11[%scatter3A_1083, %scatter3A_1084, %scatter3A_1085] : memref<2x32x129xf32, #tpu.memory_space<vmem>> -> memref<1x32x129xf32, #tpu.memory_space<vmem>>
        %scatter3A_1087 = tpu.memref_squeeze %scatter3A_1086 : memref<1x32x129xf32, #tpu.memory_space<vmem>> -> memref<32x129xf32, #tpu.memory_space<vmem>>
        tpu.vector_store_idx %scatter3A_1087[%add3A_1082, %broadcast_in_dim3A_1068], %add3A_1079 : memref<32x129xf32, #tpu.memory_space<vmem>>[vector<16xi32>, vector<16xi32>], vector<16xf32>,
        %get3A_1088 = arith.constant 0 : i32
        %get3A_1089 = arith.index_cast %get3A_1088 : i32 to index
        %get3A_1090 = arith.index_cast %scan3A_1067 : i32 to index
        %get3A_1091 = arith.constant 16 : index
        %get3A_1092 = tpu.vector_load %arg9[%get3A_1089, %get3A_1090, %get3A_1091] {strides = array<i32>} : memref<4x128x32xf32, #tpu.memory_space<vmem>>, vector<16xf32>,
        %get3A_1093 = arith.constant 0 : i32
        %get3A_1094 = arith.index_cast %get3A_1093 : i32 to index
        %get3A_1095 = arith.index_cast %scan3A_1067 : i32 to index
        %get3A_1096 = arith.constant 16 : index
        %get3A_1097 = tpu.vector_load %arg10[%get3A_1094, %get3A_1095, %get3A_1096] {strides = array<i32>} : memref<4x128x32xf32, #tpu.memory_space<vmem>>, vector<16xf32>,
        %add3A_1098 = arith.addf %get3A_1092, %get3A_1097 : vector<16xf32>
        %add3A_1099 = arith.constant 16 : i32
        %add3A_1100 = vector.broadcast %add3A_1099 : i32 to vector<16xi32>
        %add3A_1101 = arith.addi %add3A_1100, %iota3A : vector<16xi32>
        %scatter3A_1102 = arith.constant 0 : i32
        %scatter3A_1103 = arith.constant 0 : i32
        %scatter3A_1104 = arith.constant 0 : i32
        %scatter3A_1105 = tpu.memref_slice %arg11[%scatter3A_1102, %scatter3A_1103, %scatter3A_1104] : memref<2x32x129xf32, #tpu.memory_space<vmem>> -> memref<1x32x129xf32, #tpu.memory_space<vmem>>
        %scatter3A_1106 = tpu.memref_squeeze %scatter3A_1105 : memref<1x32x129xf32, #tpu.memory_space<vmem>> -> memref<32x129xf32, #tpu.memory_space<vmem>>
        tpu.vector_store_idx %scatter3A_1106[%add3A_1101, %broadcast_in_dim3A_1068], %add3A_1098 : memref<32x129xf32, #tpu.memory_space<vmem>>[vector<16xi32>, vector<16xi32>], vector<16xf32>,
        %scan3A_1107 = arith.constant 3 : i32
        %scan3A_1108 = arith.addi %scan3A_988, %scan3A_1107 : i32
        %broadcast_in_dim3A_1109 = vector.broadcast %scan3A_1108 : i32 to vector<16xi32>
        %get3A_1110 = arith.constant 0 : i32
        %get3A_1111 = arith.index_cast %get3A_1110 : i32 to index
        %get3A_1112 = arith.index_cast %scan3A_1108 : i32 to index
        %get3A_1113 = arith.constant 0 : index
        %get3A_1114 = tpu.vector_load %arg9[%get3A_1111, %get3A_1112, %get3A_1113] {strides = array<i32>} : memref<4x128x32xf32, #tpu.memory_space<vmem>>, vector<16xf32>,
        %get3A_1115 = arith.constant 0 : i32
        %get3A_1116 = arith.index_cast %get3A_1115 : i32 to index
        %get3A_1117 = arith.index_cast %scan3A_1108 : i32 to index
        %get3A_1118 = arith.constant 0 : index
        %get3A_1119 = tpu.vector_load %arg10[%get3A_1116, %get3A_1117, %get3A_1118] {strides = array<i32>} : memref<4x128x32xf32, #tpu.memory_space<vmem>>, vector<16xf32>,
        %add3A_1120 = arith.addf %get3A_1114, %get3A_1119 : vector<16xf32>
        %add3A_1121 = arith.constant 0 : i32
        %add3A_1122 = vector.broadcast %add3A_1121 : i32 to vector<16xi32>
        %add3A_1123 = arith.addi %add3A_1122, %iota3A : vector<16xi32>
        %scatter3A_1124 = arith.constant 0 : i32
        %scatter3A_1125 = arith.constant 0 : i32
        %scatter3A_1126 = arith.constant 0 : i32
        %scatter3A_1127 = tpu.memref_slice %arg11[%scatter3A_1124, %scatter3A_1125, %scatter3A_1126] : memref<2x32x129xf32, #tpu.memory_space<vmem>> -> memref<1x32x129xf32, #tpu.memory_space<vmem>>
        %scatter3A_1128 = tpu.memref_squeeze %scatter3A_1127 : memref<1x32x129xf32, #tpu.memory_space<vmem>> -> memref<32x129xf32, #tpu.memory_space<vmem>>
        tpu.vector_store_idx %scatter3A_1128[%add3A_1123, %broadcast_in_dim3A_1109], %add3A_1120 : memref<32x129xf32, #tpu.memory_space<vmem>>[vector<16xi32>, vector<16xi32>], vector<16xf32>,
        %get3A_1129 = arith.constant 0 : i32
        %get3A_1130 = arith.index_cast %get3A_1129 : i32 to index
        %get3A_1131 = arith.index_cast %scan3A_1108 : i32 to index
        %get3A_1132 = arith.constant 16 : index
        %get3A_1133 = tpu.vector_load %arg9[%get3A_1130, %get3A_1131, %get3A_1132] {strides = array<i32>} : memref<4x128x32xf32, #tpu.memory_space<vmem>>, vector<16xf32>,
        %get3A_1134 = arith.constant 0 : i32
        %get3A_1135 = arith.index_cast %get3A_1134 : i32 to index
        %get3A_1136 = arith.index_cast %scan3A_1108 : i32 to index
        %get3A_1137 = arith.constant 16 : index
        %get3A_1138 = tpu.vector_load %arg10[%get3A_1135, %get3A_1136, %get3A_1137] {strides = array<i32>} : memref<4x128x32xf32, #tpu.memory_space<vmem>>, vector<16xf32>,
        %add3A_1139 = arith.addf %get3A_1133, %get3A_1138 : vector<16xf32>
        %add3A_1140 = arith.constant 16 : i32
        %add3A_1141 = vector.broadcast %add3A_1140 : i32 to vector<16xi32>
        %add3A_1142 = arith.addi %add3A_1141, %iota3A : vector<16xi32>
        %scatter3A_1143 = arith.constant 0 : i32
        %scatter3A_1144 = arith.constant 0 : i32
        %scatter3A_1145 = arith.constant 0 : i32
        %scatter3A_1146 = tpu.memref_slice %arg11[%scatter3A_1143, %scatter3A_1144, %scatter3A_1145] : memref<2x32x129xf32, #tpu.memory_space<vmem>> -> memref<1x32x129xf32, #tpu.memory_space<vmem>>
        %scatter3A_1147 = tpu.memref_squeeze %scatter3A_1146 : memref<1x32x129xf32, #tpu.memory_space<vmem>> -> memref<32x129xf32, #tpu.memory_space<vmem>>
        tpu.vector_store_idx %scatter3A_1147[%add3A_1142, %broadcast_in_dim3A_1109], %add3A_1139 : memref<32x129xf32, #tpu.memory_space<vmem>>[vector<16xi32>, vector<16xi32>], vector<16xf32>,
        %scan3A_1148 = arith.constant 4 : i32
        %scan3A_1149 = arith.addi %scan3A_988, %scan3A_1148 : i32
        %broadcast_in_dim3A_1150 = vector.broadcast %scan3A_1149 : i32 to vector<16xi32>
        %get3A_1151 = arith.constant 0 : i32
        %get3A_1152 = arith.index_cast %get3A_1151 : i32 to index
        %get3A_1153 = arith.index_cast %scan3A_1149 : i32 to index
        %get3A_1154 = arith.constant 0 : index
        %get3A_1155 = tpu.vector_load %arg9[%get3A_1152, %get3A_1153, %get3A_1154] {strides = array<i32>} : memref<4x128x32xf32, #tpu.memory_space<vmem>>, vector<16xf32>,
        %get3A_1156 = arith.constant 0 : i32
        %get3A_1157 = arith.index_cast %get3A_1156 : i32 to index
        %get3A_1158 = arith.index_cast %scan3A_1149 : i32 to index
        %get3A_1159 = arith.constant 0 : index
        %get3A_1160 = tpu.vector_load %arg10[%get3A_1157, %get3A_1158, %get3A_1159] {strides = array<i32>} : memref<4x128x32xf32, #tpu.memory_space<vmem>>, vector<16xf32>,
        %add3A_1161 = arith.addf %get3A_1155, %get3A_1160 : vector<16xf32>
        %add3A_1162 = arith.constant 0 : i32
        %add3A_1163 = vector.broadcast %add3A_1162 : i32 to vector<16xi32>
        %add3A_1164 = arith.addi %add3A_1163, %iota3A : vector<16xi32>
        %scatter3A_1165 = arith.constant 0 : i32
        %scatter3A_1166 = arith.constant 0 : i32
        %scatter3A_1167 = arith.constant 0 : i32
        %scatter3A_1168 = tpu.memref_slice %arg11[%scatter3A_1165, %scatter3A_1166, %scatter3A_1167] : memref<2x32x129xf32, #tpu.memory_space<vmem>> -> memref<1x32x129xf32, #tpu.memory_space<vmem>>
        %scatter3A_1169 = tpu.memref_squeeze %scatter3A_1168 : memref<1x32x129xf32, #tpu.memory_space<vmem>> -> memref<32x129xf32, #tpu.memory_space<vmem>>
        tpu.vector_store_idx %scatter3A_1169[%add3A_1164, %broadcast_in_dim3A_1150], %add3A_1161 : memref<32x129xf32, #tpu.memory_space<vmem>>[vector<16xi32>, vector<16xi32>], vector<16xf32>,
        %get3A_1170 = arith.constant 0 : i32
        %get3A_1171 = arith.index_cast %get3A_1170 : i32 to index
        %get3A_1172 = arith.index_cast %scan3A_1149 : i32 to index
        %get3A_1173 = arith.constant 16 : index
        %get3A_1174 = tpu.vector_load %arg9[%get3A_1171, %get3A_1172, %get3A_1173] {strides = array<i32>} : memref<4x128x32xf32, #tpu.memory_space<vmem>>, vector<16xf32>,
        %get3A_1175 = arith.constant 0 : i32
        %get3A_1176 = arith.index_cast %get3A_1175 : i32 to index
        %get3A_1177 = arith.index_cast %scan3A_1149 : i32 to index
        %get3A_1178 = arith.constant 16 : index
        %get3A_1179 = tpu.vector_load %arg10[%get3A_1176, %get3A_1177, %get3A_1178] {strides = array<i32>} : memref<4x128x32xf32, #tpu.memory_space<vmem>>, vector<16xf32>,
        %add3A_1180 = arith.addf %get3A_1174, %get3A_1179 : vector<16xf32>
        %add3A_1181 = arith.constant 16 : i32
        %add3A_1182 = vector.broadcast %add3A_1181 : i32 to vector<16xi32>
        %add3A_1183 = arith.addi %add3A_1182, %iota3A : vector<16xi32>
        %scatter3A_1184 = arith.constant 0 : i32
        %scatter3A_1185 = arith.constant 0 : i32
        %scatter3A_1186 = arith.constant 0 : i32
        %scatter3A_1187 = tpu.memref_slice %arg11[%scatter3A_1184, %scatter3A_1185, %scatter3A_1186] : memref<2x32x129xf32, #tpu.memory_space<vmem>> -> memref<1x32x129xf32, #tpu.memory_space<vmem>>
        %scatter3A_1188 = tpu.memref_squeeze %scatter3A_1187 : memref<1x32x129xf32, #tpu.memory_space<vmem>> -> memref<32x129xf32, #tpu.memory_space<vmem>>
        tpu.vector_store_idx %scatter3A_1188[%add3A_1183, %broadcast_in_dim3A_1150], %add3A_1180 : memref<32x129xf32, #tpu.memory_space<vmem>>[vector<16xi32>, vector<16xi32>], vector<16xf32>,
        %scan3A_1189 = arith.constant 5 : i32
        %scan3A_1190 = arith.addi %scan3A_988, %scan3A_1189 : i32
        %broadcast_in_dim3A_1191 = vector.broadcast %scan3A_1190 : i32 to vector<16xi32>
        %get3A_1192 = arith.constant 0 : i32
        %get3A_1193 = arith.index_cast %get3A_1192 : i32 to index
        %get3A_1194 = arith.index_cast %scan3A_1190 : i32 to index
        %get3A_1195 = arith.constant 0 : index
        %get3A_1196 = tpu.vector_load %arg9[%get3A_1193, %get3A_1194, %get3A_1195] {strides = array<i32>} : memref<4x128x32xf32, #tpu.memory_space<vmem>>, vector<16xf32>,
        %get3A_1197 = arith.constant 0 : i32
        %get3A_1198 = arith.index_cast %get3A_1197 : i32 to index
        %get3A_1199 = arith.index_cast %scan3A_1190 : i32 to index
        %get3A_1200 = arith.constant 0 : index
        %get3A_1201 = tpu.vector_load %arg10[%get3A_1198, %get3A_1199, %get3A_1200] {strides = array<i32>} : memref<4x128x32xf32, #tpu.memory_space<vmem>>, vector<16xf32>,
        %add3A_1202 = arith.addf %get3A_1196, %get3A_1201 : vector<16xf32>
        %add3A_1203 = arith.constant 0 : i32
        %add3A_1204 = vector.broadcast %add3A_1203 : i32 to vector<16xi32>
        %add3A_1205 = arith.addi %add3A_1204, %iota3A : vector<16xi32>
        %scatter3A_1206 = arith.constant 0 : i32
        %scatter3A_1207 = arith.constant 0 : i32
        %scatter3A_1208 = arith.constant 0 : i32
        %scatter3A_1209 = tpu.memref_slice %arg11[%scatter3A_1206, %scatter3A_1207, %scatter3A_1208] : memref<2x32x129xf32, #tpu.memory_space<vmem>> -> memref<1x32x129xf32, #tpu.memory_space<vmem>>
        %scatter3A_1210 = tpu.memref_squeeze %scatter3A_1209 : memref<1x32x129xf32, #tpu.memory_space<vmem>> -> memref<32x129xf32, #tpu.memory_space<vmem>>
        tpu.vector_store_idx %scatter3A_1210[%add3A_1205, %broadcast_in_dim3A_1191], %add3A_1202 : memref<32x129xf32, #tpu.memory_space<vmem>>[vector<16xi32>, vector<16xi32>], vector<16xf32>,
        %get3A_1211 = arith.constant 0 : i32
        %get3A_1212 = arith.index_cast %get3A_1211 : i32 to index
        %get3A_1213 = arith.index_cast %scan3A_1190 : i32 to index
        %get3A_1214 = arith.constant 16 : index
        %get3A_1215 = tpu.vector_load %arg9[%get3A_1212, %get3A_1213, %get3A_1214] {strides = array<i32>} : memref<4x128x32xf32, #tpu.memory_space<vmem>>, vector<16xf32>,
        %get3A_1216 = arith.constant 0 : i32
        %get3A_1217 = arith.index_cast %get3A_1216 : i32 to index
        %get3A_1218 = arith.index_cast %scan3A_1190 : i32 to index
        %get3A_1219 = arith.constant 16 : index
        %get3A_1220 = tpu.vector_load %arg10[%get3A_1217, %get3A_1218, %get3A_1219] {strides = array<i32>} : memref<4x128x32xf32, #tpu.memory_space<vmem>>, vector<16xf32>,
        %add3A_1221 = arith.addf %get3A_1215, %get3A_1220 : vector<16xf32>
        %add3A_1222 = arith.constant 16 : i32
        %add3A_1223 = vector.broadcast %add3A_1222 : i32 to vector<16xi32>
        %add3A_1224 = arith.addi %add3A_1223, %iota3A : vector<16xi32>
        %scatter3A_1225 = arith.constant 0 : i32
        %scatter3A_1226 = arith.constant 0 : i32
        %scatter3A_1227 = arith.constant 0 : i32
        %scatter3A_1228 = tpu.memref_slice %arg11[%scatter3A_1225, %scatter3A_1226, %scatter3A_1227] : memref<2x32x129xf32, #tpu.memory_space<vmem>> -> memref<1x32x129xf32, #tpu.memory_space<vmem>>
        %scatter3A_1229 = tpu.memref_squeeze %scatter3A_1228 : memref<1x32x129xf32, #tpu.memory_space<vmem>> -> memref<32x129xf32, #tpu.memory_space<vmem>>
        tpu.vector_store_idx %scatter3A_1229[%add3A_1224, %broadcast_in_dim3A_1191], %add3A_1221 : memref<32x129xf32, #tpu.memory_space<vmem>>[vector<16xi32>, vector<16xi32>], vector<16xf32>,
        %scan3A_1230 = arith.constant 6 : i32
        %scan3A_1231 = arith.addi %scan3A_988, %scan3A_1230 : i32
        %broadcast_in_dim3A_1232 = vector.broadcast %scan3A_1231 : i32 to vector<16xi32>
        %get3A_1233 = arith.constant 0 : i32
        %get3A_1234 = arith.index_cast %get3A_1233 : i32 to index
        %get3A_1235 = arith.index_cast %scan3A_1231 : i32 to index
        %get3A_1236 = arith.constant 0 : index
        %get3A_1237 = tpu.vector_load %arg9[%get3A_1234, %get3A_1235, %get3A_1236] {strides = array<i32>} : memref<4x128x32xf32, #tpu.memory_space<vmem>>, vector<16xf32>,
        %get3A_1238 = arith.constant 0 : i32
        %get3A_1239 = arith.index_cast %get3A_1238 : i32 to index
        %get3A_1240 = arith.index_cast %scan3A_1231 : i32 to index
        %get3A_1241 = arith.constant 0 : index
        %get3A_1242 = tpu.vector_load %arg10[%get3A_1239, %get3A_1240, %get3A_1241] {strides = array<i32>} : memref<4x128x32xf32, #tpu.memory_space<vmem>>, vector<16xf32>,
        %add3A_1243 = arith.addf %get3A_1237, %get3A_1242 : vector<16xf32>
        %add3A_1244 = arith.constant 0 : i32
        %add3A_1245 = vector.broadcast %add3A_1244 : i32 to vector<16xi32>
        %add3A_1246 = arith.addi %add3A_1245, %iota3A : vector<16xi32>
        %scatter3A_1247 = arith.constant 0 : i32
        %scatter3A_1248 = arith.constant 0 : i32
        %scatter3A_1249 = arith.constant 0 : i32
        %scatter3A_1250 = tpu.memref_slice %arg11[%scatter3A_1247, %scatter3A_1248, %scatter3A_1249] : memref<2x32x129xf32, #tpu.memory_space<vmem>> -> memref<1x32x129xf32, #tpu.memory_space<vmem>>
        %scatter3A_1251 = tpu.memref_squeeze %scatter3A_1250 : memref<1x32x129xf32, #tpu.memory_space<vmem>> -> memref<32x129xf32, #tpu.memory_space<vmem>>
        tpu.vector_store_idx %scatter3A_1251[%add3A_1246, %broadcast_in_dim3A_1232], %add3A_1243 : memref<32x129xf32, #tpu.memory_space<vmem>>[vector<16xi32>, vector<16xi32>], vector<16xf32>,
        %get3A_1252 = arith.constant 0 : i32
        %get3A_1253 = arith.index_cast %get3A_1252 : i32 to index
        %get3A_1254 = arith.index_cast %scan3A_1231 : i32 to index
        %get3A_1255 = arith.constant 16 : index
        %get3A_1256 = tpu.vector_load %arg9[%get3A_1253, %get3A_1254, %get3A_1255] {strides = array<i32>} : memref<4x128x32xf32, #tpu.memory_space<vmem>>, vector<16xf32>,
        %get3A_1257 = arith.constant 0 : i32
        %get3A_1258 = arith.index_cast %get3A_1257 : i32 to index
        %get3A_1259 = arith.index_cast %scan3A_1231 : i32 to index
        %get3A_1260 = arith.constant 16 : index
        %get3A_1261 = tpu.vector_load %arg10[%get3A_1258, %get3A_1259, %get3A_1260] {strides = array<i32>} : memref<4x128x32xf32, #tpu.memory_space<vmem>>, vector<16xf32>,
        %add3A_1262 = arith.addf %get3A_1256, %get3A_1261 : vector<16xf32>
        %add3A_1263 = arith.constant 16 : i32
        %add3A_1264 = vector.broadcast %add3A_1263 : i32 to vector<16xi32>
        %add3A_1265 = arith.addi %add3A_1264, %iota3A : vector<16xi32>
        %scatter3A_1266 = arith.constant 0 : i32
        %scatter3A_1267 = arith.constant 0 : i32
        %scatter3A_1268 = arith.constant 0 : i32
        %scatter3A_1269 = tpu.memref_slice %arg11[%scatter3A_1266, %scatter3A_1267, %scatter3A_1268] : memref<2x32x129xf32, #tpu.memory_space<vmem>> -> memref<1x32x129xf32, #tpu.memory_space<vmem>>
        %scatter3A_1270 = tpu.memref_squeeze %scatter3A_1269 : memref<1x32x129xf32, #tpu.memory_space<vmem>> -> memref<32x129xf32, #tpu.memory_space<vmem>>
        tpu.vector_store_idx %scatter3A_1270[%add3A_1265, %broadcast_in_dim3A_1232], %add3A_1262 : memref<32x129xf32, #tpu.memory_space<vmem>>[vector<16xi32>, vector<16xi32>], vector<16xf32>,
        %scan3A_1271 = arith.constant 7 : i32
        %scan3A_1272 = arith.addi %scan3A_988, %scan3A_1271 : i32
        %broadcast_in_dim3A_1273 = vector.broadcast %scan3A_1272 : i32 to vector<16xi32>
        %get3A_1274 = arith.constant 0 : i32
        %get3A_1275 = arith.index_cast %get3A_1274 : i32 to index
        %get3A_1276 = arith.index_cast %scan3A_1272 : i32 to index
        %get3A_1277 = arith.constant 0 : index
        %get3A_1278 = tpu.vector_load %arg9[%get3A_1275, %get3A_1276, %get3A_1277] {strides = array<i32>} : memref<4x128x32xf32, #tpu.memory_space<vmem>>, vector<16xf32>,
        %get3A_1279 = arith.constant 0 : i32
        %get3A_1280 = arith.index_cast %get3A_1279 : i32 to index
        %get3A_1281 = arith.index_cast %scan3A_1272 : i32 to index
        %get3A_1282 = arith.constant 0 : index
        %get3A_1283 = tpu.vector_load %arg10[%get3A_1280, %get3A_1281, %get3A_1282] {strides = array<i32>} : memref<4x128x32xf32, #tpu.memory_space<vmem>>, vector<16xf32>,
        %add3A_1284 = arith.addf %get3A_1278, %get3A_1283 : vector<16xf32>
        %add3A_1285 = arith.constant 0 : i32
        %add3A_1286 = vector.broadcast %add3A_1285 : i32 to vector<16xi32>
        %add3A_1287 = arith.addi %add3A_1286, %iota3A : vector<16xi32>
        %scatter3A_1288 = arith.constant 0 : i32
        %scatter3A_1289 = arith.constant 0 : i32
        %scatter3A_1290 = arith.constant 0 : i32
        %scatter3A_1291 = tpu.memref_slice %arg11[%scatter3A_1288, %scatter3A_1289, %scatter3A_1290] : memref<2x32x129xf32, #tpu.memory_space<vmem>> -> memref<1x32x129xf32, #tpu.memory_space<vmem>>
        %scatter3A_1292 = tpu.memref_squeeze %scatter3A_1291 : memref<1x32x129xf32, #tpu.memory_space<vmem>> -> memref<32x129xf32, #tpu.memory_space<vmem>>
        tpu.vector_store_idx %scatter3A_1292[%add3A_1287, %broadcast_in_dim3A_1273], %add3A_1284 : memref<32x129xf32, #tpu.memory_space<vmem>>[vector<16xi32>, vector<16xi32>], vector<16xf32>,
        %get3A_1293 = arith.constant 0 : i32
        %get3A_1294 = arith.index_cast %get3A_1293 : i32 to index
        %get3A_1295 = arith.index_cast %scan3A_1272 : i32 to index
        %get3A_1296 = arith.constant 16 : index
        %get3A_1297 = tpu.vector_load %arg9[%get3A_1294, %get3A_1295, %get3A_1296] {strides = array<i32>} : memref<4x128x32xf32, #tpu.memory_space<vmem>>, vector<16xf32>,
        %get3A_1298 = arith.constant 0 : i32
        %get3A_1299 = arith.index_cast %get3A_1298 : i32 to index
        %get3A_1300 = arith.index_cast %scan3A_1272 : i32 to index
        %get3A_1301 = arith.constant 16 : index
        %get3A_1302 = tpu.vector_load %arg10[%get3A_1299, %get3A_1300, %get3A_1301] {strides = array<i32>} : memref<4x128x32xf32, #tpu.memory_space<vmem>>, vector<16xf32>,
        %add3A_1303 = arith.addf %get3A_1297, %get3A_1302 : vector<16xf32>
        %add3A_1304 = arith.constant 16 : i32
        %add3A_1305 = vector.broadcast %add3A_1304 : i32 to vector<16xi32>
        %add3A_1306 = arith.addi %add3A_1305, %iota3A : vector<16xi32>
        %scatter3A_1307 = arith.constant 0 : i32
        %scatter3A_1308 = arith.constant 0 : i32
        %scatter3A_1309 = arith.constant 0 : i32
        %scatter3A_1310 = tpu.memref_slice %arg11[%scatter3A_1307, %scatter3A_1308, %scatter3A_1309] : memref<2x32x129xf32, #tpu.memory_space<vmem>> -> memref<1x32x129xf32, #tpu.memory_space<vmem>>
        %scatter3A_1311 = tpu.memref_squeeze %scatter3A_1310 : memref<1x32x129xf32, #tpu.memory_space<vmem>> -> memref<32x129xf32, #tpu.memory_space<vmem>>
        tpu.vector_store_idx %scatter3A_1311[%add3A_1306, %broadcast_in_dim3A_1273], %add3A_1303 : memref<32x129xf32, #tpu.memory_space<vmem>>[vector<16xi32>, vector<16xi32>], vector<16xf32>,
      }
      %scan3A_271 = arith.constant 128 : i32
      %lt3A_272 = arith.constant 49 : i32
      %lt3A_273 = arith.cmpi slt, %scan3A_206, %lt3A_272 : i32
      %convert_element_type3A_274 = arith.extui %lt3A_273 : i1 to i32
      %cond3A_275 = arith.constant 0 : i32
      %cond3A_276 = arith.cmpi ne, %convert_element_type3A_274, %cond3A_275 : i32
      scf.if %cond3A_276 {
        %add3A_988 = arith.constant 4 : i32
        %add3A_989 = arith.addi %add3A_210, %add3A_988 : i32
        %mul3A_990 = arith.constant 128 : i32
        %mul3A_991 = arith.muli %add3A_989, %mul3A_990 : i32
        %dma_start3A_992 = arith.constant 0 : i32
        %dma_start3A_993 = arith.constant 0 : i32
        %dma_start3A_994 = arith.constant 0 : i32
        %dma_start3A_995 = tpu.memref_slice %arg9[%dma_start3A_992, %dma_start3A_993, %dma_start3A_994] : memref<4x128x32xf32, #tpu.memory_space<vmem>> -> memref<1x128x32xf32, #tpu.memory_space<vmem>>
        %dma_start3A_996 = tpu.memref_squeeze %dma_start3A_995 : memref<1x128x32xf32, #tpu.memory_space<vmem>> -> memref<128x32xf32, #tpu.memory_space<vmem>>
        %dma_start3A_997 = tpu.memref_slice %arg7[%mul3A_991] : memref<25600xi32, #tpu.memory_space<vmem>> -> memref<128xi32, #tpu.memory_space<vmem>>
        %dma_start3A_998 = arith.constant 0 : i32
        %dma_start3A_999 = arith.constant 0 : i32
        %dma_start3A_1000 = tpu.memref_slice %arg2[%dma_start3A_998, %dma_start3A_999] : memref<1000000x32xf32, #tpu.memory_space<hbm>> -> memref<1000000x32xf32, #tpu.memory_space<hbm>>
        tpu.enqueue_indirect_dma source(%dma_start3A_1000 : memref<1000000x32xf32, #tpu.memory_space<hbm>>) target(%dma_start3A_996 : memref<128x32xf32, #tpu.memory_space<vmem>>) offsets(%dma_start3A_997 : memref<128xi32, #tpu.memory_space<vmem>>) semaphore(%arg12 : memref<!tpu.dma_semaphore, #tpu.memory_space<semaphore_mem>>)
        %dma_start3A_1001 = arith.constant 0 : i32
        %dma_start3A_1002 = arith.constant 0 : i32
        %dma_start3A_1003 = arith.constant 0 : i32
        %dma_start3A_1004 = tpu.memref_slice %arg10[%dma_start3A_1001, %dma_start3A_1002, %dma_start3A_1003] : memref<4x128x32xf32, #tpu.memory_space<vmem>> -> memref<1x128x32xf32, #tpu.memory_space<vmem>>
        %dma_start3A_1005 = tpu.memref_squeeze %dma_start3A_1004 : memref<1x128x32xf32, #tpu.memory_space<vmem>> -> memref<128x32xf32, #tpu.memory_space<vmem>>
        %dma_start3A_1006 = tpu.memref_slice %arg8[%mul3A_991] : memref<25600xi32, #tpu.memory_space<vmem>> -> memref<128xi32, #tpu.memory_space<vmem>>
        %dma_start3A_1007 = arith.constant 0 : i32
        %dma_start3A_1008 = arith.constant 0 : i32
        %dma_start3A_1009 = tpu.memref_slice %arg4[%dma_start3A_1007, %dma_start3A_1008] : memref<1000000x32xf32, #tpu.memory_space<hbm>> -> memref<1000000x32xf32, #tpu.memory_space<hbm>>
        tpu.enqueue_indirect_dma source(%dma_start3A_1009 : memref<1000000x32xf32, #tpu.memory_space<hbm>>) target(%dma_start3A_1005 : memref<128x32xf32, #tpu.memory_space<vmem>>) offsets(%dma_start3A_1006 : memref<128xi32, #tpu.memory_space<vmem>>) semaphore(%arg16 : memref<!tpu.dma_semaphore, #tpu.memory_space<semaphore_mem>>)
      } else {
      }
      %mul3A_277 = arith.constant 4 : i32
      %mul3A_278 = arith.muli %select_n3A, %mul3A_277 : i32
      %add3A_279 = arith.constant 0 : i32
      %add3A_280 = arith.addi %mul3A_278, %add3A_279 : i32
      %mul3A_281 = arith.constant 1024 : i32
      %mul3A_282 = arith.muli %add3A_280, %mul3A_281 : i32
      %mul3A_283 = arith.constant 8 : i32
      %mul3A_284 = arith.muli %select_n3A_243, %mul3A_283 : i32
      %add3A_285 = arith.addi %mul3A_282, %mul3A_284 : i32
      %dma_start3A_286 = arith.constant 0 : i32
      %dma_start3A_287 = arith.constant 0 : i32
      %dma_start3A_288 = arith.constant 0 : i32
      %dma_start3A_289 = tpu.memref_slice %arg11[%dma_start3A_286, %dma_start3A_287, %dma_start3A_288] : memref<2x32x129xf32, #tpu.memory_space<vmem>> -> memref<1x8x128xf32, #tpu.memory_space<vmem>>
      %dma_start3A_290 = tpu.memref_squeeze %dma_start3A_289 : memref<1x8x128xf32, #tpu.memory_space<vmem>> -> memref<8x128xf32, #tpu.memory_space<vmem>>
      %dma_start3A_291 = arith.constant 0 : i32
      %dma_start3A_292 = tpu.memref_slice %arg6[%add3A_285, %dma_start3A_291] : memref<204800x128xf32, #tpu.memory_space<hbm>> -> memref<8x128xf32, #tpu.memory_space<hbm>>
      %dma_start3A_293 = arith.constant 0 : i32
      %dma_start3A_294 = tpu.memref_slice %arg6[%add3A_285, %dma_start3A_293] : memref<204800x128xf32, #tpu.memory_space<hbm>> -> memref<8x128xf32, #tpu.memory_space<hbm>>
      %dma_start3A_295 = arith.constant 0 : i32
      %dma_start3A_296 = arith.constant 0 : i32
      %dma_start3A_297 = tpu.memref_slice %arg11[%dma_start3A_286, %dma_start3A_295, %dma_start3A_296] : memref<2x32x129xf32, #tpu.memory_space<vmem>> -> memref<1x8x128xf32, #tpu.memory_space<vmem>>
      %dma_start3A_298 = tpu.memref_squeeze %dma_start3A_297 : memref<1x8x128xf32, #tpu.memory_space<vmem>> -> memref<8x128xf32, #tpu.memory_space<vmem>>
      tpu.enqueue_dma source(%dma_start3A_298 : memref<8x128xf32, #tpu.memory_space<vmem>>) target(%dma_start3A_294 : memref<8x128xf32, #tpu.memory_space<hbm>>) target_semaphore(%arg20 : memref<!tpu.dma_semaphore, #tpu.memory_space<semaphore_mem>>)
      %mul3A_299 = arith.constant 4 : i32
      %mul3A_300 = arith.muli %select_n3A, %mul3A_299 : i32
      %add3A_301 = arith.constant 1 : i32
      %add3A_302 = arith.addi %mul3A_300, %add3A_301 : i32
      %mul3A_303 = arith.constant 1024 : i32
      %mul3A_304 = arith.muli %add3A_302, %mul3A_303 : i32
      %mul3A_305 = arith.constant 8 : i32
      %mul3A_306 = arith.muli %select_n3A_243, %mul3A_305 : i32
      %add3A_307 = arith.addi %mul3A_304, %mul3A_306 : i32
      %dma_start3A_308 = arith.constant 0 : i32
      %dma_start3A_309 = arith.constant 8 : i32
      %dma_start3A_310 = arith.constant 0 : i32
      %dma_start3A_311 = tpu.memref_slice %arg11[%dma_start3A_308, %dma_start3A_309, %dma_start3A_310] : memref<2x32x129xf32, #tpu.memory_space<vmem>> -> memref<1x8x128xf32, #tpu.memory_space<vmem>>
      %dma_start3A_312 = tpu.memref_squeeze %dma_start3A_311 : memref<1x8x128xf32, #tpu.memory_space<vmem>> -> memref<8x128xf32, #tpu.memory_space<vmem>>
      %dma_start3A_313 = arith.constant 0 : i32
      %dma_start3A_314 = tpu.memref_slice %arg6[%add3A_307, %dma_start3A_313] : memref<204800x128xf32, #tpu.memory_space<hbm>> -> memref<8x128xf32, #tpu.memory_space<hbm>>
      %dma_start3A_315 = arith.constant 0 : i32
      %dma_start3A_316 = tpu.memref_slice %arg6[%add3A_307, %dma_start3A_315] : memref<204800x128xf32, #tpu.memory_space<hbm>> -> memref<8x128xf32, #tpu.memory_space<hbm>>
      %dma_start3A_317 = arith.constant 8 : i32
      %dma_start3A_318 = arith.constant 0 : i32
      %dma_start3A_319 = tpu.memref_slice %arg11[%dma_start3A_308, %dma_start3A_317, %dma_start3A_318] : memref<2x32x129xf32, #tpu.memory_space<vmem>> -> memref<1x8x128xf32, #tpu.memory_space<vmem>>
      %dma_start3A_320 = tpu.memref_squeeze %dma_start3A_319 : memref<1x8x128xf32, #tpu.memory_space<vmem>> -> memref<8x128xf32, #tpu.memory_space<vmem>>
      tpu.enqueue_dma source(%dma_start3A_320 : memref<8x128xf32, #tpu.memory_space<vmem>>) target(%dma_start3A_316 : memref<8x128xf32, #tpu.memory_space<hbm>>) target_semaphore(%arg20 : memref<!tpu.dma_semaphore, #tpu.memory_space<semaphore_mem>>)
      %mul3A_321 = arith.constant 4 : i32
      %mul3A_322 = arith.muli %select_n3A, %mul3A_321 : i32
      %add3A_323 = arith.constant 2 : i32
      %add3A_324 = arith.addi %mul3A_322, %add3A_323 : i32
      %mul3A_325 = arith.constant 1024 : i32
      %mul3A_326 = arith.muli %add3A_324, %mul3A_325 : i32
      %mul3A_327 = arith.constant 8 : i32
      %mul3A_328 = arith.muli %select_n3A_243, %mul3A_327 : i32
      %add3A_329 = arith.addi %mul3A_326, %mul3A_328 : i32
      %dma_start3A_330 = arith.constant 0 : i32
      %dma_start3A_331 = arith.constant 16 : i32
      %dma_start3A_332 = arith.constant 0 : i32
      %dma_start3A_333 = tpu.memref_slice %arg11[%dma_start3A_330, %dma_start3A_331, %dma_start3A_332] : memref<2x32x129xf32, #tpu.memory_space<vmem>> -> memref<1x8x128xf32, #tpu.memory_space<vmem>>
      %dma_start3A_334 = tpu.memref_squeeze %dma_start3A_333 : memref<1x8x128xf32, #tpu.memory_space<vmem>> -> memref<8x128xf32, #tpu.memory_space<vmem>>
      %dma_start3A_335 = arith.constant 0 : i32
      %dma_start3A_336 = tpu.memref_slice %arg6[%add3A_329, %dma_start3A_335] : memref<204800x128xf32, #tpu.memory_space<hbm>> -> memref<8x128xf32, #tpu.memory_space<hbm>>
      %dma_start3A_337 = arith.constant 0 : i32
      %dma_start3A_338 = tpu.memref_slice %arg6[%add3A_329, %dma_start3A_337] : memref<204800x128xf32, #tpu.memory_space<hbm>> -> memref<8x128xf32, #tpu.memory_space<hbm>>
      %dma_start3A_339 = arith.constant 16 : i32
      %dma_start3A_340 = arith.constant 0 : i32
      %dma_start3A_341 = tpu.memref_slice %arg11[%dma_start3A_330, %dma_start3A_339, %dma_start3A_340] : memref<2x32x129xf32, #tpu.memory_space<vmem>> -> memref<1x8x128xf32, #tpu.memory_space<vmem>>
      %dma_start3A_342 = tpu.memref_squeeze %dma_start3A_341 : memref<1x8x128xf32, #tpu.memory_space<vmem>> -> memref<8x128xf32, #tpu.memory_space<vmem>>
      tpu.enqueue_dma source(%dma_start3A_342 : memref<8x128xf32, #tpu.memory_space<vmem>>) target(%dma_start3A_338 : memref<8x128xf32, #tpu.memory_space<hbm>>) target_semaphore(%arg20 : memref<!tpu.dma_semaphore, #tpu.memory_space<semaphore_mem>>)
      %mul3A_343 = arith.constant 4 : i32
      %mul3A_344 = arith.muli %select_n3A, %mul3A_343 : i32
      %add3A_345 = arith.constant 3 : i32
      %add3A_346 = arith.addi %mul3A_344, %add3A_345 : i32
      %mul3A_347 = arith.constant 1024 : i32
      %mul3A_348 = arith.muli %add3A_346, %mul3A_347 : i32
      %mul3A_349 = arith.constant 8 : i32
      %mul3A_350 = arith.muli %select_n3A_243, %mul3A_349 : i32
      %add3A_351 = arith.addi %mul3A_348, %mul3A_350 : i32
      %dma_start3A_352 = arith.constant 0 : i32
      %dma_start3A_353 = arith.constant 24 : i32
      %dma_start3A_354 = arith.constant 0 : i32
      %dma_start3A_355 = tpu.memref_slice %arg11[%dma_start3A_352, %dma_start3A_353, %dma_start3A_354] : memref<2x32x129xf32, #tpu.memory_space<vmem>> -> memref<1x8x128xf32, #tpu.memory_space<vmem>>
      %dma_start3A_356 = tpu.memref_squeeze %dma_start3A_355 : memref<1x8x128xf32, #tpu.memory_space<vmem>> -> memref<8x128xf32, #tpu.memory_space<vmem>>
      %dma_start3A_357 = arith.constant 0 : i32
      %dma_start3A_358 = tpu.memref_slice %arg6[%add3A_351, %dma_start3A_357] : memref<204800x128xf32, #tpu.memory_space<hbm>> -> memref<8x128xf32, #tpu.memory_space<hbm>>
      %dma_start3A_359 = arith.constant 0 : i32
      %dma_start3A_360 = tpu.memref_slice %arg6[%add3A_351, %dma_start3A_359] : memref<204800x128xf32, #tpu.memory_space<hbm>> -> memref<8x128xf32, #tpu.memory_space<hbm>>
      %dma_start3A_361 = arith.constant 24 : i32
      %dma_start3A_362 = arith.constant 0 : i32
      %dma_start3A_363 = tpu.memref_slice %arg11[%dma_start3A_352, %dma_start3A_361, %dma_start3A_362] : memref<2x32x129xf32, #tpu.memory_space<vmem>> -> memref<1x8x128xf32, #tpu.memory_space<vmem>>
      %dma_start3A_364 = tpu.memref_squeeze %dma_start3A_363 : memref<1x8x128xf32, #tpu.memory_space<vmem>> -> memref<8x128xf32, #tpu.memory_space<vmem>>
      tpu.enqueue_dma source(%dma_start3A_364 : memref<8x128xf32, #tpu.memory_space<vmem>>) target(%dma_start3A_360 : memref<8x128xf32, #tpu.memory_space<hbm>>) target_semaphore(%arg20 : memref<!tpu.dma_semaphore, #tpu.memory_space<semaphore_mem>>)
      %mul3A_365 = arith.constant 4 : i32
      %mul3A_366 = arith.muli %scan3A_206, %mul3A_365 : i32
      %add3A_367 = arith.constant 1 : i32
      %add3A_368 = arith.addi %mul3A_366, %add3A_367 : i32
      %mul3A_369 = arith.constant 200 : i32
      %mul3A_370 = arith.muli %add3A, %mul3A_369 : i32
      %add3A_371 = arith.addi %mul3A_370, %add3A_368 : i32
      %jit3A_372 = arith.constant 128 : i32
      %div3A_373 = arith.divsi %add3A_371, %jit3A_372 : i32
      %sign3A_374 = arith.constant 0 : i32
      %sign3A_375 = arith.cmpi sgt, %add3A_371, %sign3A_374 : i32
      %sign3A_376 = arith.extui %sign3A_375 : i1 to i32
      %sign3A_377 = arith.constant 0 : i32
      %sign3A_378 = arith.cmpi slt, %add3A_371, %sign3A_377 : i32
      %sign3A_379 = arith.extui %sign3A_378 : i1 to i32
      %sign3A_380 = arith.subi %sign3A_376, %sign3A_379 : i32
      %sign3A_381 = arith.constant 0 : i32
      %sign3A_382 = arith.cmpi sgt, %jit3A_372, %sign3A_381 : i32
      %sign3A_383 = arith.extui %sign3A_382 : i1 to i32
      %sign3A_384 = arith.constant 0 : i32
      %sign3A_385 = arith.cmpi slt, %jit3A_372, %sign3A_384 : i32
      %sign3A_386 = arith.extui %sign3A_385 : i1 to i32
      %sign3A_387 = arith.subi %sign3A_383, %sign3A_386 : i32
      %ne3A_388 = arith.cmpi ne, %sign3A_380, %sign3A_387 : i32
      %rem3A_389 = arith.remsi %add3A_371, %jit3A_372 : i32
      %ne3A_390 = arith.constant 0 : i32
      %ne3A_391 = arith.cmpi ne, %rem3A_389, %ne3A_390 : i32
      %and3A_392 = arith.andi %ne3A_388, %ne3A_391 : i1
      %sub3A_393 = arith.constant 1 : i32
      %sub3A_394 = arith.subi %div3A_373, %sub3A_393 : i32
      %select_n3A_395 = arith.select %and3A_392, %sub3A_394, %div3A_373 : i32
      %jit3A_396 = arith.constant 128 : i32
      %eq3A_397 = arith.constant 0 : i32
      %eq3A_398 = arith.cmpi eq, %jit3A_396, %eq3A_397 : i32
      %jit3A_399 = arith.constant 1 : i32
      %select_n3A_400 = arith.select %eq3A_398, %jit3A_399, %jit3A_396 : i32
      %rem3A_401 = arith.remsi %add3A_371, %select_n3A_400 : i32
      %ne3A_402 = arith.constant 0 : i32
      %ne3A_403 = arith.cmpi ne, %rem3A_401, %ne3A_402 : i32
      %lt3A_404 = arith.constant 0 : i32
      %lt3A_405 = arith.cmpi slt, %rem3A_401, %lt3A_404 : i32
      %lt3A_406 = arith.constant 0 : i32
      %lt3A_407 = arith.cmpi slt, %select_n3A_400, %lt3A_406 : i32
      %ne3A_408 = arith.xori %lt3A_405, %lt3A_407 : i1
      %and3A_409 = arith.andi %ne3A_408, %ne3A_403 : i1
      %add3A_410 = arith.addi %rem3A_401, %select_n3A_400 : i32
      %select_n3A_411 = arith.select %and3A_409, %add3A_410, %rem3A_401 : i32
      %dma_wait3A_412 = arith.constant 1 : i32
      %dma_wait3A_413 = arith.constant 0 : i32
      %dma_wait3A_414 = arith.constant 0 : i32
      %dma_wait3A_415 = tpu.memref_slice %arg9[%dma_wait3A_412, %dma_wait3A_413, %dma_wait3A_414] : memref<4x128x32xf32, #tpu.memory_space<vmem>> -> memref<1x128x32xf32, #tpu.memory_space<vmem>>
      %dma_wait3A_416 = tpu.memref_squeeze %dma_wait3A_415 : memref<1x128x32xf32, #tpu.memory_space<vmem>> -> memref<128x32xf32, #tpu.memory_space<vmem>>
      %dma_wait3A_417 = arith.constant 0 : i32
      %dma_wait3A_418 = tpu.memref_slice %arg7[%dma_wait3A_417] : memref<25600xi32, #tpu.memory_space<vmem>> -> memref<128xi32, #tpu.memory_space<vmem>>
      %dma_wait3A_419 = arith.constant 0 : i32
      %dma_wait3A_420 = arith.constant 0 : i32
      %dma_wait3A_421 = tpu.memref_slice %arg2[%dma_wait3A_419, %dma_wait3A_420] : memref<1000000x32xf32, #tpu.memory_space<hbm>> -> memref<1000000x32xf32, #tpu.memory_space<hbm>>
      tpu.wait_indirect_dma semaphore(%arg13 : memref<!tpu.dma_semaphore, #tpu.memory_space<semaphore_mem>>) src(%dma_wait3A_421 : memref<1000000x32xf32, #tpu.memory_space<hbm>>) dst(%dma_wait3A_416 : memref<128x32xf32, #tpu.memory_space<vmem>>)
      %dma_wait3A_422 = arith.constant 1 : i32
      %dma_wait3A_423 = arith.constant 0 : i32
      %dma_wait3A_424 = arith.constant 0 : i32
      %dma_wait3A_425 = tpu.memref_slice %arg10[%dma_wait3A_422, %dma_wait3A_423, %dma_wait3A_424] : memref<4x128x32xf32, #tpu.memory_space<vmem>> -> memref<1x128x32xf32, #tpu.memory_space<vmem>>
      %dma_wait3A_426 = tpu.memref_squeeze %dma_wait3A_425 : memref<1x128x32xf32, #tpu.memory_space<vmem>> -> memref<128x32xf32, #tpu.memory_space<vmem>>
      %dma_wait3A_427 = arith.constant 0 : i32
      %dma_wait3A_428 = tpu.memref_slice %arg8[%dma_wait3A_427] : memref<25600xi32, #tpu.memory_space<vmem>> -> memref<128xi32, #tpu.memory_space<vmem>>
      %dma_wait3A_429 = arith.constant 0 : i32
      %dma_wait3A_430 = arith.constant 0 : i32
      %dma_wait3A_431 = tpu.memref_slice %arg4[%dma_wait3A_429, %dma_wait3A_430] : memref<1000000x32xf32, #tpu.memory_space<hbm>> -> memref<1000000x32xf32, #tpu.memory_space<hbm>>
      tpu.wait_indirect_dma semaphore(%arg17 : memref<!tpu.dma_semaphore, #tpu.memory_space<semaphore_mem>>) src(%dma_wait3A_431 : memref<1000000x32xf32, #tpu.memory_space<hbm>>) dst(%dma_wait3A_426 : memref<128x32xf32, #tpu.memory_space<vmem>>)
      %gt3A_432 = arith.constant 0 : i32
      %gt3A_433 = arith.cmpi sgt, %scan3A_206, %gt3A_432 : i32
      %convert_element_type3A_434 = arith.extui %gt3A_433 : i1 to i32
      %cond3A_435 = arith.constant 0 : i32
      %cond3A_436 = arith.cmpi ne, %convert_element_type3A_434, %cond3A_435 : i32
      scf.if %cond3A_436 {
        %dma_wait3A_988 = arith.constant 1 : i32
        %dma_wait3A_989 = arith.constant 0 : i32
        %dma_wait3A_990 = arith.constant 0 : i32
        %dma_wait3A_991 = tpu.memref_slice %arg11[%dma_wait3A_988, %dma_wait3A_989, %dma_wait3A_990] : memref<2x32x129xf32, #tpu.memory_space<vmem>> -> memref<1x8x128xf32, #tpu.memory_space<vmem>>
        %dma_wait3A_992 = tpu.memref_squeeze %dma_wait3A_991 : memref<1x8x128xf32, #tpu.memory_space<vmem>> -> memref<8x128xf32, #tpu.memory_space<vmem>>
        %dma_wait3A_993 = arith.constant 0 : i32
        %dma_wait3A_994 = arith.constant 0 : i32
        %dma_wait3A_995 = tpu.memref_slice %arg6[%dma_wait3A_993, %dma_wait3A_994] : memref<204800x128xf32, #tpu.memory_space<hbm>> -> memref<8x128xf32, #tpu.memory_space<hbm>>
        %dma_wait3A_996 = arith.constant 0 : i32
        %dma_wait3A_997 = arith.constant 0 : i32
        %dma_wait3A_998 = tpu.memref_slice %arg6[%dma_wait3A_996, %dma_wait3A_997] : memref<204800x128xf32, #tpu.memory_space<hbm>> -> memref<8x128xf32, #tpu.memory_space<hbm>>
        %dma_wait3A_999 = arith.constant 0 : i32
        %dma_wait3A_1000 = arith.constant 0 : i32
        %dma_wait3A_1001 = tpu.memref_slice %arg11[%dma_wait3A_988, %dma_wait3A_999, %dma_wait3A_1000] : memref<2x32x129xf32, #tpu.memory_space<vmem>> -> memref<1x8x128xf32, #tpu.memory_space<vmem>>
        %dma_wait3A_1002 = tpu.memref_squeeze %dma_wait3A_1001 : memref<1x8x128xf32, #tpu.memory_space<vmem>> -> memref<8x128xf32, #tpu.memory_space<vmem>>
        tpu.wait_dma2 semaphore(%arg21 : memref<!tpu.dma_semaphore, #tpu.memory_space<semaphore_mem>>) src(%dma_wait3A_1002 : memref<8x128xf32, #tpu.memory_space<vmem>>) dst(%dma_wait3A_998 : memref<8x128xf32, #tpu.memory_space<hbm>>)
        %dma_wait3A_1003 = arith.constant 1 : i32
        %dma_wait3A_1004 = arith.constant 0 : i32
        %dma_wait3A_1005 = arith.constant 0 : i32
        %dma_wait3A_1006 = tpu.memref_slice %arg11[%dma_wait3A_1003, %dma_wait3A_1004, %dma_wait3A_1005] : memref<2x32x129xf32, #tpu.memory_space<vmem>> -> memref<1x8x128xf32, #tpu.memory_space<vmem>>
        %dma_wait3A_1007 = tpu.memref_squeeze %dma_wait3A_1006 : memref<1x8x128xf32, #tpu.memory_space<vmem>> -> memref<8x128xf32, #tpu.memory_space<vmem>>
        %dma_wait3A_1008 = arith.constant 0 : i32
        %dma_wait3A_1009 = arith.constant 0 : i32
        %dma_wait3A_1010 = tpu.memref_slice %arg6[%dma_wait3A_1008, %dma_wait3A_1009] : memref<204800x128xf32, #tpu.memory_space<hbm>> -> memref<8x128xf32, #tpu.memory_space<hbm>>
        %dma_wait3A_1011 = arith.constant 0 : i32
        %dma_wait3A_1012 = arith.constant 0 : i32
        %dma_wait3A_1013 = tpu.memref_slice %arg6[%dma_wait3A_1011, %dma_wait3A_1012] : memref<204800x128xf32, #tpu.memory_space<hbm>> -> memref<8x128xf32, #tpu.memory_space<hbm>>
        %dma_wait3A_1014 = arith.constant 0 : i32
        %dma_wait3A_1015 = arith.constant 0 : i32
        %dma_wait3A_1016 = tpu.memref_slice %arg11[%dma_wait3A_1003, %dma_wait3A_1014, %dma_wait3A_1015] : memref<2x32x129xf32, #tpu.memory_space<vmem>> -> memref<1x8x128xf32, #tpu.memory_space<vmem>>
        %dma_wait3A_1017 = tpu.memref_squeeze %dma_wait3A_1016 : memref<1x8x128xf32, #tpu.memory_space<vmem>> -> memref<8x128xf32, #tpu.memory_space<vmem>>
        tpu.wait_dma2 semaphore(%arg21 : memref<!tpu.dma_semaphore, #tpu.memory_space<semaphore_mem>>) src(%dma_wait3A_1017 : memref<8x128xf32, #tpu.memory_space<vmem>>) dst(%dma_wait3A_1013 : memref<8x128xf32, #tpu.memory_space<hbm>>)
        %dma_wait3A_1018 = arith.constant 1 : i32
        %dma_wait3A_1019 = arith.constant 0 : i32
        %dma_wait3A_1020 = arith.constant 0 : i32
        %dma_wait3A_1021 = tpu.memref_slice %arg11[%dma_wait3A_1018, %dma_wait3A_1019, %dma_wait3A_1020] : memref<2x32x129xf32, #tpu.memory_space<vmem>> -> memref<1x8x128xf32, #tpu.memory_space<vmem>>
        %dma_wait3A_1022 = tpu.memref_squeeze %dma_wait3A_1021 : memref<1x8x128xf32, #tpu.memory_space<vmem>> -> memref<8x128xf32, #tpu.memory_space<vmem>>
        %dma_wait3A_1023 = arith.constant 0 : i32
        %dma_wait3A_1024 = arith.constant 0 : i32
        %dma_wait3A_1025 = tpu.memref_slice %arg6[%dma_wait3A_1023, %dma_wait3A_1024] : memref<204800x128xf32, #tpu.memory_space<hbm>> -> memref<8x128xf32, #tpu.memory_space<hbm>>
        %dma_wait3A_1026 = arith.constant 0 : i32
        %dma_wait3A_1027 = arith.constant 0 : i32
        %dma_wait3A_1028 = tpu.memref_slice %arg6[%dma_wait3A_1026, %dma_wait3A_1027] : memref<204800x128xf32, #tpu.memory_space<hbm>> -> memref<8x128xf32, #tpu.memory_space<hbm>>
        %dma_wait3A_1029 = arith.constant 0 : i32
        %dma_wait3A_1030 = arith.constant 0 : i32
        %dma_wait3A_1031 = tpu.memref_slice %arg11[%dma_wait3A_1018, %dma_wait3A_1029, %dma_wait3A_1030] : memref<2x32x129xf32, #tpu.memory_space<vmem>> -> memref<1x8x128xf32, #tpu.memory_space<vmem>>
        %dma_wait3A_1032 = tpu.memref_squeeze %dma_wait3A_1031 : memref<1x8x128xf32, #tpu.memory_space<vmem>> -> memref<8x128xf32, #tpu.memory_space<vmem>>
        tpu.wait_dma2 semaphore(%arg21 : memref<!tpu.dma_semaphore, #tpu.memory_space<semaphore_mem>>) src(%dma_wait3A_1032 : memref<8x128xf32, #tpu.memory_space<vmem>>) dst(%dma_wait3A_1028 : memref<8x128xf32, #tpu.memory_space<hbm>>)
        %dma_wait3A_1033 = arith.constant 1 : i32
        %dma_wait3A_1034 = arith.constant 0 : i32
        %dma_wait3A_1035 = arith.constant 0 : i32
        %dma_wait3A_1036 = tpu.memref_slice %arg11[%dma_wait3A_1033, %dma_wait3A_1034, %dma_wait3A_1035] : memref<2x32x129xf32, #tpu.memory_space<vmem>> -> memref<1x8x128xf32, #tpu.memory_space<vmem>>
        %dma_wait3A_1037 = tpu.memref_squeeze %dma_wait3A_1036 : memref<1x8x128xf32, #tpu.memory_space<vmem>> -> memref<8x128xf32, #tpu.memory_space<vmem>>
        %dma_wait3A_1038 = arith.constant 0 : i32
        %dma_wait3A_1039 = arith.constant 0 : i32
        %dma_wait3A_1040 = tpu.memref_slice %arg6[%dma_wait3A_1038, %dma_wait3A_1039] : memref<204800x128xf32, #tpu.memory_space<hbm>> -> memref<8x128xf32, #tpu.memory_space<hbm>>
        %dma_wait3A_1041 = arith.constant 0 : i32
        %dma_wait3A_1042 = arith.constant 0 : i32
        %dma_wait3A_1043 = tpu.memref_slice %arg6[%dma_wait3A_1041, %dma_wait3A_1042] : memref<204800x128xf32, #tpu.memory_space<hbm>> -> memref<8x128xf32, #tpu.memory_space<hbm>>
        %dma_wait3A_1044 = arith.constant 0 : i32
        %dma_wait3A_1045 = arith.constant 0 : i32
        %dma_wait3A_1046 = tpu.memref_slice %arg11[%dma_wait3A_1033, %dma_wait3A_1044, %dma_wait3A_1045] : memref<2x32x129xf32, #tpu.memory_space<vmem>> -> memref<1x8x128xf32, #tpu.memory_space<vmem>>
        %dma_wait3A_1047 = tpu.memref_squeeze %dma_wait3A_1046 : memref<1x8x128xf32, #tpu.memory_space<vmem>> -> memref<8x128xf32, #tpu.memory_space<vmem>>
        tpu.wait_dma2 semaphore(%arg21 : memref<!tpu.dma_semaphore, #tpu.memory_space<semaphore_mem>>) src(%dma_wait3A_1047 : memref<8x128xf32, #tpu.memory_space<vmem>>) dst(%dma_wait3A_1043 : memref<8x128xf32, #tpu.memory_space<hbm>>)
      } else {
      }
      %scan3A_437 = arith.constant 0 : i32
      %scan3A_438 = arith.constant 0 : i32
      %scan3A_439 = arith.constant 128 : i32
      %scan3A_440 = arith.addi %scan3A_438, %scan3A_439 : i32
      %scan3A_441 = arith.constant 8 : i32
      scf.for %scan3A_988 = %scan3A_438 to %scan3A_440 step %scan3A_441  : i32 {
        %broadcast_in_dim3A = vector.broadcast %scan3A_988 : i32 to vector<16xi32>
        %get3A = arith.constant 1 : i32
        %get3A_989 = arith.index_cast %get3A : i32 to index
        %get3A_990 = arith.index_cast %scan3A_988 : i32 to index
        %get3A_991 = arith.constant 0 : index
        %get3A_992 = tpu.vector_load %arg9[%get3A_989, %get3A_990, %get3A_991] {strides = array<i32>} : memref<4x128x32xf32, #tpu.memory_space<vmem>>, vector<16xf32>,
        %get3A_993 = arith.constant 1 : i32
        %get3A_994 = arith.index_cast %get3A_993 : i32 to index
        %get3A_995 = arith.index_cast %scan3A_988 : i32 to index
        %get3A_996 = arith.constant 0 : index
        %get3A_997 = tpu.vector_load %arg10[%get3A_994, %get3A_995, %get3A_996] {strides = array<i32>} : memref<4x128x32xf32, #tpu.memory_space<vmem>>, vector<16xf32>,
        %add3A_998 = arith.addf %get3A_992, %get3A_997 : vector<16xf32>
        %add3A_999 = arith.constant 0 : i32
        %add3A_1000 = vector.broadcast %add3A_999 : i32 to vector<16xi32>
        %add3A_1001 = arith.addi %add3A_1000, %iota3A : vector<16xi32>
        %scatter3A = arith.constant 1 : i32
        %scatter3A_1002 = arith.constant 0 : i32
        %scatter3A_1003 = arith.constant 0 : i32
        %scatter3A_1004 = tpu.memref_slice %arg11[%scatter3A, %scatter3A_1002, %scatter3A_1003] : memref<2x32x129xf32, #tpu.memory_space<vmem>> -> memref<1x32x129xf32, #tpu.memory_space<vmem>>
        %scatter3A_1005 = tpu.memref_squeeze %scatter3A_1004 : memref<1x32x129xf32, #tpu.memory_space<vmem>> -> memref<32x129xf32, #tpu.memory_space<vmem>>
        tpu.vector_store_idx %scatter3A_1005[%add3A_1001, %broadcast_in_dim3A], %add3A_998 : memref<32x129xf32, #tpu.memory_space<vmem>>[vector<16xi32>, vector<16xi32>], vector<16xf32>,
        %get3A_1006 = arith.constant 1 : i32
        %get3A_1007 = arith.index_cast %get3A_1006 : i32 to index
        %get3A_1008 = arith.index_cast %scan3A_988 : i32 to index
        %get3A_1009 = arith.constant 16 : index
        %get3A_1010 = tpu.vector_load %arg9[%get3A_1007, %get3A_1008, %get3A_1009] {strides = array<i32>} : memref<4x128x32xf32, #tpu.memory_space<vmem>>, vector<16xf32>,
        %get3A_1011 = arith.constant 1 : i32
        %get3A_1012 = arith.index_cast %get3A_1011 : i32 to index
        %get3A_1013 = arith.index_cast %scan3A_988 : i32 to index
        %get3A_1014 = arith.constant 16 : index
        %get3A_1015 = tpu.vector_load %arg10[%get3A_1012, %get3A_1013, %get3A_1014] {strides = array<i32>} : memref<4x128x32xf32, #tpu.memory_space<vmem>>, vector<16xf32>,
        %add3A_1016 = arith.addf %get3A_1010, %get3A_1015 : vector<16xf32>
        %add3A_1017 = arith.constant 16 : i32
        %add3A_1018 = vector.broadcast %add3A_1017 : i32 to vector<16xi32>
        %add3A_1019 = arith.addi %add3A_1018, %iota3A : vector<16xi32>
        %scatter3A_1020 = arith.constant 1 : i32
        %scatter3A_1021 = arith.constant 0 : i32
        %scatter3A_1022 = arith.constant 0 : i32
        %scatter3A_1023 = tpu.memref_slice %arg11[%scatter3A_1020, %scatter3A_1021, %scatter3A_1022] : memref<2x32x129xf32, #tpu.memory_space<vmem>> -> memref<1x32x129xf32, #tpu.memory_space<vmem>>
        %scatter3A_1024 = tpu.memref_squeeze %scatter3A_1023 : memref<1x32x129xf32, #tpu.memory_space<vmem>> -> memref<32x129xf32, #tpu.memory_space<vmem>>
        tpu.vector_store_idx %scatter3A_1024[%add3A_1019, %broadcast_in_dim3A], %add3A_1016 : memref<32x129xf32, #tpu.memory_space<vmem>>[vector<16xi32>, vector<16xi32>], vector<16xf32>,
        %scan3A_1025 = arith.constant 1 : i32
        %scan3A_1026 = arith.addi %scan3A_988, %scan3A_1025 : i32
        %broadcast_in_dim3A_1027 = vector.broadcast %scan3A_1026 : i32 to vector<16xi32>
        %get3A_1028 = arith.constant 1 : i32
        %get3A_1029 = arith.index_cast %get3A_1028 : i32 to index
        %get3A_1030 = arith.index_cast %scan3A_1026 : i32 to index
        %get3A_1031 = arith.constant 0 : index
        %get3A_1032 = tpu.vector_load %arg9[%get3A_1029, %get3A_1030, %get3A_1031] {strides = array<i32>} : memref<4x128x32xf32, #tpu.memory_space<vmem>>, vector<16xf32>,
        %get3A_1033 = arith.constant 1 : i32
        %get3A_1034 = arith.index_cast %get3A_1033 : i32 to index
        %get3A_1035 = arith.index_cast %scan3A_1026 : i32 to index
        %get3A_1036 = arith.constant 0 : index
        %get3A_1037 = tpu.vector_load %arg10[%get3A_1034, %get3A_1035, %get3A_1036] {strides = array<i32>} : memref<4x128x32xf32, #tpu.memory_space<vmem>>, vector<16xf32>,
        %add3A_1038 = arith.addf %get3A_1032, %get3A_1037 : vector<16xf32>
        %add3A_1039 = arith.constant 0 : i32
        %add3A_1040 = vector.broadcast %add3A_1039 : i32 to vector<16xi32>
        %add3A_1041 = arith.addi %add3A_1040, %iota3A : vector<16xi32>
        %scatter3A_1042 = arith.constant 1 : i32
        %scatter3A_1043 = arith.constant 0 : i32
        %scatter3A_1044 = arith.constant 0 : i32
        %scatter3A_1045 = tpu.memref_slice %arg11[%scatter3A_1042, %scatter3A_1043, %scatter3A_1044] : memref<2x32x129xf32, #tpu.memory_space<vmem>> -> memref<1x32x129xf32, #tpu.memory_space<vmem>>
        %scatter3A_1046 = tpu.memref_squeeze %scatter3A_1045 : memref<1x32x129xf32, #tpu.memory_space<vmem>> -> memref<32x129xf32, #tpu.memory_space<vmem>>
        tpu.vector_store_idx %scatter3A_1046[%add3A_1041, %broadcast_in_dim3A_1027], %add3A_1038 : memref<32x129xf32, #tpu.memory_space<vmem>>[vector<16xi32>, vector<16xi32>], vector<16xf32>,
        %get3A_1047 = arith.constant 1 : i32
        %get3A_1048 = arith.index_cast %get3A_1047 : i32 to index
        %get3A_1049 = arith.index_cast %scan3A_1026 : i32 to index
        %get3A_1050 = arith.constant 16 : index
        %get3A_1051 = tpu.vector_load %arg9[%get3A_1048, %get3A_1049, %get3A_1050] {strides = array<i32>} : memref<4x128x32xf32, #tpu.memory_space<vmem>>, vector<16xf32>,
        %get3A_1052 = arith.constant 1 : i32
        %get3A_1053 = arith.index_cast %get3A_1052 : i32 to index
        %get3A_1054 = arith.index_cast %scan3A_1026 : i32 to index
        %get3A_1055 = arith.constant 16 : index
        %get3A_1056 = tpu.vector_load %arg10[%get3A_1053, %get3A_1054, %get3A_1055] {strides = array<i32>} : memref<4x128x32xf32, #tpu.memory_space<vmem>>, vector<16xf32>,
        %add3A_1057 = arith.addf %get3A_1051, %get3A_1056 : vector<16xf32>
        %add3A_1058 = arith.constant 16 : i32
        %add3A_1059 = vector.broadcast %add3A_1058 : i32 to vector<16xi32>
        %add3A_1060 = arith.addi %add3A_1059, %iota3A : vector<16xi32>
        %scatter3A_1061 = arith.constant 1 : i32
        %scatter3A_1062 = arith.constant 0 : i32
        %scatter3A_1063 = arith.constant 0 : i32
        %scatter3A_1064 = tpu.memref_slice %arg11[%scatter3A_1061, %scatter3A_1062, %scatter3A_1063] : memref<2x32x129xf32, #tpu.memory_space<vmem>> -> memref<1x32x129xf32, #tpu.memory_space<vmem>>
        %scatter3A_1065 = tpu.memref_squeeze %scatter3A_1064 : memref<1x32x129xf32, #tpu.memory_space<vmem>> -> memref<32x129xf32, #tpu.memory_space<vmem>>
        tpu.vector_store_idx %scatter3A_1065[%add3A_1060, %broadcast_in_dim3A_1027], %add3A_1057 : memref<32x129xf32, #tpu.memory_space<vmem>>[vector<16xi32>, vector<16xi32>], vector<16xf32>,
        %scan3A_1066 = arith.constant 2 : i32
        %scan3A_1067 = arith.addi %scan3A_988, %scan3A_1066 : i32
        %broadcast_in_dim3A_1068 = vector.broadcast %scan3A_1067 : i32 to vector<16xi32>
        %get3A_1069 = arith.constant 1 : i32
        %get3A_1070 = arith.index_cast %get3A_1069 : i32 to index
        %get3A_1071 = arith.index_cast %scan3A_1067 : i32 to index
        %get3A_1072 = arith.constant 0 : index
        %get3A_1073 = tpu.vector_load %arg9[%get3A_1070, %get3A_1071, %get3A_1072] {strides = array<i32>} : memref<4x128x32xf32, #tpu.memory_space<vmem>>, vector<16xf32>,
        %get3A_1074 = arith.constant 1 : i32
        %get3A_1075 = arith.index_cast %get3A_1074 : i32 to index
        %get3A_1076 = arith.index_cast %scan3A_1067 : i32 to index
        %get3A_1077 = arith.constant 0 : index
        %get3A_1078 = tpu.vector_load %arg10[%get3A_1075, %get3A_1076, %get3A_1077] {strides = array<i32>} : memref<4x128x32xf32, #tpu.memory_space<vmem>>, vector<16xf32>,
        %add3A_1079 = arith.addf %get3A_1073, %get3A_1078 : vector<16xf32>
        %add3A_1080 = arith.constant 0 : i32
        %add3A_1081 = vector.broadcast %add3A_1080 : i32 to vector<16xi32>
        %add3A_1082 = arith.addi %add3A_1081, %iota3A : vector<16xi32>
        %scatter3A_1083 = arith.constant 1 : i32
        %scatter3A_1084 = arith.constant 0 : i32
        %scatter3A_1085 = arith.constant 0 : i32
        %scatter3A_1086 = tpu.memref_slice %arg11[%scatter3A_1083, %scatter3A_1084, %scatter3A_1085] : memref<2x32x129xf32, #tpu.memory_space<vmem>> -> memref<1x32x129xf32, #tpu.memory_space<vmem>>
        %scatter3A_1087 = tpu.memref_squeeze %scatter3A_1086 : memref<1x32x129xf32, #tpu.memory_space<vmem>> -> memref<32x129xf32, #tpu.memory_space<vmem>>
        tpu.vector_store_idx %scatter3A_1087[%add3A_1082, %broadcast_in_dim3A_1068], %add3A_1079 : memref<32x129xf32, #tpu.memory_space<vmem>>[vector<16xi32>, vector<16xi32>], vector<16xf32>,
        %get3A_1088 = arith.constant 1 : i32
        %get3A_1089 = arith.index_cast %get3A_1088 : i32 to index
        %get3A_1090 = arith.index_cast %scan3A_1067 : i32 to index
        %get3A_1091 = arith.constant 16 : index
        %get3A_1092 = tpu.vector_load %arg9[%get3A_1089, %get3A_1090, %get3A_1091] {strides = array<i32>} : memref<4x128x32xf32, #tpu.memory_space<vmem>>, vector<16xf32>,
        %get3A_1093 = arith.constant 1 : i32
        %get3A_1094 = arith.index_cast %get3A_1093 : i32 to index
        %get3A_1095 = arith.index_cast %scan3A_1067 : i32 to index
        %get3A_1096 = arith.constant 16 : index
        %get3A_1097 = tpu.vector_load %arg10[%get3A_1094, %get3A_1095, %get3A_1096] {strides = array<i32>} : memref<4x128x32xf32, #tpu.memory_space<vmem>>, vector<16xf32>,
        %add3A_1098 = arith.addf %get3A_1092, %get3A_1097 : vector<16xf32>
        %add3A_1099 = arith.constant 16 : i32
        %add3A_1100 = vector.broadcast %add3A_1099 : i32 to vector<16xi32>
        %add3A_1101 = arith.addi %add3A_1100, %iota3A : vector<16xi32>
        %scatter3A_1102 = arith.constant 1 : i32
        %scatter3A_1103 = arith.constant 0 : i32
        %scatter3A_1104 = arith.constant 0 : i32
        %scatter3A_1105 = tpu.memref_slice %arg11[%scatter3A_1102, %scatter3A_1103, %scatter3A_1104] : memref<2x32x129xf32, #tpu.memory_space<vmem>> -> memref<1x32x129xf32, #tpu.memory_space<vmem>>
        %scatter3A_1106 = tpu.memref_squeeze %scatter3A_1105 : memref<1x32x129xf32, #tpu.memory_space<vmem>> -> memref<32x129xf32, #tpu.memory_space<vmem>>
        tpu.vector_store_idx %scatter3A_1106[%add3A_1101, %broadcast_in_dim3A_1068], %add3A_1098 : memref<32x129xf32, #tpu.memory_space<vmem>>[vector<16xi32>, vector<16xi32>], vector<16xf32>,
        %scan3A_1107 = arith.constant 3 : i32
        %scan3A_1108 = arith.addi %scan3A_988, %scan3A_1107 : i32
        %broadcast_in_dim3A_1109 = vector.broadcast %scan3A_1108 : i32 to vector<16xi32>
        %get3A_1110 = arith.constant 1 : i32
        %get3A_1111 = arith.index_cast %get3A_1110 : i32 to index
        %get3A_1112 = arith.index_cast %scan3A_1108 : i32 to index
        %get3A_1113 = arith.constant 0 : index
        %get3A_1114 = tpu.vector_load %arg9[%get3A_1111, %get3A_1112, %get3A_1113] {strides = array<i32>} : memref<4x128x32xf32, #tpu.memory_space<vmem>>, vector<16xf32>,
        %get3A_1115 = arith.constant 1 : i32
        %get3A_1116 = arith.index_cast %get3A_1115 : i32 to index
        %get3A_1117 = arith.index_cast %scan3A_1108 : i32 to index
        %get3A_1118 = arith.constant 0 : index
        %get3A_1119 = tpu.vector_load %arg10[%get3A_1116, %get3A_1117, %get3A_1118] {strides = array<i32>} : memref<4x128x32xf32, #tpu.memory_space<vmem>>, vector<16xf32>,
        %add3A_1120 = arith.addf %get3A_1114, %get3A_1119 : vector<16xf32>
        %add3A_1121 = arith.constant 0 : i32
        %add3A_1122 = vector.broadcast %add3A_1121 : i32 to vector<16xi32>
        %add3A_1123 = arith.addi %add3A_1122, %iota3A : vector<16xi32>
        %scatter3A_1124 = arith.constant 1 : i32
        %scatter3A_1125 = arith.constant 0 : i32
        %scatter3A_1126 = arith.constant 0 : i32
        %scatter3A_1127 = tpu.memref_slice %arg11[%scatter3A_1124, %scatter3A_1125, %scatter3A_1126] : memref<2x32x129xf32, #tpu.memory_space<vmem>> -> memref<1x32x129xf32, #tpu.memory_space<vmem>>
        %scatter3A_1128 = tpu.memref_squeeze %scatter3A_1127 : memref<1x32x129xf32, #tpu.memory_space<vmem>> -> memref<32x129xf32, #tpu.memory_space<vmem>>
        tpu.vector_store_idx %scatter3A_1128[%add3A_1123, %broadcast_in_dim3A_1109], %add3A_1120 : memref<32x129xf32, #tpu.memory_space<vmem>>[vector<16xi32>, vector<16xi32>], vector<16xf32>,
        %get3A_1129 = arith.constant 1 : i32
        %get3A_1130 = arith.index_cast %get3A_1129 : i32 to index
        %get3A_1131 = arith.index_cast %scan3A_1108 : i32 to index
        %get3A_1132 = arith.constant 16 : index
        %get3A_1133 = tpu.vector_load %arg9[%get3A_1130, %get3A_1131, %get3A_1132] {strides = array<i32>} : memref<4x128x32xf32, #tpu.memory_space<vmem>>, vector<16xf32>,
        %get3A_1134 = arith.constant 1 : i32
        %get3A_1135 = arith.index_cast %get3A_1134 : i32 to index
        %get3A_1136 = arith.index_cast %scan3A_1108 : i32 to index
        %get3A_1137 = arith.constant 16 : index
        %get3A_1138 = tpu.vector_load %arg10[%get3A_1135, %get3A_1136, %get3A_1137] {strides = array<i32>} : memref<4x128x32xf32, #tpu.memory_space<vmem>>, vector<16xf32>,
        %add3A_1139 = arith.addf %get3A_1133, %get3A_1138 : vector<16xf32>
        %add3A_1140 = arith.constant 16 : i32
        %add3A_1141 = vector.broadcast %add3A_1140 : i32 to vector<16xi32>
        %add3A_1142 = arith.addi %add3A_1141, %iota3A : vector<16xi32>
        %scatter3A_1143 = arith.constant 1 : i32
        %scatter3A_1144 = arith.constant 0 : i32
        %scatter3A_1145 = arith.constant 0 : i32
        %scatter3A_1146 = tpu.memref_slice %arg11[%scatter3A_1143, %scatter3A_1144, %scatter3A_1145] : memref<2x32x129xf32, #tpu.memory_space<vmem>> -> memref<1x32x129xf32, #tpu.memory_space<vmem>>
        %scatter3A_1147 = tpu.memref_squeeze %scatter3A_1146 : memref<1x32x129xf32, #tpu.memory_space<vmem>> -> memref<32x129xf32, #tpu.memory_space<vmem>>
        tpu.vector_store_idx %scatter3A_1147[%add3A_1142, %broadcast_in_dim3A_1109], %add3A_1139 : memref<32x129xf32, #tpu.memory_space<vmem>>[vector<16xi32>, vector<16xi32>], vector<16xf32>,
        %scan3A_1148 = arith.constant 4 : i32
        %scan3A_1149 = arith.addi %scan3A_988, %scan3A_1148 : i32
        %broadcast_in_dim3A_1150 = vector.broadcast %scan3A_1149 : i32 to vector<16xi32>
        %get3A_1151 = arith.constant 1 : i32
        %get3A_1152 = arith.index_cast %get3A_1151 : i32 to index
        %get3A_1153 = arith.index_cast %scan3A_1149 : i32 to index
        %get3A_1154 = arith.constant 0 : index
        %get3A_1155 = tpu.vector_load %arg9[%get3A_1152, %get3A_1153, %get3A_1154] {strides = array<i32>} : memref<4x128x32xf32, #tpu.memory_space<vmem>>, vector<16xf32>,
        %get3A_1156 = arith.constant 1 : i32
        %get3A_1157 = arith.index_cast %get3A_1156 : i32 to index
        %get3A_1158 = arith.index_cast %scan3A_1149 : i32 to index
        %get3A_1159 = arith.constant 0 : index
        %get3A_1160 = tpu.vector_load %arg10[%get3A_1157, %get3A_1158, %get3A_1159] {strides = array<i32>} : memref<4x128x32xf32, #tpu.memory_space<vmem>>, vector<16xf32>,
        %add3A_1161 = arith.addf %get3A_1155, %get3A_1160 : vector<16xf32>
        %add3A_1162 = arith.constant 0 : i32
        %add3A_1163 = vector.broadcast %add3A_1162 : i32 to vector<16xi32>
        %add3A_1164 = arith.addi %add3A_1163, %iota3A : vector<16xi32>
        %scatter3A_1165 = arith.constant 1 : i32
        %scatter3A_1166 = arith.constant 0 : i32
        %scatter3A_1167 = arith.constant 0 : i32
        %scatter3A_1168 = tpu.memref_slice %arg11[%scatter3A_1165, %scatter3A_1166, %scatter3A_1167] : memref<2x32x129xf32, #tpu.memory_space<vmem>> -> memref<1x32x129xf32, #tpu.memory_space<vmem>>
        %scatter3A_1169 = tpu.memref_squeeze %scatter3A_1168 : memref<1x32x129xf32, #tpu.memory_space<vmem>> -> memref<32x129xf32, #tpu.memory_space<vmem>>
        tpu.vector_store_idx %scatter3A_1169[%add3A_1164, %broadcast_in_dim3A_1150], %add3A_1161 : memref<32x129xf32, #tpu.memory_space<vmem>>[vector<16xi32>, vector<16xi32>], vector<16xf32>,
        %get3A_1170 = arith.constant 1 : i32
        %get3A_1171 = arith.index_cast %get3A_1170 : i32 to index
        %get3A_1172 = arith.index_cast %scan3A_1149 : i32 to index
        %get3A_1173 = arith.constant 16 : index
        %get3A_1174 = tpu.vector_load %arg9[%get3A_1171, %get3A_1172, %get3A_1173] {strides = array<i32>} : memref<4x128x32xf32, #tpu.memory_space<vmem>>, vector<16xf32>,
        %get3A_1175 = arith.constant 1 : i32
        %get3A_1176 = arith.index_cast %get3A_1175 : i32 to index
        %get3A_1177 = arith.index_cast %scan3A_1149 : i32 to index
        %get3A_1178 = arith.constant 16 : index
        %get3A_1179 = tpu.vector_load %arg10[%get3A_1176, %get3A_1177, %get3A_1178] {strides = array<i32>} : memref<4x128x32xf32, #tpu.memory_space<vmem>>, vector<16xf32>,
        %add3A_1180 = arith.addf %get3A_1174, %get3A_1179 : vector<16xf32>
        %add3A_1181 = arith.constant 16 : i32
        %add3A_1182 = vector.broadcast %add3A_1181 : i32 to vector<16xi32>
        %add3A_1183 = arith.addi %add3A_1182, %iota3A : vector<16xi32>
        %scatter3A_1184 = arith.constant 1 : i32
        %scatter3A_1185 = arith.constant 0 : i32
        %scatter3A_1186 = arith.constant 0 : i32
        %scatter3A_1187 = tpu.memref_slice %arg11[%scatter3A_1184, %scatter3A_1185, %scatter3A_1186] : memref<2x32x129xf32, #tpu.memory_space<vmem>> -> memref<1x32x129xf32, #tpu.memory_space<vmem>>
        %scatter3A_1188 = tpu.memref_squeeze %scatter3A_1187 : memref<1x32x129xf32, #tpu.memory_space<vmem>> -> memref<32x129xf32, #tpu.memory_space<vmem>>
        tpu.vector_store_idx %scatter3A_1188[%add3A_1183, %broadcast_in_dim3A_1150], %add3A_1180 : memref<32x129xf32, #tpu.memory_space<vmem>>[vector<16xi32>, vector<16xi32>], vector<16xf32>,
        %scan3A_1189 = arith.constant 5 : i32
        %scan3A_1190 = arith.addi %scan3A_988, %scan3A_1189 : i32
        %broadcast_in_dim3A_1191 = vector.broadcast %scan3A_1190 : i32 to vector<16xi32>
        %get3A_1192 = arith.constant 1 : i32
        %get3A_1193 = arith.index_cast %get3A_1192 : i32 to index
        %get3A_1194 = arith.index_cast %scan3A_1190 : i32 to index
        %get3A_1195 = arith.constant 0 : index
        %get3A_1196 = tpu.vector_load %arg9[%get3A_1193, %get3A_1194, %get3A_1195] {strides = array<i32>} : memref<4x128x32xf32, #tpu.memory_space<vmem>>, vector<16xf32>,
        %get3A_1197 = arith.constant 1 : i32
        %get3A_1198 = arith.index_cast %get3A_1197 : i32 to index
        %get3A_1199 = arith.index_cast %scan3A_1190 : i32 to index
        %get3A_1200 = arith.constant 0 : index
        %get3A_1201 = tpu.vector_load %arg10[%get3A_1198, %get3A_1199, %get3A_1200] {strides = array<i32>} : memref<4x128x32xf32, #tpu.memory_space<vmem>>, vector<16xf32>,
        %add3A_1202 = arith.addf %get3A_1196, %get3A_1201 : vector<16xf32>
        %add3A_1203 = arith.constant 0 : i32
        %add3A_1204 = vector.broadcast %add3A_1203 : i32 to vector<16xi32>
        %add3A_1205 = arith.addi %add3A_1204, %iota3A : vector<16xi32>
        %scatter3A_1206 = arith.constant 1 : i32
        %scatter3A_1207 = arith.constant 0 : i32
        %scatter3A_1208 = arith.constant 0 : i32
        %scatter3A_1209 = tpu.memref_slice %arg11[%scatter3A_1206, %scatter3A_1207, %scatter3A_1208] : memref<2x32x129xf32, #tpu.memory_space<vmem>> -> memref<1x32x129xf32, #tpu.memory_space<vmem>>
        %scatter3A_1210 = tpu.memref_squeeze %scatter3A_1209 : memref<1x32x129xf32, #tpu.memory_space<vmem>> -> memref<32x129xf32, #tpu.memory_space<vmem>>
        tpu.vector_store_idx %scatter3A_1210[%add3A_1205, %broadcast_in_dim3A_1191], %add3A_1202 : memref<32x129xf32, #tpu.memory_space<vmem>>[vector<16xi32>, vector<16xi32>], vector<16xf32>,
        %get3A_1211 = arith.constant 1 : i32
        %get3A_1212 = arith.index_cast %get3A_1211 : i32 to index
        %get3A_1213 = arith.index_cast %scan3A_1190 : i32 to index
        %get3A_1214 = arith.constant 16 : index
        %get3A_1215 = tpu.vector_load %arg9[%get3A_1212, %get3A_1213, %get3A_1214] {strides = array<i32>} : memref<4x128x32xf32, #tpu.memory_space<vmem>>, vector<16xf32>,
        %get3A_1216 = arith.constant 1 : i32
        %get3A_1217 = arith.index_cast %get3A_1216 : i32 to index
        %get3A_1218 = arith.index_cast %scan3A_1190 : i32 to index
        %get3A_1219 = arith.constant 16 : index
        %get3A_1220 = tpu.vector_load %arg10[%get3A_1217, %get3A_1218, %get3A_1219] {strides = array<i32>} : memref<4x128x32xf32, #tpu.memory_space<vmem>>, vector<16xf32>,
        %add3A_1221 = arith.addf %get3A_1215, %get3A_1220 : vector<16xf32>
        %add3A_1222 = arith.constant 16 : i32
        %add3A_1223 = vector.broadcast %add3A_1222 : i32 to vector<16xi32>
        %add3A_1224 = arith.addi %add3A_1223, %iota3A : vector<16xi32>
        %scatter3A_1225 = arith.constant 1 : i32
        %scatter3A_1226 = arith.constant 0 : i32
        %scatter3A_1227 = arith.constant 0 : i32
        %scatter3A_1228 = tpu.memref_slice %arg11[%scatter3A_1225, %scatter3A_1226, %scatter3A_1227] : memref<2x32x129xf32, #tpu.memory_space<vmem>> -> memref<1x32x129xf32, #tpu.memory_space<vmem>>
        %scatter3A_1229 = tpu.memref_squeeze %scatter3A_1228 : memref<1x32x129xf32, #tpu.memory_space<vmem>> -> memref<32x129xf32, #tpu.memory_space<vmem>>
        tpu.vector_store_idx %scatter3A_1229[%add3A_1224, %broadcast_in_dim3A_1191], %add3A_1221 : memref<32x129xf32, #tpu.memory_space<vmem>>[vector<16xi32>, vector<16xi32>], vector<16xf32>,
        %scan3A_1230 = arith.constant 6 : i32
        %scan3A_1231 = arith.addi %scan3A_988, %scan3A_1230 : i32
        %broadcast_in_dim3A_1232 = vector.broadcast %scan3A_1231 : i32 to vector<16xi32>
        %get3A_1233 = arith.constant 1 : i32
        %get3A_1234 = arith.index_cast %get3A_1233 : i32 to index
        %get3A_1235 = arith.index_cast %scan3A_1231 : i32 to index
        %get3A_1236 = arith.constant 0 : index
        %get3A_1237 = tpu.vector_load %arg9[%get3A_1234, %get3A_1235, %get3A_1236] {strides = array<i32>} : memref<4x128x32xf32, #tpu.memory_space<vmem>>, vector<16xf32>,
        %get3A_1238 = arith.constant 1 : i32
        %get3A_1239 = arith.index_cast %get3A_1238 : i32 to index
        %get3A_1240 = arith.index_cast %scan3A_1231 : i32 to index
        %get3A_1241 = arith.constant 0 : index
        %get3A_1242 = tpu.vector_load %arg10[%get3A_1239, %get3A_1240, %get3A_1241] {strides = array<i32>} : memref<4x128x32xf32, #tpu.memory_space<vmem>>, vector<16xf32>,
        %add3A_1243 = arith.addf %get3A_1237, %get3A_1242 : vector<16xf32>
        %add3A_1244 = arith.constant 0 : i32
        %add3A_1245 = vector.broadcast %add3A_1244 : i32 to vector<16xi32>
        %add3A_1246 = arith.addi %add3A_1245, %iota3A : vector<16xi32>
        %scatter3A_1247 = arith.constant 1 : i32
        %scatter3A_1248 = arith.constant 0 : i32
        %scatter3A_1249 = arith.constant 0 : i32
        %scatter3A_1250 = tpu.memref_slice %arg11[%scatter3A_1247, %scatter3A_1248, %scatter3A_1249] : memref<2x32x129xf32, #tpu.memory_space<vmem>> -> memref<1x32x129xf32, #tpu.memory_space<vmem>>
        %scatter3A_1251 = tpu.memref_squeeze %scatter3A_1250 : memref<1x32x129xf32, #tpu.memory_space<vmem>> -> memref<32x129xf32, #tpu.memory_space<vmem>>
        tpu.vector_store_idx %scatter3A_1251[%add3A_1246, %broadcast_in_dim3A_1232], %add3A_1243 : memref<32x129xf32, #tpu.memory_space<vmem>>[vector<16xi32>, vector<16xi32>], vector<16xf32>,
        %get3A_1252 = arith.constant 1 : i32
        %get3A_1253 = arith.index_cast %get3A_1252 : i32 to index
        %get3A_1254 = arith.index_cast %scan3A_1231 : i32 to index
        %get3A_1255 = arith.constant 16 : index
        %get3A_1256 = tpu.vector_load %arg9[%get3A_1253, %get3A_1254, %get3A_1255] {strides = array<i32>} : memref<4x128x32xf32, #tpu.memory_space<vmem>>, vector<16xf32>,
        %get3A_1257 = arith.constant 1 : i32
        %get3A_1258 = arith.index_cast %get3A_1257 : i32 to index
        %get3A_1259 = arith.index_cast %scan3A_1231 : i32 to index
        %get3A_1260 = arith.constant 16 : index
        %get3A_1261 = tpu.vector_load %arg10[%get3A_1258, %get3A_1259, %get3A_1260] {strides = array<i32>} : memref<4x128x32xf32, #tpu.memory_space<vmem>>, vector<16xf32>,
        %add3A_1262 = arith.addf %get3A_1256, %get3A_1261 : vector<16xf32>
        %add3A_1263 = arith.constant 16 : i32
        %add3A_1264 = vector.broadcast %add3A_1263 : i32 to vector<16xi32>
        %add3A_1265 = arith.addi %add3A_1264, %iota3A : vector<16xi32>
        %scatter3A_1266 = arith.constant 1 : i32
        %scatter3A_1267 = arith.constant 0 : i32
        %scatter3A_1268 = arith.constant 0 : i32
        %scatter3A_1269 = tpu.memref_slice %arg11[%scatter3A_1266, %scatter3A_1267, %scatter3A_1268] : memref<2x32x129xf32, #tpu.memory_space<vmem>> -> memref<1x32x129xf32, #tpu.memory_space<vmem>>
        %scatter3A_1270 = tpu.memref_squeeze %scatter3A_1269 : memref<1x32x129xf32, #tpu.memory_space<vmem>> -> memref<32x129xf32, #tpu.memory_space<vmem>>
        tpu.vector_store_idx %scatter3A_1270[%add3A_1265, %broadcast_in_dim3A_1232], %add3A_1262 : memref<32x129xf32, #tpu.memory_space<vmem>>[vector<16xi32>, vector<16xi32>], vector<16xf32>,
        %scan3A_1271 = arith.constant 7 : i32
        %scan3A_1272 = arith.addi %scan3A_988, %scan3A_1271 : i32
        %broadcast_in_dim3A_1273 = vector.broadcast %scan3A_1272 : i32 to vector<16xi32>
        %get3A_1274 = arith.constant 1 : i32
        %get3A_1275 = arith.index_cast %get3A_1274 : i32 to index
        %get3A_1276 = arith.index_cast %scan3A_1272 : i32 to index
        %get3A_1277 = arith.constant 0 : index
        %get3A_1278 = tpu.vector_load %arg9[%get3A_1275, %get3A_1276, %get3A_1277] {strides = array<i32>} : memref<4x128x32xf32, #tpu.memory_space<vmem>>, vector<16xf32>,
        %get3A_1279 = arith.constant 1 : i32
        %get3A_1280 = arith.index_cast %get3A_1279 : i32 to index
        %get3A_1281 = arith.index_cast %scan3A_1272 : i32 to index
        %get3A_1282 = arith.constant 0 : index
        %get3A_1283 = tpu.vector_load %arg10[%get3A_1280, %get3A_1281, %get3A_1282] {strides = array<i32>} : memref<4x128x32xf32, #tpu.memory_space<vmem>>, vector<16xf32>,
        %add3A_1284 = arith.addf %get3A_1278, %get3A_1283 : vector<16xf32>
        %add3A_1285 = arith.constant 0 : i32
        %add3A_1286 = vector.broadcast %add3A_1285 : i32 to vector<16xi32>
        %add3A_1287 = arith.addi %add3A_1286, %iota3A : vector<16xi32>
        %scatter3A_1288 = arith.constant 1 : i32
        %scatter3A_1289 = arith.constant 0 : i32
        %scatter3A_1290 = arith.constant 0 : i32
        %scatter3A_1291 = tpu.memref_slice %arg11[%scatter3A_1288, %scatter3A_1289, %scatter3A_1290] : memref<2x32x129xf32, #tpu.memory_space<vmem>> -> memref<1x32x129xf32, #tpu.memory_space<vmem>>
        %scatter3A_1292 = tpu.memref_squeeze %scatter3A_1291 : memref<1x32x129xf32, #tpu.memory_space<vmem>> -> memref<32x129xf32, #tpu.memory_space<vmem>>
        tpu.vector_store_idx %scatter3A_1292[%add3A_1287, %broadcast_in_dim3A_1273], %add3A_1284 : memref<32x129xf32, #tpu.memory_space<vmem>>[vector<16xi32>, vector<16xi32>], vector<16xf32>,
        %get3A_1293 = arith.constant 1 : i32
        %get3A_1294 = arith.index_cast %get3A_1293 : i32 to index
        %get3A_1295 = arith.index_cast %scan3A_1272 : i32 to index
        %get3A_1296 = arith.constant 16 : index
        %get3A_1297 = tpu.vector_load %arg9[%get3A_1294, %get3A_1295, %get3A_1296] {strides = array<i32>} : memref<4x128x32xf32, #tpu.memory_space<vmem>>, vector<16xf32>,
        %get3A_1298 = arith.constant 1 : i32
        %get3A_1299 = arith.index_cast %get3A_1298 : i32 to index
        %get3A_1300 = arith.index_cast %scan3A_1272 : i32 to index
        %get3A_1301 = arith.constant 16 : index
        %get3A_1302 = tpu.vector_load %arg10[%get3A_1299, %get3A_1300, %get3A_1301] {strides = array<i32>} : memref<4x128x32xf32, #tpu.memory_space<vmem>>, vector<16xf32>,
        %add3A_1303 = arith.addf %get3A_1297, %get3A_1302 : vector<16xf32>
        %add3A_1304 = arith.constant 16 : i32
        %add3A_1305 = vector.broadcast %add3A_1304 : i32 to vector<16xi32>
        %add3A_1306 = arith.addi %add3A_1305, %iota3A : vector<16xi32>
        %scatter3A_1307 = arith.constant 1 : i32
        %scatter3A_1308 = arith.constant 0 : i32
        %scatter3A_1309 = arith.constant 0 : i32
        %scatter3A_1310 = tpu.memref_slice %arg11[%scatter3A_1307, %scatter3A_1308, %scatter3A_1309] : memref<2x32x129xf32, #tpu.memory_space<vmem>> -> memref<1x32x129xf32, #tpu.memory_space<vmem>>
        %scatter3A_1311 = tpu.memref_squeeze %scatter3A_1310 : memref<1x32x129xf32, #tpu.memory_space<vmem>> -> memref<32x129xf32, #tpu.memory_space<vmem>>
        tpu.vector_store_idx %scatter3A_1311[%add3A_1306, %broadcast_in_dim3A_1273], %add3A_1303 : memref<32x129xf32, #tpu.memory_space<vmem>>[vector<16xi32>, vector<16xi32>], vector<16xf32>,
      }
      %scan3A_442 = arith.constant 128 : i32
      %lt3A_443 = arith.constant 49 : i32
      %lt3A_444 = arith.cmpi slt, %scan3A_206, %lt3A_443 : i32
      %convert_element_type3A_445 = arith.extui %lt3A_444 : i1 to i32
      %cond3A_446 = arith.constant 0 : i32
      %cond3A_447 = arith.cmpi ne, %convert_element_type3A_445, %cond3A_446 : i32
      scf.if %cond3A_447 {
        %add3A_988 = arith.constant 4 : i32
        %add3A_989 = arith.addi %add3A_368, %add3A_988 : i32
        %mul3A_990 = arith.constant 128 : i32
        %mul3A_991 = arith.muli %add3A_989, %mul3A_990 : i32
        %dma_start3A_992 = arith.constant 1 : i32
        %dma_start3A_993 = arith.constant 0 : i32
        %dma_start3A_994 = arith.constant 0 : i32
        %dma_start3A_995 = tpu.memref_slice %arg9[%dma_start3A_992, %dma_start3A_993, %dma_start3A_994] : memref<4x128x32xf32, #tpu.memory_space<vmem>> -> memref<1x128x32xf32, #tpu.memory_space<vmem>>
        %dma_start3A_996 = tpu.memref_squeeze %dma_start3A_995 : memref<1x128x32xf32, #tpu.memory_space<vmem>> -> memref<128x32xf32, #tpu.memory_space<vmem>>
        %dma_start3A_997 = tpu.memref_slice %arg7[%mul3A_991] : memref<25600xi32, #tpu.memory_space<vmem>> -> memref<128xi32, #tpu.memory_space<vmem>>
        %dma_start3A_998 = arith.constant 0 : i32
        %dma_start3A_999 = arith.constant 0 : i32
        %dma_start3A_1000 = tpu.memref_slice %arg2[%dma_start3A_998, %dma_start3A_999] : memref<1000000x32xf32, #tpu.memory_space<hbm>> -> memref<1000000x32xf32, #tpu.memory_space<hbm>>
        tpu.enqueue_indirect_dma source(%dma_start3A_1000 : memref<1000000x32xf32, #tpu.memory_space<hbm>>) target(%dma_start3A_996 : memref<128x32xf32, #tpu.memory_space<vmem>>) offsets(%dma_start3A_997 : memref<128xi32, #tpu.memory_space<vmem>>) semaphore(%arg13 : memref<!tpu.dma_semaphore, #tpu.memory_space<semaphore_mem>>)
        %dma_start3A_1001 = arith.constant 1 : i32
        %dma_start3A_1002 = arith.constant 0 : i32
        %dma_start3A_1003 = arith.constant 0 : i32
        %dma_start3A_1004 = tpu.memref_slice %arg10[%dma_start3A_1001, %dma_start3A_1002, %dma_start3A_1003] : memref<4x128x32xf32, #tpu.memory_space<vmem>> -> memref<1x128x32xf32, #tpu.memory_space<vmem>>
        %dma_start3A_1005 = tpu.memref_squeeze %dma_start3A_1004 : memref<1x128x32xf32, #tpu.memory_space<vmem>> -> memref<128x32xf32, #tpu.memory_space<vmem>>
        %dma_start3A_1006 = tpu.memref_slice %arg8[%mul3A_991] : memref<25600xi32, #tpu.memory_space<vmem>> -> memref<128xi32, #tpu.memory_space<vmem>>
        %dma_start3A_1007 = arith.constant 0 : i32
        %dma_start3A_1008 = arith.constant 0 : i32
        %dma_start3A_1009 = tpu.memref_slice %arg4[%dma_start3A_1007, %dma_start3A_1008] : memref<1000000x32xf32, #tpu.memory_space<hbm>> -> memref<1000000x32xf32, #tpu.memory_space<hbm>>
        tpu.enqueue_indirect_dma source(%dma_start3A_1009 : memref<1000000x32xf32, #tpu.memory_space<hbm>>) target(%dma_start3A_1005 : memref<128x32xf32, #tpu.memory_space<vmem>>) offsets(%dma_start3A_1006 : memref<128xi32, #tpu.memory_space<vmem>>) semaphore(%arg17 : memref<!tpu.dma_semaphore, #tpu.memory_space<semaphore_mem>>)
      } else {
      }
      %mul3A_448 = arith.constant 4 : i32
      %mul3A_449 = arith.muli %select_n3A_395, %mul3A_448 : i32
      %add3A_450 = arith.constant 0 : i32
      %add3A_451 = arith.addi %mul3A_449, %add3A_450 : i32
      %mul3A_452 = arith.constant 1024 : i32
      %mul3A_453 = arith.muli %add3A_451, %mul3A_452 : i32
      %mul3A_454 = arith.constant 8 : i32
      %mul3A_455 = arith.muli %select_n3A_411, %mul3A_454 : i32
      %add3A_456 = arith.addi %mul3A_453, %mul3A_455 : i32
      %dma_start3A_457 = arith.constant 1 : i32
      %dma_start3A_458 = arith.constant 0 : i32
      %dma_start3A_459 = arith.constant 0 : i32
      %dma_start3A_460 = tpu.memref_slice %arg11[%dma_start3A_457, %dma_start3A_458, %dma_start3A_459] : memref<2x32x129xf32, #tpu.memory_space<vmem>> -> memref<1x8x128xf32, #tpu.memory_space<vmem>>
      %dma_start3A_461 = tpu.memref_squeeze %dma_start3A_460 : memref<1x8x128xf32, #tpu.memory_space<vmem>> -> memref<8x128xf32, #tpu.memory_space<vmem>>
      %dma_start3A_462 = arith.constant 0 : i32
      %dma_start3A_463 = tpu.memref_slice %arg6[%add3A_456, %dma_start3A_462] : memref<204800x128xf32, #tpu.memory_space<hbm>> -> memref<8x128xf32, #tpu.memory_space<hbm>>
      %dma_start3A_464 = arith.constant 0 : i32
      %dma_start3A_465 = tpu.memref_slice %arg6[%add3A_456, %dma_start3A_464] : memref<204800x128xf32, #tpu.memory_space<hbm>> -> memref<8x128xf32, #tpu.memory_space<hbm>>
      %dma_start3A_466 = arith.constant 0 : i32
      %dma_start3A_467 = arith.constant 0 : i32
      %dma_start3A_468 = tpu.memref_slice %arg11[%dma_start3A_457, %dma_start3A_466, %dma_start3A_467] : memref<2x32x129xf32, #tpu.memory_space<vmem>> -> memref<1x8x128xf32, #tpu.memory_space<vmem>>
      %dma_start3A_469 = tpu.memref_squeeze %dma_start3A_468 : memref<1x8x128xf32, #tpu.memory_space<vmem>> -> memref<8x128xf32, #tpu.memory_space<vmem>>
      tpu.enqueue_dma source(%dma_start3A_469 : memref<8x128xf32, #tpu.memory_space<vmem>>) target(%dma_start3A_465 : memref<8x128xf32, #tpu.memory_space<hbm>>) target_semaphore(%arg21 : memref<!tpu.dma_semaphore, #tpu.memory_space<semaphore_mem>>)
      %mul3A_470 = arith.constant 4 : i32
      %mul3A_471 = arith.muli %select_n3A_395, %mul3A_470 : i32
      %add3A_472 = arith.constant 1 : i32
      %add3A_473 = arith.addi %mul3A_471, %add3A_472 : i32
      %mul3A_474 = arith.constant 1024 : i32
      %mul3A_475 = arith.muli %add3A_473, %mul3A_474 : i32
      %mul3A_476 = arith.constant 8 : i32
      %mul3A_477 = arith.muli %select_n3A_411, %mul3A_476 : i32
      %add3A_478 = arith.addi %mul3A_475, %mul3A_477 : i32
      %dma_start3A_479 = arith.constant 1 : i32
      %dma_start3A_480 = arith.constant 8 : i32
      %dma_start3A_481 = arith.constant 0 : i32
      %dma_start3A_482 = tpu.memref_slice %arg11[%dma_start3A_479, %dma_start3A_480, %dma_start3A_481] : memref<2x32x129xf32, #tpu.memory_space<vmem>> -> memref<1x8x128xf32, #tpu.memory_space<vmem>>
      %dma_start3A_483 = tpu.memref_squeeze %dma_start3A_482 : memref<1x8x128xf32, #tpu.memory_space<vmem>> -> memref<8x128xf32, #tpu.memory_space<vmem>>
      %dma_start3A_484 = arith.constant 0 : i32
      %dma_start3A_485 = tpu.memref_slice %arg6[%add3A_478, %dma_start3A_484] : memref<204800x128xf32, #tpu.memory_space<hbm>> -> memref<8x128xf32, #tpu.memory_space<hbm>>
      %dma_start3A_486 = arith.constant 0 : i32
      %dma_start3A_487 = tpu.memref_slice %arg6[%add3A_478, %dma_start3A_486] : memref<204800x128xf32, #tpu.memory_space<hbm>> -> memref<8x128xf32, #tpu.memory_space<hbm>>
      %dma_start3A_488 = arith.constant 8 : i32
      %dma_start3A_489 = arith.constant 0 : i32
      %dma_start3A_490 = tpu.memref_slice %arg11[%dma_start3A_479, %dma_start3A_488, %dma_start3A_489] : memref<2x32x129xf32, #tpu.memory_space<vmem>> -> memref<1x8x128xf32, #tpu.memory_space<vmem>>
      %dma_start3A_491 = tpu.memref_squeeze %dma_start3A_490 : memref<1x8x128xf32, #tpu.memory_space<vmem>> -> memref<8x128xf32, #tpu.memory_space<vmem>>
      tpu.enqueue_dma source(%dma_start3A_491 : memref<8x128xf32, #tpu.memory_space<vmem>>) target(%dma_start3A_487 : memref<8x128xf32, #tpu.memory_space<hbm>>) target_semaphore(%arg21 : memref<!tpu.dma_semaphore, #tpu.memory_space<semaphore_mem>>)
      %mul3A_492 = arith.constant 4 : i32
      %mul3A_493 = arith.muli %select_n3A_395, %mul3A_492 : i32
      %add3A_494 = arith.constant 2 : i32
      %add3A_495 = arith.addi %mul3A_493, %add3A_494 : i32
      %mul3A_496 = arith.constant 1024 : i32
      %mul3A_497 = arith.muli %add3A_495, %mul3A_496 : i32
      %mul3A_498 = arith.constant 8 : i32
      %mul3A_499 = arith.muli %select_n3A_411, %mul3A_498 : i32
      %add3A_500 = arith.addi %mul3A_497, %mul3A_499 : i32
      %dma_start3A_501 = arith.constant 1 : i32
      %dma_start3A_502 = arith.constant 16 : i32
      %dma_start3A_503 = arith.constant 0 : i32
      %dma_start3A_504 = tpu.memref_slice %arg11[%dma_start3A_501, %dma_start3A_502, %dma_start3A_503] : memref<2x32x129xf32, #tpu.memory_space<vmem>> -> memref<1x8x128xf32, #tpu.memory_space<vmem>>
      %dma_start3A_505 = tpu.memref_squeeze %dma_start3A_504 : memref<1x8x128xf32, #tpu.memory_space<vmem>> -> memref<8x128xf32, #tpu.memory_space<vmem>>
      %dma_start3A_506 = arith.constant 0 : i32
      %dma_start3A_507 = tpu.memref_slice %arg6[%add3A_500, %dma_start3A_506] : memref<204800x128xf32, #tpu.memory_space<hbm>> -> memref<8x128xf32, #tpu.memory_space<hbm>>
      %dma_start3A_508 = arith.constant 0 : i32
      %dma_start3A_509 = tpu.memref_slice %arg6[%add3A_500, %dma_start3A_508] : memref<204800x128xf32, #tpu.memory_space<hbm>> -> memref<8x128xf32, #tpu.memory_space<hbm>>
      %dma_start3A_510 = arith.constant 16 : i32
      %dma_start3A_511 = arith.constant 0 : i32
      %dma_start3A_512 = tpu.memref_slice %arg11[%dma_start3A_501, %dma_start3A_510, %dma_start3A_511] : memref<2x32x129xf32, #tpu.memory_space<vmem>> -> memref<1x8x128xf32, #tpu.memory_space<vmem>>
      %dma_start3A_513 = tpu.memref_squeeze %dma_start3A_512 : memref<1x8x128xf32, #tpu.memory_space<vmem>> -> memref<8x128xf32, #tpu.memory_space<vmem>>
      tpu.enqueue_dma source(%dma_start3A_513 : memref<8x128xf32, #tpu.memory_space<vmem>>) target(%dma_start3A_509 : memref<8x128xf32, #tpu.memory_space<hbm>>) target_semaphore(%arg21 : memref<!tpu.dma_semaphore, #tpu.memory_space<semaphore_mem>>)
      %mul3A_514 = arith.constant 4 : i32
      %mul3A_515 = arith.muli %select_n3A_395, %mul3A_514 : i32
      %add3A_516 = arith.constant 3 : i32
      %add3A_517 = arith.addi %mul3A_515, %add3A_516 : i32
      %mul3A_518 = arith.constant 1024 : i32
      %mul3A_519 = arith.muli %add3A_517, %mul3A_518 : i32
      %mul3A_520 = arith.constant 8 : i32
      %mul3A_521 = arith.muli %select_n3A_411, %mul3A_520 : i32
      %add3A_522 = arith.addi %mul3A_519, %mul3A_521 : i32
      %dma_start3A_523 = arith.constant 1 : i32
      %dma_start3A_524 = arith.constant 24 : i32
      %dma_start3A_525 = arith.constant 0 : i32
      %dma_start3A_526 = tpu.memref_slice %arg11[%dma_start3A_523, %dma_start3A_524, %dma_start3A_525] : memref<2x32x129xf32, #tpu.memory_space<vmem>> -> memref<1x8x128xf32, #tpu.memory_space<vmem>>
      %dma_start3A_527 = tpu.memref_squeeze %dma_start3A_526 : memref<1x8x128xf32, #tpu.memory_space<vmem>> -> memref<8x128xf32, #tpu.memory_space<vmem>>
      %dma_start3A_528 = arith.constant 0 : i32
      %dma_start3A_529 = tpu.memref_slice %arg6[%add3A_522, %dma_start3A_528] : memref<204800x128xf32, #tpu.memory_space<hbm>> -> memref<8x128xf32, #tpu.memory_space<hbm>>
      %dma_start3A_530 = arith.constant 0 : i32
      %dma_start3A_531 = tpu.memref_slice %arg6[%add3A_522, %dma_start3A_530] : memref<204800x128xf32, #tpu.memory_space<hbm>> -> memref<8x128xf32, #tpu.memory_space<hbm>>
      %dma_start3A_532 = arith.constant 24 : i32
      %dma_start3A_533 = arith.constant 0 : i32
      %dma_start3A_534 = tpu.memref_slice %arg11[%dma_start3A_523, %dma_start3A_532, %dma_start3A_533] : memref<2x32x129xf32, #tpu.memory_space<vmem>> -> memref<1x8x128xf32, #tpu.memory_space<vmem>>
      %dma_start3A_535 = tpu.memref_squeeze %dma_start3A_534 : memref<1x8x128xf32, #tpu.memory_space<vmem>> -> memref<8x128xf32, #tpu.memory_space<vmem>>
      tpu.enqueue_dma source(%dma_start3A_535 : memref<8x128xf32, #tpu.memory_space<vmem>>) target(%dma_start3A_531 : memref<8x128xf32, #tpu.memory_space<hbm>>) target_semaphore(%arg21 : memref<!tpu.dma_semaphore, #tpu.memory_space<semaphore_mem>>)
      %mul3A_536 = arith.constant 4 : i32
      %mul3A_537 = arith.muli %scan3A_206, %mul3A_536 : i32
      %add3A_538 = arith.constant 2 : i32
      %add3A_539 = arith.addi %mul3A_537, %add3A_538 : i32
      %mul3A_540 = arith.constant 200 : i32
      %mul3A_541 = arith.muli %add3A, %mul3A_540 : i32
      %add3A_542 = arith.addi %mul3A_541, %add3A_539 : i32
      %jit3A_543 = arith.constant 128 : i32
      %div3A_544 = arith.divsi %add3A_542, %jit3A_543 : i32
      %sign3A_545 = arith.constant 0 : i32
      %sign3A_546 = arith.cmpi sgt, %add3A_542, %sign3A_545 : i32
      %sign3A_547 = arith.extui %sign3A_546 : i1 to i32
      %sign3A_548 = arith.constant 0 : i32
      %sign3A_549 = arith.cmpi slt, %add3A_542, %sign3A_548 : i32
      %sign3A_550 = arith.extui %sign3A_549 : i1 to i32
      %sign3A_551 = arith.subi %sign3A_547, %sign3A_550 : i32
      %sign3A_552 = arith.constant 0 : i32
      %sign3A_553 = arith.cmpi sgt, %jit3A_543, %sign3A_552 : i32
      %sign3A_554 = arith.extui %sign3A_553 : i1 to i32
      %sign3A_555 = arith.constant 0 : i32
      %sign3A_556 = arith.cmpi slt, %jit3A_543, %sign3A_555 : i32
      %sign3A_557 = arith.extui %sign3A_556 : i1 to i32
      %sign3A_558 = arith.subi %sign3A_554, %sign3A_557 : i32
      %ne3A_559 = arith.cmpi ne, %sign3A_551, %sign3A_558 : i32
      %rem3A_560 = arith.remsi %add3A_542, %jit3A_543 : i32
      %ne3A_561 = arith.constant 0 : i32
      %ne3A_562 = arith.cmpi ne, %rem3A_560, %ne3A_561 : i32
      %and3A_563 = arith.andi %ne3A_559, %ne3A_562 : i1
      %sub3A_564 = arith.constant 1 : i32
      %sub3A_565 = arith.subi %div3A_544, %sub3A_564 : i32
      %select_n3A_566 = arith.select %and3A_563, %sub3A_565, %div3A_544 : i32
      %jit3A_567 = arith.constant 128 : i32
      %eq3A_568 = arith.constant 0 : i32
      %eq3A_569 = arith.cmpi eq, %jit3A_567, %eq3A_568 : i32
      %jit3A_570 = arith.constant 1 : i32
      %select_n3A_571 = arith.select %eq3A_569, %jit3A_570, %jit3A_567 : i32
      %rem3A_572 = arith.remsi %add3A_542, %select_n3A_571 : i32
      %ne3A_573 = arith.constant 0 : i32
      %ne3A_574 = arith.cmpi ne, %rem3A_572, %ne3A_573 : i32
      %lt3A_575 = arith.constant 0 : i32
      %lt3A_576 = arith.cmpi slt, %rem3A_572, %lt3A_575 : i32
      %lt3A_577 = arith.constant 0 : i32
      %lt3A_578 = arith.cmpi slt, %select_n3A_571, %lt3A_577 : i32
      %ne3A_579 = arith.xori %lt3A_576, %lt3A_578 : i1
      %and3A_580 = arith.andi %ne3A_579, %ne3A_574 : i1
      %add3A_581 = arith.addi %rem3A_572, %select_n3A_571 : i32
      %select_n3A_582 = arith.select %and3A_580, %add3A_581, %rem3A_572 : i32
      %dma_wait3A_583 = arith.constant 2 : i32
      %dma_wait3A_584 = arith.constant 0 : i32
      %dma_wait3A_585 = arith.constant 0 : i32
      %dma_wait3A_586 = tpu.memref_slice %arg9[%dma_wait3A_583, %dma_wait3A_584, %dma_wait3A_585] : memref<4x128x32xf32, #tpu.memory_space<vmem>> -> memref<1x128x32xf32, #tpu.memory_space<vmem>>
      %dma_wait3A_587 = tpu.memref_squeeze %dma_wait3A_586 : memref<1x128x32xf32, #tpu.memory_space<vmem>> -> memref<128x32xf32, #tpu.memory_space<vmem>>
      %dma_wait3A_588 = arith.constant 0 : i32
      %dma_wait3A_589 = tpu.memref_slice %arg7[%dma_wait3A_588] : memref<25600xi32, #tpu.memory_space<vmem>> -> memref<128xi32, #tpu.memory_space<vmem>>
      %dma_wait3A_590 = arith.constant 0 : i32
      %dma_wait3A_591 = arith.constant 0 : i32
      %dma_wait3A_592 = tpu.memref_slice %arg2[%dma_wait3A_590, %dma_wait3A_591] : memref<1000000x32xf32, #tpu.memory_space<hbm>> -> memref<1000000x32xf32, #tpu.memory_space<hbm>>
      tpu.wait_indirect_dma semaphore(%arg14 : memref<!tpu.dma_semaphore, #tpu.memory_space<semaphore_mem>>) src(%dma_wait3A_592 : memref<1000000x32xf32, #tpu.memory_space<hbm>>) dst(%dma_wait3A_587 : memref<128x32xf32, #tpu.memory_space<vmem>>)
      %dma_wait3A_593 = arith.constant 2 : i32
      %dma_wait3A_594 = arith.constant 0 : i32
      %dma_wait3A_595 = arith.constant 0 : i32
      %dma_wait3A_596 = tpu.memref_slice %arg10[%dma_wait3A_593, %dma_wait3A_594, %dma_wait3A_595] : memref<4x128x32xf32, #tpu.memory_space<vmem>> -> memref<1x128x32xf32, #tpu.memory_space<vmem>>
      %dma_wait3A_597 = tpu.memref_squeeze %dma_wait3A_596 : memref<1x128x32xf32, #tpu.memory_space<vmem>> -> memref<128x32xf32, #tpu.memory_space<vmem>>
      %dma_wait3A_598 = arith.constant 0 : i32
      %dma_wait3A_599 = tpu.memref_slice %arg8[%dma_wait3A_598] : memref<25600xi32, #tpu.memory_space<vmem>> -> memref<128xi32, #tpu.memory_space<vmem>>
      %dma_wait3A_600 = arith.constant 0 : i32
      %dma_wait3A_601 = arith.constant 0 : i32
      %dma_wait3A_602 = tpu.memref_slice %arg4[%dma_wait3A_600, %dma_wait3A_601] : memref<1000000x32xf32, #tpu.memory_space<hbm>> -> memref<1000000x32xf32, #tpu.memory_space<hbm>>
      tpu.wait_indirect_dma semaphore(%arg18 : memref<!tpu.dma_semaphore, #tpu.memory_space<semaphore_mem>>) src(%dma_wait3A_602 : memref<1000000x32xf32, #tpu.memory_space<hbm>>) dst(%dma_wait3A_597 : memref<128x32xf32, #tpu.memory_space<vmem>>)
      %dma_wait3A_603 = arith.constant 0 : i32
      %dma_wait3A_604 = arith.constant 0 : i32
      %dma_wait3A_605 = arith.constant 0 : i32
      %dma_wait3A_606 = tpu.memref_slice %arg11[%dma_wait3A_603, %dma_wait3A_604, %dma_wait3A_605] : memref<2x32x129xf32, #tpu.memory_space<vmem>> -> memref<1x8x128xf32, #tpu.memory_space<vmem>>
      %dma_wait3A_607 = tpu.memref_squeeze %dma_wait3A_606 : memref<1x8x128xf32, #tpu.memory_space<vmem>> -> memref<8x128xf32, #tpu.memory_space<vmem>>
      %dma_wait3A_608 = arith.constant 0 : i32
      %dma_wait3A_609 = arith.constant 0 : i32
      %dma_wait3A_610 = tpu.memref_slice %arg6[%dma_wait3A_608, %dma_wait3A_609] : memref<204800x128xf32, #tpu.memory_space<hbm>> -> memref<8x128xf32, #tpu.memory_space<hbm>>
      %dma_wait3A_611 = arith.constant 0 : i32
      %dma_wait3A_612 = arith.constant 0 : i32
      %dma_wait3A_613 = tpu.memref_slice %arg6[%dma_wait3A_611, %dma_wait3A_612] : memref<204800x128xf32, #tpu.memory_space<hbm>> -> memref<8x128xf32, #tpu.memory_space<hbm>>
      %dma_wait3A_614 = arith.constant 0 : i32
      %dma_wait3A_615 = arith.constant 0 : i32
      %dma_wait3A_616 = tpu.memref_slice %arg11[%dma_wait3A_603, %dma_wait3A_614, %dma_wait3A_615] : memref<2x32x129xf32, #tpu.memory_space<vmem>> -> memref<1x8x128xf32, #tpu.memory_space<vmem>>
      %dma_wait3A_617 = tpu.memref_squeeze %dma_wait3A_616 : memref<1x8x128xf32, #tpu.memory_space<vmem>> -> memref<8x128xf32, #tpu.memory_space<vmem>>
      tpu.wait_dma2 semaphore(%arg20 : memref<!tpu.dma_semaphore, #tpu.memory_space<semaphore_mem>>) src(%dma_wait3A_617 : memref<8x128xf32, #tpu.memory_space<vmem>>) dst(%dma_wait3A_613 : memref<8x128xf32, #tpu.memory_space<hbm>>)
      %dma_wait3A_618 = arith.constant 0 : i32
      %dma_wait3A_619 = arith.constant 0 : i32
      %dma_wait3A_620 = arith.constant 0 : i32
      %dma_wait3A_621 = tpu.memref_slice %arg11[%dma_wait3A_618, %dma_wait3A_619, %dma_wait3A_620] : memref<2x32x129xf32, #tpu.memory_space<vmem>> -> memref<1x8x128xf32, #tpu.memory_space<vmem>>
      %dma_wait3A_622 = tpu.memref_squeeze %dma_wait3A_621 : memref<1x8x128xf32, #tpu.memory_space<vmem>> -> memref<8x128xf32, #tpu.memory_space<vmem>>
      %dma_wait3A_623 = arith.constant 0 : i32
      %dma_wait3A_624 = arith.constant 0 : i32
      %dma_wait3A_625 = tpu.memref_slice %arg6[%dma_wait3A_623, %dma_wait3A_624] : memref<204800x128xf32, #tpu.memory_space<hbm>> -> memref<8x128xf32, #tpu.memory_space<hbm>>
      %dma_wait3A_626 = arith.constant 0 : i32
      %dma_wait3A_627 = arith.constant 0 : i32
      %dma_wait3A_628 = tpu.memref_slice %arg6[%dma_wait3A_626, %dma_wait3A_627] : memref<204800x128xf32, #tpu.memory_space<hbm>> -> memref<8x128xf32, #tpu.memory_space<hbm>>
      %dma_wait3A_629 = arith.constant 0 : i32
      %dma_wait3A_630 = arith.constant 0 : i32
      %dma_wait3A_631 = tpu.memref_slice %arg11[%dma_wait3A_618, %dma_wait3A_629, %dma_wait3A_630] : memref<2x32x129xf32, #tpu.memory_space<vmem>> -> memref<1x8x128xf32, #tpu.memory_space<vmem>>
      %dma_wait3A_632 = tpu.memref_squeeze %dma_wait3A_631 : memref<1x8x128xf32, #tpu.memory_space<vmem>> -> memref<8x128xf32, #tpu.memory_space<vmem>>
      tpu.wait_dma2 semaphore(%arg20 : memref<!tpu.dma_semaphore, #tpu.memory_space<semaphore_mem>>) src(%dma_wait3A_632 : memref<8x128xf32, #tpu.memory_space<vmem>>) dst(%dma_wait3A_628 : memref<8x128xf32, #tpu.memory_space<hbm>>)
      %dma_wait3A_633 = arith.constant 0 : i32
      %dma_wait3A_634 = arith.constant 0 : i32
      %dma_wait3A_635 = arith.constant 0 : i32
      %dma_wait3A_636 = tpu.memref_slice %arg11[%dma_wait3A_633, %dma_wait3A_634, %dma_wait3A_635] : memref<2x32x129xf32, #tpu.memory_space<vmem>> -> memref<1x8x128xf32, #tpu.memory_space<vmem>>
      %dma_wait3A_637 = tpu.memref_squeeze %dma_wait3A_636 : memref<1x8x128xf32, #tpu.memory_space<vmem>> -> memref<8x128xf32, #tpu.memory_space<vmem>>
      %dma_wait3A_638 = arith.constant 0 : i32
      %dma_wait3A_639 = arith.constant 0 : i32
      %dma_wait3A_640 = tpu.memref_slice %arg6[%dma_wait3A_638, %dma_wait3A_639] : memref<204800x128xf32, #tpu.memory_space<hbm>> -> memref<8x128xf32, #tpu.memory_space<hbm>>
      %dma_wait3A_641 = arith.constant 0 : i32
      %dma_wait3A_642 = arith.constant 0 : i32
      %dma_wait3A_643 = tpu.memref_slice %arg6[%dma_wait3A_641, %dma_wait3A_642] : memref<204800x128xf32, #tpu.memory_space<hbm>> -> memref<8x128xf32, #tpu.memory_space<hbm>>
      %dma_wait3A_644 = arith.constant 0 : i32
      %dma_wait3A_645 = arith.constant 0 : i32
      %dma_wait3A_646 = tpu.memref_slice %arg11[%dma_wait3A_633, %dma_wait3A_644, %dma_wait3A_645] : memref<2x32x129xf32, #tpu.memory_space<vmem>> -> memref<1x8x128xf32, #tpu.memory_space<vmem>>
      %dma_wait3A_647 = tpu.memref_squeeze %dma_wait3A_646 : memref<1x8x128xf32, #tpu.memory_space<vmem>> -> memref<8x128xf32, #tpu.memory_space<vmem>>
      tpu.wait_dma2 semaphore(%arg20 : memref<!tpu.dma_semaphore, #tpu.memory_space<semaphore_mem>>) src(%dma_wait3A_647 : memref<8x128xf32, #tpu.memory_space<vmem>>) dst(%dma_wait3A_643 : memref<8x128xf32, #tpu.memory_space<hbm>>)
      %dma_wait3A_648 = arith.constant 0 : i32
      %dma_wait3A_649 = arith.constant 0 : i32
      %dma_wait3A_650 = arith.constant 0 : i32
      %dma_wait3A_651 = tpu.memref_slice %arg11[%dma_wait3A_648, %dma_wait3A_649, %dma_wait3A_650] : memref<2x32x129xf32, #tpu.memory_space<vmem>> -> memref<1x8x128xf32, #tpu.memory_space<vmem>>
      %dma_wait3A_652 = tpu.memref_squeeze %dma_wait3A_651 : memref<1x8x128xf32, #tpu.memory_space<vmem>> -> memref<8x128xf32, #tpu.memory_space<vmem>>
      %dma_wait3A_653 = arith.constant 0 : i32
      %dma_wait3A_654 = arith.constant 0 : i32
      %dma_wait3A_655 = tpu.memref_slice %arg6[%dma_wait3A_653, %dma_wait3A_654] : memref<204800x128xf32, #tpu.memory_space<hbm>> -> memref<8x128xf32, #tpu.memory_space<hbm>>
      %dma_wait3A_656 = arith.constant 0 : i32
      %dma_wait3A_657 = arith.constant 0 : i32
      %dma_wait3A_658 = tpu.memref_slice %arg6[%dma_wait3A_656, %dma_wait3A_657] : memref<204800x128xf32, #tpu.memory_space<hbm>> -> memref<8x128xf32, #tpu.memory_space<hbm>>
      %dma_wait3A_659 = arith.constant 0 : i32
      %dma_wait3A_660 = arith.constant 0 : i32
      %dma_wait3A_661 = tpu.memref_slice %arg11[%dma_wait3A_648, %dma_wait3A_659, %dma_wait3A_660] : memref<2x32x129xf32, #tpu.memory_space<vmem>> -> memref<1x8x128xf32, #tpu.memory_space<vmem>>
      %dma_wait3A_662 = tpu.memref_squeeze %dma_wait3A_661 : memref<1x8x128xf32, #tpu.memory_space<vmem>> -> memref<8x128xf32, #tpu.memory_space<vmem>>
      tpu.wait_dma2 semaphore(%arg20 : memref<!tpu.dma_semaphore, #tpu.memory_space<semaphore_mem>>) src(%dma_wait3A_662 : memref<8x128xf32, #tpu.memory_space<vmem>>) dst(%dma_wait3A_658 : memref<8x128xf32, #tpu.memory_space<hbm>>)
      %scan3A_663 = arith.constant 0 : i32
      %scan3A_664 = arith.constant 0 : i32
      %scan3A_665 = arith.constant 128 : i32
      %scan3A_666 = arith.addi %scan3A_664, %scan3A_665 : i32
      %scan3A_667 = arith.constant 8 : i32
      scf.for %scan3A_988 = %scan3A_664 to %scan3A_666 step %scan3A_667  : i32 {
        %broadcast_in_dim3A = vector.broadcast %scan3A_988 : i32 to vector<16xi32>
        %get3A = arith.constant 2 : i32
        %get3A_989 = arith.index_cast %get3A : i32 to index
        %get3A_990 = arith.index_cast %scan3A_988 : i32 to index
        %get3A_991 = arith.constant 0 : index
        %get3A_992 = tpu.vector_load %arg9[%get3A_989, %get3A_990, %get3A_991] {strides = array<i32>} : memref<4x128x32xf32, #tpu.memory_space<vmem>>, vector<16xf32>,
        %get3A_993 = arith.constant 2 : i32
        %get3A_994 = arith.index_cast %get3A_993 : i32 to index
        %get3A_995 = arith.index_cast %scan3A_988 : i32 to index
        %get3A_996 = arith.constant 0 : index
        %get3A_997 = tpu.vector_load %arg10[%get3A_994, %get3A_995, %get3A_996] {strides = array<i32>} : memref<4x128x32xf32, #tpu.memory_space<vmem>>, vector<16xf32>,
        %add3A_998 = arith.addf %get3A_992, %get3A_997 : vector<16xf32>
        %add3A_999 = arith.constant 0 : i32
        %add3A_1000 = vector.broadcast %add3A_999 : i32 to vector<16xi32>
        %add3A_1001 = arith.addi %add3A_1000, %iota3A : vector<16xi32>
        %scatter3A = arith.constant 0 : i32
        %scatter3A_1002 = arith.constant 0 : i32
        %scatter3A_1003 = arith.constant 0 : i32
        %scatter3A_1004 = tpu.memref_slice %arg11[%scatter3A, %scatter3A_1002, %scatter3A_1003] : memref<2x32x129xf32, #tpu.memory_space<vmem>> -> memref<1x32x129xf32, #tpu.memory_space<vmem>>
        %scatter3A_1005 = tpu.memref_squeeze %scatter3A_1004 : memref<1x32x129xf32, #tpu.memory_space<vmem>> -> memref<32x129xf32, #tpu.memory_space<vmem>>
        tpu.vector_store_idx %scatter3A_1005[%add3A_1001, %broadcast_in_dim3A], %add3A_998 : memref<32x129xf32, #tpu.memory_space<vmem>>[vector<16xi32>, vector<16xi32>], vector<16xf32>,
        %get3A_1006 = arith.constant 2 : i32
        %get3A_1007 = arith.index_cast %get3A_1006 : i32 to index
        %get3A_1008 = arith.index_cast %scan3A_988 : i32 to index
        %get3A_1009 = arith.constant 16 : index
        %get3A_1010 = tpu.vector_load %arg9[%get3A_1007, %get3A_1008, %get3A_1009] {strides = array<i32>} : memref<4x128x32xf32, #tpu.memory_space<vmem>>, vector<16xf32>,
        %get3A_1011 = arith.constant 2 : i32
        %get3A_1012 = arith.index_cast %get3A_1011 : i32 to index
        %get3A_1013 = arith.index_cast %scan3A_988 : i32 to index
        %get3A_1014 = arith.constant 16 : index
        %get3A_1015 = tpu.vector_load %arg10[%get3A_1012, %get3A_1013, %get3A_1014] {strides = array<i32>} : memref<4x128x32xf32, #tpu.memory_space<vmem>>, vector<16xf32>,
        %add3A_1016 = arith.addf %get3A_1010, %get3A_1015 : vector<16xf32>
        %add3A_1017 = arith.constant 16 : i32
        %add3A_1018 = vector.broadcast %add3A_1017 : i32 to vector<16xi32>
        %add3A_1019 = arith.addi %add3A_1018, %iota3A : vector<16xi32>
        %scatter3A_1020 = arith.constant 0 : i32
        %scatter3A_1021 = arith.constant 0 : i32
        %scatter3A_1022 = arith.constant 0 : i32
        %scatter3A_1023 = tpu.memref_slice %arg11[%scatter3A_1020, %scatter3A_1021, %scatter3A_1022] : memref<2x32x129xf32, #tpu.memory_space<vmem>> -> memref<1x32x129xf32, #tpu.memory_space<vmem>>
        %scatter3A_1024 = tpu.memref_squeeze %scatter3A_1023 : memref<1x32x129xf32, #tpu.memory_space<vmem>> -> memref<32x129xf32, #tpu.memory_space<vmem>>
        tpu.vector_store_idx %scatter3A_1024[%add3A_1019, %broadcast_in_dim3A], %add3A_1016 : memref<32x129xf32, #tpu.memory_space<vmem>>[vector<16xi32>, vector<16xi32>], vector<16xf32>,
        %scan3A_1025 = arith.constant 1 : i32
        %scan3A_1026 = arith.addi %scan3A_988, %scan3A_1025 : i32
        %broadcast_in_dim3A_1027 = vector.broadcast %scan3A_1026 : i32 to vector<16xi32>
        %get3A_1028 = arith.constant 2 : i32
        %get3A_1029 = arith.index_cast %get3A_1028 : i32 to index
        %get3A_1030 = arith.index_cast %scan3A_1026 : i32 to index
        %get3A_1031 = arith.constant 0 : index
        %get3A_1032 = tpu.vector_load %arg9[%get3A_1029, %get3A_1030, %get3A_1031] {strides = array<i32>} : memref<4x128x32xf32, #tpu.memory_space<vmem>>, vector<16xf32>,
        %get3A_1033 = arith.constant 2 : i32
        %get3A_1034 = arith.index_cast %get3A_1033 : i32 to index
        %get3A_1035 = arith.index_cast %scan3A_1026 : i32 to index
        %get3A_1036 = arith.constant 0 : index
        %get3A_1037 = tpu.vector_load %arg10[%get3A_1034, %get3A_1035, %get3A_1036] {strides = array<i32>} : memref<4x128x32xf32, #tpu.memory_space<vmem>>, vector<16xf32>,
        %add3A_1038 = arith.addf %get3A_1032, %get3A_1037 : vector<16xf32>
        %add3A_1039 = arith.constant 0 : i32
        %add3A_1040 = vector.broadcast %add3A_1039 : i32 to vector<16xi32>
        %add3A_1041 = arith.addi %add3A_1040, %iota3A : vector<16xi32>
        %scatter3A_1042 = arith.constant 0 : i32
        %scatter3A_1043 = arith.constant 0 : i32
        %scatter3A_1044 = arith.constant 0 : i32
        %scatter3A_1045 = tpu.memref_slice %arg11[%scatter3A_1042, %scatter3A_1043, %scatter3A_1044] : memref<2x32x129xf32, #tpu.memory_space<vmem>> -> memref<1x32x129xf32, #tpu.memory_space<vmem>>
        %scatter3A_1046 = tpu.memref_squeeze %scatter3A_1045 : memref<1x32x129xf32, #tpu.memory_space<vmem>> -> memref<32x129xf32, #tpu.memory_space<vmem>>
        tpu.vector_store_idx %scatter3A_1046[%add3A_1041, %broadcast_in_dim3A_1027], %add3A_1038 : memref<32x129xf32, #tpu.memory_space<vmem>>[vector<16xi32>, vector<16xi32>], vector<16xf32>,
        %get3A_1047 = arith.constant 2 : i32
        %get3A_1048 = arith.index_cast %get3A_1047 : i32 to index
        %get3A_1049 = arith.index_cast %scan3A_1026 : i32 to index
        %get3A_1050 = arith.constant 16 : index
        %get3A_1051 = tpu.vector_load %arg9[%get3A_1048, %get3A_1049, %get3A_1050] {strides = array<i32>} : memref<4x128x32xf32, #tpu.memory_space<vmem>>, vector<16xf32>,
        %get3A_1052 = arith.constant 2 : i32
        %get3A_1053 = arith.index_cast %get3A_1052 : i32 to index
        %get3A_1054 = arith.index_cast %scan3A_1026 : i32 to index
        %get3A_1055 = arith.constant 16 : index
        %get3A_1056 = tpu.vector_load %arg10[%get3A_1053, %get3A_1054, %get3A_1055] {strides = array<i32>} : memref<4x128x32xf32, #tpu.memory_space<vmem>>, vector<16xf32>,
        %add3A_1057 = arith.addf %get3A_1051, %get3A_1056 : vector<16xf32>
        %add3A_1058 = arith.constant 16 : i32
        %add3A_1059 = vector.broadcast %add3A_1058 : i32 to vector<16xi32>
        %add3A_1060 = arith.addi %add3A_1059, %iota3A : vector<16xi32>
        %scatter3A_1061 = arith.constant 0 : i32
        %scatter3A_1062 = arith.constant 0 : i32
        %scatter3A_1063 = arith.constant 0 : i32
        %scatter3A_1064 = tpu.memref_slice %arg11[%scatter3A_1061, %scatter3A_1062, %scatter3A_1063] : memref<2x32x129xf32, #tpu.memory_space<vmem>> -> memref<1x32x129xf32, #tpu.memory_space<vmem>>
        %scatter3A_1065 = tpu.memref_squeeze %scatter3A_1064 : memref<1x32x129xf32, #tpu.memory_space<vmem>> -> memref<32x129xf32, #tpu.memory_space<vmem>>
        tpu.vector_store_idx %scatter3A_1065[%add3A_1060, %broadcast_in_dim3A_1027], %add3A_1057 : memref<32x129xf32, #tpu.memory_space<vmem>>[vector<16xi32>, vector<16xi32>], vector<16xf32>,
        %scan3A_1066 = arith.constant 2 : i32
        %scan3A_1067 = arith.addi %scan3A_988, %scan3A_1066 : i32
        %broadcast_in_dim3A_1068 = vector.broadcast %scan3A_1067 : i32 to vector<16xi32>
        %get3A_1069 = arith.constant 2 : i32
        %get3A_1070 = arith.index_cast %get3A_1069 : i32 to index
        %get3A_1071 = arith.index_cast %scan3A_1067 : i32 to index
        %get3A_1072 = arith.constant 0 : index
        %get3A_1073 = tpu.vector_load %arg9[%get3A_1070, %get3A_1071, %get3A_1072] {strides = array<i32>} : memref<4x128x32xf32, #tpu.memory_space<vmem>>, vector<16xf32>,
        %get3A_1074 = arith.constant 2 : i32
        %get3A_1075 = arith.index_cast %get3A_1074 : i32 to index
        %get3A_1076 = arith.index_cast %scan3A_1067 : i32 to index
        %get3A_1077 = arith.constant 0 : index
        %get3A_1078 = tpu.vector_load %arg10[%get3A_1075, %get3A_1076, %get3A_1077] {strides = array<i32>} : memref<4x128x32xf32, #tpu.memory_space<vmem>>, vector<16xf32>,
        %add3A_1079 = arith.addf %get3A_1073, %get3A_1078 : vector<16xf32>
        %add3A_1080 = arith.constant 0 : i32
        %add3A_1081 = vector.broadcast %add3A_1080 : i32 to vector<16xi32>
        %add3A_1082 = arith.addi %add3A_1081, %iota3A : vector<16xi32>
        %scatter3A_1083 = arith.constant 0 : i32
        %scatter3A_1084 = arith.constant 0 : i32
        %scatter3A_1085 = arith.constant 0 : i32
        %scatter3A_1086 = tpu.memref_slice %arg11[%scatter3A_1083, %scatter3A_1084, %scatter3A_1085] : memref<2x32x129xf32, #tpu.memory_space<vmem>> -> memref<1x32x129xf32, #tpu.memory_space<vmem>>
        %scatter3A_1087 = tpu.memref_squeeze %scatter3A_1086 : memref<1x32x129xf32, #tpu.memory_space<vmem>> -> memref<32x129xf32, #tpu.memory_space<vmem>>
        tpu.vector_store_idx %scatter3A_1087[%add3A_1082, %broadcast_in_dim3A_1068], %add3A_1079 : memref<32x129xf32, #tpu.memory_space<vmem>>[vector<16xi32>, vector<16xi32>], vector<16xf32>,
        %get3A_1088 = arith.constant 2 : i32
        %get3A_1089 = arith.index_cast %get3A_1088 : i32 to index
        %get3A_1090 = arith.index_cast %scan3A_1067 : i32 to index
        %get3A_1091 = arith.constant 16 : index
        %get3A_1092 = tpu.vector_load %arg9[%get3A_1089, %get3A_1090, %get3A_1091] {strides = array<i32>} : memref<4x128x32xf32, #tpu.memory_space<vmem>>, vector<16xf32>,
        %get3A_1093 = arith.constant 2 : i32
        %get3A_1094 = arith.index_cast %get3A_1093 : i32 to index
        %get3A_1095 = arith.index_cast %scan3A_1067 : i32 to index
        %get3A_1096 = arith.constant 16 : index
        %get3A_1097 = tpu.vector_load %arg10[%get3A_1094, %get3A_1095, %get3A_1096] {strides = array<i32>} : memref<4x128x32xf32, #tpu.memory_space<vmem>>, vector<16xf32>,
        %add3A_1098 = arith.addf %get3A_1092, %get3A_1097 : vector<16xf32>
        %add3A_1099 = arith.constant 16 : i32
        %add3A_1100 = vector.broadcast %add3A_1099 : i32 to vector<16xi32>
        %add3A_1101 = arith.addi %add3A_1100, %iota3A : vector<16xi32>
        %scatter3A_1102 = arith.constant 0 : i32
        %scatter3A_1103 = arith.constant 0 : i32
        %scatter3A_1104 = arith.constant 0 : i32
        %scatter3A_1105 = tpu.memref_slice %arg11[%scatter3A_1102, %scatter3A_1103, %scatter3A_1104] : memref<2x32x129xf32, #tpu.memory_space<vmem>> -> memref<1x32x129xf32, #tpu.memory_space<vmem>>
        %scatter3A_1106 = tpu.memref_squeeze %scatter3A_1105 : memref<1x32x129xf32, #tpu.memory_space<vmem>> -> memref<32x129xf32, #tpu.memory_space<vmem>>
        tpu.vector_store_idx %scatter3A_1106[%add3A_1101, %broadcast_in_dim3A_1068], %add3A_1098 : memref<32x129xf32, #tpu.memory_space<vmem>>[vector<16xi32>, vector<16xi32>], vector<16xf32>,
        %scan3A_1107 = arith.constant 3 : i32
        %scan3A_1108 = arith.addi %scan3A_988, %scan3A_1107 : i32
        %broadcast_in_dim3A_1109 = vector.broadcast %scan3A_1108 : i32 to vector<16xi32>
        %get3A_1110 = arith.constant 2 : i32
        %get3A_1111 = arith.index_cast %get3A_1110 : i32 to index
        %get3A_1112 = arith.index_cast %scan3A_1108 : i32 to index
        %get3A_1113 = arith.constant 0 : index
        %get3A_1114 = tpu.vector_load %arg9[%get3A_1111, %get3A_1112, %get3A_1113] {strides = array<i32>} : memref<4x128x32xf32, #tpu.memory_space<vmem>>, vector<16xf32>,
        %get3A_1115 = arith.constant 2 : i32
        %get3A_1116 = arith.index_cast %get3A_1115 : i32 to index
        %get3A_1117 = arith.index_cast %scan3A_1108 : i32 to index
        %get3A_1118 = arith.constant 0 : index
        %get3A_1119 = tpu.vector_load %arg10[%get3A_1116, %get3A_1117, %get3A_1118] {strides = array<i32>} : memref<4x128x32xf32, #tpu.memory_space<vmem>>, vector<16xf32>,
        %add3A_1120 = arith.addf %get3A_1114, %get3A_1119 : vector<16xf32>
        %add3A_1121 = arith.constant 0 : i32
        %add3A_1122 = vector.broadcast %add3A_1121 : i32 to vector<16xi32>
        %add3A_1123 = arith.addi %add3A_1122, %iota3A : vector<16xi32>
        %scatter3A_1124 = arith.constant 0 : i32
        %scatter3A_1125 = arith.constant 0 : i32
        %scatter3A_1126 = arith.constant 0 : i32
        %scatter3A_1127 = tpu.memref_slice %arg11[%scatter3A_1124, %scatter3A_1125, %scatter3A_1126] : memref<2x32x129xf32, #tpu.memory_space<vmem>> -> memref<1x32x129xf32, #tpu.memory_space<vmem>>
        %scatter3A_1128 = tpu.memref_squeeze %scatter3A_1127 : memref<1x32x129xf32, #tpu.memory_space<vmem>> -> memref<32x129xf32, #tpu.memory_space<vmem>>
        tpu.vector_store_idx %scatter3A_1128[%add3A_1123, %broadcast_in_dim3A_1109], %add3A_1120 : memref<32x129xf32, #tpu.memory_space<vmem>>[vector<16xi32>, vector<16xi32>], vector<16xf32>,
        %get3A_1129 = arith.constant 2 : i32
        %get3A_1130 = arith.index_cast %get3A_1129 : i32 to index
        %get3A_1131 = arith.index_cast %scan3A_1108 : i32 to index
        %get3A_1132 = arith.constant 16 : index
        %get3A_1133 = tpu.vector_load %arg9[%get3A_1130, %get3A_1131, %get3A_1132] {strides = array<i32>} : memref<4x128x32xf32, #tpu.memory_space<vmem>>, vector<16xf32>,
        %get3A_1134 = arith.constant 2 : i32
        %get3A_1135 = arith.index_cast %get3A_1134 : i32 to index
        %get3A_1136 = arith.index_cast %scan3A_1108 : i32 to index
        %get3A_1137 = arith.constant 16 : index
        %get3A_1138 = tpu.vector_load %arg10[%get3A_1135, %get3A_1136, %get3A_1137] {strides = array<i32>} : memref<4x128x32xf32, #tpu.memory_space<vmem>>, vector<16xf32>,
        %add3A_1139 = arith.addf %get3A_1133, %get3A_1138 : vector<16xf32>
        %add3A_1140 = arith.constant 16 : i32
        %add3A_1141 = vector.broadcast %add3A_1140 : i32 to vector<16xi32>
        %add3A_1142 = arith.addi %add3A_1141, %iota3A : vector<16xi32>
        %scatter3A_1143 = arith.constant 0 : i32
        %scatter3A_1144 = arith.constant 0 : i32
        %scatter3A_1145 = arith.constant 0 : i32
        %scatter3A_1146 = tpu.memref_slice %arg11[%scatter3A_1143, %scatter3A_1144, %scatter3A_1145] : memref<2x32x129xf32, #tpu.memory_space<vmem>> -> memref<1x32x129xf32, #tpu.memory_space<vmem>>
        %scatter3A_1147 = tpu.memref_squeeze %scatter3A_1146 : memref<1x32x129xf32, #tpu.memory_space<vmem>> -> memref<32x129xf32, #tpu.memory_space<vmem>>
        tpu.vector_store_idx %scatter3A_1147[%add3A_1142, %broadcast_in_dim3A_1109], %add3A_1139 : memref<32x129xf32, #tpu.memory_space<vmem>>[vector<16xi32>, vector<16xi32>], vector<16xf32>,
        %scan3A_1148 = arith.constant 4 : i32
        %scan3A_1149 = arith.addi %scan3A_988, %scan3A_1148 : i32
        %broadcast_in_dim3A_1150 = vector.broadcast %scan3A_1149 : i32 to vector<16xi32>
        %get3A_1151 = arith.constant 2 : i32
        %get3A_1152 = arith.index_cast %get3A_1151 : i32 to index
        %get3A_1153 = arith.index_cast %scan3A_1149 : i32 to index
        %get3A_1154 = arith.constant 0 : index
        %get3A_1155 = tpu.vector_load %arg9[%get3A_1152, %get3A_1153, %get3A_1154] {strides = array<i32>} : memref<4x128x32xf32, #tpu.memory_space<vmem>>, vector<16xf32>,
        %get3A_1156 = arith.constant 2 : i32
        %get3A_1157 = arith.index_cast %get3A_1156 : i32 to index
        %get3A_1158 = arith.index_cast %scan3A_1149 : i32 to index
        %get3A_1159 = arith.constant 0 : index
        %get3A_1160 = tpu.vector_load %arg10[%get3A_1157, %get3A_1158, %get3A_1159] {strides = array<i32>} : memref<4x128x32xf32, #tpu.memory_space<vmem>>, vector<16xf32>,
        %add3A_1161 = arith.addf %get3A_1155, %get3A_1160 : vector<16xf32>
        %add3A_1162 = arith.constant 0 : i32
        %add3A_1163 = vector.broadcast %add3A_1162 : i32 to vector<16xi32>
        %add3A_1164 = arith.addi %add3A_1163, %iota3A : vector<16xi32>
        %scatter3A_1165 = arith.constant 0 : i32
        %scatter3A_1166 = arith.constant 0 : i32
        %scatter3A_1167 = arith.constant 0 : i32
        %scatter3A_1168 = tpu.memref_slice %arg11[%scatter3A_1165, %scatter3A_1166, %scatter3A_1167] : memref<2x32x129xf32, #tpu.memory_space<vmem>> -> memref<1x32x129xf32, #tpu.memory_space<vmem>>
        %scatter3A_1169 = tpu.memref_squeeze %scatter3A_1168 : memref<1x32x129xf32, #tpu.memory_space<vmem>> -> memref<32x129xf32, #tpu.memory_space<vmem>>
        tpu.vector_store_idx %scatter3A_1169[%add3A_1164, %broadcast_in_dim3A_1150], %add3A_1161 : memref<32x129xf32, #tpu.memory_space<vmem>>[vector<16xi32>, vector<16xi32>], vector<16xf32>,
        %get3A_1170 = arith.constant 2 : i32
        %get3A_1171 = arith.index_cast %get3A_1170 : i32 to index
        %get3A_1172 = arith.index_cast %scan3A_1149 : i32 to index
        %get3A_1173 = arith.constant 16 : index
        %get3A_1174 = tpu.vector_load %arg9[%get3A_1171, %get3A_1172, %get3A_1173] {strides = array<i32>} : memref<4x128x32xf32, #tpu.memory_space<vmem>>, vector<16xf32>,
        %get3A_1175 = arith.constant 2 : i32
        %get3A_1176 = arith.index_cast %get3A_1175 : i32 to index
        %get3A_1177 = arith.index_cast %scan3A_1149 : i32 to index
        %get3A_1178 = arith.constant 16 : index
        %get3A_1179 = tpu.vector_load %arg10[%get3A_1176, %get3A_1177, %get3A_1178] {strides = array<i32>} : memref<4x128x32xf32, #tpu.memory_space<vmem>>, vector<16xf32>,
        %add3A_1180 = arith.addf %get3A_1174, %get3A_1179 : vector<16xf32>
        %add3A_1181 = arith.constant 16 : i32
        %add3A_1182 = vector.broadcast %add3A_1181 : i32 to vector<16xi32>
        %add3A_1183 = arith.addi %add3A_1182, %iota3A : vector<16xi32>
        %scatter3A_1184 = arith.constant 0 : i32
        %scatter3A_1185 = arith.constant 0 : i32
        %scatter3A_1186 = arith.constant 0 : i32
        %scatter3A_1187 = tpu.memref_slice %arg11[%scatter3A_1184, %scatter3A_1185, %scatter3A_1186] : memref<2x32x129xf32, #tpu.memory_space<vmem>> -> memref<1x32x129xf32, #tpu.memory_space<vmem>>
        %scatter3A_1188 = tpu.memref_squeeze %scatter3A_1187 : memref<1x32x129xf32, #tpu.memory_space<vmem>> -> memref<32x129xf32, #tpu.memory_space<vmem>>
        tpu.vector_store_idx %scatter3A_1188[%add3A_1183, %broadcast_in_dim3A_1150], %add3A_1180 : memref<32x129xf32, #tpu.memory_space<vmem>>[vector<16xi32>, vector<16xi32>], vector<16xf32>,
        %scan3A_1189 = arith.constant 5 : i32
        %scan3A_1190 = arith.addi %scan3A_988, %scan3A_1189 : i32
        %broadcast_in_dim3A_1191 = vector.broadcast %scan3A_1190 : i32 to vector<16xi32>
        %get3A_1192 = arith.constant 2 : i32
        %get3A_1193 = arith.index_cast %get3A_1192 : i32 to index
        %get3A_1194 = arith.index_cast %scan3A_1190 : i32 to index
        %get3A_1195 = arith.constant 0 : index
        %get3A_1196 = tpu.vector_load %arg9[%get3A_1193, %get3A_1194, %get3A_1195] {strides = array<i32>} : memref<4x128x32xf32, #tpu.memory_space<vmem>>, vector<16xf32>,
        %get3A_1197 = arith.constant 2 : i32
        %get3A_1198 = arith.index_cast %get3A_1197 : i32 to index
        %get3A_1199 = arith.index_cast %scan3A_1190 : i32 to index
        %get3A_1200 = arith.constant 0 : index
        %get3A_1201 = tpu.vector_load %arg10[%get3A_1198, %get3A_1199, %get3A_1200] {strides = array<i32>} : memref<4x128x32xf32, #tpu.memory_space<vmem>>, vector<16xf32>,
        %add3A_1202 = arith.addf %get3A_1196, %get3A_1201 : vector<16xf32>
        %add3A_1203 = arith.constant 0 : i32
        %add3A_1204 = vector.broadcast %add3A_1203 : i32 to vector<16xi32>
        %add3A_1205 = arith.addi %add3A_1204, %iota3A : vector<16xi32>
        %scatter3A_1206 = arith.constant 0 : i32
        %scatter3A_1207 = arith.constant 0 : i32
        %scatter3A_1208 = arith.constant 0 : i32
        %scatter3A_1209 = tpu.memref_slice %arg11[%scatter3A_1206, %scatter3A_1207, %scatter3A_1208] : memref<2x32x129xf32, #tpu.memory_space<vmem>> -> memref<1x32x129xf32, #tpu.memory_space<vmem>>
        %scatter3A_1210 = tpu.memref_squeeze %scatter3A_1209 : memref<1x32x129xf32, #tpu.memory_space<vmem>> -> memref<32x129xf32, #tpu.memory_space<vmem>>
        tpu.vector_store_idx %scatter3A_1210[%add3A_1205, %broadcast_in_dim3A_1191], %add3A_1202 : memref<32x129xf32, #tpu.memory_space<vmem>>[vector<16xi32>, vector<16xi32>], vector<16xf32>,
        %get3A_1211 = arith.constant 2 : i32
        %get3A_1212 = arith.index_cast %get3A_1211 : i32 to index
        %get3A_1213 = arith.index_cast %scan3A_1190 : i32 to index
        %get3A_1214 = arith.constant 16 : index
        %get3A_1215 = tpu.vector_load %arg9[%get3A_1212, %get3A_1213, %get3A_1214] {strides = array<i32>} : memref<4x128x32xf32, #tpu.memory_space<vmem>>, vector<16xf32>,
        %get3A_1216 = arith.constant 2 : i32
        %get3A_1217 = arith.index_cast %get3A_1216 : i32 to index
        %get3A_1218 = arith.index_cast %scan3A_1190 : i32 to index
        %get3A_1219 = arith.constant 16 : index
        %get3A_1220 = tpu.vector_load %arg10[%get3A_1217, %get3A_1218, %get3A_1219] {strides = array<i32>} : memref<4x128x32xf32, #tpu.memory_space<vmem>>, vector<16xf32>,
        %add3A_1221 = arith.addf %get3A_1215, %get3A_1220 : vector<16xf32>
        %add3A_1222 = arith.constant 16 : i32
        %add3A_1223 = vector.broadcast %add3A_1222 : i32 to vector<16xi32>
        %add3A_1224 = arith.addi %add3A_1223, %iota3A : vector<16xi32>
        %scatter3A_1225 = arith.constant 0 : i32
        %scatter3A_1226 = arith.constant 0 : i32
        %scatter3A_1227 = arith.constant 0 : i32
        %scatter3A_1228 = tpu.memref_slice %arg11[%scatter3A_1225, %scatter3A_1226, %scatter3A_1227] : memref<2x32x129xf32, #tpu.memory_space<vmem>> -> memref<1x32x129xf32, #tpu.memory_space<vmem>>
        %scatter3A_1229 = tpu.memref_squeeze %scatter3A_1228 : memref<1x32x129xf32, #tpu.memory_space<vmem>> -> memref<32x129xf32, #tpu.memory_space<vmem>>
        tpu.vector_store_idx %scatter3A_1229[%add3A_1224, %broadcast_in_dim3A_1191], %add3A_1221 : memref<32x129xf32, #tpu.memory_space<vmem>>[vector<16xi32>, vector<16xi32>], vector<16xf32>,
        %scan3A_1230 = arith.constant 6 : i32
        %scan3A_1231 = arith.addi %scan3A_988, %scan3A_1230 : i32
        %broadcast_in_dim3A_1232 = vector.broadcast %scan3A_1231 : i32 to vector<16xi32>
        %get3A_1233 = arith.constant 2 : i32
        %get3A_1234 = arith.index_cast %get3A_1233 : i32 to index
        %get3A_1235 = arith.index_cast %scan3A_1231 : i32 to index
        %get3A_1236 = arith.constant 0 : index
        %get3A_1237 = tpu.vector_load %arg9[%get3A_1234, %get3A_1235, %get3A_1236] {strides = array<i32>} : memref<4x128x32xf32, #tpu.memory_space<vmem>>, vector<16xf32>,
        %get3A_1238 = arith.constant 2 : i32
        %get3A_1239 = arith.index_cast %get3A_1238 : i32 to index
        %get3A_1240 = arith.index_cast %scan3A_1231 : i32 to index
        %get3A_1241 = arith.constant 0 : index
        %get3A_1242 = tpu.vector_load %arg10[%get3A_1239, %get3A_1240, %get3A_1241] {strides = array<i32>} : memref<4x128x32xf32, #tpu.memory_space<vmem>>, vector<16xf32>,
        %add3A_1243 = arith.addf %get3A_1237, %get3A_1242 : vector<16xf32>
        %add3A_1244 = arith.constant 0 : i32
        %add3A_1245 = vector.broadcast %add3A_1244 : i32 to vector<16xi32>
        %add3A_1246 = arith.addi %add3A_1245, %iota3A : vector<16xi32>
        %scatter3A_1247 = arith.constant 0 : i32
        %scatter3A_1248 = arith.constant 0 : i32
        %scatter3A_1249 = arith.constant 0 : i32
        %scatter3A_1250 = tpu.memref_slice %arg11[%scatter3A_1247, %scatter3A_1248, %scatter3A_1249] : memref<2x32x129xf32, #tpu.memory_space<vmem>> -> memref<1x32x129xf32, #tpu.memory_space<vmem>>
        %scatter3A_1251 = tpu.memref_squeeze %scatter3A_1250 : memref<1x32x129xf32, #tpu.memory_space<vmem>> -> memref<32x129xf32, #tpu.memory_space<vmem>>
        tpu.vector_store_idx %scatter3A_1251[%add3A_1246, %broadcast_in_dim3A_1232], %add3A_1243 : memref<32x129xf32, #tpu.memory_space<vmem>>[vector<16xi32>, vector<16xi32>], vector<16xf32>,
        %get3A_1252 = arith.constant 2 : i32
        %get3A_1253 = arith.index_cast %get3A_1252 : i32 to index
        %get3A_1254 = arith.index_cast %scan3A_1231 : i32 to index
        %get3A_1255 = arith.constant 16 : index
        %get3A_1256 = tpu.vector_load %arg9[%get3A_1253, %get3A_1254, %get3A_1255] {strides = array<i32>} : memref<4x128x32xf32, #tpu.memory_space<vmem>>, vector<16xf32>,
        %get3A_1257 = arith.constant 2 : i32
        %get3A_1258 = arith.index_cast %get3A_1257 : i32 to index
        %get3A_1259 = arith.index_cast %scan3A_1231 : i32 to index
        %get3A_1260 = arith.constant 16 : index
        %get3A_1261 = tpu.vector_load %arg10[%get3A_1258, %get3A_1259, %get3A_1260] {strides = array<i32>} : memref<4x128x32xf32, #tpu.memory_space<vmem>>, vector<16xf32>,
        %add3A_1262 = arith.addf %get3A_1256, %get3A_1261 : vector<16xf32>
        %add3A_1263 = arith.constant 16 : i32
        %add3A_1264 = vector.broadcast %add3A_1263 : i32 to vector<16xi32>
        %add3A_1265 = arith.addi %add3A_1264, %iota3A : vector<16xi32>
        %scatter3A_1266 = arith.constant 0 : i32
        %scatter3A_1267 = arith.constant 0 : i32
        %scatter3A_1268 = arith.constant 0 : i32
        %scatter3A_1269 = tpu.memref_slice %arg11[%scatter3A_1266, %scatter3A_1267, %scatter3A_1268] : memref<2x32x129xf32, #tpu.memory_space<vmem>> -> memref<1x32x129xf32, #tpu.memory_space<vmem>>
        %scatter3A_1270 = tpu.memref_squeeze %scatter3A_1269 : memref<1x32x129xf32, #tpu.memory_space<vmem>> -> memref<32x129xf32, #tpu.memory_space<vmem>>
        tpu.vector_store_idx %scatter3A_1270[%add3A_1265, %broadcast_in_dim3A_1232], %add3A_1262 : memref<32x129xf32, #tpu.memory_space<vmem>>[vector<16xi32>, vector<16xi32>], vector<16xf32>,
        %scan3A_1271 = arith.constant 7 : i32
        %scan3A_1272 = arith.addi %scan3A_988, %scan3A_1271 : i32
        %broadcast_in_dim3A_1273 = vector.broadcast %scan3A_1272 : i32 to vector<16xi32>
        %get3A_1274 = arith.constant 2 : i32
        %get3A_1275 = arith.index_cast %get3A_1274 : i32 to index
        %get3A_1276 = arith.index_cast %scan3A_1272 : i32 to index
        %get3A_1277 = arith.constant 0 : index
        %get3A_1278 = tpu.vector_load %arg9[%get3A_1275, %get3A_1276, %get3A_1277] {strides = array<i32>} : memref<4x128x32xf32, #tpu.memory_space<vmem>>, vector<16xf32>,
        %get3A_1279 = arith.constant 2 : i32
        %get3A_1280 = arith.index_cast %get3A_1279 : i32 to index
        %get3A_1281 = arith.index_cast %scan3A_1272 : i32 to index
        %get3A_1282 = arith.constant 0 : index
        %get3A_1283 = tpu.vector_load %arg10[%get3A_1280, %get3A_1281, %get3A_1282] {strides = array<i32>} : memref<4x128x32xf32, #tpu.memory_space<vmem>>, vector<16xf32>,
        %add3A_1284 = arith.addf %get3A_1278, %get3A_1283 : vector<16xf32>
        %add3A_1285 = arith.constant 0 : i32
        %add3A_1286 = vector.broadcast %add3A_1285 : i32 to vector<16xi32>
        %add3A_1287 = arith.addi %add3A_1286, %iota3A : vector<16xi32>
        %scatter3A_1288 = arith.constant 0 : i32
        %scatter3A_1289 = arith.constant 0 : i32
        %scatter3A_1290 = arith.constant 0 : i32
        %scatter3A_1291 = tpu.memref_slice %arg11[%scatter3A_1288, %scatter3A_1289, %scatter3A_1290] : memref<2x32x129xf32, #tpu.memory_space<vmem>> -> memref<1x32x129xf32, #tpu.memory_space<vmem>>
        %scatter3A_1292 = tpu.memref_squeeze %scatter3A_1291 : memref<1x32x129xf32, #tpu.memory_space<vmem>> -> memref<32x129xf32, #tpu.memory_space<vmem>>
        tpu.vector_store_idx %scatter3A_1292[%add3A_1287, %broadcast_in_dim3A_1273], %add3A_1284 : memref<32x129xf32, #tpu.memory_space<vmem>>[vector<16xi32>, vector<16xi32>], vector<16xf32>,
        %get3A_1293 = arith.constant 2 : i32
        %get3A_1294 = arith.index_cast %get3A_1293 : i32 to index
        %get3A_1295 = arith.index_cast %scan3A_1272 : i32 to index
        %get3A_1296 = arith.constant 16 : index
        %get3A_1297 = tpu.vector_load %arg9[%get3A_1294, %get3A_1295, %get3A_1296] {strides = array<i32>} : memref<4x128x32xf32, #tpu.memory_space<vmem>>, vector<16xf32>,
        %get3A_1298 = arith.constant 2 : i32
        %get3A_1299 = arith.index_cast %get3A_1298 : i32 to index
        %get3A_1300 = arith.index_cast %scan3A_1272 : i32 to index
        %get3A_1301 = arith.constant 16 : index
        %get3A_1302 = tpu.vector_load %arg10[%get3A_1299, %get3A_1300, %get3A_1301] {strides = array<i32>} : memref<4x128x32xf32, #tpu.memory_space<vmem>>, vector<16xf32>,
        %add3A_1303 = arith.addf %get3A_1297, %get3A_1302 : vector<16xf32>
        %add3A_1304 = arith.constant 16 : i32
        %add3A_1305 = vector.broadcast %add3A_1304 : i32 to vector<16xi32>
        %add3A_1306 = arith.addi %add3A_1305, %iota3A : vector<16xi32>
        %scatter3A_1307 = arith.constant 0 : i32
        %scatter3A_1308 = arith.constant 0 : i32
        %scatter3A_1309 = arith.constant 0 : i32
        %scatter3A_1310 = tpu.memref_slice %arg11[%scatter3A_1307, %scatter3A_1308, %scatter3A_1309] : memref<2x32x129xf32, #tpu.memory_space<vmem>> -> memref<1x32x129xf32, #tpu.memory_space<vmem>>
        %scatter3A_1311 = tpu.memref_squeeze %scatter3A_1310 : memref<1x32x129xf32, #tpu.memory_space<vmem>> -> memref<32x129xf32, #tpu.memory_space<vmem>>
        tpu.vector_store_idx %scatter3A_1311[%add3A_1306, %broadcast_in_dim3A_1273], %add3A_1303 : memref<32x129xf32, #tpu.memory_space<vmem>>[vector<16xi32>, vector<16xi32>], vector<16xf32>,
      }
      %scan3A_668 = arith.constant 128 : i32
      %lt3A_669 = arith.constant 49 : i32
      %lt3A_670 = arith.cmpi slt, %scan3A_206, %lt3A_669 : i32
      %convert_element_type3A_671 = arith.extui %lt3A_670 : i1 to i32
      %cond3A_672 = arith.constant 0 : i32
      %cond3A_673 = arith.cmpi ne, %convert_element_type3A_671, %cond3A_672 : i32
      scf.if %cond3A_673 {
        %add3A_988 = arith.constant 4 : i32
        %add3A_989 = arith.addi %add3A_539, %add3A_988 : i32
        %mul3A_990 = arith.constant 128 : i32
        %mul3A_991 = arith.muli %add3A_989, %mul3A_990 : i32
        %dma_start3A_992 = arith.constant 2 : i32
        %dma_start3A_993 = arith.constant 0 : i32
        %dma_start3A_994 = arith.constant 0 : i32
        %dma_start3A_995 = tpu.memref_slice %arg9[%dma_start3A_992, %dma_start3A_993, %dma_start3A_994] : memref<4x128x32xf32, #tpu.memory_space<vmem>> -> memref<1x128x32xf32, #tpu.memory_space<vmem>>
        %dma_start3A_996 = tpu.memref_squeeze %dma_start3A_995 : memref<1x128x32xf32, #tpu.memory_space<vmem>> -> memref<128x32xf32, #tpu.memory_space<vmem>>
        %dma_start3A_997 = tpu.memref_slice %arg7[%mul3A_991] : memref<25600xi32, #tpu.memory_space<vmem>> -> memref<128xi32, #tpu.memory_space<vmem>>
        %dma_start3A_998 = arith.constant 0 : i32
        %dma_start3A_999 = arith.constant 0 : i32
        %dma_start3A_1000 = tpu.memref_slice %arg2[%dma_start3A_998, %dma_start3A_999] : memref<1000000x32xf32, #tpu.memory_space<hbm>> -> memref<1000000x32xf32, #tpu.memory_space<hbm>>
        tpu.enqueue_indirect_dma source(%dma_start3A_1000 : memref<1000000x32xf32, #tpu.memory_space<hbm>>) target(%dma_start3A_996 : memref<128x32xf32, #tpu.memory_space<vmem>>) offsets(%dma_start3A_997 : memref<128xi32, #tpu.memory_space<vmem>>) semaphore(%arg14 : memref<!tpu.dma_semaphore, #tpu.memory_space<semaphore_mem>>)
        %dma_start3A_1001 = arith.constant 2 : i32
        %dma_start3A_1002 = arith.constant 0 : i32
        %dma_start3A_1003 = arith.constant 0 : i32
        %dma_start3A_1004 = tpu.memref_slice %arg10[%dma_start3A_1001, %dma_start3A_1002, %dma_start3A_1003] : memref<4x128x32xf32, #tpu.memory_space<vmem>> -> memref<1x128x32xf32, #tpu.memory_space<vmem>>
        %dma_start3A_1005 = tpu.memref_squeeze %dma_start3A_1004 : memref<1x128x32xf32, #tpu.memory_space<vmem>> -> memref<128x32xf32, #tpu.memory_space<vmem>>
        %dma_start3A_1006 = tpu.memref_slice %arg8[%mul3A_991] : memref<25600xi32, #tpu.memory_space<vmem>> -> memref<128xi32, #tpu.memory_space<vmem>>
        %dma_start3A_1007 = arith.constant 0 : i32
        %dma_start3A_1008 = arith.constant 0 : i32
        %dma_start3A_1009 = tpu.memref_slice %arg4[%dma_start3A_1007, %dma_start3A_1008] : memref<1000000x32xf32, #tpu.memory_space<hbm>> -> memref<1000000x32xf32, #tpu.memory_space<hbm>>
        tpu.enqueue_indirect_dma source(%dma_start3A_1009 : memref<1000000x32xf32, #tpu.memory_space<hbm>>) target(%dma_start3A_1005 : memref<128x32xf32, #tpu.memory_space<vmem>>) offsets(%dma_start3A_1006 : memref<128xi32, #tpu.memory_space<vmem>>) semaphore(%arg18 : memref<!tpu.dma_semaphore, #tpu.memory_space<semaphore_mem>>)
      } else {
      }
      %mul3A_674 = arith.constant 4 : i32
      %mul3A_675 = arith.muli %select_n3A_566, %mul3A_674 : i32
      %add3A_676 = arith.constant 0 : i32
      %add3A_677 = arith.addi %mul3A_675, %add3A_676 : i32
      %mul3A_678 = arith.constant 1024 : i32
      %mul3A_679 = arith.muli %add3A_677, %mul3A_678 : i32
      %mul3A_680 = arith.constant 8 : i32
      %mul3A_681 = arith.muli %select_n3A_582, %mul3A_680 : i32
      %add3A_682 = arith.addi %mul3A_679, %mul3A_681 : i32
      %dma_start3A_683 = arith.constant 0 : i32
      %dma_start3A_684 = arith.constant 0 : i32
      %dma_start3A_685 = arith.constant 0 : i32
      %dma_start3A_686 = tpu.memref_slice %arg11[%dma_start3A_683, %dma_start3A_684, %dma_start3A_685] : memref<2x32x129xf32, #tpu.memory_space<vmem>> -> memref<1x8x128xf32, #tpu.memory_space<vmem>>
      %dma_start3A_687 = tpu.memref_squeeze %dma_start3A_686 : memref<1x8x128xf32, #tpu.memory_space<vmem>> -> memref<8x128xf32, #tpu.memory_space<vmem>>
      %dma_start3A_688 = arith.constant 0 : i32
      %dma_start3A_689 = tpu.memref_slice %arg6[%add3A_682, %dma_start3A_688] : memref<204800x128xf32, #tpu.memory_space<hbm>> -> memref<8x128xf32, #tpu.memory_space<hbm>>
      %dma_start3A_690 = arith.constant 0 : i32
      %dma_start3A_691 = tpu.memref_slice %arg6[%add3A_682, %dma_start3A_690] : memref<204800x128xf32, #tpu.memory_space<hbm>> -> memref<8x128xf32, #tpu.memory_space<hbm>>
      %dma_start3A_692 = arith.constant 0 : i32
      %dma_start3A_693 = arith.constant 0 : i32
      %dma_start3A_694 = tpu.memref_slice %arg11[%dma_start3A_683, %dma_start3A_692, %dma_start3A_693] : memref<2x32x129xf32, #tpu.memory_space<vmem>> -> memref<1x8x128xf32, #tpu.memory_space<vmem>>
      %dma_start3A_695 = tpu.memref_squeeze %dma_start3A_694 : memref<1x8x128xf32, #tpu.memory_space<vmem>> -> memref<8x128xf32, #tpu.memory_space<vmem>>
      tpu.enqueue_dma source(%dma_start3A_695 : memref<8x128xf32, #tpu.memory_space<vmem>>) target(%dma_start3A_691 : memref<8x128xf32, #tpu.memory_space<hbm>>) target_semaphore(%arg20 : memref<!tpu.dma_semaphore, #tpu.memory_space<semaphore_mem>>)
      %mul3A_696 = arith.constant 4 : i32
      %mul3A_697 = arith.muli %select_n3A_566, %mul3A_696 : i32
      %add3A_698 = arith.constant 1 : i32
      %add3A_699 = arith.addi %mul3A_697, %add3A_698 : i32
      %mul3A_700 = arith.constant 1024 : i32
      %mul3A_701 = arith.muli %add3A_699, %mul3A_700 : i32
      %mul3A_702 = arith.constant 8 : i32
      %mul3A_703 = arith.muli %select_n3A_582, %mul3A_702 : i32
      %add3A_704 = arith.addi %mul3A_701, %mul3A_703 : i32
      %dma_start3A_705 = arith.constant 0 : i32
      %dma_start3A_706 = arith.constant 8 : i32
      %dma_start3A_707 = arith.constant 0 : i32
      %dma_start3A_708 = tpu.memref_slice %arg11[%dma_start3A_705, %dma_start3A_706, %dma_start3A_707] : memref<2x32x129xf32, #tpu.memory_space<vmem>> -> memref<1x8x128xf32, #tpu.memory_space<vmem>>
      %dma_start3A_709 = tpu.memref_squeeze %dma_start3A_708 : memref<1x8x128xf32, #tpu.memory_space<vmem>> -> memref<8x128xf32, #tpu.memory_space<vmem>>
      %dma_start3A_710 = arith.constant 0 : i32
      %dma_start3A_711 = tpu.memref_slice %arg6[%add3A_704, %dma_start3A_710] : memref<204800x128xf32, #tpu.memory_space<hbm>> -> memref<8x128xf32, #tpu.memory_space<hbm>>
      %dma_start3A_712 = arith.constant 0 : i32
      %dma_start3A_713 = tpu.memref_slice %arg6[%add3A_704, %dma_start3A_712] : memref<204800x128xf32, #tpu.memory_space<hbm>> -> memref<8x128xf32, #tpu.memory_space<hbm>>
      %dma_start3A_714 = arith.constant 8 : i32
      %dma_start3A_715 = arith.constant 0 : i32
      %dma_start3A_716 = tpu.memref_slice %arg11[%dma_start3A_705, %dma_start3A_714, %dma_start3A_715] : memref<2x32x129xf32, #tpu.memory_space<vmem>> -> memref<1x8x128xf32, #tpu.memory_space<vmem>>
      %dma_start3A_717 = tpu.memref_squeeze %dma_start3A_716 : memref<1x8x128xf32, #tpu.memory_space<vmem>> -> memref<8x128xf32, #tpu.memory_space<vmem>>
      tpu.enqueue_dma source(%dma_start3A_717 : memref<8x128xf32, #tpu.memory_space<vmem>>) target(%dma_start3A_713 : memref<8x128xf32, #tpu.memory_space<hbm>>) target_semaphore(%arg20 : memref<!tpu.dma_semaphore, #tpu.memory_space<semaphore_mem>>)
      %mul3A_718 = arith.constant 4 : i32
      %mul3A_719 = arith.muli %select_n3A_566, %mul3A_718 : i32
      %add3A_720 = arith.constant 2 : i32
      %add3A_721 = arith.addi %mul3A_719, %add3A_720 : i32
      %mul3A_722 = arith.constant 1024 : i32
      %mul3A_723 = arith.muli %add3A_721, %mul3A_722 : i32
      %mul3A_724 = arith.constant 8 : i32
      %mul3A_725 = arith.muli %select_n3A_582, %mul3A_724 : i32
      %add3A_726 = arith.addi %mul3A_723, %mul3A_725 : i32
      %dma_start3A_727 = arith.constant 0 : i32
      %dma_start3A_728 = arith.constant 16 : i32
      %dma_start3A_729 = arith.constant 0 : i32
      %dma_start3A_730 = tpu.memref_slice %arg11[%dma_start3A_727, %dma_start3A_728, %dma_start3A_729] : memref<2x32x129xf32, #tpu.memory_space<vmem>> -> memref<1x8x128xf32, #tpu.memory_space<vmem>>
      %dma_start3A_731 = tpu.memref_squeeze %dma_start3A_730 : memref<1x8x128xf32, #tpu.memory_space<vmem>> -> memref<8x128xf32, #tpu.memory_space<vmem>>
      %dma_start3A_732 = arith.constant 0 : i32
      %dma_start3A_733 = tpu.memref_slice %arg6[%add3A_726, %dma_start3A_732] : memref<204800x128xf32, #tpu.memory_space<hbm>> -> memref<8x128xf32, #tpu.memory_space<hbm>>
      %dma_start3A_734 = arith.constant 0 : i32
      %dma_start3A_735 = tpu.memref_slice %arg6[%add3A_726, %dma_start3A_734] : memref<204800x128xf32, #tpu.memory_space<hbm>> -> memref<8x128xf32, #tpu.memory_space<hbm>>
      %dma_start3A_736 = arith.constant 16 : i32
      %dma_start3A_737 = arith.constant 0 : i32
      %dma_start3A_738 = tpu.memref_slice %arg11[%dma_start3A_727, %dma_start3A_736, %dma_start3A_737] : memref<2x32x129xf32, #tpu.memory_space<vmem>> -> memref<1x8x128xf32, #tpu.memory_space<vmem>>
      %dma_start3A_739 = tpu.memref_squeeze %dma_start3A_738 : memref<1x8x128xf32, #tpu.memory_space<vmem>> -> memref<8x128xf32, #tpu.memory_space<vmem>>
      tpu.enqueue_dma source(%dma_start3A_739 : memref<8x128xf32, #tpu.memory_space<vmem>>) target(%dma_start3A_735 : memref<8x128xf32, #tpu.memory_space<hbm>>) target_semaphore(%arg20 : memref<!tpu.dma_semaphore, #tpu.memory_space<semaphore_mem>>)
      %mul3A_740 = arith.constant 4 : i32
      %mul3A_741 = arith.muli %select_n3A_566, %mul3A_740 : i32
      %add3A_742 = arith.constant 3 : i32
      %add3A_743 = arith.addi %mul3A_741, %add3A_742 : i32
      %mul3A_744 = arith.constant 1024 : i32
      %mul3A_745 = arith.muli %add3A_743, %mul3A_744 : i32
      %mul3A_746 = arith.constant 8 : i32
      %mul3A_747 = arith.muli %select_n3A_582, %mul3A_746 : i32
      %add3A_748 = arith.addi %mul3A_745, %mul3A_747 : i32
      %dma_start3A_749 = arith.constant 0 : i32
      %dma_start3A_750 = arith.constant 24 : i32
      %dma_start3A_751 = arith.constant 0 : i32
      %dma_start3A_752 = tpu.memref_slice %arg11[%dma_start3A_749, %dma_start3A_750, %dma_start3A_751] : memref<2x32x129xf32, #tpu.memory_space<vmem>> -> memref<1x8x128xf32, #tpu.memory_space<vmem>>
      %dma_start3A_753 = tpu.memref_squeeze %dma_start3A_752 : memref<1x8x128xf32, #tpu.memory_space<vmem>> -> memref<8x128xf32, #tpu.memory_space<vmem>>
      %dma_start3A_754 = arith.constant 0 : i32
      %dma_start3A_755 = tpu.memref_slice %arg6[%add3A_748, %dma_start3A_754] : memref<204800x128xf32, #tpu.memory_space<hbm>> -> memref<8x128xf32, #tpu.memory_space<hbm>>
      %dma_start3A_756 = arith.constant 0 : i32
      %dma_start3A_757 = tpu.memref_slice %arg6[%add3A_748, %dma_start3A_756] : memref<204800x128xf32, #tpu.memory_space<hbm>> -> memref<8x128xf32, #tpu.memory_space<hbm>>
      %dma_start3A_758 = arith.constant 24 : i32
      %dma_start3A_759 = arith.constant 0 : i32
      %dma_start3A_760 = tpu.memref_slice %arg11[%dma_start3A_749, %dma_start3A_758, %dma_start3A_759] : memref<2x32x129xf32, #tpu.memory_space<vmem>> -> memref<1x8x128xf32, #tpu.memory_space<vmem>>
      %dma_start3A_761 = tpu.memref_squeeze %dma_start3A_760 : memref<1x8x128xf32, #tpu.memory_space<vmem>> -> memref<8x128xf32, #tpu.memory_space<vmem>>
      tpu.enqueue_dma source(%dma_start3A_761 : memref<8x128xf32, #tpu.memory_space<vmem>>) target(%dma_start3A_757 : memref<8x128xf32, #tpu.memory_space<hbm>>) target_semaphore(%arg20 : memref<!tpu.dma_semaphore, #tpu.memory_space<semaphore_mem>>)
      %mul3A_762 = arith.constant 4 : i32
      %mul3A_763 = arith.muli %scan3A_206, %mul3A_762 : i32
      %add3A_764 = arith.constant 3 : i32
      %add3A_765 = arith.addi %mul3A_763, %add3A_764 : i32
      %mul3A_766 = arith.constant 200 : i32
      %mul3A_767 = arith.muli %add3A, %mul3A_766 : i32
      %add3A_768 = arith.addi %mul3A_767, %add3A_765 : i32
      %jit3A_769 = arith.constant 128 : i32
      %div3A_770 = arith.divsi %add3A_768, %jit3A_769 : i32
      %sign3A_771 = arith.constant 0 : i32
      %sign3A_772 = arith.cmpi sgt, %add3A_768, %sign3A_771 : i32
      %sign3A_773 = arith.extui %sign3A_772 : i1 to i32
      %sign3A_774 = arith.constant 0 : i32
      %sign3A_775 = arith.cmpi slt, %add3A_768, %sign3A_774 : i32
      %sign3A_776 = arith.extui %sign3A_775 : i1 to i32
      %sign3A_777 = arith.subi %sign3A_773, %sign3A_776 : i32
      %sign3A_778 = arith.constant 0 : i32
      %sign3A_779 = arith.cmpi sgt, %jit3A_769, %sign3A_778 : i32
      %sign3A_780 = arith.extui %sign3A_779 : i1 to i32
      %sign3A_781 = arith.constant 0 : i32
      %sign3A_782 = arith.cmpi slt, %jit3A_769, %sign3A_781 : i32
      %sign3A_783 = arith.extui %sign3A_782 : i1 to i32
      %sign3A_784 = arith.subi %sign3A_780, %sign3A_783 : i32
      %ne3A_785 = arith.cmpi ne, %sign3A_777, %sign3A_784 : i32
      %rem3A_786 = arith.remsi %add3A_768, %jit3A_769 : i32
      %ne3A_787 = arith.constant 0 : i32
      %ne3A_788 = arith.cmpi ne, %rem3A_786, %ne3A_787 : i32
      %and3A_789 = arith.andi %ne3A_785, %ne3A_788 : i1
      %sub3A_790 = arith.constant 1 : i32
      %sub3A_791 = arith.subi %div3A_770, %sub3A_790 : i32
      %select_n3A_792 = arith.select %and3A_789, %sub3A_791, %div3A_770 : i32
      %jit3A_793 = arith.constant 128 : i32
      %eq3A_794 = arith.constant 0 : i32
      %eq3A_795 = arith.cmpi eq, %jit3A_793, %eq3A_794 : i32
      %jit3A_796 = arith.constant 1 : i32
      %select_n3A_797 = arith.select %eq3A_795, %jit3A_796, %jit3A_793 : i32
      %rem3A_798 = arith.remsi %add3A_768, %select_n3A_797 : i32
      %ne3A_799 = arith.constant 0 : i32
      %ne3A_800 = arith.cmpi ne, %rem3A_798, %ne3A_799 : i32
      %lt3A_801 = arith.constant 0 : i32
      %lt3A_802 = arith.cmpi slt, %rem3A_798, %lt3A_801 : i32
      %lt3A_803 = arith.constant 0 : i32
      %lt3A_804 = arith.cmpi slt, %select_n3A_797, %lt3A_803 : i32
      %ne3A_805 = arith.xori %lt3A_802, %lt3A_804 : i1
      %and3A_806 = arith.andi %ne3A_805, %ne3A_800 : i1
      %add3A_807 = arith.addi %rem3A_798, %select_n3A_797 : i32
      %select_n3A_808 = arith.select %and3A_806, %add3A_807, %rem3A_798 : i32
      %dma_wait3A_809 = arith.constant 3 : i32
      %dma_wait3A_810 = arith.constant 0 : i32
      %dma_wait3A_811 = arith.constant 0 : i32
      %dma_wait3A_812 = tpu.memref_slice %arg9[%dma_wait3A_809, %dma_wait3A_810, %dma_wait3A_811] : memref<4x128x32xf32, #tpu.memory_space<vmem>> -> memref<1x128x32xf32, #tpu.memory_space<vmem>>
      %dma_wait3A_813 = tpu.memref_squeeze %dma_wait3A_812 : memref<1x128x32xf32, #tpu.memory_space<vmem>> -> memref<128x32xf32, #tpu.memory_space<vmem>>
      %dma_wait3A_814 = arith.constant 0 : i32
      %dma_wait3A_815 = tpu.memref_slice %arg7[%dma_wait3A_814] : memref<25600xi32, #tpu.memory_space<vmem>> -> memref<128xi32, #tpu.memory_space<vmem>>
      %dma_wait3A_816 = arith.constant 0 : i32
      %dma_wait3A_817 = arith.constant 0 : i32
      %dma_wait3A_818 = tpu.memref_slice %arg2[%dma_wait3A_816, %dma_wait3A_817] : memref<1000000x32xf32, #tpu.memory_space<hbm>> -> memref<1000000x32xf32, #tpu.memory_space<hbm>>
      tpu.wait_indirect_dma semaphore(%arg15 : memref<!tpu.dma_semaphore, #tpu.memory_space<semaphore_mem>>) src(%dma_wait3A_818 : memref<1000000x32xf32, #tpu.memory_space<hbm>>) dst(%dma_wait3A_813 : memref<128x32xf32, #tpu.memory_space<vmem>>)
      %dma_wait3A_819 = arith.constant 3 : i32
      %dma_wait3A_820 = arith.constant 0 : i32
      %dma_wait3A_821 = arith.constant 0 : i32
      %dma_wait3A_822 = tpu.memref_slice %arg10[%dma_wait3A_819, %dma_wait3A_820, %dma_wait3A_821] : memref<4x128x32xf32, #tpu.memory_space<vmem>> -> memref<1x128x32xf32, #tpu.memory_space<vmem>>
      %dma_wait3A_823 = tpu.memref_squeeze %dma_wait3A_822 : memref<1x128x32xf32, #tpu.memory_space<vmem>> -> memref<128x32xf32, #tpu.memory_space<vmem>>
      %dma_wait3A_824 = arith.constant 0 : i32
      %dma_wait3A_825 = tpu.memref_slice %arg8[%dma_wait3A_824] : memref<25600xi32, #tpu.memory_space<vmem>> -> memref<128xi32, #tpu.memory_space<vmem>>
      %dma_wait3A_826 = arith.constant 0 : i32
      %dma_wait3A_827 = arith.constant 0 : i32
      %dma_wait3A_828 = tpu.memref_slice %arg4[%dma_wait3A_826, %dma_wait3A_827] : memref<1000000x32xf32, #tpu.memory_space<hbm>> -> memref<1000000x32xf32, #tpu.memory_space<hbm>>
      tpu.wait_indirect_dma semaphore(%arg19 : memref<!tpu.dma_semaphore, #tpu.memory_space<semaphore_mem>>) src(%dma_wait3A_828 : memref<1000000x32xf32, #tpu.memory_space<hbm>>) dst(%dma_wait3A_823 : memref<128x32xf32, #tpu.memory_space<vmem>>)
      %dma_wait3A_829 = arith.constant 1 : i32
      %dma_wait3A_830 = arith.constant 0 : i32
      %dma_wait3A_831 = arith.constant 0 : i32
      %dma_wait3A_832 = tpu.memref_slice %arg11[%dma_wait3A_829, %dma_wait3A_830, %dma_wait3A_831] : memref<2x32x129xf32, #tpu.memory_space<vmem>> -> memref<1x8x128xf32, #tpu.memory_space<vmem>>
      %dma_wait3A_833 = tpu.memref_squeeze %dma_wait3A_832 : memref<1x8x128xf32, #tpu.memory_space<vmem>> -> memref<8x128xf32, #tpu.memory_space<vmem>>
      %dma_wait3A_834 = arith.constant 0 : i32
      %dma_wait3A_835 = arith.constant 0 : i32
      %dma_wait3A_836 = tpu.memref_slice %arg6[%dma_wait3A_834, %dma_wait3A_835] : memref<204800x128xf32, #tpu.memory_space<hbm>> -> memref<8x128xf32, #tpu.memory_space<hbm>>
      %dma_wait3A_837 = arith.constant 0 : i32
      %dma_wait3A_838 = arith.constant 0 : i32
      %dma_wait3A_839 = tpu.memref_slice %arg6[%dma_wait3A_837, %dma_wait3A_838] : memref<204800x128xf32, #tpu.memory_space<hbm>> -> memref<8x128xf32, #tpu.memory_space<hbm>>
      %dma_wait3A_840 = arith.constant 0 : i32
      %dma_wait3A_841 = arith.constant 0 : i32
      %dma_wait3A_842 = tpu.memref_slice %arg11[%dma_wait3A_829, %dma_wait3A_840, %dma_wait3A_841] : memref<2x32x129xf32, #tpu.memory_space<vmem>> -> memref<1x8x128xf32, #tpu.memory_space<vmem>>
      %dma_wait3A_843 = tpu.memref_squeeze %dma_wait3A_842 : memref<1x8x128xf32, #tpu.memory_space<vmem>> -> memref<8x128xf32, #tpu.memory_space<vmem>>
      tpu.wait_dma2 semaphore(%arg21 : memref<!tpu.dma_semaphore, #tpu.memory_space<semaphore_mem>>) src(%dma_wait3A_843 : memref<8x128xf32, #tpu.memory_space<vmem>>) dst(%dma_wait3A_839 : memref<8x128xf32, #tpu.memory_space<hbm>>)
      %dma_wait3A_844 = arith.constant 1 : i32
      %dma_wait3A_845 = arith.constant 0 : i32
      %dma_wait3A_846 = arith.constant 0 : i32
      %dma_wait3A_847 = tpu.memref_slice %arg11[%dma_wait3A_844, %dma_wait3A_845, %dma_wait3A_846] : memref<2x32x129xf32, #tpu.memory_space<vmem>> -> memref<1x8x128xf32, #tpu.memory_space<vmem>>
      %dma_wait3A_848 = tpu.memref_squeeze %dma_wait3A_847 : memref<1x8x128xf32, #tpu.memory_space<vmem>> -> memref<8x128xf32, #tpu.memory_space<vmem>>
      %dma_wait3A_849 = arith.constant 0 : i32
      %dma_wait3A_850 = arith.constant 0 : i32
      %dma_wait3A_851 = tpu.memref_slice %arg6[%dma_wait3A_849, %dma_wait3A_850] : memref<204800x128xf32, #tpu.memory_space<hbm>> -> memref<8x128xf32, #tpu.memory_space<hbm>>
      %dma_wait3A_852 = arith.constant 0 : i32
      %dma_wait3A_853 = arith.constant 0 : i32
      %dma_wait3A_854 = tpu.memref_slice %arg6[%dma_wait3A_852, %dma_wait3A_853] : memref<204800x128xf32, #tpu.memory_space<hbm>> -> memref<8x128xf32, #tpu.memory_space<hbm>>
      %dma_wait3A_855 = arith.constant 0 : i32
      %dma_wait3A_856 = arith.constant 0 : i32
      %dma_wait3A_857 = tpu.memref_slice %arg11[%dma_wait3A_844, %dma_wait3A_855, %dma_wait3A_856] : memref<2x32x129xf32, #tpu.memory_space<vmem>> -> memref<1x8x128xf32, #tpu.memory_space<vmem>>
      %dma_wait3A_858 = tpu.memref_squeeze %dma_wait3A_857 : memref<1x8x128xf32, #tpu.memory_space<vmem>> -> memref<8x128xf32, #tpu.memory_space<vmem>>
      tpu.wait_dma2 semaphore(%arg21 : memref<!tpu.dma_semaphore, #tpu.memory_space<semaphore_mem>>) src(%dma_wait3A_858 : memref<8x128xf32, #tpu.memory_space<vmem>>) dst(%dma_wait3A_854 : memref<8x128xf32, #tpu.memory_space<hbm>>)
      %dma_wait3A_859 = arith.constant 1 : i32
      %dma_wait3A_860 = arith.constant 0 : i32
      %dma_wait3A_861 = arith.constant 0 : i32
      %dma_wait3A_862 = tpu.memref_slice %arg11[%dma_wait3A_859, %dma_wait3A_860, %dma_wait3A_861] : memref<2x32x129xf32, #tpu.memory_space<vmem>> -> memref<1x8x128xf32, #tpu.memory_space<vmem>>
      %dma_wait3A_863 = tpu.memref_squeeze %dma_wait3A_862 : memref<1x8x128xf32, #tpu.memory_space<vmem>> -> memref<8x128xf32, #tpu.memory_space<vmem>>
      %dma_wait3A_864 = arith.constant 0 : i32
      %dma_wait3A_865 = arith.constant 0 : i32
      %dma_wait3A_866 = tpu.memref_slice %arg6[%dma_wait3A_864, %dma_wait3A_865] : memref<204800x128xf32, #tpu.memory_space<hbm>> -> memref<8x128xf32, #tpu.memory_space<hbm>>
      %dma_wait3A_867 = arith.constant 0 : i32
      %dma_wait3A_868 = arith.constant 0 : i32
      %dma_wait3A_869 = tpu.memref_slice %arg6[%dma_wait3A_867, %dma_wait3A_868] : memref<204800x128xf32, #tpu.memory_space<hbm>> -> memref<8x128xf32, #tpu.memory_space<hbm>>
      %dma_wait3A_870 = arith.constant 0 : i32
      %dma_wait3A_871 = arith.constant 0 : i32
      %dma_wait3A_872 = tpu.memref_slice %arg11[%dma_wait3A_859, %dma_wait3A_870, %dma_wait3A_871] : memref<2x32x129xf32, #tpu.memory_space<vmem>> -> memref<1x8x128xf32, #tpu.memory_space<vmem>>
      %dma_wait3A_873 = tpu.memref_squeeze %dma_wait3A_872 : memref<1x8x128xf32, #tpu.memory_space<vmem>> -> memref<8x128xf32, #tpu.memory_space<vmem>>
      tpu.wait_dma2 semaphore(%arg21 : memref<!tpu.dma_semaphore, #tpu.memory_space<semaphore_mem>>) src(%dma_wait3A_873 : memref<8x128xf32, #tpu.memory_space<vmem>>) dst(%dma_wait3A_869 : memref<8x128xf32, #tpu.memory_space<hbm>>)
      %dma_wait3A_874 = arith.constant 1 : i32
      %dma_wait3A_875 = arith.constant 0 : i32
      %dma_wait3A_876 = arith.constant 0 : i32
      %dma_wait3A_877 = tpu.memref_slice %arg11[%dma_wait3A_874, %dma_wait3A_875, %dma_wait3A_876] : memref<2x32x129xf32, #tpu.memory_space<vmem>> -> memref<1x8x128xf32, #tpu.memory_space<vmem>>
      %dma_wait3A_878 = tpu.memref_squeeze %dma_wait3A_877 : memref<1x8x128xf32, #tpu.memory_space<vmem>> -> memref<8x128xf32, #tpu.memory_space<vmem>>
      %dma_wait3A_879 = arith.constant 0 : i32
      %dma_wait3A_880 = arith.constant 0 : i32
      %dma_wait3A_881 = tpu.memref_slice %arg6[%dma_wait3A_879, %dma_wait3A_880] : memref<204800x128xf32, #tpu.memory_space<hbm>> -> memref<8x128xf32, #tpu.memory_space<hbm>>
      %dma_wait3A_882 = arith.constant 0 : i32
      %dma_wait3A_883 = arith.constant 0 : i32
      %dma_wait3A_884 = tpu.memref_slice %arg6[%dma_wait3A_882, %dma_wait3A_883] : memref<204800x128xf32, #tpu.memory_space<hbm>> -> memref<8x128xf32, #tpu.memory_space<hbm>>
      %dma_wait3A_885 = arith.constant 0 : i32
      %dma_wait3A_886 = arith.constant 0 : i32
      %dma_wait3A_887 = tpu.memref_slice %arg11[%dma_wait3A_874, %dma_wait3A_885, %dma_wait3A_886] : memref<2x32x129xf32, #tpu.memory_space<vmem>> -> memref<1x8x128xf32, #tpu.memory_space<vmem>>
      %dma_wait3A_888 = tpu.memref_squeeze %dma_wait3A_887 : memref<1x8x128xf32, #tpu.memory_space<vmem>> -> memref<8x128xf32, #tpu.memory_space<vmem>>
      tpu.wait_dma2 semaphore(%arg21 : memref<!tpu.dma_semaphore, #tpu.memory_space<semaphore_mem>>) src(%dma_wait3A_888 : memref<8x128xf32, #tpu.memory_space<vmem>>) dst(%dma_wait3A_884 : memref<8x128xf32, #tpu.memory_space<hbm>>)
      %scan3A_889 = arith.constant 0 : i32
      %scan3A_890 = arith.constant 0 : i32
      %scan3A_891 = arith.constant 128 : i32
      %scan3A_892 = arith.addi %scan3A_890, %scan3A_891 : i32
      %scan3A_893 = arith.constant 8 : i32
      scf.for %scan3A_988 = %scan3A_890 to %scan3A_892 step %scan3A_893  : i32 {
        %broadcast_in_dim3A = vector.broadcast %scan3A_988 : i32 to vector<16xi32>
        %get3A = arith.constant 3 : i32
        %get3A_989 = arith.index_cast %get3A : i32 to index
        %get3A_990 = arith.index_cast %scan3A_988 : i32 to index
        %get3A_991 = arith.constant 0 : index
        %get3A_992 = tpu.vector_load %arg9[%get3A_989, %get3A_990, %get3A_991] {strides = array<i32>} : memref<4x128x32xf32, #tpu.memory_space<vmem>>, vector<16xf32>,
        %get3A_993 = arith.constant 3 : i32
        %get3A_994 = arith.index_cast %get3A_993 : i32 to index
        %get3A_995 = arith.index_cast %scan3A_988 : i32 to index
        %get3A_996 = arith.constant 0 : index
        %get3A_997 = tpu.vector_load %arg10[%get3A_994, %get3A_995, %get3A_996] {strides = array<i32>} : memref<4x128x32xf32, #tpu.memory_space<vmem>>, vector<16xf32>,
        %add3A_998 = arith.addf %get3A_992, %get3A_997 : vector<16xf32>
        %add3A_999 = arith.constant 0 : i32
        %add3A_1000 = vector.broadcast %add3A_999 : i32 to vector<16xi32>
        %add3A_1001 = arith.addi %add3A_1000, %iota3A : vector<16xi32>
        %scatter3A = arith.constant 1 : i32
        %scatter3A_1002 = arith.constant 0 : i32
        %scatter3A_1003 = arith.constant 0 : i32
        %scatter3A_1004 = tpu.memref_slice %arg11[%scatter3A, %scatter3A_1002, %scatter3A_1003] : memref<2x32x129xf32, #tpu.memory_space<vmem>> -> memref<1x32x129xf32, #tpu.memory_space<vmem>>
        %scatter3A_1005 = tpu.memref_squeeze %scatter3A_1004 : memref<1x32x129xf32, #tpu.memory_space<vmem>> -> memref<32x129xf32, #tpu.memory_space<vmem>>
        tpu.vector_store_idx %scatter3A_1005[%add3A_1001, %broadcast_in_dim3A], %add3A_998 : memref<32x129xf32, #tpu.memory_space<vmem>>[vector<16xi32>, vector<16xi32>], vector<16xf32>,
        %get3A_1006 = arith.constant 3 : i32
        %get3A_1007 = arith.index_cast %get3A_1006 : i32 to index
        %get3A_1008 = arith.index_cast %scan3A_988 : i32 to index
        %get3A_1009 = arith.constant 16 : index
        %get3A_1010 = tpu.vector_load %arg9[%get3A_1007, %get3A_1008, %get3A_1009] {strides = array<i32>} : memref<4x128x32xf32, #tpu.memory_space<vmem>>, vector<16xf32>,
        %get3A_1011 = arith.constant 3 : i32
        %get3A_1012 = arith.index_cast %get3A_1011 : i32 to index
        %get3A_1013 = arith.index_cast %scan3A_988 : i32 to index
        %get3A_1014 = arith.constant 16 : index
        %get3A_1015 = tpu.vector_load %arg10[%get3A_1012, %get3A_1013, %get3A_1014] {strides = array<i32>} : memref<4x128x32xf32, #tpu.memory_space<vmem>>, vector<16xf32>,
        %add3A_1016 = arith.addf %get3A_1010, %get3A_1015 : vector<16xf32>
        %add3A_1017 = arith.constant 16 : i32
        %add3A_1018 = vector.broadcast %add3A_1017 : i32 to vector<16xi32>
        %add3A_1019 = arith.addi %add3A_1018, %iota3A : vector<16xi32>
        %scatter3A_1020 = arith.constant 1 : i32
        %scatter3A_1021 = arith.constant 0 : i32
        %scatter3A_1022 = arith.constant 0 : i32
        %scatter3A_1023 = tpu.memref_slice %arg11[%scatter3A_1020, %scatter3A_1021, %scatter3A_1022] : memref<2x32x129xf32, #tpu.memory_space<vmem>> -> memref<1x32x129xf32, #tpu.memory_space<vmem>>
        %scatter3A_1024 = tpu.memref_squeeze %scatter3A_1023 : memref<1x32x129xf32, #tpu.memory_space<vmem>> -> memref<32x129xf32, #tpu.memory_space<vmem>>
        tpu.vector_store_idx %scatter3A_1024[%add3A_1019, %broadcast_in_dim3A], %add3A_1016 : memref<32x129xf32, #tpu.memory_space<vmem>>[vector<16xi32>, vector<16xi32>], vector<16xf32>,
        %scan3A_1025 = arith.constant 1 : i32
        %scan3A_1026 = arith.addi %scan3A_988, %scan3A_1025 : i32
        %broadcast_in_dim3A_1027 = vector.broadcast %scan3A_1026 : i32 to vector<16xi32>
        %get3A_1028 = arith.constant 3 : i32
        %get3A_1029 = arith.index_cast %get3A_1028 : i32 to index
        %get3A_1030 = arith.index_cast %scan3A_1026 : i32 to index
        %get3A_1031 = arith.constant 0 : index
        %get3A_1032 = tpu.vector_load %arg9[%get3A_1029, %get3A_1030, %get3A_1031] {strides = array<i32>} : memref<4x128x32xf32, #tpu.memory_space<vmem>>, vector<16xf32>,
        %get3A_1033 = arith.constant 3 : i32
        %get3A_1034 = arith.index_cast %get3A_1033 : i32 to index
        %get3A_1035 = arith.index_cast %scan3A_1026 : i32 to index
        %get3A_1036 = arith.constant 0 : index
        %get3A_1037 = tpu.vector_load %arg10[%get3A_1034, %get3A_1035, %get3A_1036] {strides = array<i32>} : memref<4x128x32xf32, #tpu.memory_space<vmem>>, vector<16xf32>,
        %add3A_1038 = arith.addf %get3A_1032, %get3A_1037 : vector<16xf32>
        %add3A_1039 = arith.constant 0 : i32
        %add3A_1040 = vector.broadcast %add3A_1039 : i32 to vector<16xi32>
        %add3A_1041 = arith.addi %add3A_1040, %iota3A : vector<16xi32>
        %scatter3A_1042 = arith.constant 1 : i32
        %scatter3A_1043 = arith.constant 0 : i32
        %scatter3A_1044 = arith.constant 0 : i32
        %scatter3A_1045 = tpu.memref_slice %arg11[%scatter3A_1042, %scatter3A_1043, %scatter3A_1044] : memref<2x32x129xf32, #tpu.memory_space<vmem>> -> memref<1x32x129xf32, #tpu.memory_space<vmem>>
        %scatter3A_1046 = tpu.memref_squeeze %scatter3A_1045 : memref<1x32x129xf32, #tpu.memory_space<vmem>> -> memref<32x129xf32, #tpu.memory_space<vmem>>
        tpu.vector_store_idx %scatter3A_1046[%add3A_1041, %broadcast_in_dim3A_1027], %add3A_1038 : memref<32x129xf32, #tpu.memory_space<vmem>>[vector<16xi32>, vector<16xi32>], vector<16xf32>,
        %get3A_1047 = arith.constant 3 : i32
        %get3A_1048 = arith.index_cast %get3A_1047 : i32 to index
        %get3A_1049 = arith.index_cast %scan3A_1026 : i32 to index
        %get3A_1050 = arith.constant 16 : index
        %get3A_1051 = tpu.vector_load %arg9[%get3A_1048, %get3A_1049, %get3A_1050] {strides = array<i32>} : memref<4x128x32xf32, #tpu.memory_space<vmem>>, vector<16xf32>,
        %get3A_1052 = arith.constant 3 : i32
        %get3A_1053 = arith.index_cast %get3A_1052 : i32 to index
        %get3A_1054 = arith.index_cast %scan3A_1026 : i32 to index
        %get3A_1055 = arith.constant 16 : index
        %get3A_1056 = tpu.vector_load %arg10[%get3A_1053, %get3A_1054, %get3A_1055] {strides = array<i32>} : memref<4x128x32xf32, #tpu.memory_space<vmem>>, vector<16xf32>,
        %add3A_1057 = arith.addf %get3A_1051, %get3A_1056 : vector<16xf32>
        %add3A_1058 = arith.constant 16 : i32
        %add3A_1059 = vector.broadcast %add3A_1058 : i32 to vector<16xi32>
        %add3A_1060 = arith.addi %add3A_1059, %iota3A : vector<16xi32>
        %scatter3A_1061 = arith.constant 1 : i32
        %scatter3A_1062 = arith.constant 0 : i32
        %scatter3A_1063 = arith.constant 0 : i32
        %scatter3A_1064 = tpu.memref_slice %arg11[%scatter3A_1061, %scatter3A_1062, %scatter3A_1063] : memref<2x32x129xf32, #tpu.memory_space<vmem>> -> memref<1x32x129xf32, #tpu.memory_space<vmem>>
        %scatter3A_1065 = tpu.memref_squeeze %scatter3A_1064 : memref<1x32x129xf32, #tpu.memory_space<vmem>> -> memref<32x129xf32, #tpu.memory_space<vmem>>
        tpu.vector_store_idx %scatter3A_1065[%add3A_1060, %broadcast_in_dim3A_1027], %add3A_1057 : memref<32x129xf32, #tpu.memory_space<vmem>>[vector<16xi32>, vector<16xi32>], vector<16xf32>,
        %scan3A_1066 = arith.constant 2 : i32
        %scan3A_1067 = arith.addi %scan3A_988, %scan3A_1066 : i32
        %broadcast_in_dim3A_1068 = vector.broadcast %scan3A_1067 : i32 to vector<16xi32>
        %get3A_1069 = arith.constant 3 : i32
        %get3A_1070 = arith.index_cast %get3A_1069 : i32 to index
        %get3A_1071 = arith.index_cast %scan3A_1067 : i32 to index
        %get3A_1072 = arith.constant 0 : index
        %get3A_1073 = tpu.vector_load %arg9[%get3A_1070, %get3A_1071, %get3A_1072] {strides = array<i32>} : memref<4x128x32xf32, #tpu.memory_space<vmem>>, vector<16xf32>,
        %get3A_1074 = arith.constant 3 : i32
        %get3A_1075 = arith.index_cast %get3A_1074 : i32 to index
        %get3A_1076 = arith.index_cast %scan3A_1067 : i32 to index
        %get3A_1077 = arith.constant 0 : index
        %get3A_1078 = tpu.vector_load %arg10[%get3A_1075, %get3A_1076, %get3A_1077] {strides = array<i32>} : memref<4x128x32xf32, #tpu.memory_space<vmem>>, vector<16xf32>,
        %add3A_1079 = arith.addf %get3A_1073, %get3A_1078 : vector<16xf32>
        %add3A_1080 = arith.constant 0 : i32
        %add3A_1081 = vector.broadcast %add3A_1080 : i32 to vector<16xi32>
        %add3A_1082 = arith.addi %add3A_1081, %iota3A : vector<16xi32>
        %scatter3A_1083 = arith.constant 1 : i32
        %scatter3A_1084 = arith.constant 0 : i32
        %scatter3A_1085 = arith.constant 0 : i32
        %scatter3A_1086 = tpu.memref_slice %arg11[%scatter3A_1083, %scatter3A_1084, %scatter3A_1085] : memref<2x32x129xf32, #tpu.memory_space<vmem>> -> memref<1x32x129xf32, #tpu.memory_space<vmem>>
        %scatter3A_1087 = tpu.memref_squeeze %scatter3A_1086 : memref<1x32x129xf32, #tpu.memory_space<vmem>> -> memref<32x129xf32, #tpu.memory_space<vmem>>
        tpu.vector_store_idx %scatter3A_1087[%add3A_1082, %broadcast_in_dim3A_1068], %add3A_1079 : memref<32x129xf32, #tpu.memory_space<vmem>>[vector<16xi32>, vector<16xi32>], vector<16xf32>,
        %get3A_1088 = arith.constant 3 : i32
        %get3A_1089 = arith.index_cast %get3A_1088 : i32 to index
        %get3A_1090 = arith.index_cast %scan3A_1067 : i32 to index
        %get3A_1091 = arith.constant 16 : index
        %get3A_1092 = tpu.vector_load %arg9[%get3A_1089, %get3A_1090, %get3A_1091] {strides = array<i32>} : memref<4x128x32xf32, #tpu.memory_space<vmem>>, vector<16xf32>,
        %get3A_1093 = arith.constant 3 : i32
        %get3A_1094 = arith.index_cast %get3A_1093 : i32 to index
        %get3A_1095 = arith.index_cast %scan3A_1067 : i32 to index
        %get3A_1096 = arith.constant 16 : index
        %get3A_1097 = tpu.vector_load %arg10[%get3A_1094, %get3A_1095, %get3A_1096] {strides = array<i32>} : memref<4x128x32xf32, #tpu.memory_space<vmem>>, vector<16xf32>,
        %add3A_1098 = arith.addf %get3A_1092, %get3A_1097 : vector<16xf32>
        %add3A_1099 = arith.constant 16 : i32
        %add3A_1100 = vector.broadcast %add3A_1099 : i32 to vector<16xi32>
        %add3A_1101 = arith.addi %add3A_1100, %iota3A : vector<16xi32>
        %scatter3A_1102 = arith.constant 1 : i32
        %scatter3A_1103 = arith.constant 0 : i32
        %scatter3A_1104 = arith.constant 0 : i32
        %scatter3A_1105 = tpu.memref_slice %arg11[%scatter3A_1102, %scatter3A_1103, %scatter3A_1104] : memref<2x32x129xf32, #tpu.memory_space<vmem>> -> memref<1x32x129xf32, #tpu.memory_space<vmem>>
        %scatter3A_1106 = tpu.memref_squeeze %scatter3A_1105 : memref<1x32x129xf32, #tpu.memory_space<vmem>> -> memref<32x129xf32, #tpu.memory_space<vmem>>
        tpu.vector_store_idx %scatter3A_1106[%add3A_1101, %broadcast_in_dim3A_1068], %add3A_1098 : memref<32x129xf32, #tpu.memory_space<vmem>>[vector<16xi32>, vector<16xi32>], vector<16xf32>,
        %scan3A_1107 = arith.constant 3 : i32
        %scan3A_1108 = arith.addi %scan3A_988, %scan3A_1107 : i32
        %broadcast_in_dim3A_1109 = vector.broadcast %scan3A_1108 : i32 to vector<16xi32>
        %get3A_1110 = arith.constant 3 : i32
        %get3A_1111 = arith.index_cast %get3A_1110 : i32 to index
        %get3A_1112 = arith.index_cast %scan3A_1108 : i32 to index
        %get3A_1113 = arith.constant 0 : index
        %get3A_1114 = tpu.vector_load %arg9[%get3A_1111, %get3A_1112, %get3A_1113] {strides = array<i32>} : memref<4x128x32xf32, #tpu.memory_space<vmem>>, vector<16xf32>,
        %get3A_1115 = arith.constant 3 : i32
        %get3A_1116 = arith.index_cast %get3A_1115 : i32 to index
        %get3A_1117 = arith.index_cast %scan3A_1108 : i32 to index
        %get3A_1118 = arith.constant 0 : index
        %get3A_1119 = tpu.vector_load %arg10[%get3A_1116, %get3A_1117, %get3A_1118] {strides = array<i32>} : memref<4x128x32xf32, #tpu.memory_space<vmem>>, vector<16xf32>,
        %add3A_1120 = arith.addf %get3A_1114, %get3A_1119 : vector<16xf32>
        %add3A_1121 = arith.constant 0 : i32
        %add3A_1122 = vector.broadcast %add3A_1121 : i32 to vector<16xi32>
        %add3A_1123 = arith.addi %add3A_1122, %iota3A : vector<16xi32>
        %scatter3A_1124 = arith.constant 1 : i32
        %scatter3A_1125 = arith.constant 0 : i32
        %scatter3A_1126 = arith.constant 0 : i32
        %scatter3A_1127 = tpu.memref_slice %arg11[%scatter3A_1124, %scatter3A_1125, %scatter3A_1126] : memref<2x32x129xf32, #tpu.memory_space<vmem>> -> memref<1x32x129xf32, #tpu.memory_space<vmem>>
        %scatter3A_1128 = tpu.memref_squeeze %scatter3A_1127 : memref<1x32x129xf32, #tpu.memory_space<vmem>> -> memref<32x129xf32, #tpu.memory_space<vmem>>
        tpu.vector_store_idx %scatter3A_1128[%add3A_1123, %broadcast_in_dim3A_1109], %add3A_1120 : memref<32x129xf32, #tpu.memory_space<vmem>>[vector<16xi32>, vector<16xi32>], vector<16xf32>,
        %get3A_1129 = arith.constant 3 : i32
        %get3A_1130 = arith.index_cast %get3A_1129 : i32 to index
        %get3A_1131 = arith.index_cast %scan3A_1108 : i32 to index
        %get3A_1132 = arith.constant 16 : index
        %get3A_1133 = tpu.vector_load %arg9[%get3A_1130, %get3A_1131, %get3A_1132] {strides = array<i32>} : memref<4x128x32xf32, #tpu.memory_space<vmem>>, vector<16xf32>,
        %get3A_1134 = arith.constant 3 : i32
        %get3A_1135 = arith.index_cast %get3A_1134 : i32 to index
        %get3A_1136 = arith.index_cast %scan3A_1108 : i32 to index
        %get3A_1137 = arith.constant 16 : index
        %get3A_1138 = tpu.vector_load %arg10[%get3A_1135, %get3A_1136, %get3A_1137] {strides = array<i32>} : memref<4x128x32xf32, #tpu.memory_space<vmem>>, vector<16xf32>,
        %add3A_1139 = arith.addf %get3A_1133, %get3A_1138 : vector<16xf32>
        %add3A_1140 = arith.constant 16 : i32
        %add3A_1141 = vector.broadcast %add3A_1140 : i32 to vector<16xi32>
        %add3A_1142 = arith.addi %add3A_1141, %iota3A : vector<16xi32>
        %scatter3A_1143 = arith.constant 1 : i32
        %scatter3A_1144 = arith.constant 0 : i32
        %scatter3A_1145 = arith.constant 0 : i32
        %scatter3A_1146 = tpu.memref_slice %arg11[%scatter3A_1143, %scatter3A_1144, %scatter3A_1145] : memref<2x32x129xf32, #tpu.memory_space<vmem>> -> memref<1x32x129xf32, #tpu.memory_space<vmem>>
        %scatter3A_1147 = tpu.memref_squeeze %scatter3A_1146 : memref<1x32x129xf32, #tpu.memory_space<vmem>> -> memref<32x129xf32, #tpu.memory_space<vmem>>
        tpu.vector_store_idx %scatter3A_1147[%add3A_1142, %broadcast_in_dim3A_1109], %add3A_1139 : memref<32x129xf32, #tpu.memory_space<vmem>>[vector<16xi32>, vector<16xi32>], vector<16xf32>,
        %scan3A_1148 = arith.constant 4 : i32
        %scan3A_1149 = arith.addi %scan3A_988, %scan3A_1148 : i32
        %broadcast_in_dim3A_1150 = vector.broadcast %scan3A_1149 : i32 to vector<16xi32>
        %get3A_1151 = arith.constant 3 : i32
        %get3A_1152 = arith.index_cast %get3A_1151 : i32 to index
        %get3A_1153 = arith.index_cast %scan3A_1149 : i32 to index
        %get3A_1154 = arith.constant 0 : index
        %get3A_1155 = tpu.vector_load %arg9[%get3A_1152, %get3A_1153, %get3A_1154] {strides = array<i32>} : memref<4x128x32xf32, #tpu.memory_space<vmem>>, vector<16xf32>,
        %get3A_1156 = arith.constant 3 : i32
        %get3A_1157 = arith.index_cast %get3A_1156 : i32 to index
        %get3A_1158 = arith.index_cast %scan3A_1149 : i32 to index
        %get3A_1159 = arith.constant 0 : index
        %get3A_1160 = tpu.vector_load %arg10[%get3A_1157, %get3A_1158, %get3A_1159] {strides = array<i32>} : memref<4x128x32xf32, #tpu.memory_space<vmem>>, vector<16xf32>,
        %add3A_1161 = arith.addf %get3A_1155, %get3A_1160 : vector<16xf32>
        %add3A_1162 = arith.constant 0 : i32
        %add3A_1163 = vector.broadcast %add3A_1162 : i32 to vector<16xi32>
        %add3A_1164 = arith.addi %add3A_1163, %iota3A : vector<16xi32>
        %scatter3A_1165 = arith.constant 1 : i32
        %scatter3A_1166 = arith.constant 0 : i32
        %scatter3A_1167 = arith.constant 0 : i32
        %scatter3A_1168 = tpu.memref_slice %arg11[%scatter3A_1165, %scatter3A_1166, %scatter3A_1167] : memref<2x32x129xf32, #tpu.memory_space<vmem>> -> memref<1x32x129xf32, #tpu.memory_space<vmem>>
        %scatter3A_1169 = tpu.memref_squeeze %scatter3A_1168 : memref<1x32x129xf32, #tpu.memory_space<vmem>> -> memref<32x129xf32, #tpu.memory_space<vmem>>
        tpu.vector_store_idx %scatter3A_1169[%add3A_1164, %broadcast_in_dim3A_1150], %add3A_1161 : memref<32x129xf32, #tpu.memory_space<vmem>>[vector<16xi32>, vector<16xi32>], vector<16xf32>,
        %get3A_1170 = arith.constant 3 : i32
        %get3A_1171 = arith.index_cast %get3A_1170 : i32 to index
        %get3A_1172 = arith.index_cast %scan3A_1149 : i32 to index
        %get3A_1173 = arith.constant 16 : index
        %get3A_1174 = tpu.vector_load %arg9[%get3A_1171, %get3A_1172, %get3A_1173] {strides = array<i32>} : memref<4x128x32xf32, #tpu.memory_space<vmem>>, vector<16xf32>,
        %get3A_1175 = arith.constant 3 : i32
        %get3A_1176 = arith.index_cast %get3A_1175 : i32 to index
        %get3A_1177 = arith.index_cast %scan3A_1149 : i32 to index
        %get3A_1178 = arith.constant 16 : index
        %get3A_1179 = tpu.vector_load %arg10[%get3A_1176, %get3A_1177, %get3A_1178] {strides = array<i32>} : memref<4x128x32xf32, #tpu.memory_space<vmem>>, vector<16xf32>,
        %add3A_1180 = arith.addf %get3A_1174, %get3A_1179 : vector<16xf32>
        %add3A_1181 = arith.constant 16 : i32
        %add3A_1182 = vector.broadcast %add3A_1181 : i32 to vector<16xi32>
        %add3A_1183 = arith.addi %add3A_1182, %iota3A : vector<16xi32>
        %scatter3A_1184 = arith.constant 1 : i32
        %scatter3A_1185 = arith.constant 0 : i32
        %scatter3A_1186 = arith.constant 0 : i32
        %scatter3A_1187 = tpu.memref_slice %arg11[%scatter3A_1184, %scatter3A_1185, %scatter3A_1186] : memref<2x32x129xf32, #tpu.memory_space<vmem>> -> memref<1x32x129xf32, #tpu.memory_space<vmem>>
        %scatter3A_1188 = tpu.memref_squeeze %scatter3A_1187 : memref<1x32x129xf32, #tpu.memory_space<vmem>> -> memref<32x129xf32, #tpu.memory_space<vmem>>
        tpu.vector_store_idx %scatter3A_1188[%add3A_1183, %broadcast_in_dim3A_1150], %add3A_1180 : memref<32x129xf32, #tpu.memory_space<vmem>>[vector<16xi32>, vector<16xi32>], vector<16xf32>,
        %scan3A_1189 = arith.constant 5 : i32
        %scan3A_1190 = arith.addi %scan3A_988, %scan3A_1189 : i32
        %broadcast_in_dim3A_1191 = vector.broadcast %scan3A_1190 : i32 to vector<16xi32>
        %get3A_1192 = arith.constant 3 : i32
        %get3A_1193 = arith.index_cast %get3A_1192 : i32 to index
        %get3A_1194 = arith.index_cast %scan3A_1190 : i32 to index
        %get3A_1195 = arith.constant 0 : index
        %get3A_1196 = tpu.vector_load %arg9[%get3A_1193, %get3A_1194, %get3A_1195] {strides = array<i32>} : memref<4x128x32xf32, #tpu.memory_space<vmem>>, vector<16xf32>,
        %get3A_1197 = arith.constant 3 : i32
        %get3A_1198 = arith.index_cast %get3A_1197 : i32 to index
        %get3A_1199 = arith.index_cast %scan3A_1190 : i32 to index
        %get3A_1200 = arith.constant 0 : index
        %get3A_1201 = tpu.vector_load %arg10[%get3A_1198, %get3A_1199, %get3A_1200] {strides = array<i32>} : memref<4x128x32xf32, #tpu.memory_space<vmem>>, vector<16xf32>,
        %add3A_1202 = arith.addf %get3A_1196, %get3A_1201 : vector<16xf32>
        %add3A_1203 = arith.constant 0 : i32
        %add3A_1204 = vector.broadcast %add3A_1203 : i32 to vector<16xi32>
        %add3A_1205 = arith.addi %add3A_1204, %iota3A : vector<16xi32>
        %scatter3A_1206 = arith.constant 1 : i32
        %scatter3A_1207 = arith.constant 0 : i32
        %scatter3A_1208 = arith.constant 0 : i32
        %scatter3A_1209 = tpu.memref_slice %arg11[%scatter3A_1206, %scatter3A_1207, %scatter3A_1208] : memref<2x32x129xf32, #tpu.memory_space<vmem>> -> memref<1x32x129xf32, #tpu.memory_space<vmem>>
        %scatter3A_1210 = tpu.memref_squeeze %scatter3A_1209 : memref<1x32x129xf32, #tpu.memory_space<vmem>> -> memref<32x129xf32, #tpu.memory_space<vmem>>
        tpu.vector_store_idx %scatter3A_1210[%add3A_1205, %broadcast_in_dim3A_1191], %add3A_1202 : memref<32x129xf32, #tpu.memory_space<vmem>>[vector<16xi32>, vector<16xi32>], vector<16xf32>,
        %get3A_1211 = arith.constant 3 : i32
        %get3A_1212 = arith.index_cast %get3A_1211 : i32 to index
        %get3A_1213 = arith.index_cast %scan3A_1190 : i32 to index
        %get3A_1214 = arith.constant 16 : index
        %get3A_1215 = tpu.vector_load %arg9[%get3A_1212, %get3A_1213, %get3A_1214] {strides = array<i32>} : memref<4x128x32xf32, #tpu.memory_space<vmem>>, vector<16xf32>,
        %get3A_1216 = arith.constant 3 : i32
        %get3A_1217 = arith.index_cast %get3A_1216 : i32 to index
        %get3A_1218 = arith.index_cast %scan3A_1190 : i32 to index
        %get3A_1219 = arith.constant 16 : index
        %get3A_1220 = tpu.vector_load %arg10[%get3A_1217, %get3A_1218, %get3A_1219] {strides = array<i32>} : memref<4x128x32xf32, #tpu.memory_space<vmem>>, vector<16xf32>,
        %add3A_1221 = arith.addf %get3A_1215, %get3A_1220 : vector<16xf32>
        %add3A_1222 = arith.constant 16 : i32
        %add3A_1223 = vector.broadcast %add3A_1222 : i32 to vector<16xi32>
        %add3A_1224 = arith.addi %add3A_1223, %iota3A : vector<16xi32>
        %scatter3A_1225 = arith.constant 1 : i32
        %scatter3A_1226 = arith.constant 0 : i32
        %scatter3A_1227 = arith.constant 0 : i32
        %scatter3A_1228 = tpu.memref_slice %arg11[%scatter3A_1225, %scatter3A_1226, %scatter3A_1227] : memref<2x32x129xf32, #tpu.memory_space<vmem>> -> memref<1x32x129xf32, #tpu.memory_space<vmem>>
        %scatter3A_1229 = tpu.memref_squeeze %scatter3A_1228 : memref<1x32x129xf32, #tpu.memory_space<vmem>> -> memref<32x129xf32, #tpu.memory_space<vmem>>
        tpu.vector_store_idx %scatter3A_1229[%add3A_1224, %broadcast_in_dim3A_1191], %add3A_1221 : memref<32x129xf32, #tpu.memory_space<vmem>>[vector<16xi32>, vector<16xi32>], vector<16xf32>,
        %scan3A_1230 = arith.constant 6 : i32
        %scan3A_1231 = arith.addi %scan3A_988, %scan3A_1230 : i32
        %broadcast_in_dim3A_1232 = vector.broadcast %scan3A_1231 : i32 to vector<16xi32>
        %get3A_1233 = arith.constant 3 : i32
        %get3A_1234 = arith.index_cast %get3A_1233 : i32 to index
        %get3A_1235 = arith.index_cast %scan3A_1231 : i32 to index
        %get3A_1236 = arith.constant 0 : index
        %get3A_1237 = tpu.vector_load %arg9[%get3A_1234, %get3A_1235, %get3A_1236] {strides = array<i32>} : memref<4x128x32xf32, #tpu.memory_space<vmem>>, vector<16xf32>,
        %get3A_1238 = arith.constant 3 : i32
        %get3A_1239 = arith.index_cast %get3A_1238 : i32 to index
        %get3A_1240 = arith.index_cast %scan3A_1231 : i32 to index
        %get3A_1241 = arith.constant 0 : index
        %get3A_1242 = tpu.vector_load %arg10[%get3A_1239, %get3A_1240, %get3A_1241] {strides = array<i32>} : memref<4x128x32xf32, #tpu.memory_space<vmem>>, vector<16xf32>,
        %add3A_1243 = arith.addf %get3A_1237, %get3A_1242 : vector<16xf32>
        %add3A_1244 = arith.constant 0 : i32
        %add3A_1245 = vector.broadcast %add3A_1244 : i32 to vector<16xi32>
        %add3A_1246 = arith.addi %add3A_1245, %iota3A : vector<16xi32>
        %scatter3A_1247 = arith.constant 1 : i32
        %scatter3A_1248 = arith.constant 0 : i32
        %scatter3A_1249 = arith.constant 0 : i32
        %scatter3A_1250 = tpu.memref_slice %arg11[%scatter3A_1247, %scatter3A_1248, %scatter3A_1249] : memref<2x32x129xf32, #tpu.memory_space<vmem>> -> memref<1x32x129xf32, #tpu.memory_space<vmem>>
        %scatter3A_1251 = tpu.memref_squeeze %scatter3A_1250 : memref<1x32x129xf32, #tpu.memory_space<vmem>> -> memref<32x129xf32, #tpu.memory_space<vmem>>
        tpu.vector_store_idx %scatter3A_1251[%add3A_1246, %broadcast_in_dim3A_1232], %add3A_1243 : memref<32x129xf32, #tpu.memory_space<vmem>>[vector<16xi32>, vector<16xi32>], vector<16xf32>,
        %get3A_1252 = arith.constant 3 : i32
        %get3A_1253 = arith.index_cast %get3A_1252 : i32 to index
        %get3A_1254 = arith.index_cast %scan3A_1231 : i32 to index
        %get3A_1255 = arith.constant 16 : index
        %get3A_1256 = tpu.vector_load %arg9[%get3A_1253, %get3A_1254, %get3A_1255] {strides = array<i32>} : memref<4x128x32xf32, #tpu.memory_space<vmem>>, vector<16xf32>,
        %get3A_1257 = arith.constant 3 : i32
        %get3A_1258 = arith.index_cast %get3A_1257 : i32 to index
        %get3A_1259 = arith.index_cast %scan3A_1231 : i32 to index
        %get3A_1260 = arith.constant 16 : index
        %get3A_1261 = tpu.vector_load %arg10[%get3A_1258, %get3A_1259, %get3A_1260] {strides = array<i32>} : memref<4x128x32xf32, #tpu.memory_space<vmem>>, vector<16xf32>,
        %add3A_1262 = arith.addf %get3A_1256, %get3A_1261 : vector<16xf32>
        %add3A_1263 = arith.constant 16 : i32
        %add3A_1264 = vector.broadcast %add3A_1263 : i32 to vector<16xi32>
        %add3A_1265 = arith.addi %add3A_1264, %iota3A : vector<16xi32>
        %scatter3A_1266 = arith.constant 1 : i32
        %scatter3A_1267 = arith.constant 0 : i32
        %scatter3A_1268 = arith.constant 0 : i32
        %scatter3A_1269 = tpu.memref_slice %arg11[%scatter3A_1266, %scatter3A_1267, %scatter3A_1268] : memref<2x32x129xf32, #tpu.memory_space<vmem>> -> memref<1x32x129xf32, #tpu.memory_space<vmem>>
        %scatter3A_1270 = tpu.memref_squeeze %scatter3A_1269 : memref<1x32x129xf32, #tpu.memory_space<vmem>> -> memref<32x129xf32, #tpu.memory_space<vmem>>
        tpu.vector_store_idx %scatter3A_1270[%add3A_1265, %broadcast_in_dim3A_1232], %add3A_1262 : memref<32x129xf32, #tpu.memory_space<vmem>>[vector<16xi32>, vector<16xi32>], vector<16xf32>,
        %scan3A_1271 = arith.constant 7 : i32
        %scan3A_1272 = arith.addi %scan3A_988, %scan3A_1271 : i32
        %broadcast_in_dim3A_1273 = vector.broadcast %scan3A_1272 : i32 to vector<16xi32>
        %get3A_1274 = arith.constant 3 : i32
        %get3A_1275 = arith.index_cast %get3A_1274 : i32 to index
        %get3A_1276 = arith.index_cast %scan3A_1272 : i32 to index
        %get3A_1277 = arith.constant 0 : index
        %get3A_1278 = tpu.vector_load %arg9[%get3A_1275, %get3A_1276, %get3A_1277] {strides = array<i32>} : memref<4x128x32xf32, #tpu.memory_space<vmem>>, vector<16xf32>,
        %get3A_1279 = arith.constant 3 : i32
        %get3A_1280 = arith.index_cast %get3A_1279 : i32 to index
        %get3A_1281 = arith.index_cast %scan3A_1272 : i32 to index
        %get3A_1282 = arith.constant 0 : index
        %get3A_1283 = tpu.vector_load %arg10[%get3A_1280, %get3A_1281, %get3A_1282] {strides = array<i32>} : memref<4x128x32xf32, #tpu.memory_space<vmem>>, vector<16xf32>,
        %add3A_1284 = arith.addf %get3A_1278, %get3A_1283 : vector<16xf32>
        %add3A_1285 = arith.constant 0 : i32
        %add3A_1286 = vector.broadcast %add3A_1285 : i32 to vector<16xi32>
        %add3A_1287 = arith.addi %add3A_1286, %iota3A : vector<16xi32>
        %scatter3A_1288 = arith.constant 1 : i32
        %scatter3A_1289 = arith.constant 0 : i32
        %scatter3A_1290 = arith.constant 0 : i32
        %scatter3A_1291 = tpu.memref_slice %arg11[%scatter3A_1288, %scatter3A_1289, %scatter3A_1290] : memref<2x32x129xf32, #tpu.memory_space<vmem>> -> memref<1x32x129xf32, #tpu.memory_space<vmem>>
        %scatter3A_1292 = tpu.memref_squeeze %scatter3A_1291 : memref<1x32x129xf32, #tpu.memory_space<vmem>> -> memref<32x129xf32, #tpu.memory_space<vmem>>
        tpu.vector_store_idx %scatter3A_1292[%add3A_1287, %broadcast_in_dim3A_1273], %add3A_1284 : memref<32x129xf32, #tpu.memory_space<vmem>>[vector<16xi32>, vector<16xi32>], vector<16xf32>,
        %get3A_1293 = arith.constant 3 : i32
        %get3A_1294 = arith.index_cast %get3A_1293 : i32 to index
        %get3A_1295 = arith.index_cast %scan3A_1272 : i32 to index
        %get3A_1296 = arith.constant 16 : index
        %get3A_1297 = tpu.vector_load %arg9[%get3A_1294, %get3A_1295, %get3A_1296] {strides = array<i32>} : memref<4x128x32xf32, #tpu.memory_space<vmem>>, vector<16xf32>,
        %get3A_1298 = arith.constant 3 : i32
        %get3A_1299 = arith.index_cast %get3A_1298 : i32 to index
        %get3A_1300 = arith.index_cast %scan3A_1272 : i32 to index
        %get3A_1301 = arith.constant 16 : index
        %get3A_1302 = tpu.vector_load %arg10[%get3A_1299, %get3A_1300, %get3A_1301] {strides = array<i32>} : memref<4x128x32xf32, #tpu.memory_space<vmem>>, vector<16xf32>,
        %add3A_1303 = arith.addf %get3A_1297, %get3A_1302 : vector<16xf32>
        %add3A_1304 = arith.constant 16 : i32
        %add3A_1305 = vector.broadcast %add3A_1304 : i32 to vector<16xi32>
        %add3A_1306 = arith.addi %add3A_1305, %iota3A : vector<16xi32>
        %scatter3A_1307 = arith.constant 1 : i32
        %scatter3A_1308 = arith.constant 0 : i32
        %scatter3A_1309 = arith.constant 0 : i32
        %scatter3A_1310 = tpu.memref_slice %arg11[%scatter3A_1307, %scatter3A_1308, %scatter3A_1309] : memref<2x32x129xf32, #tpu.memory_space<vmem>> -> memref<1x32x129xf32, #tpu.memory_space<vmem>>
        %scatter3A_1311 = tpu.memref_squeeze %scatter3A_1310 : memref<1x32x129xf32, #tpu.memory_space<vmem>> -> memref<32x129xf32, #tpu.memory_space<vmem>>
        tpu.vector_store_idx %scatter3A_1311[%add3A_1306, %broadcast_in_dim3A_1273], %add3A_1303 : memref<32x129xf32, #tpu.memory_space<vmem>>[vector<16xi32>, vector<16xi32>], vector<16xf32>,
      }
      %scan3A_894 = arith.constant 128 : i32
      %lt3A_895 = arith.constant 49 : i32
      %lt3A_896 = arith.cmpi slt, %scan3A_206, %lt3A_895 : i32
      %convert_element_type3A_897 = arith.extui %lt3A_896 : i1 to i32
      %cond3A_898 = arith.constant 0 : i32
      %cond3A_899 = arith.cmpi ne, %convert_element_type3A_897, %cond3A_898 : i32
      scf.if %cond3A_899 {
        %add3A_988 = arith.constant 4 : i32
        %add3A_989 = arith.addi %add3A_765, %add3A_988 : i32
        %mul3A_990 = arith.constant 128 : i32
        %mul3A_991 = arith.muli %add3A_989, %mul3A_990 : i32
        %dma_start3A_992 = arith.constant 3 : i32
        %dma_start3A_993 = arith.constant 0 : i32
        %dma_start3A_994 = arith.constant 0 : i32
        %dma_start3A_995 = tpu.memref_slice %arg9[%dma_start3A_992, %dma_start3A_993, %dma_start3A_994] : memref<4x128x32xf32, #tpu.memory_space<vmem>> -> memref<1x128x32xf32, #tpu.memory_space<vmem>>
        %dma_start3A_996 = tpu.memref_squeeze %dma_start3A_995 : memref<1x128x32xf32, #tpu.memory_space<vmem>> -> memref<128x32xf32, #tpu.memory_space<vmem>>
        %dma_start3A_997 = tpu.memref_slice %arg7[%mul3A_991] : memref<25600xi32, #tpu.memory_space<vmem>> -> memref<128xi32, #tpu.memory_space<vmem>>
        %dma_start3A_998 = arith.constant 0 : i32
        %dma_start3A_999 = arith.constant 0 : i32
        %dma_start3A_1000 = tpu.memref_slice %arg2[%dma_start3A_998, %dma_start3A_999] : memref<1000000x32xf32, #tpu.memory_space<hbm>> -> memref<1000000x32xf32, #tpu.memory_space<hbm>>
        tpu.enqueue_indirect_dma source(%dma_start3A_1000 : memref<1000000x32xf32, #tpu.memory_space<hbm>>) target(%dma_start3A_996 : memref<128x32xf32, #tpu.memory_space<vmem>>) offsets(%dma_start3A_997 : memref<128xi32, #tpu.memory_space<vmem>>) semaphore(%arg15 : memref<!tpu.dma_semaphore, #tpu.memory_space<semaphore_mem>>)
        %dma_start3A_1001 = arith.constant 3 : i32
        %dma_start3A_1002 = arith.constant 0 : i32
        %dma_start3A_1003 = arith.constant 0 : i32
        %dma_start3A_1004 = tpu.memref_slice %arg10[%dma_start3A_1001, %dma_start3A_1002, %dma_start3A_1003] : memref<4x128x32xf32, #tpu.memory_space<vmem>> -> memref<1x128x32xf32, #tpu.memory_space<vmem>>
        %dma_start3A_1005 = tpu.memref_squeeze %dma_start3A_1004 : memref<1x128x32xf32, #tpu.memory_space<vmem>> -> memref<128x32xf32, #tpu.memory_space<vmem>>
        %dma_start3A_1006 = tpu.memref_slice %arg8[%mul3A_991] : memref<25600xi32, #tpu.memory_space<vmem>> -> memref<128xi32, #tpu.memory_space<vmem>>
        %dma_start3A_1007 = arith.constant 0 : i32
        %dma_start3A_1008 = arith.constant 0 : i32
        %dma_start3A_1009 = tpu.memref_slice %arg4[%dma_start3A_1007, %dma_start3A_1008] : memref<1000000x32xf32, #tpu.memory_space<hbm>> -> memref<1000000x32xf32, #tpu.memory_space<hbm>>
        tpu.enqueue_indirect_dma source(%dma_start3A_1009 : memref<1000000x32xf32, #tpu.memory_space<hbm>>) target(%dma_start3A_1005 : memref<128x32xf32, #tpu.memory_space<vmem>>) offsets(%dma_start3A_1006 : memref<128xi32, #tpu.memory_space<vmem>>) semaphore(%arg19 : memref<!tpu.dma_semaphore, #tpu.memory_space<semaphore_mem>>)
      } else {
      }
      %mul3A_900 = arith.constant 4 : i32
      %mul3A_901 = arith.muli %select_n3A_792, %mul3A_900 : i32
      %add3A_902 = arith.constant 0 : i32
      %add3A_903 = arith.addi %mul3A_901, %add3A_902 : i32
      %mul3A_904 = arith.constant 1024 : i32
      %mul3A_905 = arith.muli %add3A_903, %mul3A_904 : i32
      %mul3A_906 = arith.constant 8 : i32
      %mul3A_907 = arith.muli %select_n3A_808, %mul3A_906 : i32
      %add3A_908 = arith.addi %mul3A_905, %mul3A_907 : i32
      %dma_start3A_909 = arith.constant 1 : i32
      %dma_start3A_910 = arith.constant 0 : i32
      %dma_start3A_911 = arith.constant 0 : i32
      %dma_start3A_912 = tpu.memref_slice %arg11[%dma_start3A_909, %dma_start3A_910, %dma_start3A_911] : memref<2x32x129xf32, #tpu.memory_space<vmem>> -> memref<1x8x128xf32, #tpu.memory_space<vmem>>
      %dma_start3A_913 = tpu.memref_squeeze %dma_start3A_912 : memref<1x8x128xf32, #tpu.memory_space<vmem>> -> memref<8x128xf32, #tpu.memory_space<vmem>>
      %dma_start3A_914 = arith.constant 0 : i32
      %dma_start3A_915 = tpu.memref_slice %arg6[%add3A_908, %dma_start3A_914] : memref<204800x128xf32, #tpu.memory_space<hbm>> -> memref<8x128xf32, #tpu.memory_space<hbm>>
      %dma_start3A_916 = arith.constant 0 : i32
      %dma_start3A_917 = tpu.memref_slice %arg6[%add3A_908, %dma_start3A_916] : memref<204800x128xf32, #tpu.memory_space<hbm>> -> memref<8x128xf32, #tpu.memory_space<hbm>>
      %dma_start3A_918 = arith.constant 0 : i32
      %dma_start3A_919 = arith.constant 0 : i32
      %dma_start3A_920 = tpu.memref_slice %arg11[%dma_start3A_909, %dma_start3A_918, %dma_start3A_919] : memref<2x32x129xf32, #tpu.memory_space<vmem>> -> memref<1x8x128xf32, #tpu.memory_space<vmem>>
      %dma_start3A_921 = tpu.memref_squeeze %dma_start3A_920 : memref<1x8x128xf32, #tpu.memory_space<vmem>> -> memref<8x128xf32, #tpu.memory_space<vmem>>
      tpu.enqueue_dma source(%dma_start3A_921 : memref<8x128xf32, #tpu.memory_space<vmem>>) target(%dma_start3A_917 : memref<8x128xf32, #tpu.memory_space<hbm>>) target_semaphore(%arg21 : memref<!tpu.dma_semaphore, #tpu.memory_space<semaphore_mem>>)
      %mul3A_922 = arith.constant 4 : i32
      %mul3A_923 = arith.muli %select_n3A_792, %mul3A_922 : i32
      %add3A_924 = arith.constant 1 : i32
      %add3A_925 = arith.addi %mul3A_923, %add3A_924 : i32
      %mul3A_926 = arith.constant 1024 : i32
      %mul3A_927 = arith.muli %add3A_925, %mul3A_926 : i32
      %mul3A_928 = arith.constant 8 : i32
      %mul3A_929 = arith.muli %select_n3A_808, %mul3A_928 : i32
      %add3A_930 = arith.addi %mul3A_927, %mul3A_929 : i32
      %dma_start3A_931 = arith.constant 1 : i32
      %dma_start3A_932 = arith.constant 8 : i32
      %dma_start3A_933 = arith.constant 0 : i32
      %dma_start3A_934 = tpu.memref_slice %arg11[%dma_start3A_931, %dma_start3A_932, %dma_start3A_933] : memref<2x32x129xf32, #tpu.memory_space<vmem>> -> memref<1x8x128xf32, #tpu.memory_space<vmem>>
      %dma_start3A_935 = tpu.memref_squeeze %dma_start3A_934 : memref<1x8x128xf32, #tpu.memory_space<vmem>> -> memref<8x128xf32, #tpu.memory_space<vmem>>
      %dma_start3A_936 = arith.constant 0 : i32
      %dma_start3A_937 = tpu.memref_slice %arg6[%add3A_930, %dma_start3A_936] : memref<204800x128xf32, #tpu.memory_space<hbm>> -> memref<8x128xf32, #tpu.memory_space<hbm>>
      %dma_start3A_938 = arith.constant 0 : i32
      %dma_start3A_939 = tpu.memref_slice %arg6[%add3A_930, %dma_start3A_938] : memref<204800x128xf32, #tpu.memory_space<hbm>> -> memref<8x128xf32, #tpu.memory_space<hbm>>
      %dma_start3A_940 = arith.constant 8 : i32
      %dma_start3A_941 = arith.constant 0 : i32
      %dma_start3A_942 = tpu.memref_slice %arg11[%dma_start3A_931, %dma_start3A_940, %dma_start3A_941] : memref<2x32x129xf32, #tpu.memory_space<vmem>> -> memref<1x8x128xf32, #tpu.memory_space<vmem>>
      %dma_start3A_943 = tpu.memref_squeeze %dma_start3A_942 : memref<1x8x128xf32, #tpu.memory_space<vmem>> -> memref<8x128xf32, #tpu.memory_space<vmem>>
      tpu.enqueue_dma source(%dma_start3A_943 : memref<8x128xf32, #tpu.memory_space<vmem>>) target(%dma_start3A_939 : memref<8x128xf32, #tpu.memory_space<hbm>>) target_semaphore(%arg21 : memref<!tpu.dma_semaphore, #tpu.memory_space<semaphore_mem>>)
      %mul3A_944 = arith.constant 4 : i32
      %mul3A_945 = arith.muli %select_n3A_792, %mul3A_944 : i32
      %add3A_946 = arith.constant 2 : i32
      %add3A_947 = arith.addi %mul3A_945, %add3A_946 : i32
      %mul3A_948 = arith.constant 1024 : i32
      %mul3A_949 = arith.muli %add3A_947, %mul3A_948 : i32
      %mul3A_950 = arith.constant 8 : i32
      %mul3A_951 = arith.muli %select_n3A_808, %mul3A_950 : i32
      %add3A_952 = arith.addi %mul3A_949, %mul3A_951 : i32
      %dma_start3A_953 = arith.constant 1 : i32
      %dma_start3A_954 = arith.constant 16 : i32
      %dma_start3A_955 = arith.constant 0 : i32
      %dma_start3A_956 = tpu.memref_slice %arg11[%dma_start3A_953, %dma_start3A_954, %dma_start3A_955] : memref<2x32x129xf32, #tpu.memory_space<vmem>> -> memref<1x8x128xf32, #tpu.memory_space<vmem>>
      %dma_start3A_957 = tpu.memref_squeeze %dma_start3A_956 : memref<1x8x128xf32, #tpu.memory_space<vmem>> -> memref<8x128xf32, #tpu.memory_space<vmem>>
      %dma_start3A_958 = arith.constant 0 : i32
      %dma_start3A_959 = tpu.memref_slice %arg6[%add3A_952, %dma_start3A_958] : memref<204800x128xf32, #tpu.memory_space<hbm>> -> memref<8x128xf32, #tpu.memory_space<hbm>>
      %dma_start3A_960 = arith.constant 0 : i32
      %dma_start3A_961 = tpu.memref_slice %arg6[%add3A_952, %dma_start3A_960] : memref<204800x128xf32, #tpu.memory_space<hbm>> -> memref<8x128xf32, #tpu.memory_space<hbm>>
      %dma_start3A_962 = arith.constant 16 : i32
      %dma_start3A_963 = arith.constant 0 : i32
      %dma_start3A_964 = tpu.memref_slice %arg11[%dma_start3A_953, %dma_start3A_962, %dma_start3A_963] : memref<2x32x129xf32, #tpu.memory_space<vmem>> -> memref<1x8x128xf32, #tpu.memory_space<vmem>>
      %dma_start3A_965 = tpu.memref_squeeze %dma_start3A_964 : memref<1x8x128xf32, #tpu.memory_space<vmem>> -> memref<8x128xf32, #tpu.memory_space<vmem>>
      tpu.enqueue_dma source(%dma_start3A_965 : memref<8x128xf32, #tpu.memory_space<vmem>>) target(%dma_start3A_961 : memref<8x128xf32, #tpu.memory_space<hbm>>) target_semaphore(%arg21 : memref<!tpu.dma_semaphore, #tpu.memory_space<semaphore_mem>>)
      %mul3A_966 = arith.constant 4 : i32
      %mul3A_967 = arith.muli %select_n3A_792, %mul3A_966 : i32
      %add3A_968 = arith.constant 3 : i32
      %add3A_969 = arith.addi %mul3A_967, %add3A_968 : i32
      %mul3A_970 = arith.constant 1024 : i32
      %mul3A_971 = arith.muli %add3A_969, %mul3A_970 : i32
      %mul3A_972 = arith.constant 8 : i32
      %mul3A_973 = arith.muli %select_n3A_808, %mul3A_972 : i32
      %add3A_974 = arith.addi %mul3A_971, %mul3A_973 : i32
      %dma_start3A_975 = arith.constant 1 : i32
      %dma_start3A_976 = arith.constant 24 : i32
      %dma_start3A_977 = arith.constant 0 : i32
      %dma_start3A_978 = tpu.memref_slice %arg11[%dma_start3A_975, %dma_start3A_976, %dma_start3A_977] : memref<2x32x129xf32, #tpu.memory_space<vmem>> -> memref<1x8x128xf32, #tpu.memory_space<vmem>>
      %dma_start3A_979 = tpu.memref_squeeze %dma_start3A_978 : memref<1x8x128xf32, #tpu.memory_space<vmem>> -> memref<8x128xf32, #tpu.memory_space<vmem>>
      %dma_start3A_980 = arith.constant 0 : i32
      %dma_start3A_981 = tpu.memref_slice %arg6[%add3A_974, %dma_start3A_980] : memref<204800x128xf32, #tpu.memory_space<hbm>> -> memref<8x128xf32, #tpu.memory_space<hbm>>
      %dma_start3A_982 = arith.constant 0 : i32
      %dma_start3A_983 = tpu.memref_slice %arg6[%add3A_974, %dma_start3A_982] : memref<204800x128xf32, #tpu.memory_space<hbm>> -> memref<8x128xf32, #tpu.memory_space<hbm>>
      %dma_start3A_984 = arith.constant 24 : i32
      %dma_start3A_985 = arith.constant 0 : i32
      %dma_start3A_986 = tpu.memref_slice %arg11[%dma_start3A_975, %dma_start3A_984, %dma_start3A_985] : memref<2x32x129xf32, #tpu.memory_space<vmem>> -> memref<1x8x128xf32, #tpu.memory_space<vmem>>
      %dma_start3A_987 = tpu.memref_squeeze %dma_start3A_986 : memref<1x8x128xf32, #tpu.memory_space<vmem>> -> memref<8x128xf32, #tpu.memory_space<vmem>>
      tpu.enqueue_dma source(%dma_start3A_987 : memref<8x128xf32, #tpu.memory_space<vmem>>) target(%dma_start3A_983 : memref<8x128xf32, #tpu.memory_space<hbm>>) target_semaphore(%arg21 : memref<!tpu.dma_semaphore, #tpu.memory_space<semaphore_mem>>)
    }
    %scan3A_86 = arith.constant 50 : i32
    %dma_wait3A = arith.constant 0 : i32
    %dma_wait3A_87 = arith.constant 0 : i32
    %dma_wait3A_88 = arith.constant 0 : i32
    %dma_wait3A_89 = tpu.memref_slice %arg11[%dma_wait3A, %dma_wait3A_87, %dma_wait3A_88] : memref<2x32x129xf32, #tpu.memory_space<vmem>> -> memref<1x8x128xf32, #tpu.memory_space<vmem>>
    %dma_wait3A_90 = tpu.memref_squeeze %dma_wait3A_89 : memref<1x8x128xf32, #tpu.memory_space<vmem>> -> memref<8x128xf32, #tpu.memory_space<vmem>>
    %dma_wait3A_91 = arith.constant 0 : i32
    %dma_wait3A_92 = arith.constant 0 : i32
    %dma_wait3A_93 = tpu.memref_slice %arg6[%dma_wait3A_91, %dma_wait3A_92] : memref<204800x128xf32, #tpu.memory_space<hbm>> -> memref<8x128xf32, #tpu.memory_space<hbm>>
    %dma_wait3A_94 = arith.constant 0 : i32
    %dma_wait3A_95 = arith.constant 0 : i32
    %dma_wait3A_96 = tpu.memref_slice %arg6[%dma_wait3A_94, %dma_wait3A_95] : memref<204800x128xf32, #tpu.memory_space<hbm>> -> memref<8x128xf32, #tpu.memory_space<hbm>>
    %dma_wait3A_97 = arith.constant 0 : i32
    %dma_wait3A_98 = arith.constant 0 : i32
    %dma_wait3A_99 = tpu.memref_slice %arg11[%dma_wait3A, %dma_wait3A_97, %dma_wait3A_98] : memref<2x32x129xf32, #tpu.memory_space<vmem>> -> memref<1x8x128xf32, #tpu.memory_space<vmem>>
    %dma_wait3A_100 = tpu.memref_squeeze %dma_wait3A_99 : memref<1x8x128xf32, #tpu.memory_space<vmem>> -> memref<8x128xf32, #tpu.memory_space<vmem>>
    tpu.wait_dma2 semaphore(%arg20 : memref<!tpu.dma_semaphore, #tpu.memory_space<semaphore_mem>>) src(%dma_wait3A_100 : memref<8x128xf32, #tpu.memory_space<vmem>>) dst(%dma_wait3A_96 : memref<8x128xf32, #tpu.memory_space<hbm>>)
    %dma_wait3A_101 = arith.constant 0 : i32
    %dma_wait3A_102 = arith.constant 0 : i32
    %dma_wait3A_103 = arith.constant 0 : i32
    %dma_wait3A_104 = tpu.memref_slice %arg11[%dma_wait3A_101, %dma_wait3A_102, %dma_wait3A_103] : memref<2x32x129xf32, #tpu.memory_space<vmem>> -> memref<1x8x128xf32, #tpu.memory_space<vmem>>
    %dma_wait3A_105 = tpu.memref_squeeze %dma_wait3A_104 : memref<1x8x128xf32, #tpu.memory_space<vmem>> -> memref<8x128xf32, #tpu.memory_space<vmem>>
    %dma_wait3A_106 = arith.constant 0 : i32
    %dma_wait3A_107 = arith.constant 0 : i32
    %dma_wait3A_108 = tpu.memref_slice %arg6[%dma_wait3A_106, %dma_wait3A_107] : memref<204800x128xf32, #tpu.memory_space<hbm>> -> memref<8x128xf32, #tpu.memory_space<hbm>>
    %dma_wait3A_109 = arith.constant 0 : i32
    %dma_wait3A_110 = arith.constant 0 : i32
    %dma_wait3A_111 = tpu.memref_slice %arg6[%dma_wait3A_109, %dma_wait3A_110] : memref<204800x128xf32, #tpu.memory_space<hbm>> -> memref<8x128xf32, #tpu.memory_space<hbm>>
    %dma_wait3A_112 = arith.constant 0 : i32
    %dma_wait3A_113 = arith.constant 0 : i32
    %dma_wait3A_114 = tpu.memref_slice %arg11[%dma_wait3A_101, %dma_wait3A_112, %dma_wait3A_113] : memref<2x32x129xf32, #tpu.memory_space<vmem>> -> memref<1x8x128xf32, #tpu.memory_space<vmem>>
    %dma_wait3A_115 = tpu.memref_squeeze %dma_wait3A_114 : memref<1x8x128xf32, #tpu.memory_space<vmem>> -> memref<8x128xf32, #tpu.memory_space<vmem>>
    tpu.wait_dma2 semaphore(%arg20 : memref<!tpu.dma_semaphore, #tpu.memory_space<semaphore_mem>>) src(%dma_wait3A_115 : memref<8x128xf32, #tpu.memory_space<vmem>>) dst(%dma_wait3A_111 : memref<8x128xf32, #tpu.memory_space<hbm>>)
    %dma_wait3A_116 = arith.constant 0 : i32
    %dma_wait3A_117 = arith.constant 0 : i32
    %dma_wait3A_118 = arith.constant 0 : i32
    %dma_wait3A_119 = tpu.memref_slice %arg11[%dma_wait3A_116, %dma_wait3A_117, %dma_wait3A_118] : memref<2x32x129xf32, #tpu.memory_space<vmem>> -> memref<1x8x128xf32, #tpu.memory_space<vmem>>
    %dma_wait3A_120 = tpu.memref_squeeze %dma_wait3A_119 : memref<1x8x128xf32, #tpu.memory_space<vmem>> -> memref<8x128xf32, #tpu.memory_space<vmem>>
    %dma_wait3A_121 = arith.constant 0 : i32
    %dma_wait3A_122 = arith.constant 0 : i32
    %dma_wait3A_123 = tpu.memref_slice %arg6[%dma_wait3A_121, %dma_wait3A_122] : memref<204800x128xf32, #tpu.memory_space<hbm>> -> memref<8x128xf32, #tpu.memory_space<hbm>>
    %dma_wait3A_124 = arith.constant 0 : i32
    %dma_wait3A_125 = arith.constant 0 : i32
    %dma_wait3A_126 = tpu.memref_slice %arg6[%dma_wait3A_124, %dma_wait3A_125] : memref<204800x128xf32, #tpu.memory_space<hbm>> -> memref<8x128xf32, #tpu.memory_space<hbm>>
    %dma_wait3A_127 = arith.constant 0 : i32
    %dma_wait3A_128 = arith.constant 0 : i32
    %dma_wait3A_129 = tpu.memref_slice %arg11[%dma_wait3A_116, %dma_wait3A_127, %dma_wait3A_128] : memref<2x32x129xf32, #tpu.memory_space<vmem>> -> memref<1x8x128xf32, #tpu.memory_space<vmem>>
    %dma_wait3A_130 = tpu.memref_squeeze %dma_wait3A_129 : memref<1x8x128xf32, #tpu.memory_space<vmem>> -> memref<8x128xf32, #tpu.memory_space<vmem>>
    tpu.wait_dma2 semaphore(%arg20 : memref<!tpu.dma_semaphore, #tpu.memory_space<semaphore_mem>>) src(%dma_wait3A_130 : memref<8x128xf32, #tpu.memory_space<vmem>>) dst(%dma_wait3A_126 : memref<8x128xf32, #tpu.memory_space<hbm>>)
    %dma_wait3A_131 = arith.constant 0 : i32
    %dma_wait3A_132 = arith.constant 0 : i32
    %dma_wait3A_133 = arith.constant 0 : i32
    %dma_wait3A_134 = tpu.memref_slice %arg11[%dma_wait3A_131, %dma_wait3A_132, %dma_wait3A_133] : memref<2x32x129xf32, #tpu.memory_space<vmem>> -> memref<1x8x128xf32, #tpu.memory_space<vmem>>
    %dma_wait3A_135 = tpu.memref_squeeze %dma_wait3A_134 : memref<1x8x128xf32, #tpu.memory_space<vmem>> -> memref<8x128xf32, #tpu.memory_space<vmem>>
    %dma_wait3A_136 = arith.constant 0 : i32
    %dma_wait3A_137 = arith.constant 0 : i32
    %dma_wait3A_138 = tpu.memref_slice %arg6[%dma_wait3A_136, %dma_wait3A_137] : memref<204800x128xf32, #tpu.memory_space<hbm>> -> memref<8x128xf32, #tpu.memory_space<hbm>>
    %dma_wait3A_139 = arith.constant 0 : i32
    %dma_wait3A_140 = arith.constant 0 : i32
    %dma_wait3A_141 = tpu.memref_slice %arg6[%dma_wait3A_139, %dma_wait3A_140] : memref<204800x128xf32, #tpu.memory_space<hbm>> -> memref<8x128xf32, #tpu.memory_space<hbm>>
    %dma_wait3A_142 = arith.constant 0 : i32
    %dma_wait3A_143 = arith.constant 0 : i32
    %dma_wait3A_144 = tpu.memref_slice %arg11[%dma_wait3A_131, %dma_wait3A_142, %dma_wait3A_143] : memref<2x32x129xf32, #tpu.memory_space<vmem>> -> memref<1x8x128xf32, #tpu.memory_space<vmem>>
    %dma_wait3A_145 = tpu.memref_squeeze %dma_wait3A_144 : memref<1x8x128xf32, #tpu.memory_space<vmem>> -> memref<8x128xf32, #tpu.memory_space<vmem>>
    tpu.wait_dma2 semaphore(%arg20 : memref<!tpu.dma_semaphore, #tpu.memory_space<semaphore_mem>>) src(%dma_wait3A_145 : memref<8x128xf32, #tpu.memory_space<vmem>>) dst(%dma_wait3A_141 : memref<8x128xf32, #tpu.memory_space<hbm>>)
    %dma_wait3A_146 = arith.constant 1 : i32
    %dma_wait3A_147 = arith.constant 0 : i32
    %dma_wait3A_148 = arith.constant 0 : i32
    %dma_wait3A_149 = tpu.memref_slice %arg11[%dma_wait3A_146, %dma_wait3A_147, %dma_wait3A_148] : memref<2x32x129xf32, #tpu.memory_space<vmem>> -> memref<1x8x128xf32, #tpu.memory_space<vmem>>
    %dma_wait3A_150 = tpu.memref_squeeze %dma_wait3A_149 : memref<1x8x128xf32, #tpu.memory_space<vmem>> -> memref<8x128xf32, #tpu.memory_space<vmem>>
    %dma_wait3A_151 = arith.constant 0 : i32
    %dma_wait3A_152 = arith.constant 0 : i32
    %dma_wait3A_153 = tpu.memref_slice %arg6[%dma_wait3A_151, %dma_wait3A_152] : memref<204800x128xf32, #tpu.memory_space<hbm>> -> memref<8x128xf32, #tpu.memory_space<hbm>>
    %dma_wait3A_154 = arith.constant 0 : i32
    %dma_wait3A_155 = arith.constant 0 : i32
    %dma_wait3A_156 = tpu.memref_slice %arg6[%dma_wait3A_154, %dma_wait3A_155] : memref<204800x128xf32, #tpu.memory_space<hbm>> -> memref<8x128xf32, #tpu.memory_space<hbm>>
    %dma_wait3A_157 = arith.constant 0 : i32
    %dma_wait3A_158 = arith.constant 0 : i32
    %dma_wait3A_159 = tpu.memref_slice %arg11[%dma_wait3A_146, %dma_wait3A_157, %dma_wait3A_158] : memref<2x32x129xf32, #tpu.memory_space<vmem>> -> memref<1x8x128xf32, #tpu.memory_space<vmem>>
    %dma_wait3A_160 = tpu.memref_squeeze %dma_wait3A_159 : memref<1x8x128xf32, #tpu.memory_space<vmem>> -> memref<8x128xf32, #tpu.memory_space<vmem>>
    tpu.wait_dma2 semaphore(%arg21 : memref<!tpu.dma_semaphore, #tpu.memory_space<semaphore_mem>>) src(%dma_wait3A_160 : memref<8x128xf32, #tpu.memory_space<vmem>>) dst(%dma_wait3A_156 : memref<8x128xf32, #tpu.memory_space<hbm>>)
    %dma_wait3A_161 = arith.constant 1 : i32
    %dma_wait3A_162 = arith.constant 0 : i32
    %dma_wait3A_163 = arith.constant 0 : i32
    %dma_wait3A_164 = tpu.memref_slice %arg11[%dma_wait3A_161, %dma_wait3A_162, %dma_wait3A_163] : memref<2x32x129xf32, #tpu.memory_space<vmem>> -> memref<1x8x128xf32, #tpu.memory_space<vmem>>
    %dma_wait3A_165 = tpu.memref_squeeze %dma_wait3A_164 : memref<1x8x128xf32, #tpu.memory_space<vmem>> -> memref<8x128xf32, #tpu.memory_space<vmem>>
    %dma_wait3A_166 = arith.constant 0 : i32
    %dma_wait3A_167 = arith.constant 0 : i32
    %dma_wait3A_168 = tpu.memref_slice %arg6[%dma_wait3A_166, %dma_wait3A_167] : memref<204800x128xf32, #tpu.memory_space<hbm>> -> memref<8x128xf32, #tpu.memory_space<hbm>>
    %dma_wait3A_169 = arith.constant 0 : i32
    %dma_wait3A_170 = arith.constant 0 : i32
    %dma_wait3A_171 = tpu.memref_slice %arg6[%dma_wait3A_169, %dma_wait3A_170] : memref<204800x128xf32, #tpu.memory_space<hbm>> -> memref<8x128xf32, #tpu.memory_space<hbm>>
    %dma_wait3A_172 = arith.constant 0 : i32
    %dma_wait3A_173 = arith.constant 0 : i32
    %dma_wait3A_174 = tpu.memref_slice %arg11[%dma_wait3A_161, %dma_wait3A_172, %dma_wait3A_173] : memref<2x32x129xf32, #tpu.memory_space<vmem>> -> memref<1x8x128xf32, #tpu.memory_space<vmem>>
    %dma_wait3A_175 = tpu.memref_squeeze %dma_wait3A_174 : memref<1x8x128xf32, #tpu.memory_space<vmem>> -> memref<8x128xf32, #tpu.memory_space<vmem>>
    tpu.wait_dma2 semaphore(%arg21 : memref<!tpu.dma_semaphore, #tpu.memory_space<semaphore_mem>>) src(%dma_wait3A_175 : memref<8x128xf32, #tpu.memory_space<vmem>>) dst(%dma_wait3A_171 : memref<8x128xf32, #tpu.memory_space<hbm>>)
    %dma_wait3A_176 = arith.constant 1 : i32
    %dma_wait3A_177 = arith.constant 0 : i32
    %dma_wait3A_178 = arith.constant 0 : i32
    %dma_wait3A_179 = tpu.memref_slice %arg11[%dma_wait3A_176, %dma_wait3A_177, %dma_wait3A_178] : memref<2x32x129xf32, #tpu.memory_space<vmem>> -> memref<1x8x128xf32, #tpu.memory_space<vmem>>
    %dma_wait3A_180 = tpu.memref_squeeze %dma_wait3A_179 : memref<1x8x128xf32, #tpu.memory_space<vmem>> -> memref<8x128xf32, #tpu.memory_space<vmem>>
    %dma_wait3A_181 = arith.constant 0 : i32
    %dma_wait3A_182 = arith.constant 0 : i32
    %dma_wait3A_183 = tpu.memref_slice %arg6[%dma_wait3A_181, %dma_wait3A_182] : memref<204800x128xf32, #tpu.memory_space<hbm>> -> memref<8x128xf32, #tpu.memory_space<hbm>>
    %dma_wait3A_184 = arith.constant 0 : i32
    %dma_wait3A_185 = arith.constant 0 : i32
    %dma_wait3A_186 = tpu.memref_slice %arg6[%dma_wait3A_184, %dma_wait3A_185] : memref<204800x128xf32, #tpu.memory_space<hbm>> -> memref<8x128xf32, #tpu.memory_space<hbm>>
    %dma_wait3A_187 = arith.constant 0 : i32
    %dma_wait3A_188 = arith.constant 0 : i32
    %dma_wait3A_189 = tpu.memref_slice %arg11[%dma_wait3A_176, %dma_wait3A_187, %dma_wait3A_188] : memref<2x32x129xf32, #tpu.memory_space<vmem>> -> memref<1x8x128xf32, #tpu.memory_space<vmem>>
    %dma_wait3A_190 = tpu.memref_squeeze %dma_wait3A_189 : memref<1x8x128xf32, #tpu.memory_space<vmem>> -> memref<8x128xf32, #tpu.memory_space<vmem>>
    tpu.wait_dma2 semaphore(%arg21 : memref<!tpu.dma_semaphore, #tpu.memory_space<semaphore_mem>>) src(%dma_wait3A_190 : memref<8x128xf32, #tpu.memory_space<vmem>>) dst(%dma_wait3A_186 : memref<8x128xf32, #tpu.memory_space<hbm>>)
    %dma_wait3A_191 = arith.constant 1 : i32
    %dma_wait3A_192 = arith.constant 0 : i32
    %dma_wait3A_193 = arith.constant 0 : i32
    %dma_wait3A_194 = tpu.memref_slice %arg11[%dma_wait3A_191, %dma_wait3A_192, %dma_wait3A_193] : memref<2x32x129xf32, #tpu.memory_space<vmem>> -> memref<1x8x128xf32, #tpu.memory_space<vmem>>
    %dma_wait3A_195 = tpu.memref_squeeze %dma_wait3A_194 : memref<1x8x128xf32, #tpu.memory_space<vmem>> -> memref<8x128xf32, #tpu.memory_space<vmem>>
    %dma_wait3A_196 = arith.constant 0 : i32
    %dma_wait3A_197 = arith.constant 0 : i32
    %dma_wait3A_198 = tpu.memref_slice %arg6[%dma_wait3A_196, %dma_wait3A_197] : memref<204800x128xf32, #tpu.memory_space<hbm>> -> memref<8x128xf32, #tpu.memory_space<hbm>>
    %dma_wait3A_199 = arith.constant 0 : i32
    %dma_wait3A_200 = arith.constant 0 : i32
    %dma_wait3A_201 = tpu.memref_slice %arg6[%dma_wait3A_199, %dma_wait3A_200] : memref<204800x128xf32, #tpu.memory_space<hbm>> -> memref<8x128xf32, #tpu.memory_space<hbm>>
    %dma_wait3A_202 = arith.constant 0 : i32
    %dma_wait3A_203 = arith.constant 0 : i32
    %dma_wait3A_204 = tpu.memref_slice %arg11[%dma_wait3A_191, %dma_wait3A_202, %dma_wait3A_203] : memref<2x32x129xf32, #tpu.memory_space<vmem>> -> memref<1x8x128xf32, #tpu.memory_space<vmem>>
    %dma_wait3A_205 = tpu.memref_squeeze %dma_wait3A_204 : memref<1x8x128xf32, #tpu.memory_space<vmem>> -> memref<8x128xf32, #tpu.memory_space<vmem>>
    tpu.wait_dma2 semaphore(%arg21 : memref<!tpu.dma_semaphore, #tpu.memory_space<semaphore_mem>>) src(%dma_wait3A_205 : memref<8x128xf32, #tpu.memory_space<vmem>>) dst(%dma_wait3A_201 : memref<8x128xf32, #tpu.memory_space<hbm>>)
    return
  }
}

</mosaic_0001>

<sc_bundles>
// kernel: kernel.3.cloned.1.call-start
scs
__scs_entry_jumppad:
0x0: {  	(pc) =	sbr.rel $0x88, $3  }
0x1: {  	(tag) =	ssettag $0x0;
	lr =	simm.s32 $0x1  }
0x2: {  	[smem:$0x3F9D] =	sst lr;
	_ =	strace $0xD0000000  }
0x3: {  	_ = 	snop  }
0x4: {  	_ = 	snop  }
0x5: {  	_ = 	snop  }
0x6: {  	_ = 	snop  }
0x7: {  	_ = 	snop  }
__scs_overlays_trampoline_lowered:
0x8: {  	[smem:$0x3FAC] =	sst s0  }
0x9: {  	[smem:$0x3FAD] =	sst s1  }
0xa: {  	[smem:$0x3FAE] =	sst s2  }
0xb: {  	[smem:$0x3FAF] =	sst s3  }
0xc: {  	[smem:$0x3FB0] =	sst s4  }
0xd: {  	[smem:$0x3FB1] =	sst s5  }
0xe: {  	[smem:$0x3FB2] =	sst s6  }
0xf: {  	[smem:$0x3FB3] =	sst s7  }
0x10: {  	[smem:$0x3FB4] =	sst s8  }
0x11: {  	[smem:$0x3FB5] =	sst s9;
	s0 =	simm.s32 @!p0 $0x0  }
0x12: {  	s1 =	sld [smem:$0x3F9B];
	s0 =	simm.s32 @p0 $0x1  }
0x13: {  	[smem:$0x3FB6] =	sst s0;
	s0 =	simm.s32 @!p1 $0x0  }
0x14: {  	s2 =	sld [smem:$0x3F9A];
	s0 =	simm.s32 @p1 $0x1  }
0x15: {  	[smem:$0x3FB7] =	sst s0;
	s0 =	simm.s32 @!p2 $0x0  }
0x16: {  	s3 =	sld [smem:$0x3FDB];
	s0 =	simm.s32 @p2 $0x1  }
0x17: {  	s4 =	simm.s32 $0x1BF5;
	[smem:$0x3FB9] =	sst s0  }
0x18: {  	s0 =	sld [smem:$0x3F9C];
	_ =	swait.ge [sflag:s4], $0x0  }
0x19: {  	s7 =	sld [smem:$0x3F9D]  }
0x1a: {  	s8 =	sadd.s32 $0xFFFFE003, lr  }
0x1b: {  	s9 =	sadd.s32 $0xFFFFFEF7, lr;
	s5 =	simm.s32 $0xFFFFFFFF;
	p2 =	slt.u32 s8, $0xFFFFF086  }
0x1c: {  	p1 =	slt.u32 s9, $0xF7A;
	s5 =	simm.s32 @!p2 $0x0  }
0x1d: {  	s5 =	simm.s32 @p1 $0x1;
	p0 =	seq.s32 s7, s2  }
0x1e: {  	s7 =	smul.u32 @!p0 $0xF7A, s2;
	p2 =	seq.s32 @!p0 s5, $0x0  }
0x1f: {  	s9 =	smul.u32 $0xF7A, s1;
	s8 =	simm.s32 @!p0 $0x1BF5;
	p2 =	por !p2, p0  }
0x20: {  	[sflag:s8] =	ssyncset.s32 @!p0 $0xFFFFF086;
	s6 =	sadd.s32 @!p0 s3, s7;
	s7 =	simm.s32 @!p0 $0x108  }
0x21: {  	s3 =	sadd.s32 s3, s9;
	s6 =	sadd.s32 @!p0 $0x88, s6;
	s7 =	simm.s32 @p2 $0x1082  }
0x22: {  	[simem:s7], [sflag:s8] =	dma.local @!p0 [hbm:s6], $0xF7A  }
0x23: {  	s9 =	sor.u32 $0xD0000000, s2;
	s6 =	simm.s32 $0x108;
	_ =	swait.ge @!p0 [sflag:s8], $0x0  }
0x24: {  	s3 =	sadd.s32 $0x88, s3;
	s6 =	simm.s32 @!p1 $0x1082;
	[sflag:s4] =	ssyncset.s32 $0xFFFFF086  }
0x25: {  	[simem:s6], [sflag:s4] =	dma.local [hbm:s3], $0xF7A  }
0x26: {  	[smem:$0x3F9D] =	sst s1;
	(tag) =	ssettag s2;
	_ =	strace s9  }
0x27: {  	s1 =	sld [smem:$0x3FAD]  }
0x28: {  	s2 =	sld [smem:$0x3FAE]  }
0x29: {  	s4 =	sld [smem:$0x3FB0]  }
0x2a: {  	p0 =	seq.s32 s5, $0x0;
	s5 =	sld [smem:$0x3FB1]  }
0x2b: {  	s6 =	sld [smem:$0x3FB2]  }
0x2c: {  	s7 =	sld [smem:$0x3FB3]  }
0x2d: {  	s3 =	simm.s32 $0x108;
	s8 =	sld [smem:$0x3FB4]  }
0x2e: {  	s3 =	simm.s32 @!p0 $0x1082;
	s9 =	sld [smem:$0x3FB5]  }
0x2f: {  	lr =	sadd.s32 s0, s3;
	s0 =	sld [smem:$0x3FAC]  }
0x30: {  	s3 =	sld [smem:$0x3FAF]  }
0x31: {  	[smem:$0x3FB8] =	sst s10  }
0x32: {  	s10 =	sld [smem:$0x3FB6];
	_ =	sdelay $0x3  }
0x33: {  	p0 =	seq.s32 s10, $0x1;
	s10 =	sld [smem:$0x3FB8];
	_ =	sdelay $0x3  }
0x34: {  	[smem:$0x3FB8] =	sst s10  }
0x35: {  	s10 =	sld [smem:$0x3FB7];
	_ =	sdelay $0x3  }
0x36: {  	p1 =	seq.s32 s10, $0x1;
	s10 =	sld [smem:$0x3FB8];
	_ =	sdelay $0x3  }
0x37: {  	[smem:$0x3FB8] =	sst s10  }
0x38: {  	s10 =	sld [smem:$0x3FB9]  }
0x39: {  	_ = 	snop;
	(pc) =	sbr.ind lr, $3  }
0x3a: {  	_ = 	snop  }
0x3b: {  	_ = 	snop  }
0x3c: {  	p2 =	seq.s32 s10, $0x1;
	s10 =	sld [smem:$0x3FB8]  }
0x3d: {  	_ =	shalt  }
0x3e: {  	_ =	shalt  }
0x3f: {  	_ =	shalt  }
0x40: {  	_ =	shalt  }
0x41: {  	_ =	shalt  }
0x42: {  	_ =	shalt  }
0x43: {  	_ =	shalt  }
0x44: {  	_ =	shalt  }
0x45: {  	_ =	shalt  }
0x46: {  	_ =	shalt  }
0x47: {  	_ =	shalt  }
0x48: {  	_ =	shalt  }
0x49: {  	_ =	shalt  }
0x4a: {  	_ =	shalt  }
0x4b: {  	_ =	shalt  }
0x4c: {  	_ =	shalt  }
0x4d: {  	_ =	shalt  }
0x4e: {  	_ =	shalt  }
0x4f: {  	_ =	shalt  }
0x50: {  	_ =	shalt  }
0x51: {  	_ =	shalt  }
0x52: {  	_ =	shalt  }
0x53: {  	_ =	shalt  }
0x54: {  	_ =	shalt  }
0x55: {  	_ =	shalt  }
0x56: {  	_ =	shalt  }
0x57: {  	_ =	shalt  }
0x58: {  	_ =	shalt  }
0x59: {  	_ =	shalt  }
0x5a: {  	_ =	shalt  }
0x5b: {  	_ =	shalt  }
0x5c: {  	_ =	shalt  }
0x5d: {  	_ =	shalt  }
0x5e: {  	_ =	shalt  }
0x5f: {  	_ =	shalt  }
0x60: {  	_ =	shalt  }
0x61: {  	_ =	shalt  }
0x62: {  	_ =	shalt  }
0x63: {  	_ =	shalt  }
0x64: {  	_ =	shalt  }
0x65: {  	_ =	shalt  }
0x66: {  	_ =	shalt  }
0x67: {  	_ =	shalt  }
0x68: {  	_ =	shalt  }
0x69: {  	_ =	shalt  }
0x6a: {  	_ =	shalt  }
0x6b: {  	_ =	shalt  }
0x6c: {  	_ =	shalt  }
0x6d: {  	_ =	shalt  }
0x6e: {  	_ =	shalt  }
0x6f: {  	_ =	shalt  }
0x70: {  	_ =	shalt  }
0x71: {  	_ =	shalt  }
0x72: {  	_ =	shalt  }
0x73: {  	_ =	shalt  }
0x74: {  	_ =	shalt  }
0x75: {  	_ =	shalt  }
0x76: {  	_ =	shalt  }
0x77: {  	_ =	shalt  }
0x78: {  	_ =	shalt  }
0x79: {  	_ =	shalt  }
0x7a: {  	_ =	shalt  }
0x7b: {  	_ =	shalt  }
0x7c: {  	_ =	shalt  }
0x7d: {  	_ =	shalt  }
0x7e: {  	_ =	shalt  }
0x7f: {  	_ =	shalt  }
0x80: {  	_ =	shalt  }
0x81: {  	_ =	shalt  }
0x82: {  	_ =	shalt  }
0x83: {  	_ =	shalt  }
0x84: {  	_ =	shalt  }
0x85: {  	_ =	shalt  }
0x86: {  	_ =	shalt  }
0x87: {  	_ =	shalt  }
.Lfunc_end0:
.L_simem_size_0:
called_computation_lowered:
.L_overlay_start_0:
0x88: {  	s2 =	sld [smem:$0x3FD9]  }
0x89: {  	s3 =	sld [smem:$0x3FFE];
	_ =	sdelay $0x1  }
0x8a: {  	s1 =	srdreg.scid  }
0x8b: {  	s0 =	sand.u32 $0x1, s1  }
0x8c: {  	s17 =	sshll.u32 s0, $0xA;
	s2 =	sadd.s32 s3, s2  }
0x8d: {  	s2 =	sadd.s32 s2, s17  }
0x8e: {  	[smem:$0x3FC4] =	sst s2  }
0x8f: {  	_ = 	snop  }
0x90: {  	s2 =	sld [smem:$0x3FD0];
	(tm) =	ssettm $0x1  }
0x91: {  	s18 =	sld [smem:$0x3FFB];
	_ =	sdelay $0x3  }
0x92: {  	_ =	strace s18  }
0x93: {  	s3 =	sld [smem:$0x3FFC];
	_ =	sdelay $0x3  }
0x94: {  	_ =	strace s3  }
0x95: {  	s3 =	sld [smem:$0x3FFD];
	_ =	sdelay $0x3  }
0x96: {  	_ =	strace s3  }
0x97: {  	_ =	strace $0x8FFFFFFF  }
0x98: {  	s19 =	sld [smem:$0x3FDB];
	_ =	sdelay $0x1  }
0x99: {  	s4 =	simm.s32 $_scs_section_size  }
0x9a: {  	s5 =	simm.s32 $_size__tile_overlayer_lowered;
	s6 =	simm.s32 $_tile_overlayer_lowered  }
0x9b: {  	s22 =	simm.s32 $0x1BFF;
	s21 =	sshll.u32 s6, $0x1;
	s3 =	sadd.s32 s4, s19  }
0x9c: {  	s7 =	simm.s32 $0x0;
	s20 =	sshll.u32 s5, $0x1;
	s5 =	sadd.s32 s21, s3  }
0x9d: {  	[timem:s7], [sflag:s22] =	dma.local [hbm:s5], s20  }
0x9e: {  	_ =	swait.ge [sflag:s22], s20  }
0x9f: {  	s4 =	ssub.s32 $0x0, s20;
	[sflag:s22] =	ssyncset.done $0x0  }
0xa0: {  	[sflag:s22] =	ssyncadd.s32 s4;
	_ =	sdelay $0x1  }
0xa1: {  	s23 =	simm.s32 $0x1B8B  }
0xa2: {  	_ =	swait.ge [sflag:s23], $0x1  }
0xa3: {  	[sflag:s23] =	ssyncset.done $0x0  }
0xa4: {  	s25 =	simm.s32 $0x1B8E;
	s24 =	sld [smem:$0x3FFE];
	[sflag:s23] =	ssyncadd.s32 $0xFFFFFFFF  }
0xa5: {  	s26 =	simm.s32 $execute0_lowered;
	[smem:$0x3FD2] =	sst s25  }
0xa6: {  	s5 =	sshll.u32 s26, $0x1;
	_ =	strace $0x80000046;
	[dreg:$0x1] =	wrdreg $0xFFFFFFFF  }
0xa7: {  	s28 =	simm.s32 $_size_execute0_lowered;
	s3 =	sadd.s32 s3, s5;
	[dreg:$0x0] =	wrdreg $0x0  }
0xa8: {  	s5 =	sshll.u32 s28, $0x1;
	[dreg:$0x2] =	wrdreg s3  }
0xa9: {  	[dreg:$0x3] =	wrdreg s5  }
0xaa: {  	[dreg:$0x4] =	wrdreg $0xC0  }
0xab: {  	_ =	task [dreg:s7], $0x5FFFF  }
0xac: {  	[dreg:$0x1] =	wrdreg $0xFFFFFFFF  }
0xad: {  	[dreg:$0x0] =	wrdreg $0x60  }
0xae: {  	[dreg:$0x2] =	wrdreg s24  }
0xaf: {  	[dreg:$0x3] =	wrdreg s2  }
0xb0: {  	[dreg:$0x4] =	wrdreg $0x9  }
0xb1: {  	_ =	task.clear_ibuf [dreg:s7], $0x5FFFF;
	_ =	strace $0x90000046  }
0xb2: {  	s29 =	simm.s32 $0x9;
	_ =	strace $0x80000048  }
0xb3: {  	_ =	swait.ge [sflag:s29], $0x1  }
0xb4: {  	[sflag:s29] =	ssyncadd.s32 $0xFFFFFFFF  }
0xb5: {  	_ =	strace $0x90000048  }
0xb6: {  	_ =	sfence  }
0xb7: {  	s30 =	sld [smem:$0x0];
	_ =	sdelay $0x2  }
0xb8: {  	s31 =	sshll.u32 s1, $0xD;
	s1 =	sshrl.u32 s1, $0x2  }
0xb9: {  	s3 =	sand.u32 $0x4000, s31;
	s1 =	sadd.s32 s1, s30  }
0xba: {  	s0 =	sor.u32 s3, s0;
	s1 =	sshll.u32 s1, $0x11  }
0xbb: {  	s0 =	sor.u32 s1, s0  }
0xbc: {  	s0 =	sadd.s32 $0x8F2B, s0  }
0xbd: {  	[sflag:s0] =	ssyncadd.remote.s32 $0x1  }
0xbe: {  	_ =	sfence.sel $0xFFFF  }
0xbf: {  	[dreg:$0x0] =	wrdreg $0xFFFFFFFF;
	(pc) =	sbr.abs _section_cstart, $3  }
0xc0: {  	[dreg:$0x1] =	wrdreg $0xFFFFFFFF  }
0xc1: {  	_ =	task.clear_ibuf [dreg:s7], $0x2FFFF;
	_ =	strace $0x9FFFFFFF  }
0xc2: {  	(tm) =	ssettm $0x7FFFFFFF  }
0xc3: {  	_ =	shalt  }
tec
execute0_lowered:
.L_overlay_start_1:
0x0: {  	(tag) =	ssettag $0x1  }
0x1: {  	s0 =	rddreg [dreg:$0x0];
	s1 =	srdreg.scid  }
0x2: {  	s3 =	stileid.u32;
	s2 =	rddreg [dreg:$0x1];
	s30 =	simm.s32 $0x1  }
0x3: {  	s31 =	simm.s32 $0x5;
	s22 =	simm.s32 $0x14888;
	s28 =	simm.s32 $0x6  }
0x4: {  	s29 =	simm.s32 $0x15900;
	s23 =	simm.s32 $0x3;
	s14 =	simm.s32 $0x4  }
0x5: {  	s12 =	simm.s32 $0x0;
	s1 =	sand.u32 $0x1, s1;
	s4 =	sshll.u32 s3, $0x1  }
0x6: {  	s3 =	simm.s32 $0x0;
	s5 =	sadd.s32 $0xF42C00, s0;
	s9 =	sadd.s32 $0x4000, s2  }
0x7: {  	v0 =	vlaneseq.u32;
	s10 =	sadd.s32 $0x8000, s2;
	s11 =	sadd.s32 $0xC000, s2;
	s6 =	sor.u32 s1, s4  }
0x8: {  	v1 =	vimm.s32 $0x0;
	vm0 =	vcmask $0x300;
	v0 =	vmul.u32 $0x88, v0;
	[smem:$0x7FF] =	sst s3;
	s4 =	sadd.s32 $0x1313600, s0;
	s1 =	ssub.s32 $0x2, s1  }
0x9: {  	v1 =	vsel vm0, $0x3, v1;
	s7 =	smul.u32 $0xC80, s6;
	_ =	strace $0x80000047;
	s24 =	sshrl.u32 s1, $0x1  }
0xa: {  	s8 =	smul.u32 $0xC8, s6;
	v2 =	vadd.s32 $0x880, v0;
	v3 =	vor.u32 $0x1, v0;
	v4 =	vadd.s32 $0x881, v0;
	s6 =	simm.s32 $0x8;
	s1 =	ssub.s32 s1, s24  }
0xb: {  	v5 =	vor.u32 $0x2, v0;
	v6 =	vadd.s32 $0x882, v0;
	v7 =	vor.u32 $0x3, v0;
	s24 =	simm.s32 $0x7;
	s0 =	sadd.s32 s7, s0;
	s26 =	smax.u32 s1, $0x1  }
0xc: {  	v8 =	vadd.s32 $0x883, v0;
	v9 =	vor.u32 $0x4, v0;
	v10 =	vadd.s32 $0x884, v0;
	s1 =	simm.s32 $0x14800;
	s25 =	sadd.s32 $0x19800, s0;
	[dreg:$0x5] =	wrdreg s26  }
0xd: {  	v11 =	vor.u32 $0x5, v0;
	v12 =	vadd.s32 $0x885, v0;
	v13 =	vor.u32 $0x6, v0;
	s7 =	simm.s32 $0xA;
	s0 =	sadd.s32 $0x800, s0;
	[dreg:$0x3] =	wrdreg s25  }
0xe: {  	v14 =	vadd.s32 $0x886, v0;
	v15 =	vor.u32 $0x7, v0;
	v16 =	vadd.s32 $0x887, v0;
	s26 =	simm.s32 $0x2;
	[dreg:$0x4] =	wrdreg s0;
	s25 =	simm.s32 $0x9  }
.LBB2_1:
0xf: {  	[dreg:$0x6] =	wrdreg s12  }
0x10: {  	s0 =	rddreg [dreg:$0x3];
	s15 =	simm.s32 $0xB  }
0x11: {  	[tilespmem:s3], [sflag:$0xB] =	stream.linear.gather [hbm4b:s0+s3], $0x6400, $0x38;
	[tilespmem:$0x16A00] =	vst v63  }
0x12: {  	_ =	swait.ge [sflag:s15], $0x6400  }
0x13: {  	[sflag:s15] =	ssyncset.done $0x0  }
0x14: {  	s13 =	simm.s32 $0x6400;
	s16 =	rddreg [dreg:$0x4];
	[sflag:s15] =	ssyncadd.s32 $0xFFFF9C00  }
0x15: {  	[tilespmem:s13], [sflag:$0xB] =	stream.linear.gather [hbm4b:s16+s3], $0x6400, $0x38;
	[tilespmem:$0x16A00] =	vst v63  }
0x16: {  	_ =	swait.ge [sflag:s15], $0x6400  }
0x17: {  	[sflag:s15] =	ssyncset.done $0x0  }
0x18: {  	s17 =	simm.s32 $0xC800;
	s0 =	simm.s32 $0x80;
	[sflag:s15] =	ssyncadd.s32 $0xFFFF9C00  }
0x19: {  	[tilespmem:s17], [sflag:$0x1] =	stream.indirect.gather [hbm4b:s4+s0], $0x20, s3, s0, $0xb8;
	[tilespmem:$0x16A00] =	vst v63  }
0x1a: {  	s18 =	simm.s32 $0x10800  }
0x1b: {  	[tilespmem:s18], [sflag:$0x5] =	stream.indirect.gather [hbm4b:s5+s0], $0x20, s13, s0, $0xb8;
	[tilespmem:$0x16A00] =	vst v63  }
0x1c: {  	s19 =	simm.s32 $0xD800  }
0x1d: {  	[tilespmem:s19], [sflag:$0x2] =	stream.indirect.gather [hbm4b:s4+s0], $0x20, s0, s0, $0xb8;
	[tilespmem:$0x16A00] =	vst v63  }
0x1e: {  	s20 =	simm.s32 $0x6480;
	s21 =	simm.s32 $0x11800  }
0x1f: {  	[tilespmem:s21], [sflag:$0x6] =	stream.indirect.gather [hbm4b:s5+s0], $0x20, s20, s0, $0xb8;
	[tilespmem:$0x16A00] =	vst v63  }
0x20: {  	s15 =	simm.s32 $0xE800;
	s13 =	simm.s32 $0x100  }
0x21: {  	[tilespmem:s15], [sflag:$0x3] =	stream.indirect.gather [hbm4b:s4+s0], $0x20, s13, s0, $0xb8;
	[tilespmem:$0x16A00] =	vst v63  }
0x22: {  	s16 =	simm.s32 $0x6500;
	s17 =	simm.s32 $0x12800  }
0x23: {  	[tilespmem:s17], [sflag:$0x7] =	stream.indirect.gather [hbm4b:s5+s0], $0x20, s16, s0, $0xb8;
	[tilespmem:$0x16A00] =	vst v63  }
0x24: {  	s18 =	simm.s32 $0x180;
	s19 =	simm.s32 $0xF800  }
0x25: {  	[tilespmem:s19], [sflag:$0x4] =	stream.indirect.gather [hbm4b:s4+s0], $0x20, s18, s0, $0xb8;
	[tilespmem:$0x16A00] =	vst v63  }
0x26: {  	s12 =	simm.s32 $0x0;
	s20 =	simm.s32 $0x6580;
	s21 =	simm.s32 $0x13800  }
0x27: {  	[tilespmem:s21], [sflag:$0x8] =	stream.indirect.gather [hbm4b:s5+s0], $0x20, s20, s0, $0xb8;
	[tilespmem:$0x16A00] =	vst v63  }
.LBB2_2:
0x28: {  	_ =	swait.ge [sflag:s30], $0x1000  }
0x29: {  	[sflag:s30] =	ssyncset.done $0x0  }
0x2a: {  	[sflag:s30] =	ssyncadd.s32 $0xFFFFF000  }
0x2b: {  	_ =	swait.ge [sflag:s31], $0x1000  }
0x2c: {  	p1 =	seq.s32 s12, $0x0;
	[sflag:s31] =	ssyncset.done $0x0  }
0x2d: {  	s0 =	simm.s32 @!p1 $0x9;
	[sflag:s31] =	ssyncadd.s32 $0xFFFFF000  }
0x2e: {  	_ =	swait.ge @!p1 [sflag:s0], $0x400  }
0x2f: {  	[sflag:s0] =	ssyncset.done @!p1 $0x0  }
0x30: {  	[sflag:s0] =	ssyncadd.s32 @!p1 $0xFFFFFC00  }
0x31: {  	_ =	swait.ge @!p1 [sflag:s0], $0x400  }
0x32: {  	[sflag:s0] =	ssyncset.done @!p1 $0x0  }
0x33: {  	[sflag:s0] =	ssyncadd.s32 @!p1 $0xFFFFFC00  }
0x34: {  	_ =	swait.ge @!p1 [sflag:s0], $0x400  }
0x35: {  	[sflag:s0] =	ssyncset.done @!p1 $0x0  }
0x36: {  	[sflag:s0] =	ssyncadd.s32 @!p1 $0xFFFFFC00  }
0x37: {  	s13 =	simm.s32 $0x0;
	_ =	swait.ge @!p1 [sflag:s0], $0x400  }
0x38: {  	v17 =	vmov s13;
	[sflag:s0] =	ssyncset.done @!p1 $0x0  }
0x39: {  	s13 =	simm.s32 $0x10880;
	v17 =	vshrl.u32 v17, $0x3;
	[sflag:s0] =	ssyncadd.s32 @!p1 $0xFFFFFC00  }
0x3a: {  	v17 =	vshll.u32 v17, v1;
	s0 =	simm.s32 $0xC880;
	v18 =	vld [tilespmem:s13+$0xFFFFFF80]  }
0x3b: {  	v17 =	vbroadcast v17, $0x0;
	v19 =	vld [tilespmem:s0+$0xFFFFFF80];
	_ =	sdelay $0x1  }
0x3c: {  	v20 =	vadd.s32 v0, v17;
	_ =	sdelay $0x2  }
0x3d: {  	v18 =	vadd.f32 v18, v19;
	_ =	sdelay $0x1  }
0x3e: {  	[tilespmem:v20+s1+$0x0] =	vst.idx.msk $0xffff, v18  }
0x3f: {  	v18 =	vld [tilespmem:s0+$0xFFFFFF90]  }
0x40: {  	v19 =	vld [tilespmem:s13+$0xFFFFFF90];
	_ =	sdelay $0x1  }
0x41: {  	v17 =	vadd.s32 v2, v17;
	_ =	sdelay $0x2  }
0x42: {  	s15 =	simm.s32 $0x1;
	v18 =	vadd.f32 v19, v18  }
0x43: {  	v19 =	vmov s15  }
0x44: {  	v19 =	vshrl.u32 v19, $0x3;
	[tilespmem:v17+s1+$0x0] =	vst.idx.msk $0xffff, v18  }
0x45: {  	v17 =	vshll.u32 v19, v1;
	v18 =	vld [tilespmem:s0+$0xFFFFFFA0]  }
0x46: {  	v17 =	vbroadcast v17, $0x0;
	v19 =	vld [tilespmem:s13+$0xFFFFFFA0];
	_ =	sdelay $0x1  }
0x47: {  	v20 =	vadd.s32 v3, v17;
	_ =	sdelay $0x2  }
0x48: {  	v18 =	vadd.f32 v19, v18;
	_ =	sdelay $0x1  }
0x49: {  	[tilespmem:v20+s1+$0x0] =	vst.idx.msk $0xffff, v18  }
0x4a: {  	v18 =	vld [tilespmem:s0+$0xFFFFFFB0]  }
0x4b: {  	v19 =	vld [tilespmem:s13+$0xFFFFFFB0];
	_ =	sdelay $0x1  }
0x4c: {  	v17 =	vadd.s32 v4, v17;
	_ =	sdelay $0x2  }
0x4d: {  	s16 =	simm.s32 $0x2;
	v18 =	vadd.f32 v19, v18  }
0x4e: {  	v19 =	vmov s16  }
0x4f: {  	v19 =	vshrl.u32 v19, $0x3;
	[tilespmem:v17+s1+$0x0] =	vst.idx.msk $0xffff, v18  }
0x50: {  	v17 =	vshll.u32 v19, v1;
	v18 =	vld [tilespmem:s0+$0xFFFFFFC0]  }
0x51: {  	v17 =	vbroadcast v17, $0x0;
	v19 =	vld [tilespmem:s13+$0xFFFFFFC0];
	_ =	sdelay $0x1  }
0x52: {  	v20 =	vadd.s32 v5, v17;
	_ =	sdelay $0x2  }
0x53: {  	v18 =	vadd.f32 v19, v18;
	_ =	sdelay $0x1  }
0x54: {  	[tilespmem:v20+s1+$0x0] =	vst.idx.msk $0xffff, v18  }
0x55: {  	v18 =	vld [tilespmem:s0+$0xFFFFFFD0]  }
0x56: {  	v19 =	vld [tilespmem:s13+$0xFFFFFFD0];
	_ =	sdelay $0x1  }
0x57: {  	v17 =	vadd.s32 v6, v17;
	_ =	sdelay $0x2  }
0x58: {  	s17 =	simm.s32 $0x3;
	v18 =	vadd.f32 v19, v18  }
0x59: {  	v19 =	vmov s17  }
0x5a: {  	v19 =	vshrl.u32 v19, $0x3;
	[tilespmem:v17+s1+$0x0] =	vst.idx.msk $0xffff, v18  }
0x5b: {  	v17 =	vshll.u32 v19, v1;
	v18 =	vld [tilespmem:s0+$0xFFFFFFE0]  }
0x5c: {  	v17 =	vbroadcast v17, $0x0;
	v19 =	vld [tilespmem:s13+$0xFFFFFFE0];
	_ =	sdelay $0x1  }
0x5d: {  	v20 =	vadd.s32 v7, v17;
	_ =	sdelay $0x2  }
0x5e: {  	v18 =	vadd.f32 v19, v18;
	_ =	sdelay $0x1  }
0x5f: {  	[tilespmem:v20+s1+$0x0] =	vst.idx.msk $0xffff, v18  }
0x60: {  	v18 =	vld [tilespmem:s0+$0xFFFFFFF0]  }
0x61: {  	v19 =	vld [tilespmem:s13+$0xFFFFFFF0];
	_ =	sdelay $0x1  }
0x62: {  	v17 =	vadd.s32 v8, v17;
	_ =	sdelay $0x2  }
0x63: {  	s18 =	simm.s32 $0x4;
	v18 =	vadd.f32 v19, v18  }
0x64: {  	v19 =	vmov s18  }
0x65: {  	v19 =	vshrl.u32 v19, $0x3;
	[tilespmem:v17+s1+$0x0] =	vst.idx.msk $0xffff, v18  }
0x66: {  	v17 =	vshll.u32 v19, v1;
	v18 =	vld [tilespmem:s0+$0x0]  }
0x67: {  	v17 =	vbroadcast v17, $0x0;
	v19 =	vld [tilespmem:s13+$0x0];
	_ =	sdelay $0x1  }
0x68: {  	v20 =	vadd.s32 v9, v17;
	_ =	sdelay $0x2  }
0x69: {  	v18 =	vadd.f32 v19, v18;
	_ =	sdelay $0x1  }
0x6a: {  	[tilespmem:v20+s1+$0x0] =	vst.idx.msk $0xffff, v18  }
0x6b: {  	v18 =	vld [tilespmem:s0+$0x10]  }
0x6c: {  	v19 =	vld [tilespmem:s13+$0x10];
	_ =	sdelay $0x1  }
0x6d: {  	v17 =	vadd.s32 v10, v17;
	_ =	sdelay $0x2  }
0x6e: {  	s19 =	simm.s32 $0x5;
	v18 =	vadd.f32 v19, v18  }
0x6f: {  	v19 =	vmov s19  }
0x70: {  	v19 =	vshrl.u32 v19, $0x3;
	[tilespmem:v17+s1+$0x0] =	vst.idx.msk $0xffff, v18  }
0x71: {  	v17 =	vshll.u32 v19, v1;
	v18 =	vld [tilespmem:s0+$0x20]  }
0x72: {  	v17 =	vbroadcast v17, $0x0;
	v19 =	vld [tilespmem:s13+$0x20];
	_ =	sdelay $0x1  }
0x73: {  	v20 =	vadd.s32 v11, v17;
	_ =	sdelay $0x2  }
0x74: {  	v18 =	vadd.f32 v19, v18;
	_ =	sdelay $0x1  }
0x75: {  	[tilespmem:v20+s1+$0x0] =	vst.idx.msk $0xffff, v18  }
0x76: {  	v18 =	vld [tilespmem:s0+$0x30]  }
0x77: {  	v19 =	vld [tilespmem:s13+$0x30];
	_ =	sdelay $0x1  }
0x78: {  	v17 =	vadd.s32 v12, v17;
	_ =	sdelay $0x2  }
0x79: {  	s20 =	simm.s32 $0x6;
	v18 =	vadd.f32 v19, v18  }
0x7a: {  	v19 =	vmov s20  }
0x7b: {  	v19 =	vshrl.u32 v19, $0x3;
	[tilespmem:v17+s1+$0x0] =	vst.idx.msk $0xffff, v18  }
0x7c: {  	v17 =	vshll.u32 v19, v1;
	v18 =	vld [tilespmem:s0+$0x40]  }
0x7d: {  	v17 =	vbroadcast v17, $0x0;
	v19 =	vld [tilespmem:s13+$0x40];
	_ =	sdelay $0x1  }
0x7e: {  	v20 =	vadd.s32 v13, v17;
	_ =	sdelay $0x2  }
0x7f: {  	v18 =	vadd.f32 v19, v18;
	_ =	sdelay $0x1  }
0x80: {  	[tilespmem:v20+s1+$0x0] =	vst.idx.msk $0xffff, v18  }
0x81: {  	v18 =	vld [tilespmem:s0+$0x50]  }
0x82: {  	v19 =	vld [tilespmem:s13+$0x50];
	_ =	sdelay $0x1  }
0x83: {  	v17 =	vadd.s32 v14, v17  }
0x84: {  	s21 =	simm.s32 $0x7  }
0x85: {  	v20 =	vmov s21  }
0x86: {  	v20 =	vshrl.u32 v20, $0x3;
	v18 =	vadd.f32 v19, v18  }
0x87: {  	v19 =	vshll.u32 v20, v1  }
0x88: {  	s15 =	sshll.u32 s12, $0x2;
	v20 =	vbroadcast v19, $0x0;
	[tilespmem:v17+s1+$0x0] =	vst.idx.msk $0xffff, v18  }
0x89: {  	s16 =	sadd.s32 s8, s15;
	v19 =	vld [tilespmem:s0+$0x60]  }
0x8a: {  	s17 =	simm.s32 $0x8;
	s18 =	simm.s32 $0xC880;
	s19 =	simm.s32 $0x10880;
	v18 =	vadd.s32 v15, v20;
	v17 =	vadd.s32 v16, v20;
	v20 =	vld [tilespmem:s13+$0x60]  }
.LBB2_3:
0x8b: {  	p0 =	slt.u32 s17, $0x78;
	s13 =	sadd.s32 $0x100, s13;
	s0 =	sadd.s32 $0x100, s0  }
0x8c: {  	s20 =	smov.u32 s17;
	s17 =	sadd.s32 $0x8, s17;
	_ =	sdelay $0x2  }
0x8d: {  	v19 =	vadd.f32 v20, v19;
	_ =	sdelay $0x1  }
0x8e: {  	[tilespmem:v18+s1+$0x0] =	vst.idx.msk $0xffff, v19  }
0x8f: {  	v18 =	vld [tilespmem:s18+$0x70];
	s18 =	smov.u32 s0  }
0x90: {  	v19 =	vld [tilespmem:s19+$0x70];
	s19 =	smov.u32 s13;
	_ =	sdelay $0x4  }
0x91: {  	v18 =	vadd.f32 v19, v18  }
0x92: {  	v19 =	vmov s20  }
0x93: {  	v19 =	vshrl.u32 v19, $0x3;
	[tilespmem:v17+s1+$0x0] =	vst.idx.msk $0xffff, v18  }
0x94: {  	v18 =	vshll.u32 v19, v1;
	v17 =	vld [tilespmem:s13+$0xFFFFFF80]  }
0x95: {  	v18 =	vbroadcast v18, $0x0;
	v19 =	vld [tilespmem:s0+$0xFFFFFF80];
	_ =	sdelay $0x1  }
0x96: {  	v20 =	vadd.s32 v0, v18;
	_ =	sdelay $0x2  }
0x97: {  	v17 =	vadd.f32 v17, v19;
	_ =	sdelay $0x1  }
0x98: {  	[tilespmem:v20+s1+$0x0] =	vst.idx.msk $0xffff, v17  }
0x99: {  	v17 =	vld [tilespmem:s0+$0xFFFFFF90]  }
0x9a: {  	v19 =	vld [tilespmem:s13+$0xFFFFFF90]  }
0x9b: {  	v18 =	vadd.s32 v2, v18;
	_ =	sdelay $0x1  }
0x9c: {  	s21 =	sadd.s32 $0x1, s20  }
0x9d: {  	v20 =	vmov s21  }
0x9e: {  	v17 =	vadd.f32 v19, v17;
	v19 =	vshrl.u32 v20, $0x3  }
0x9f: {  	v19 =	vshll.u32 v19, v1  }
0xa0: {  	[tilespmem:v18+s1+$0x0] =	vst.idx.msk $0xffff, v17;
	v17 =	vbroadcast v19, $0x0  }
0xa1: {  	v18 =	vld [tilespmem:s0+$0xFFFFFFA0]  }
0xa2: {  	v19 =	vld [tilespmem:s13+$0xFFFFFFA0];
	v20 =	vadd.s32 v3, v17;
	_ =	sdelay $0x4  }
0xa3: {  	v18 =	vadd.f32 v19, v18;
	_ =	sdelay $0x1  }
0xa4: {  	[tilespmem:v20+s1+$0x0] =	vst.idx.msk $0xffff, v18  }
0xa5: {  	v17 =	vadd.s32 v4, v17;
	v18 =	vld [tilespmem:s0+$0xFFFFFFB0]  }
0xa6: {  	v19 =	vld [tilespmem:s13+$0xFFFFFFB0]  }
0xa7: {  	s21 =	sadd.s32 $0x2, s20  }
0xa8: {  	v20 =	vmov s21  }
0xa9: {  	v20 =	vshrl.u32 v20, $0x3  }
0xaa: {  	v20 =	vshll.u32 v20, v1  }
0xab: {  	v18 =	vadd.f32 v19, v18;
	v19 =	vbroadcast v20, $0x0;
	_ =	sdelay $0x1  }
0xac: {  	[tilespmem:v17+s1+$0x0] =	vst.idx.msk $0xffff, v18;
	v17 =	vadd.s32 v5, v19  }
0xad: {  	v18 =	vld [tilespmem:s0+$0xFFFFFFC0]  }
0xae: {  	v20 =	vld [tilespmem:s13+$0xFFFFFFC0];
	_ =	sdelay $0x4  }
0xaf: {  	v18 =	vadd.f32 v20, v18  }
0xb0: {  	v19 =	vadd.s32 v6, v19  }
0xb1: {  	[tilespmem:v17+s1+$0x0] =	vst.idx.msk $0xffff, v18  }
0xb2: {  	s21 =	sadd.s32 $0x3, s20;
	v17 =	vld [tilespmem:s0+$0xFFFFFFD0]  }
0xb3: {  	v20 =	vmov s21;
	v18 =	vld [tilespmem:s13+$0xFFFFFFD0]  }
0xb4: {  	v20 =	vshrl.u32 v20, $0x3  }
0xb5: {  	v20 =	vshll.u32 v20, v1  }
0xb6: {  	v20 =	vbroadcast v20, $0x0;
	_ =	sdelay $0x1  }
0xb7: {  	v17 =	vadd.f32 v18, v17;
	v18 =	vadd.s32 v7, v20;
	_ =	sdelay $0x1  }
0xb8: {  	[tilespmem:v19+s1+$0x0] =	vst.idx.msk $0xffff, v17  }
0xb9: {  	v17 =	vld [tilespmem:s0+$0xFFFFFFE0]  }
0xba: {  	v19 =	vld [tilespmem:s13+$0xFFFFFFE0];
	_ =	sdelay $0x3  }
0xbb: {  	v20 =	vadd.s32 v8, v20  }
0xbc: {  	v17 =	vadd.f32 v19, v17  }
0xbd: {  	s21 =	sadd.s32 $0x4, s20  }
0xbe: {  	[tilespmem:v18+s1+$0x0] =	vst.idx.msk $0xffff, v17;
	v17 =	vmov s21  }
0xbf: {  	v18 =	vld [tilespmem:s0+$0xFFFFFFF0];
	v17 =	vshrl.u32 v17, $0x3  }
0xc0: {  	v19 =	vld [tilespmem:s13+$0xFFFFFFF0];
	v17 =	vshll.u32 v17, v1  }
0xc1: {  	v17 =	vbroadcast v17, $0x0;
	_ =	sdelay $0x1  }
0xc2: {  	v21 =	vadd.s32 v9, v17;
	_ =	sdelay $0x1  }
0xc3: {  	v18 =	vadd.f32 v19, v18;
	_ =	sdelay $0x1  }
0xc4: {  	[tilespmem:v20+s1+$0x0] =	vst.idx.msk $0xffff, v18  }
0xc5: {  	v18 =	vld [tilespmem:s0+$0x0]  }
0xc6: {  	v19 =	vld [tilespmem:s13+$0x0];
	_ =	sdelay $0x1  }
0xc7: {  	v17 =	vadd.s32 v10, v17;
	_ =	sdelay $0x1  }
0xc8: {  	s21 =	sadd.s32 $0x5, s20  }
0xc9: {  	v18 =	vadd.f32 v19, v18;
	v19 =	vmov s21  }
0xca: {  	v19 =	vshrl.u32 v19, $0x3  }
0xcb: {  	[tilespmem:v21+s1+$0x0] =	vst.idx.msk $0xffff, v18;
	v18 =	vshll.u32 v19, v1  }
0xcc: {  	v19 =	vld [tilespmem:s0+$0x10];
	v18 =	vbroadcast v18, $0x0  }
0xcd: {  	v20 =	vld [tilespmem:s13+$0x10]  }
0xce: {  	v21 =	vadd.s32 v11, v18;
	_ =	sdelay $0x3  }
0xcf: {  	v19 =	vadd.f32 v20, v19;
	_ =	sdelay $0x1  }
0xd0: {  	[tilespmem:v17+s1+$0x0] =	vst.idx.msk $0xffff, v19  }
0xd1: {  	v17 =	vld [tilespmem:s0+$0x20]  }
0xd2: {  	v18 =	vadd.s32 v12, v18;
	v19 =	vld [tilespmem:s13+$0x20];
	_ =	sdelay $0x1  }
0xd3: {  	s21 =	sadd.s32 $0x6, s20  }
0xd4: {  	v20 =	vmov s21  }
0xd5: {  	v20 =	vshrl.u32 v20, $0x3  }
0xd6: {  	v17 =	vadd.f32 v19, v17;
	v19 =	vshll.u32 v20, v1  }
0xd7: {  	v19 =	vbroadcast v19, $0x0  }
0xd8: {  	[tilespmem:v21+s1+$0x0] =	vst.idx.msk $0xffff, v17  }
0xd9: {  	v17 =	vld [tilespmem:s0+$0x30];
	v20 =	vadd.s32 v13, v19  }
0xda: {  	v21 =	vld [tilespmem:s13+$0x30];
	_ =	sdelay $0x4  }
0xdb: {  	v17 =	vadd.f32 v21, v17;
	_ =	sdelay $0x1  }
0xdc: {  	v19 =	vadd.s32 v14, v19;
	[tilespmem:v18+s1+$0x0] =	vst.idx.msk $0xffff, v17  }
0xdd: {  	v17 =	vld [tilespmem:s0+$0x40]  }
0xde: {  	s20 =	sadd.s32 $0x7, s20;
	v18 =	vld [tilespmem:s13+$0x40]  }
0xdf: {  	v21 =	vmov s20  }
0xe0: {  	v21 =	vshrl.u32 v21, $0x3  }
0xe1: {  	v21 =	vshll.u32 v21, v1  }
0xe2: {  	v21 =	vbroadcast v21, $0x0  }
0xe3: {  	v17 =	vadd.f32 v18, v17  }
0xe4: {  	v18 =	vadd.s32 v15, v21  }
0xe5: {  	[tilespmem:v20+s1+$0x0] =	vst.idx.msk $0xffff, v17  }
0xe6: {  	v17 =	vld [tilespmem:s0+$0x50]  }
0xe7: {  	v20 =	vld [tilespmem:s13+$0x50];
	_ =	sdelay $0x4  }
.Ltmp0:
0xe8: {  	v20 =	vadd.f32 v20, v17;
	v17 =	vadd.s32 v16, v21;
	(pc) =	sbr.rel @p0 .LBB2_3-.Ltmp0, $4  }
0xe9: {  	_ = 	snop  }
0xea: {  	[tilespmem:v19+s1+$0x0] =	vst.idx.msk $0xffff, v20  }
0xeb: {  	v19 =	vld [tilespmem:s0+$0x60]  }
0xec: {  	v20 =	vld [tilespmem:s13+$0x60]  }
0xed: {  	_ =	sdelay $0x3  }
0xee: {  	v19 =	vadd.f32 v20, v19;
	_ =	sdelay $0x1  }
0xef: {  	[tilespmem:v18+s1+$0x0] =	vst.idx.msk $0xffff, v19  }
0xf0: {  	v18 =	vld [tilespmem:s18+$0x70]  }
0xf1: {  	v19 =	vld [tilespmem:s19+$0x70];
	_ =	sdelay $0x4  }
0xf2: {  	p0 =	seq.s32 s12, $0x31;
	v18 =	vadd.f32 v19, v18  }
0xf3: {  	s13 =	sshll.u32 @!p0 s12, $0x9  }
0xf4: {  	s17 =	simm.s32 @!p0 $0x80;
	s0 =	sadd.s32 @!p0 $0x200, s13;
	s18 =	simm.s32 @!p0 $0xC800;
	[tilespmem:v17+s1+$0x0] =	vst.idx.msk $0xffff, v18  }
0xf5: {  	[tilespmem:s18], [sflag:$0x1] =	stream.indirect.gather @!p0 [hbm4b:s4+s17], $0x20, s0, s17, $0xb8;
	[tilespmem:$0x16A00] =	vst v63  }
0xf6: {  	s0 =	sadd.s32 @!p0 $0x6600, s13;
	s18 =	simm.s32 @!p0 $0x10800  }
0xf7: {  	[tilespmem:s18], [sflag:$0x5] =	stream.indirect.gather @!p0 [hbm4b:s5+s17], $0x20, s0, s17, $0xb8;
	[tilespmem:$0x16A00] =	vst v63  }
0xf8: {  	s19 =	sshll.u32 s16, $0x9;
	s18 =	sshll.u32 s16, $0x7  }
0xf9: {  	s16 =	sand.u32 $0x7FFF0000, s19;
	s0 =	sand.u32 $0x3E00, s18  }
0xfa: {  	s0 =	sor.u32 s0, s16  }
0xfb: {  	s16 =	sadd.s32 s2, s0  }
0xfc: {  	[hbm4b:s16+s3] =	stream.linear.scatter [tilespmem:s1], [sflag:$0x9], $0x80, $0x38;
	[tilespmem:$0x16A00] =	vst v63  }
0xfd: {  	s20 =	sadd.s32 $0x10, s16  }
0xfe: {  	[hbm4b:s20+s3] =	stream.linear.scatter [tilespmem:s22], [sflag:$0x9], $0x80, $0x38;
	[tilespmem:$0x16A00] =	vst v63  }
0xff: {  	s21 =	sadd.s32 $0x20, s16;
	s22 =	simm.s32 $0x14910  }
0x100: {  	[hbm4b:s21+s3] =	stream.linear.scatter [tilespmem:s22], [sflag:$0x9], $0x80, $0x38;
	[tilespmem:$0x16A00] =	vst v63  }
0x101: {  	s19 =	sadd.s32 $0x30, s16;
	s20 =	simm.s32 $0x14998  }
0x102: {  	[hbm4b:s19+s3] =	stream.linear.scatter [tilespmem:s20], [sflag:$0x9], $0x80, $0x38;
	[tilespmem:$0x16A00] =	vst v63  }
0x103: {  	s21 =	sadd.s32 $0x40, s16;
	s22 =	simm.s32 $0x14A20  }
0x104: {  	[hbm4b:s21+s3] =	stream.linear.scatter [tilespmem:s22], [sflag:$0x9], $0x80, $0x38;
	[tilespmem:$0x16A00] =	vst v63  }
0x105: {  	s18 =	sadd.s32 $0x50, s16;
	s19 =	simm.s32 $0x14AA8  }
0x106: {  	[hbm4b:s18+s3] =	stream.linear.scatter [tilespmem:s19], [sflag:$0x9], $0x80, $0x38;
	[tilespmem:$0x16A00] =	vst v63  }
0x107: {  	s20 =	sadd.s32 $0x60, s16;
	s21 =	simm.s32 $0x14B30  }
0x108: {  	[hbm4b:s20+s3] =	stream.linear.scatter [tilespmem:s21], [sflag:$0x9], $0x80, $0x38;
	[tilespmem:$0x16A00] =	vst v63  }
0x109: {  	s16 =	sadd.s32 $0x70, s16;
	s22 =	simm.s32 $0x14BB8  }
0x10a: {  	[hbm4b:s16+s3] =	stream.linear.scatter [tilespmem:s22], [sflag:$0x9], $0x80, $0x38;
	[tilespmem:$0x16A00] =	vst v63  }
0x10b: {  	s18 =	simm.s32 $0x14C40;
	s16 =	sadd.s32 s0, s9  }
0x10c: {  	[hbm4b:s16+s3] =	stream.linear.scatter [tilespmem:s18], [sflag:$0x9], $0x80, $0x38;
	[tilespmem:$0x16A00] =	vst v63  }
0x10d: {  	s20 =	simm.s32 $0x14CC8;
	s19 =	sadd.s32 $0x10, s16  }
0x10e: {  	[hbm4b:s19+s3] =	stream.linear.scatter [tilespmem:s20], [sflag:$0x9], $0x80, $0x38;
	[tilespmem:$0x16A00] =	vst v63  }
0x10f: {  	s22 =	simm.s32 $0x14D50;
	s21 =	sadd.s32 $0x20, s16  }
0x110: {  	[hbm4b:s21+s3] =	stream.linear.scatter [tilespmem:s22], [sflag:$0x9], $0x80, $0x38;
	[tilespmem:$0x16A00] =	vst v63  }
0x111: {  	s19 =	sadd.s32 $0x30, s16;
	s20 =	simm.s32 $0x14DD8  }
0x112: {  	[hbm4b:s19+s3] =	stream.linear.scatter [tilespmem:s20], [sflag:$0x9], $0x80, $0x38;
	[tilespmem:$0x16A00] =	vst v63  }
0x113: {  	s21 =	sadd.s32 $0x40, s16;
	s22 =	simm.s32 $0x14E60  }
0x114: {  	[hbm4b:s21+s3] =	stream.linear.scatter [tilespmem:s22], [sflag:$0x9], $0x80, $0x38;
	[tilespmem:$0x16A00] =	vst v63  }
0x115: {  	s18 =	sadd.s32 $0x50, s16;
	s19 =	simm.s32 $0x14EE8  }
0x116: {  	[hbm4b:s18+s3] =	stream.linear.scatter [tilespmem:s19], [sflag:$0x9], $0x80, $0x38;
	[tilespmem:$0x16A00] =	vst v63  }
0x117: {  	s20 =	sadd.s32 $0x60, s16;
	s21 =	simm.s32 $0x14F70  }
0x118: {  	[hbm4b:s20+s3] =	stream.linear.scatter [tilespmem:s21], [sflag:$0x9], $0x80, $0x38;
	[tilespmem:$0x16A00] =	vst v63  }
0x119: {  	s16 =	sadd.s32 $0x70, s16;
	s22 =	simm.s32 $0x14FF8  }
0x11a: {  	[hbm4b:s16+s3] =	stream.linear.scatter [tilespmem:s22], [sflag:$0x9], $0x80, $0x38;
	[tilespmem:$0x16A00] =	vst v63  }
0x11b: {  	s18 =	simm.s32 $0x15080;
	s16 =	sadd.s32 s0, s10  }
0x11c: {  	[hbm4b:s16+s3] =	stream.linear.scatter [tilespmem:s18], [sflag:$0x9], $0x80, $0x38;
	[tilespmem:$0x16A00] =	vst v63  }
0x11d: {  	s20 =	simm.s32 $0x15108;
	s19 =	sadd.s32 $0x10, s16  }
0x11e: {  	[hbm4b:s19+s3] =	stream.linear.scatter [tilespmem:s20], [sflag:$0x9], $0x80, $0x38;
	[tilespmem:$0x16A00] =	vst v63  }
0x11f: {  	s22 =	simm.s32 $0x15190;
	s21 =	sadd.s32 $0x20, s16  }
0x120: {  	[hbm4b:s21+s3] =	stream.linear.scatter [tilespmem:s22], [sflag:$0x9], $0x80, $0x38;
	[tilespmem:$0x16A00] =	vst v63  }
0x121: {  	s19 =	sadd.s32 $0x30, s16;
	s20 =	simm.s32 $0x15218  }
0x122: {  	[hbm4b:s19+s3] =	stream.linear.scatter [tilespmem:s20], [sflag:$0x9], $0x80, $0x38;
	[tilespmem:$0x16A00] =	vst v63  }
0x123: {  	s21 =	sadd.s32 $0x40, s16;
	s22 =	simm.s32 $0x152A0  }
0x124: {  	[hbm4b:s21+s3] =	stream.linear.scatter [tilespmem:s22], [sflag:$0x9], $0x80, $0x38;
	[tilespmem:$0x16A00] =	vst v63  }
0x125: {  	s18 =	sadd.s32 $0x50, s16;
	s19 =	simm.s32 $0x15328  }
0x126: {  	[hbm4b:s18+s3] =	stream.linear.scatter [tilespmem:s19], [sflag:$0x9], $0x80, $0x38;
	[tilespmem:$0x16A00] =	vst v63  }
0x127: {  	s20 =	sadd.s32 $0x60, s16;
	s21 =	simm.s32 $0x153B0  }
0x128: {  	[hbm4b:s20+s3] =	stream.linear.scatter [tilespmem:s21], [sflag:$0x9], $0x80, $0x38;
	[tilespmem:$0x16A00] =	vst v63  }
0x129: {  	s16 =	sadd.s32 $0x70, s16;
	s22 =	simm.s32 $0x15438  }
0x12a: {  	[hbm4b:s16+s3] =	stream.linear.scatter [tilespmem:s22], [sflag:$0x9], $0x80, $0x38;
	[tilespmem:$0x16A00] =	vst v63  }
0x12b: {  	s0 =	sadd.s32 s0, s11;
	s18 =	simm.s32 $0x154C0  }
0x12c: {  	[hbm4b:s0+s3] =	stream.linear.scatter [tilespmem:s18], [sflag:$0x9], $0x80, $0x38;
	[tilespmem:$0x16A00] =	vst v63  }
0x12d: {  	s19 =	sadd.s32 $0x10, s0;
	s20 =	simm.s32 $0x15548  }
0x12e: {  	[hbm4b:s19+s3] =	stream.linear.scatter [tilespmem:s20], [sflag:$0x9], $0x80, $0x38;
	[tilespmem:$0x16A00] =	vst v63  }
0x12f: {  	s21 =	sadd.s32 $0x20, s0;
	s22 =	simm.s32 $0x155D0  }
0x130: {  	[hbm4b:s21+s3] =	stream.linear.scatter [tilespmem:s22], [sflag:$0x9], $0x80, $0x38;
	[tilespmem:$0x16A00] =	vst v63  }
0x131: {  	s17 =	sadd.s32 $0x30, s0;
	s18 =	simm.s32 $0x15658  }
0x132: {  	[hbm4b:s17+s3] =	stream.linear.scatter [tilespmem:s18], [sflag:$0x9], $0x80, $0x38;
	[tilespmem:$0x16A00] =	vst v63  }
0x133: {  	s19 =	sadd.s32 $0x40, s0;
	s20 =	simm.s32 $0x156E0  }
0x134: {  	[hbm4b:s19+s3] =	stream.linear.scatter [tilespmem:s20], [sflag:$0x9], $0x80, $0x38;
	[tilespmem:$0x16A00] =	vst v63  }
0x135: {  	s21 =	sadd.s32 $0x50, s0;
	s22 =	simm.s32 $0x15768  }
0x136: {  	[hbm4b:s21+s3] =	stream.linear.scatter [tilespmem:s22], [sflag:$0x9], $0x80, $0x38;
	[tilespmem:$0x16A00] =	vst v63  }
0x137: {  	s17 =	sadd.s32 $0x60, s0;
	s18 =	simm.s32 $0x157F0  }
0x138: {  	[hbm4b:s17+s3] =	stream.linear.scatter [tilespmem:s18], [sflag:$0x9], $0x80, $0x38;
	[tilespmem:$0x16A00] =	vst v63  }
0x139: {  	s0 =	sadd.s32 $0x70, s0;
	s19 =	simm.s32 $0x15878  }
0x13a: {  	[hbm4b:s0+s3] =	stream.linear.scatter [tilespmem:s19], [sflag:$0x9], $0x80, $0x38;
	[tilespmem:$0x16A00] =	vst v63  }
0x13b: {  	_ =	swait.ge [sflag:s26], $0x1000  }
0x13c: {  	[sflag:s26] =	ssyncset.done $0x0  }
0x13d: {  	[sflag:s26] =	ssyncadd.s32 $0xFFFFF000  }
0x13e: {  	_ =	swait.ge [sflag:s28], $0x1000  }
0x13f: {  	[sflag:s28] =	ssyncset.done $0x0  }
0x140: {  	s0 =	simm.s32 @!p1 $0xA;
	[sflag:s28] =	ssyncadd.s32 $0xFFFFF000  }
0x141: {  	_ =	swait.ge @!p1 [sflag:s0], $0x400  }
0x142: {  	[sflag:s0] =	ssyncset.done @!p1 $0x0  }
0x143: {  	[sflag:s0] =	ssyncadd.s32 @!p1 $0xFFFFFC00  }
0x144: {  	_ =	swait.ge @!p1 [sflag:s0], $0x400  }
0x145: {  	[sflag:s0] =	ssyncset.done @!p1 $0x0  }
0x146: {  	[sflag:s0] =	ssyncadd.s32 @!p1 $0xFFFFFC00  }
0x147: {  	_ =	swait.ge @!p1 [sflag:s0], $0x400  }
0x148: {  	[sflag:s0] =	ssyncset.done @!p1 $0x0  }
0x149: {  	[sflag:s0] =	ssyncadd.s32 @!p1 $0xFFFFFC00  }
0x14a: {  	s20 =	simm.s32 $0x0;
	_ =	swait.ge @!p1 [sflag:s0], $0x400  }
0x14b: {  	v17 =	vmov s20;
	[sflag:s0] =	ssyncset.done @!p1 $0x0  }
0x14c: {  	v17 =	vshrl.u32 v17, $0x3;
	[sflag:s0] =	ssyncadd.s32 @!p1 $0xFFFFFC00;
	s0 =	simm.s32 $0x118F0  }
0x14d: {  	s16 =	simm.s32 $0xD8F0;
	v17 =	vshll.u32 v17, v1;
	v18 =	vld [tilespmem:s0+$0xFFFFFF10]  }
0x14e: {  	v17 =	vbroadcast v17, $0x0;
	v19 =	vld [tilespmem:s16+$0xFFFFFF10];
	_ =	sdelay $0x1  }
0x14f: {  	v20 =	vadd.s32 v0, v17;
	_ =	sdelay $0x2  }
0x150: {  	v18 =	vadd.f32 v18, v19;
	_ =	sdelay $0x1  }
0x151: {  	[tilespmem:v20+s29+$0x0] =	vst.idx.msk $0xffff, v18  }
0x152: {  	v18 =	vld [tilespmem:s16+$0xFFFFFF20]  }
0x153: {  	v19 =	vld [tilespmem:s0+$0xFFFFFF20];
	_ =	sdelay $0x1  }
0x154: {  	v17 =	vadd.s32 v2, v17;
	_ =	sdelay $0x2  }
0x155: {  	s21 =	simm.s32 $0x1;
	v18 =	vadd.f32 v19, v18  }
0x156: {  	v19 =	vmov s21  }
0x157: {  	v19 =	vshrl.u32 v19, $0x3;
	[tilespmem:v17+s29+$0x0] =	vst.idx.msk $0xffff, v18  }
0x158: {  	v17 =	vshll.u32 v19, v1;
	v18 =	vld [tilespmem:s16+$0xFFFFFF30]  }
0x159: {  	v17 =	vbroadcast v17, $0x0;
	v19 =	vld [tilespmem:s0+$0xFFFFFF30];
	_ =	sdelay $0x1  }
0x15a: {  	v20 =	vadd.s32 v3, v17;
	_ =	sdelay $0x2  }
0x15b: {  	v18 =	vadd.f32 v19, v18;
	_ =	sdelay $0x1  }
0x15c: {  	[tilespmem:v20+s29+$0x0] =	vst.idx.msk $0xffff, v18  }
0x15d: {  	v18 =	vld [tilespmem:s16+$0xFFFFFF40]  }
0x15e: {  	v19 =	vld [tilespmem:s0+$0xFFFFFF40];
	_ =	sdelay $0x1  }
0x15f: {  	v17 =	vadd.s32 v4, v17;
	_ =	sdelay $0x2  }
0x160: {  	s22 =	simm.s32 $0x2;
	v18 =	vadd.f32 v19, v18  }
0x161: {  	v19 =	vmov s22  }
0x162: {  	v19 =	vshrl.u32 v19, $0x3;
	[tilespmem:v17+s29+$0x0] =	vst.idx.msk $0xffff, v18  }
0x163: {  	v17 =	vshll.u32 v19, v1;
	v18 =	vld [tilespmem:s16+$0xFFFFFF50]  }
0x164: {  	v17 =	vbroadcast v17, $0x0;
	v19 =	vld [tilespmem:s0+$0xFFFFFF50];
	_ =	sdelay $0x1  }
0x165: {  	v20 =	vadd.s32 v5, v17;
	_ =	sdelay $0x2  }
0x166: {  	v18 =	vadd.f32 v19, v18;
	_ =	sdelay $0x1  }
0x167: {  	[tilespmem:v20+s29+$0x0] =	vst.idx.msk $0xffff, v18  }
0x168: {  	v18 =	vld [tilespmem:s16+$0xFFFFFF60]  }
0x169: {  	v19 =	vld [tilespmem:s0+$0xFFFFFF60];
	_ =	sdelay $0x1  }
0x16a: {  	v17 =	vadd.s32 v6, v17;
	_ =	sdelay $0x2  }
0x16b: {  	s18 =	simm.s32 $0x3;
	v18 =	vadd.f32 v19, v18  }
0x16c: {  	v19 =	vmov s18  }
0x16d: {  	v19 =	vshrl.u32 v19, $0x3;
	[tilespmem:v17+s29+$0x0] =	vst.idx.msk $0xffff, v18  }
0x16e: {  	v17 =	vshll.u32 v19, v1;
	v18 =	vld [tilespmem:s16+$0xFFFFFF70]  }
0x16f: {  	v17 =	vbroadcast v17, $0x0;
	v19 =	vld [tilespmem:s0+$0xFFFFFF70];
	_ =	sdelay $0x1  }
0x170: {  	v20 =	vadd.s32 v7, v17;
	_ =	sdelay $0x2  }
0x171: {  	v18 =	vadd.f32 v19, v18;
	_ =	sdelay $0x1  }
0x172: {  	[tilespmem:v20+s29+$0x0] =	vst.idx.msk $0xffff, v18  }
0x173: {  	v18 =	vld [tilespmem:s16+$0xFFFFFF80]  }
0x174: {  	v19 =	vld [tilespmem:s0+$0xFFFFFF80];
	_ =	sdelay $0x1  }
0x175: {  	v17 =	vadd.s32 v8, v17;
	_ =	sdelay $0x2  }
0x176: {  	s19 =	simm.s32 $0x4;
	v18 =	vadd.f32 v19, v18  }
0x177: {  	v19 =	vmov s19  }
0x178: {  	v19 =	vshrl.u32 v19, $0x3;
	[tilespmem:v17+s29+$0x0] =	vst.idx.msk $0xffff, v18  }
0x179: {  	v17 =	vshll.u32 v19, v1;
	v18 =	vld [tilespmem:s16+$0xFFFFFF90]  }
0x17a: {  	v17 =	vbroadcast v17, $0x0;
	v19 =	vld [tilespmem:s0+$0xFFFFFF90];
	_ =	sdelay $0x1  }
0x17b: {  	v20 =	vadd.s32 v9, v17;
	_ =	sdelay $0x2  }
0x17c: {  	v18 =	vadd.f32 v19, v18;
	_ =	sdelay $0x1  }
0x17d: {  	[tilespmem:v20+s29+$0x0] =	vst.idx.msk $0xffff, v18  }
0x17e: {  	v18 =	vld [tilespmem:s16+$0xFFFFFFA0]  }
0x17f: {  	v19 =	vld [tilespmem:s0+$0xFFFFFFA0];
	_ =	sdelay $0x1  }
0x180: {  	v17 =	vadd.s32 v10, v17;
	_ =	sdelay $0x2  }
0x181: {  	s20 =	simm.s32 $0x5;
	v18 =	vadd.f32 v19, v18  }
0x182: {  	v19 =	vmov s20  }
0x183: {  	v19 =	vshrl.u32 v19, $0x3;
	[tilespmem:v17+s29+$0x0] =	vst.idx.msk $0xffff, v18  }
0x184: {  	v17 =	vshll.u32 v19, v1;
	v18 =	vld [tilespmem:s16+$0xFFFFFFB0]  }
0x185: {  	v17 =	vbroadcast v17, $0x0;
	v19 =	vld [tilespmem:s0+$0xFFFFFFB0];
	_ =	sdelay $0x1  }
0x186: {  	v20 =	vadd.s32 v11, v17;
	_ =	sdelay $0x2  }
0x187: {  	v18 =	vadd.f32 v19, v18;
	_ =	sdelay $0x1  }
0x188: {  	[tilespmem:v20+s29+$0x0] =	vst.idx.msk $0xffff, v18  }
0x189: {  	v18 =	vld [tilespmem:s16+$0xFFFFFFC0]  }
0x18a: {  	v19 =	vld [tilespmem:s0+$0xFFFFFFC0];
	_ =	sdelay $0x1  }
0x18b: {  	v17 =	vadd.s32 v12, v17;
	_ =	sdelay $0x2  }
0x18c: {  	s21 =	simm.s32 $0x6;
	v18 =	vadd.f32 v19, v18  }
0x18d: {  	v19 =	vmov s21  }
0x18e: {  	v19 =	vshrl.u32 v19, $0x3;
	[tilespmem:v17+s29+$0x0] =	vst.idx.msk $0xffff, v18  }
0x18f: {  	v17 =	vshll.u32 v19, v1;
	v18 =	vld [tilespmem:s16+$0xFFFFFFD0]  }
0x190: {  	v17 =	vbroadcast v17, $0x0;
	v19 =	vld [tilespmem:s0+$0xFFFFFFD0];
	_ =	sdelay $0x1  }
0x191: {  	v20 =	vadd.s32 v13, v17;
	_ =	sdelay $0x2  }
0x192: {  	v18 =	vadd.f32 v19, v18;
	_ =	sdelay $0x1  }
0x193: {  	[tilespmem:v20+s29+$0x0] =	vst.idx.msk $0xffff, v18  }
0x194: {  	v18 =	vld [tilespmem:s16+$0xFFFFFFE0]  }
0x195: {  	v19 =	vld [tilespmem:s0+$0xFFFFFFE0];
	_ =	sdelay $0x1  }
0x196: {  	v17 =	vadd.s32 v14, v17  }
0x197: {  	s22 =	simm.s32 $0x7  }
0x198: {  	v20 =	vmov s22  }
0x199: {  	v20 =	vshrl.u32 v20, $0x3;
	v18 =	vadd.f32 v19, v18  }
0x19a: {  	v19 =	vshll.u32 v20, v1  }
0x19b: {  	s15 =	sadd.s32 s15, s8;
	v20 =	vbroadcast v19, $0x0;
	[tilespmem:v17+s29+$0x0] =	vst.idx.msk $0xffff, v18  }
0x19c: {  	s17 =	sadd.s32 $0x1, s15;
	v19 =	vld [tilespmem:s16+$0xFFFFFFF0]  }
0x19d: {  	s18 =	simm.s32 $0x8;
	s19 =	simm.s32 $0xD8F0;
	s20 =	simm.s32 $0x118F0;
	v18 =	vadd.s32 v15, v20;
	v17 =	vadd.s32 v16, v20;
	v20 =	vld [tilespmem:s0+$0xFFFFFFF0]  }
.LBB2_5:
0x19e: {  	p1 =	slt.u32 s18, $0x78;
	s0 =	sadd.s32 $0x100, s0;
	s16 =	sadd.s32 $0x100, s16  }
0x19f: {  	s21 =	smov.u32 s18;
	s18 =	sadd.s32 $0x8, s18;
	_ =	sdelay $0x2  }
0x1a0: {  	v19 =	vadd.f32 v20, v19;
	_ =	sdelay $0x1  }
0x1a1: {  	[tilespmem:v18+s29+$0x0] =	vst.idx.msk $0xffff, v19  }
0x1a2: {  	v18 =	vld [tilespmem:s19+$0x0];
	s19 =	smov.u32 s16  }
0x1a3: {  	v19 =	vld [tilespmem:s20+$0x0];
	s20 =	smov.u32 s0;
	_ =	sdelay $0x4  }
0x1a4: {  	v18 =	vadd.f32 v19, v18  }
0x1a5: {  	v19 =	vmov s21  }
0x1a6: {  	v19 =	vshrl.u32 v19, $0x3;
	[tilespmem:v17+s29+$0x0] =	vst.idx.msk $0xffff, v18  }
0x1a7: {  	v18 =	vshll.u32 v19, v1;
	v17 =	vld [tilespmem:s0+$0xFFFFFF10]  }
0x1a8: {  	v18 =	vbroadcast v18, $0x0;
	v19 =	vld [tilespmem:s16+$0xFFFFFF10];
	_ =	sdelay $0x1  }
0x1a9: {  	v20 =	vadd.s32 v0, v18;
	_ =	sdelay $0x2  }
0x1aa: {  	v17 =	vadd.f32 v17, v19;
	_ =	sdelay $0x1  }
0x1ab: {  	[tilespmem:v20+s29+$0x0] =	vst.idx.msk $0xffff, v17  }
0x1ac: {  	v17 =	vld [tilespmem:s16+$0xFFFFFF20]  }
0x1ad: {  	v19 =	vld [tilespmem:s0+$0xFFFFFF20]  }
0x1ae: {  	v18 =	vadd.s32 v2, v18;
	_ =	sdelay $0x1  }
0x1af: {  	s22 =	sadd.s32 $0x1, s21  }
0x1b0: {  	v20 =	vmov s22  }
0x1b1: {  	v17 =	vadd.f32 v19, v17;
	v19 =	vshrl.u32 v20, $0x3  }
0x1b2: {  	v19 =	vshll.u32 v19, v1  }
0x1b3: {  	[tilespmem:v18+s29+$0x0] =	vst.idx.msk $0xffff, v17;
	v17 =	vbroadcast v19, $0x0  }
0x1b4: {  	v18 =	vld [tilespmem:s16+$0xFFFFFF30]  }
0x1b5: {  	v19 =	vld [tilespmem:s0+$0xFFFFFF30];
	v20 =	vadd.s32 v3, v17;
	_ =	sdelay $0x4  }
0x1b6: {  	v18 =	vadd.f32 v19, v18;
	_ =	sdelay $0x1  }
0x1b7: {  	[tilespmem:v20+s29+$0x0] =	vst.idx.msk $0xffff, v18  }
0x1b8: {  	v17 =	vadd.s32 v4, v17;
	v18 =	vld [tilespmem:s16+$0xFFFFFF40]  }
0x1b9: {  	v19 =	vld [tilespmem:s0+$0xFFFFFF40]  }
0x1ba: {  	s22 =	sadd.s32 $0x2, s21  }
0x1bb: {  	v20 =	vmov s22  }
0x1bc: {  	v20 =	vshrl.u32 v20, $0x3  }
0x1bd: {  	v20 =	vshll.u32 v20, v1  }
0x1be: {  	v18 =	vadd.f32 v19, v18;
	v19 =	vbroadcast v20, $0x0;
	_ =	sdelay $0x1  }
0x1bf: {  	[tilespmem:v17+s29+$0x0] =	vst.idx.msk $0xffff, v18;
	v17 =	vadd.s32 v5, v19  }
0x1c0: {  	v18 =	vld [tilespmem:s16+$0xFFFFFF50]  }
0x1c1: {  	v20 =	vld [tilespmem:s0+$0xFFFFFF50];
	_ =	sdelay $0x4  }
0x1c2: {  	v18 =	vadd.f32 v20, v18  }
0x1c3: {  	v19 =	vadd.s32 v6, v19  }
0x1c4: {  	[tilespmem:v17+s29+$0x0] =	vst.idx.msk $0xffff, v18  }
0x1c5: {  	s22 =	sadd.s32 $0x3, s21;
	v17 =	vld [tilespmem:s16+$0xFFFFFF60]  }
0x1c6: {  	v20 =	vmov s22;
	v18 =	vld [tilespmem:s0+$0xFFFFFF60]  }
0x1c7: {  	v20 =	vshrl.u32 v20, $0x3  }
0x1c8: {  	v20 =	vshll.u32 v20, v1  }
0x1c9: {  	v20 =	vbroadcast v20, $0x0;
	_ =	sdelay $0x1  }
0x1ca: {  	v17 =	vadd.f32 v18, v17;
	v18 =	vadd.s32 v7, v20;
	_ =	sdelay $0x1  }
0x1cb: {  	[tilespmem:v19+s29+$0x0] =	vst.idx.msk $0xffff, v17  }
0x1cc: {  	v17 =	vld [tilespmem:s16+$0xFFFFFF70]  }
0x1cd: {  	v19 =	vld [tilespmem:s0+$0xFFFFFF70];
	_ =	sdelay $0x3  }
0x1ce: {  	v20 =	vadd.s32 v8, v20  }
0x1cf: {  	v17 =	vadd.f32 v19, v17  }
0x1d0: {  	s22 =	sadd.s32 $0x4, s21  }
0x1d1: {  	[tilespmem:v18+s29+$0x0] =	vst.idx.msk $0xffff, v17;
	v17 =	vmov s22  }
0x1d2: {  	v18 =	vld [tilespmem:s16+$0xFFFFFF80];
	v17 =	vshrl.u32 v17, $0x3  }
0x1d3: {  	v19 =	vld [tilespmem:s0+$0xFFFFFF80];
	v17 =	vshll.u32 v17, v1  }
0x1d4: {  	v17 =	vbroadcast v17, $0x0;
	_ =	sdelay $0x1  }
0x1d5: {  	v21 =	vadd.s32 v9, v17;
	_ =	sdelay $0x1  }
0x1d6: {  	v18 =	vadd.f32 v19, v18;
	_ =	sdelay $0x1  }
0x1d7: {  	[tilespmem:v20+s29+$0x0] =	vst.idx.msk $0xffff, v18  }
0x1d8: {  	v18 =	vld [tilespmem:s16+$0xFFFFFF90]  }
0x1d9: {  	v19 =	vld [tilespmem:s0+$0xFFFFFF90];
	_ =	sdelay $0x1  }
0x1da: {  	v17 =	vadd.s32 v10, v17;
	_ =	sdelay $0x1  }
0x1db: {  	s22 =	sadd.s32 $0x5, s21  }
0x1dc: {  	v18 =	vadd.f32 v19, v18;
	v19 =	vmov s22  }
0x1dd: {  	v19 =	vshrl.u32 v19, $0x3  }
0x1de: {  	[tilespmem:v21+s29+$0x0] =	vst.idx.msk $0xffff, v18;
	v18 =	vshll.u32 v19, v1  }
0x1df: {  	v19 =	vld [tilespmem:s16+$0xFFFFFFA0];
	v18 =	vbroadcast v18, $0x0  }
0x1e0: {  	v20 =	vld [tilespmem:s0+$0xFFFFFFA0]  }
0x1e1: {  	v21 =	vadd.s32 v11, v18;
	_ =	sdelay $0x3  }
0x1e2: {  	v19 =	vadd.f32 v20, v19;
	_ =	sdelay $0x1  }
0x1e3: {  	[tilespmem:v17+s29+$0x0] =	vst.idx.msk $0xffff, v19  }
0x1e4: {  	v17 =	vld [tilespmem:s16+$0xFFFFFFB0]  }
0x1e5: {  	v18 =	vadd.s32 v12, v18;
	v19 =	vld [tilespmem:s0+$0xFFFFFFB0];
	_ =	sdelay $0x1  }
0x1e6: {  	s22 =	sadd.s32 $0x6, s21  }
0x1e7: {  	v20 =	vmov s22  }
0x1e8: {  	v20 =	vshrl.u32 v20, $0x3  }
0x1e9: {  	v17 =	vadd.f32 v19, v17;
	v19 =	vshll.u32 v20, v1  }
0x1ea: {  	v19 =	vbroadcast v19, $0x0  }
0x1eb: {  	[tilespmem:v21+s29+$0x0] =	vst.idx.msk $0xffff, v17  }
0x1ec: {  	v17 =	vld [tilespmem:s16+$0xFFFFFFC0];
	v20 =	vadd.s32 v13, v19  }
0x1ed: {  	v21 =	vld [tilespmem:s0+$0xFFFFFFC0];
	_ =	sdelay $0x4  }
0x1ee: {  	v17 =	vadd.f32 v21, v17;
	_ =	sdelay $0x1  }
0x1ef: {  	v19 =	vadd.s32 v14, v19;
	[tilespmem:v18+s29+$0x0] =	vst.idx.msk $0xffff, v17  }
0x1f0: {  	v17 =	vld [tilespmem:s16+$0xFFFFFFD0]  }
0x1f1: {  	s21 =	sadd.s32 $0x7, s21;
	v18 =	vld [tilespmem:s0+$0xFFFFFFD0]  }
0x1f2: {  	v21 =	vmov s21  }
0x1f3: {  	v21 =	vshrl.u32 v21, $0x3  }
0x1f4: {  	v21 =	vshll.u32 v21, v1  }
0x1f5: {  	v21 =	vbroadcast v21, $0x0  }
0x1f6: {  	v17 =	vadd.f32 v18, v17  }
0x1f7: {  	v18 =	vadd.s32 v15, v21  }
0x1f8: {  	[tilespmem:v20+s29+$0x0] =	vst.idx.msk $0xffff, v17  }
0x1f9: {  	v17 =	vld [tilespmem:s16+$0xFFFFFFE0]  }
0x1fa: {  	v20 =	vld [tilespmem:s0+$0xFFFFFFE0];
	_ =	sdelay $0x4  }
.Ltmp1:
0x1fb: {  	v20 =	vadd.f32 v20, v17;
	v17 =	vadd.s32 v16, v21;
	(pc) =	sbr.rel @p1 .LBB2_5-.Ltmp1, $4  }
0x1fc: {  	_ = 	snop  }
0x1fd: {  	[tilespmem:v19+s29+$0x0] =	vst.idx.msk $0xffff, v20  }
0x1fe: {  	v19 =	vld [tilespmem:s16+$0xFFFFFFF0]  }
0x1ff: {  	v20 =	vld [tilespmem:s0+$0xFFFFFFF0]  }
0x200: {  	_ =	sdelay $0x3  }
0x201: {  	v19 =	vadd.f32 v20, v19;
	_ =	sdelay $0x1  }
0x202: {  	[tilespmem:v18+s29+$0x0] =	vst.idx.msk $0xffff, v19  }
0x203: {  	v18 =	vld [tilespmem:s19+$0x0]  }
0x204: {  	v19 =	vld [tilespmem:s20+$0x0];
	_ =	sdelay $0x4  }
0x205: {  	v18 =	vadd.f32 v19, v18;
	_ =	sdelay $0x1  }
0x206: {  	s0 =	sadd.s32 @!p0 $0x280, s13;
	s16 =	simm.s32 @!p0 $0x80;
	s18 =	simm.s32 @!p0 $0xD800;
	[tilespmem:v17+s29+$0x0] =	vst.idx.msk $0xffff, v18  }
0x207: {  	[tilespmem:s18], [sflag:$0x2] =	stream.indirect.gather @!p0 [hbm4b:s4+s16], $0x20, s0, s16, $0xb8;
	[tilespmem:$0x16A00] =	vst v63  }
0x208: {  	s0 =	sadd.s32 @!p0 $0x6680, s13;
	s18 =	simm.s32 @!p0 $0x11800  }
0x209: {  	[tilespmem:s18], [sflag:$0x6] =	stream.indirect.gather @!p0 [hbm4b:s5+s16], $0x20, s0, s16, $0xb8;
	[tilespmem:$0x16A00] =	vst v63  }
0x20a: {  	s16 =	sshll.u32 s17, $0x7;
	s18 =	sshll.u32 s17, $0x9  }
0x20b: {  	s0 =	sand.u32 $0x3E80, s16;
	s16 =	sand.u32 $0x7FFF0000, s18  }
0x20c: {  	s16 =	sor.u32 s0, s16  }
0x20d: {  	s0 =	simm.s32 $0x0;
	s17 =	sadd.s32 s2, s16  }
0x20e: {  	[hbm4b:s17+s0] =	stream.linear.scatter [tilespmem:s29], [sflag:$0xA], $0x80, $0x38;
	[tilespmem:$0x16A00] =	vst v63  }
0x20f: {  	s20 =	simm.s32 $0x15988;
	s19 =	sadd.s32 $0x10, s17  }
0x210: {  	[hbm4b:s19+s0] =	stream.linear.scatter [tilespmem:s20], [sflag:$0xA], $0x80, $0x38;
	[tilespmem:$0x16A00] =	vst v63  }
0x211: {  	s22 =	simm.s32 $0x15A10;
	s21 =	sadd.s32 $0x20, s17  }
0x212: {  	[hbm4b:s21+s0] =	stream.linear.scatter [tilespmem:s22], [sflag:$0xA], $0x80, $0x38;
	[tilespmem:$0x16A00] =	vst v63  }
0x213: {  	s19 =	sadd.s32 $0x30, s17;
	s20 =	simm.s32 $0x15A98  }
0x214: {  	[hbm4b:s19+s0] =	stream.linear.scatter [tilespmem:s20], [sflag:$0xA], $0x80, $0x38;
	[tilespmem:$0x16A00] =	vst v63  }
0x215: {  	s21 =	sadd.s32 $0x40, s17;
	s22 =	simm.s32 $0x15B20  }
0x216: {  	[hbm4b:s21+s0] =	stream.linear.scatter [tilespmem:s22], [sflag:$0xA], $0x80, $0x38;
	[tilespmem:$0x16A00] =	vst v63  }
0x217: {  	s19 =	sadd.s32 $0x50, s17;
	s20 =	simm.s32 $0x15BA8  }
0x218: {  	[hbm4b:s19+s0] =	stream.linear.scatter [tilespmem:s20], [sflag:$0xA], $0x80, $0x38;
	[tilespmem:$0x16A00] =	vst v63  }
0x219: {  	s21 =	sadd.s32 $0x60, s17;
	s22 =	simm.s32 $0x15C30  }
0x21a: {  	[hbm4b:s21+s0] =	stream.linear.scatter [tilespmem:s22], [sflag:$0xA], $0x80, $0x38;
	[tilespmem:$0x16A00] =	vst v63  }
0x21b: {  	s17 =	sadd.s32 $0x70, s17;
	s19 =	simm.s32 $0x15CB8  }
0x21c: {  	[hbm4b:s17+s0] =	stream.linear.scatter [tilespmem:s19], [sflag:$0xA], $0x80, $0x38;
	[tilespmem:$0x16A00] =	vst v63  }
0x21d: {  	s20 =	simm.s32 $0x15D40;
	s17 =	sadd.s32 s16, s9  }
0x21e: {  	[hbm4b:s17+s0] =	stream.linear.scatter [tilespmem:s20], [sflag:$0xA], $0x80, $0x38;
	[tilespmem:$0x16A00] =	vst v63  }
0x21f: {  	s22 =	simm.s32 $0x15DC8;
	s21 =	sadd.s32 $0x10, s17  }
0x220: {  	[hbm4b:s21+s0] =	stream.linear.scatter [tilespmem:s22], [sflag:$0xA], $0x80, $0x38;
	[tilespmem:$0x16A00] =	vst v63  }
0x221: {  	s19 =	sadd.s32 $0x20, s17;
	s20 =	simm.s32 $0x15E50  }
0x222: {  	[hbm4b:s19+s0] =	stream.linear.scatter [tilespmem:s20], [sflag:$0xA], $0x80, $0x38;
	[tilespmem:$0x16A00] =	vst v63  }
0x223: {  	s21 =	sadd.s32 $0x30, s17;
	s22 =	simm.s32 $0x15ED8  }
0x224: {  	[hbm4b:s21+s0] =	stream.linear.scatter [tilespmem:s22], [sflag:$0xA], $0x80, $0x38;
	[tilespmem:$0x16A00] =	vst v63  }
0x225: {  	s19 =	sadd.s32 $0x40, s17;
	s20 =	simm.s32 $0x15F60  }
0x226: {  	[hbm4b:s19+s0] =	stream.linear.scatter [tilespmem:s20], [sflag:$0xA], $0x80, $0x38;
	[tilespmem:$0x16A00] =	vst v63  }
0x227: {  	s21 =	sadd.s32 $0x50, s17;
	s22 =	simm.s32 $0x15FE8  }
0x228: {  	[hbm4b:s21+s0] =	stream.linear.scatter [tilespmem:s22], [sflag:$0xA], $0x80, $0x38;
	[tilespmem:$0x16A00] =	vst v63  }
0x229: {  	s19 =	sadd.s32 $0x60, s17;
	s20 =	simm.s32 $0x16070  }
0x22a: {  	[hbm4b:s19+s0] =	stream.linear.scatter [tilespmem:s20], [sflag:$0xA], $0x80, $0x38;
	[tilespmem:$0x16A00] =	vst v63  }
0x22b: {  	s17 =	sadd.s32 $0x70, s17;
	s21 =	simm.s32 $0x160F8  }
0x22c: {  	[hbm4b:s17+s0] =	stream.linear.scatter [tilespmem:s21], [sflag:$0xA], $0x80, $0x38;
	[tilespmem:$0x16A00] =	vst v63  }
0x22d: {  	s22 =	simm.s32 $0x16180;
	s17 =	sadd.s32 s16, s10  }
0x22e: {  	[hbm4b:s17+s0] =	stream.linear.scatter [tilespmem:s22], [sflag:$0xA], $0x80, $0x38;
	[tilespmem:$0x16A00] =	vst v63  }
0x22f: {  	s20 =	simm.s32 $0x16208;
	s19 =	sadd.s32 $0x10, s17  }
0x230: {  	[hbm4b:s19+s0] =	stream.linear.scatter [tilespmem:s20], [sflag:$0xA], $0x80, $0x38;
	[tilespmem:$0x16A00] =	vst v63  }
0x231: {  	s21 =	sadd.s32 $0x20, s17;
	s22 =	simm.s32 $0x16290  }
0x232: {  	[hbm4b:s21+s0] =	stream.linear.scatter [tilespmem:s22], [sflag:$0xA], $0x80, $0x38;
	[tilespmem:$0x16A00] =	vst v63  }
0x233: {  	s19 =	sadd.s32 $0x30, s17;
	s20 =	simm.s32 $0x16318  }
0x234: {  	[hbm4b:s19+s0] =	stream.linear.scatter [tilespmem:s20], [sflag:$0xA], $0x80, $0x38;
	[tilespmem:$0x16A00] =	vst v63  }
0x235: {  	s21 =	sadd.s32 $0x40, s17;
	s22 =	simm.s32 $0x163A0  }
0x236: {  	[hbm4b:s21+s0] =	stream.linear.scatter [tilespmem:s22], [sflag:$0xA], $0x80, $0x38;
	[tilespmem:$0x16A00] =	vst v63  }
0x237: {  	s19 =	sadd.s32 $0x50, s17;
	s20 =	simm.s32 $0x16428  }
0x238: {  	[hbm4b:s19+s0] =	stream.linear.scatter [tilespmem:s20], [sflag:$0xA], $0x80, $0x38;
	[tilespmem:$0x16A00] =	vst v63  }
0x239: {  	s21 =	sadd.s32 $0x60, s17;
	s22 =	simm.s32 $0x164B0  }
0x23a: {  	[hbm4b:s21+s0] =	stream.linear.scatter [tilespmem:s22], [sflag:$0xA], $0x80, $0x38;
	[tilespmem:$0x16A00] =	vst v63  }
0x23b: {  	s17 =	sadd.s32 $0x70, s17;
	s19 =	simm.s32 $0x16538  }
0x23c: {  	[hbm4b:s17+s0] =	stream.linear.scatter [tilespmem:s19], [sflag:$0xA], $0x80, $0x38;
	[tilespmem:$0x16A00] =	vst v63  }
0x23d: {  	s16 =	sadd.s32 s16, s11;
	s20 =	simm.s32 $0x165C0  }
0x23e: {  	[hbm4b:s16+s0] =	stream.linear.scatter [tilespmem:s20], [sflag:$0xA], $0x80, $0x38;
	[tilespmem:$0x16A00] =	vst v63  }
0x23f: {  	s21 =	sadd.s32 $0x10, s16;
	s22 =	simm.s32 $0x16648  }
0x240: {  	[hbm4b:s21+s0] =	stream.linear.scatter [tilespmem:s22], [sflag:$0xA], $0x80, $0x38;
	[tilespmem:$0x16A00] =	vst v63  }
0x241: {  	s19 =	sadd.s32 $0x20, s16;
	s20 =	simm.s32 $0x166D0  }
0x242: {  	[hbm4b:s19+s0] =	stream.linear.scatter [tilespmem:s20], [sflag:$0xA], $0x80, $0x38;
	[tilespmem:$0x16A00] =	vst v63  }
0x243: {  	s21 =	sadd.s32 $0x30, s16;
	s22 =	simm.s32 $0x16758  }
0x244: {  	[hbm4b:s21+s0] =	stream.linear.scatter [tilespmem:s22], [sflag:$0xA], $0x80, $0x38;
	[tilespmem:$0x16A00] =	vst v63  }
0x245: {  	s19 =	sadd.s32 $0x40, s16;
	s20 =	simm.s32 $0x167E0  }
0x246: {  	[hbm4b:s19+s0] =	stream.linear.scatter [tilespmem:s20], [sflag:$0xA], $0x80, $0x38;
	[tilespmem:$0x16A00] =	vst v63  }
0x247: {  	s21 =	sadd.s32 $0x50, s16;
	s22 =	simm.s32 $0x16868  }
0x248: {  	[hbm4b:s21+s0] =	stream.linear.scatter [tilespmem:s22], [sflag:$0xA], $0x80, $0x38;
	[tilespmem:$0x16A00] =	vst v63  }
0x249: {  	s18 =	sadd.s32 $0x60, s16;
	s19 =	simm.s32 $0x168F0  }
0x24a: {  	[hbm4b:s18+s0] =	stream.linear.scatter [tilespmem:s19], [sflag:$0xA], $0x80, $0x38;
	[tilespmem:$0x16A00] =	vst v63  }
0x24b: {  	s16 =	sadd.s32 $0x70, s16;
	s20 =	simm.s32 $0x16978  }
0x24c: {  	[hbm4b:s16+s0] =	stream.linear.scatter [tilespmem:s20], [sflag:$0xA], $0x80, $0x38;
	[tilespmem:$0x16A00] =	vst v63  }
0x24d: {  	_ =	swait.ge [sflag:s23], $0x1000  }
0x24e: {  	[sflag:s23] =	ssyncset.done $0x0  }
0x24f: {  	[sflag:s23] =	ssyncadd.s32 $0xFFFFF000  }
0x250: {  	_ =	swait.ge [sflag:s24], $0x1000  }
0x251: {  	[sflag:s24] =	ssyncset.done $0x0  }
0x252: {  	[sflag:s24] =	ssyncadd.s32 $0xFFFFF000  }
0x253: {  	_ =	swait.ge [sflag:s25], $0x400  }
0x254: {  	[sflag:s25] =	ssyncset.done $0x0  }
0x255: {  	[sflag:s25] =	ssyncadd.s32 $0xFFFFFC00  }
0x256: {  	_ =	swait.ge [sflag:s25], $0x400  }
0x257: {  	[sflag:s25] =	ssyncset.done $0x0  }
0x258: {  	[sflag:s25] =	ssyncadd.s32 $0xFFFFFC00  }
0x259: {  	_ =	swait.ge [sflag:s25], $0x400  }
0x25a: {  	[sflag:s25] =	ssyncset.done $0x0  }
0x25b: {  	[sflag:s25] =	ssyncadd.s32 $0xFFFFFC00  }
0x25c: {  	_ =	swait.ge [sflag:s25], $0x400  }
0x25d: {  	v17 =	vmov s0;
	[sflag:s25] =	ssyncset.done $0x0  }
0x25e: {  	v17 =	vshrl.u32 v17, $0x3;
	s0 =	simm.s32 $0x128F0;
	[sflag:s25] =	ssyncadd.s32 $0xFFFFFC00  }
0x25f: {  	v17 =	vshll.u32 v17, v1;
	s16 =	simm.s32 $0xE8F0;
	v18 =	vld [tilespmem:s0+$0xFFFFFF10]  }
0x260: {  	v17 =	vbroadcast v17, $0x0;
	v19 =	vld [tilespmem:s16+$0xFFFFFF10];
	_ =	sdelay $0x1  }
0x261: {  	v20 =	vadd.s32 v0, v17;
	_ =	sdelay $0x2  }
0x262: {  	v18 =	vadd.f32 v18, v19;
	_ =	sdelay $0x1  }
0x263: {  	[tilespmem:v20+s1+$0x0] =	vst.idx.msk $0xffff, v18  }
0x264: {  	v18 =	vld [tilespmem:s16+$0xFFFFFF20]  }
0x265: {  	v19 =	vld [tilespmem:s0+$0xFFFFFF20];
	_ =	sdelay $0x1  }
0x266: {  	v17 =	vadd.s32 v2, v17;
	_ =	sdelay $0x2  }
0x267: {  	s21 =	simm.s32 $0x1;
	v18 =	vadd.f32 v19, v18  }
0x268: {  	v19 =	vmov s21  }
0x269: {  	v19 =	vshrl.u32 v19, $0x3;
	[tilespmem:v17+s1+$0x0] =	vst.idx.msk $0xffff, v18  }
0x26a: {  	v17 =	vshll.u32 v19, v1;
	v18 =	vld [tilespmem:s16+$0xFFFFFF30]  }
0x26b: {  	v17 =	vbroadcast v17, $0x0;
	v19 =	vld [tilespmem:s0+$0xFFFFFF30];
	_ =	sdelay $0x1  }
0x26c: {  	v20 =	vadd.s32 v3, v17;
	_ =	sdelay $0x2  }
0x26d: {  	v18 =	vadd.f32 v19, v18;
	_ =	sdelay $0x1  }
0x26e: {  	[tilespmem:v20+s1+$0x0] =	vst.idx.msk $0xffff, v18  }
0x26f: {  	v18 =	vld [tilespmem:s16+$0xFFFFFF40]  }
0x270: {  	v19 =	vld [tilespmem:s0+$0xFFFFFF40];
	_ =	sdelay $0x1  }
0x271: {  	v17 =	vadd.s32 v4, v17;
	_ =	sdelay $0x2  }
0x272: {  	s22 =	simm.s32 $0x2;
	v18 =	vadd.f32 v19, v18  }
0x273: {  	v19 =	vmov s22  }
0x274: {  	v19 =	vshrl.u32 v19, $0x3;
	[tilespmem:v17+s1+$0x0] =	vst.idx.msk $0xffff, v18  }
0x275: {  	v17 =	vshll.u32 v19, v1;
	v18 =	vld [tilespmem:s16+$0xFFFFFF50]  }
0x276: {  	v17 =	vbroadcast v17, $0x0;
	v19 =	vld [tilespmem:s0+$0xFFFFFF50];
	_ =	sdelay $0x1  }
0x277: {  	v20 =	vadd.s32 v5, v17;
	_ =	sdelay $0x2  }
0x278: {  	v18 =	vadd.f32 v19, v18;
	_ =	sdelay $0x1  }
0x279: {  	[tilespmem:v20+s1+$0x0] =	vst.idx.msk $0xffff, v18  }
0x27a: {  	v18 =	vld [tilespmem:s16+$0xFFFFFF60]  }
0x27b: {  	v19 =	vld [tilespmem:s0+$0xFFFFFF60];
	_ =	sdelay $0x1  }
0x27c: {  	v17 =	vadd.s32 v6, v17;
	_ =	sdelay $0x2  }
0x27d: {  	s18 =	simm.s32 $0x3;
	v18 =	vadd.f32 v19, v18  }
0x27e: {  	v19 =	vmov s18  }
0x27f: {  	v19 =	vshrl.u32 v19, $0x3;
	[tilespmem:v17+s1+$0x0] =	vst.idx.msk $0xffff, v18  }
0x280: {  	v17 =	vshll.u32 v19, v1;
	v18 =	vld [tilespmem:s16+$0xFFFFFF70]  }
0x281: {  	v17 =	vbroadcast v17, $0x0;
	v19 =	vld [tilespmem:s0+$0xFFFFFF70];
	_ =	sdelay $0x1  }
0x282: {  	v20 =	vadd.s32 v7, v17;
	_ =	sdelay $0x2  }
0x283: {  	v18 =	vadd.f32 v19, v18;
	_ =	sdelay $0x1  }
0x284: {  	[tilespmem:v20+s1+$0x0] =	vst.idx.msk $0xffff, v18  }
0x285: {  	v18 =	vld [tilespmem:s16+$0xFFFFFF80]  }
0x286: {  	v19 =	vld [tilespmem:s0+$0xFFFFFF80];
	_ =	sdelay $0x1  }
0x287: {  	v17 =	vadd.s32 v8, v17;
	_ =	sdelay $0x2  }
0x288: {  	s19 =	simm.s32 $0x4;
	v18 =	vadd.f32 v19, v18  }
0x289: {  	v19 =	vmov s19  }
0x28a: {  	v19 =	vshrl.u32 v19, $0x3;
	[tilespmem:v17+s1+$0x0] =	vst.idx.msk $0xffff, v18  }
0x28b: {  	v17 =	vshll.u32 v19, v1;
	v18 =	vld [tilespmem:s16+$0xFFFFFF90]  }
0x28c: {  	v17 =	vbroadcast v17, $0x0;
	v19 =	vld [tilespmem:s0+$0xFFFFFF90];
	_ =	sdelay $0x1  }
0x28d: {  	v20 =	vadd.s32 v9, v17;
	_ =	sdelay $0x2  }
0x28e: {  	v18 =	vadd.f32 v19, v18;
	_ =	sdelay $0x1  }
0x28f: {  	[tilespmem:v20+s1+$0x0] =	vst.idx.msk $0xffff, v18  }
0x290: {  	v18 =	vld [tilespmem:s16+$0xFFFFFFA0]  }
0x291: {  	v19 =	vld [tilespmem:s0+$0xFFFFFFA0];
	_ =	sdelay $0x1  }
0x292: {  	v17 =	vadd.s32 v10, v17;
	_ =	sdelay $0x2  }
0x293: {  	s20 =	simm.s32 $0x5;
	v18 =	vadd.f32 v19, v18  }
0x294: {  	v19 =	vmov s20  }
0x295: {  	v19 =	vshrl.u32 v19, $0x3;
	[tilespmem:v17+s1+$0x0] =	vst.idx.msk $0xffff, v18  }
0x296: {  	v17 =	vshll.u32 v19, v1;
	v18 =	vld [tilespmem:s16+$0xFFFFFFB0]  }
0x297: {  	v17 =	vbroadcast v17, $0x0;
	v19 =	vld [tilespmem:s0+$0xFFFFFFB0];
	_ =	sdelay $0x1  }
0x298: {  	v20 =	vadd.s32 v11, v17;
	_ =	sdelay $0x2  }
0x299: {  	v18 =	vadd.f32 v19, v18;
	_ =	sdelay $0x1  }
0x29a: {  	[tilespmem:v20+s1+$0x0] =	vst.idx.msk $0xffff, v18  }
0x29b: {  	v18 =	vld [tilespmem:s16+$0xFFFFFFC0]  }
0x29c: {  	v19 =	vld [tilespmem:s0+$0xFFFFFFC0];
	_ =	sdelay $0x1  }
0x29d: {  	v17 =	vadd.s32 v12, v17;
	_ =	sdelay $0x2  }
0x29e: {  	s21 =	simm.s32 $0x6;
	v18 =	vadd.f32 v19, v18  }
0x29f: {  	v19 =	vmov s21  }
0x2a0: {  	v19 =	vshrl.u32 v19, $0x3;
	[tilespmem:v17+s1+$0x0] =	vst.idx.msk $0xffff, v18  }
0x2a1: {  	v17 =	vshll.u32 v19, v1;
	v18 =	vld [tilespmem:s16+$0xFFFFFFD0]  }
0x2a2: {  	v17 =	vbroadcast v17, $0x0;
	v19 =	vld [tilespmem:s0+$0xFFFFFFD0];
	_ =	sdelay $0x1  }
0x2a3: {  	v20 =	vadd.s32 v13, v17;
	_ =	sdelay $0x2  }
0x2a4: {  	v18 =	vadd.f32 v19, v18;
	_ =	sdelay $0x1  }
0x2a5: {  	[tilespmem:v20+s1+$0x0] =	vst.idx.msk $0xffff, v18  }
0x2a6: {  	v18 =	vld [tilespmem:s16+$0xFFFFFFE0]  }
0x2a7: {  	v19 =	vld [tilespmem:s0+$0xFFFFFFE0];
	_ =	sdelay $0x1  }
0x2a8: {  	v17 =	vadd.s32 v14, v17  }
0x2a9: {  	s22 =	simm.s32 $0x7  }
0x2aa: {  	v20 =	vmov s22  }
0x2ab: {  	v20 =	vshrl.u32 v20, $0x3;
	v18 =	vadd.f32 v19, v18  }
0x2ac: {  	v19 =	vshll.u32 v20, v1  }
0x2ad: {  	v20 =	vbroadcast v19, $0x0;
	[tilespmem:v17+s1+$0x0] =	vst.idx.msk $0xffff, v18  }
0x2ae: {  	v19 =	vld [tilespmem:s16+$0xFFFFFFF0]  }
0x2af: {  	s17 =	simm.s32 $0x8;
	s18 =	simm.s32 $0xE8F0;
	s19 =	simm.s32 $0x128F0;
	v18 =	vadd.s32 v15, v20;
	v17 =	vadd.s32 v16, v20;
	v20 =	vld [tilespmem:s0+$0xFFFFFFF0]  }
.LBB2_7:
0x2b0: {  	p1 =	slt.u32 s17, $0x78;
	s0 =	sadd.s32 $0x100, s0;
	s16 =	sadd.s32 $0x100, s16  }
0x2b1: {  	s20 =	smov.u32 s17;
	s17 =	sadd.s32 $0x8, s17;
	_ =	sdelay $0x2  }
0x2b2: {  	v19 =	vadd.f32 v20, v19;
	_ =	sdelay $0x1  }
0x2b3: {  	[tilespmem:v18+s1+$0x0] =	vst.idx.msk $0xffff, v19  }
0x2b4: {  	v18 =	vld [tilespmem:s18+$0x0];
	s18 =	smov.u32 s16  }
0x2b5: {  	v19 =	vld [tilespmem:s19+$0x0];
	s19 =	smov.u32 s0;
	_ =	sdelay $0x4  }
0x2b6: {  	v18 =	vadd.f32 v19, v18  }
0x2b7: {  	v19 =	vmov s20  }
0x2b8: {  	v19 =	vshrl.u32 v19, $0x3;
	[tilespmem:v17+s1+$0x0] =	vst.idx.msk $0xffff, v18  }
0x2b9: {  	v18 =	vshll.u32 v19, v1;
	v17 =	vld [tilespmem:s0+$0xFFFFFF10]  }
0x2ba: {  	v18 =	vbroadcast v18, $0x0;
	v19 =	vld [tilespmem:s16+$0xFFFFFF10];
	_ =	sdelay $0x1  }
0x2bb: {  	v20 =	vadd.s32 v0, v18;
	_ =	sdelay $0x2  }
0x2bc: {  	v17 =	vadd.f32 v17, v19;
	_ =	sdelay $0x1  }
0x2bd: {  	[tilespmem:v20+s1+$0x0] =	vst.idx.msk $0xffff, v17  }
0x2be: {  	v17 =	vld [tilespmem:s16+$0xFFFFFF20]  }
0x2bf: {  	v19 =	vld [tilespmem:s0+$0xFFFFFF20]  }
0x2c0: {  	v18 =	vadd.s32 v2, v18;
	_ =	sdelay $0x1  }
0x2c1: {  	s21 =	sadd.s32 $0x1, s20  }
0x2c2: {  	v20 =	vmov s21  }
0x2c3: {  	v17 =	vadd.f32 v19, v17;
	v19 =	vshrl.u32 v20, $0x3  }
0x2c4: {  	v19 =	vshll.u32 v19, v1  }
0x2c5: {  	[tilespmem:v18+s1+$0x0] =	vst.idx.msk $0xffff, v17;
	v17 =	vbroadcast v19, $0x0  }
0x2c6: {  	v18 =	vld [tilespmem:s16+$0xFFFFFF30]  }
0x2c7: {  	v19 =	vld [tilespmem:s0+$0xFFFFFF30];
	v20 =	vadd.s32 v3, v17;
	_ =	sdelay $0x4  }
0x2c8: {  	v18 =	vadd.f32 v19, v18;
	_ =	sdelay $0x1  }
0x2c9: {  	[tilespmem:v20+s1+$0x0] =	vst.idx.msk $0xffff, v18  }
0x2ca: {  	v17 =	vadd.s32 v4, v17;
	v18 =	vld [tilespmem:s16+$0xFFFFFF40]  }
0x2cb: {  	v19 =	vld [tilespmem:s0+$0xFFFFFF40]  }
0x2cc: {  	s21 =	sadd.s32 $0x2, s20  }
0x2cd: {  	v20 =	vmov s21  }
0x2ce: {  	v20 =	vshrl.u32 v20, $0x3  }
0x2cf: {  	v20 =	vshll.u32 v20, v1  }
0x2d0: {  	v18 =	vadd.f32 v19, v18;
	v19 =	vbroadcast v20, $0x0;
	_ =	sdelay $0x1  }
0x2d1: {  	[tilespmem:v17+s1+$0x0] =	vst.idx.msk $0xffff, v18;
	v17 =	vadd.s32 v5, v19  }
0x2d2: {  	v18 =	vld [tilespmem:s16+$0xFFFFFF50]  }
0x2d3: {  	v20 =	vld [tilespmem:s0+$0xFFFFFF50];
	_ =	sdelay $0x4  }
0x2d4: {  	v18 =	vadd.f32 v20, v18  }
0x2d5: {  	v19 =	vadd.s32 v6, v19  }
0x2d6: {  	[tilespmem:v17+s1+$0x0] =	vst.idx.msk $0xffff, v18  }
0x2d7: {  	s21 =	sadd.s32 $0x3, s20;
	v17 =	vld [tilespmem:s16+$0xFFFFFF60]  }
0x2d8: {  	v20 =	vmov s21;
	v18 =	vld [tilespmem:s0+$0xFFFFFF60]  }
0x2d9: {  	v20 =	vshrl.u32 v20, $0x3  }
0x2da: {  	v20 =	vshll.u32 v20, v1  }
0x2db: {  	v20 =	vbroadcast v20, $0x0;
	_ =	sdelay $0x1  }
0x2dc: {  	v17 =	vadd.f32 v18, v17;
	v18 =	vadd.s32 v7, v20;
	_ =	sdelay $0x1  }
0x2dd: {  	[tilespmem:v19+s1+$0x0] =	vst.idx.msk $0xffff, v17  }
0x2de: {  	v17 =	vld [tilespmem:s16+$0xFFFFFF70]  }
0x2df: {  	v19 =	vld [tilespmem:s0+$0xFFFFFF70];
	_ =	sdelay $0x3  }
0x2e0: {  	v20 =	vadd.s32 v8, v20  }
0x2e1: {  	v17 =	vadd.f32 v19, v17  }
0x2e2: {  	s21 =	sadd.s32 $0x4, s20  }
0x2e3: {  	[tilespmem:v18+s1+$0x0] =	vst.idx.msk $0xffff, v17;
	v17 =	vmov s21  }
0x2e4: {  	v18 =	vld [tilespmem:s16+$0xFFFFFF80];
	v17 =	vshrl.u32 v17, $0x3  }
0x2e5: {  	v19 =	vld [tilespmem:s0+$0xFFFFFF80];
	v17 =	vshll.u32 v17, v1  }
0x2e6: {  	v17 =	vbroadcast v17, $0x0;
	_ =	sdelay $0x1  }
0x2e7: {  	v21 =	vadd.s32 v9, v17;
	_ =	sdelay $0x1  }
0x2e8: {  	v18 =	vadd.f32 v19, v18;
	_ =	sdelay $0x1  }
0x2e9: {  	[tilespmem:v20+s1+$0x0] =	vst.idx.msk $0xffff, v18  }
0x2ea: {  	v18 =	vld [tilespmem:s16+$0xFFFFFF90]  }
0x2eb: {  	v19 =	vld [tilespmem:s0+$0xFFFFFF90];
	_ =	sdelay $0x1  }
0x2ec: {  	v17 =	vadd.s32 v10, v17;
	_ =	sdelay $0x1  }
0x2ed: {  	s21 =	sadd.s32 $0x5, s20  }
0x2ee: {  	v18 =	vadd.f32 v19, v18;
	v19 =	vmov s21  }
0x2ef: {  	v19 =	vshrl.u32 v19, $0x3  }
0x2f0: {  	[tilespmem:v21+s1+$0x0] =	vst.idx.msk $0xffff, v18;
	v18 =	vshll.u32 v19, v1  }
0x2f1: {  	v19 =	vld [tilespmem:s16+$0xFFFFFFA0];
	v18 =	vbroadcast v18, $0x0  }
0x2f2: {  	v20 =	vld [tilespmem:s0+$0xFFFFFFA0]  }
0x2f3: {  	v21 =	vadd.s32 v11, v18;
	_ =	sdelay $0x3  }
0x2f4: {  	v19 =	vadd.f32 v20, v19;
	_ =	sdelay $0x1  }
0x2f5: {  	[tilespmem:v17+s1+$0x0] =	vst.idx.msk $0xffff, v19  }
0x2f6: {  	v17 =	vld [tilespmem:s16+$0xFFFFFFB0]  }
0x2f7: {  	v18 =	vadd.s32 v12, v18;
	v19 =	vld [tilespmem:s0+$0xFFFFFFB0];
	_ =	sdelay $0x1  }
0x2f8: {  	s21 =	sadd.s32 $0x6, s20  }
0x2f9: {  	v20 =	vmov s21  }
0x2fa: {  	v20 =	vshrl.u32 v20, $0x3  }
0x2fb: {  	v17 =	vadd.f32 v19, v17;
	v19 =	vshll.u32 v20, v1  }
0x2fc: {  	v19 =	vbroadcast v19, $0x0  }
0x2fd: {  	[tilespmem:v21+s1+$0x0] =	vst.idx.msk $0xffff, v17  }
0x2fe: {  	v17 =	vld [tilespmem:s16+$0xFFFFFFC0];
	v20 =	vadd.s32 v13, v19  }
0x2ff: {  	v21 =	vld [tilespmem:s0+$0xFFFFFFC0];
	_ =	sdelay $0x4  }
0x300: {  	v17 =	vadd.f32 v21, v17;
	_ =	sdelay $0x1  }
0x301: {  	v19 =	vadd.s32 v14, v19;
	[tilespmem:v18+s1+$0x0] =	vst.idx.msk $0xffff, v17  }
0x302: {  	v17 =	vld [tilespmem:s16+$0xFFFFFFD0]  }
0x303: {  	s20 =	sadd.s32 $0x7, s20;
	v18 =	vld [tilespmem:s0+$0xFFFFFFD0]  }
0x304: {  	v21 =	vmov s20  }
0x305: {  	v21 =	vshrl.u32 v21, $0x3  }
0x306: {  	v21 =	vshll.u32 v21, v1  }
0x307: {  	v21 =	vbroadcast v21, $0x0  }
0x308: {  	v17 =	vadd.f32 v18, v17  }
0x309: {  	v18 =	vadd.s32 v15, v21  }
0x30a: {  	[tilespmem:v20+s1+$0x0] =	vst.idx.msk $0xffff, v17  }
0x30b: {  	v17 =	vld [tilespmem:s16+$0xFFFFFFE0]  }
0x30c: {  	v20 =	vld [tilespmem:s0+$0xFFFFFFE0];
	_ =	sdelay $0x4  }
.Ltmp2:
0x30d: {  	v20 =	vadd.f32 v20, v17;
	v17 =	vadd.s32 v16, v21;
	(pc) =	sbr.rel @p1 .LBB2_7-.Ltmp2, $4  }
0x30e: {  	_ = 	snop  }
0x30f: {  	[tilespmem:v19+s1+$0x0] =	vst.idx.msk $0xffff, v20  }
0x310: {  	v19 =	vld [tilespmem:s16+$0xFFFFFFF0]  }
0x311: {  	v20 =	vld [tilespmem:s0+$0xFFFFFFF0]  }
0x312: {  	_ =	sdelay $0x3  }
0x313: {  	v19 =	vadd.f32 v20, v19;
	_ =	sdelay $0x1  }
0x314: {  	[tilespmem:v18+s1+$0x0] =	vst.idx.msk $0xffff, v19  }
0x315: {  	v18 =	vld [tilespmem:s18+$0x0]  }
0x316: {  	v19 =	vld [tilespmem:s19+$0x0];
	_ =	sdelay $0x4  }
0x317: {  	v18 =	vadd.f32 v19, v18;
	_ =	sdelay $0x1  }
0x318: {  	s0 =	sadd.s32 @!p0 $0x300, s13;
	s16 =	simm.s32 @!p0 $0x80;
	s17 =	simm.s32 @!p0 $0xE800;
	[tilespmem:v17+s1+$0x0] =	vst.idx.msk $0xffff, v18  }
0x319: {  	[tilespmem:s17], [sflag:$0x3] =	stream.indirect.gather @!p0 [hbm4b:s4+s16], $0x20, s0, s16, $0xb8;
	[tilespmem:$0x16A00] =	vst v63  }
0x31a: {  	s22 =	sadd.s32 $0x2, s15;
	s18 =	simm.s32 @!p0 $0x12800;
	s17 =	sadd.s32 @!p0 $0x6700, s13  }
0x31b: {  	[tilespmem:s18], [sflag:$0x7] =	stream.indirect.gather @!p0 [hbm4b:s5+s16], $0x20, s17, s16, $0xb8;
	[tilespmem:$0x16A00] =	vst v63  }
0x31c: {  	s0 =	sshll.u32 s22, $0x9;
	s18 =	sshll.u32 s22, $0x7  }
0x31d: {  	s0 =	sand.u32 $0x7FFF0000, s0;
	s16 =	sand.u32 $0x3F00, s18  }
0x31e: {  	s16 =	sor.u32 s16, s0  }
0x31f: {  	s0 =	simm.s32 $0x0;
	s17 =	sadd.s32 s2, s16  }
0x320: {  	[hbm4b:s17+s0] =	stream.linear.scatter [tilespmem:s1], [sflag:$0x9], $0x80, $0x38;
	[tilespmem:$0x16A00] =	vst v63  }
0x321: {  	s22 =	simm.s32 $0x14888;
	s19 =	sadd.s32 $0x10, s17  }
0x322: {  	[hbm4b:s19+s0] =	stream.linear.scatter [tilespmem:s22], [sflag:$0x9], $0x80, $0x38;
	[tilespmem:$0x16A00] =	vst v63  }
0x323: {  	s21 =	simm.s32 $0x14910;
	s20 =	sadd.s32 $0x20, s17  }
0x324: {  	[hbm4b:s20+s0] =	stream.linear.scatter [tilespmem:s21], [sflag:$0x9], $0x80, $0x38;
	[tilespmem:$0x16A00] =	vst v63  }
0x325: {  	s20 =	sadd.s32 $0x30, s17;
	s21 =	simm.s32 $0x14998  }
0x326: {  	[hbm4b:s20+s0] =	stream.linear.scatter [tilespmem:s21], [sflag:$0x9], $0x80, $0x38;
	[tilespmem:$0x16A00] =	vst v63  }
0x327: {  	s20 =	sadd.s32 $0x40, s17;
	s21 =	simm.s32 $0x14A20  }
0x328: {  	[hbm4b:s20+s0] =	stream.linear.scatter [tilespmem:s21], [sflag:$0x9], $0x80, $0x38;
	[tilespmem:$0x16A00] =	vst v63  }
0x329: {  	s20 =	sadd.s32 $0x50, s17;
	s21 =	simm.s32 $0x14AA8  }
0x32a: {  	[hbm4b:s20+s0] =	stream.linear.scatter [tilespmem:s21], [sflag:$0x9], $0x80, $0x38;
	[tilespmem:$0x16A00] =	vst v63  }
0x32b: {  	s19 =	sadd.s32 $0x60, s17;
	s20 =	simm.s32 $0x14B30  }
0x32c: {  	[hbm4b:s19+s0] =	stream.linear.scatter [tilespmem:s20], [sflag:$0x9], $0x80, $0x38;
	[tilespmem:$0x16A00] =	vst v63  }
0x32d: {  	s17 =	sadd.s32 $0x70, s17;
	s21 =	simm.s32 $0x14BB8  }
0x32e: {  	[hbm4b:s17+s0] =	stream.linear.scatter [tilespmem:s21], [sflag:$0x9], $0x80, $0x38;
	[tilespmem:$0x16A00] =	vst v63  }
0x32f: {  	s19 =	simm.s32 $0x14C40;
	s17 =	sadd.s32 s16, s9  }
0x330: {  	[hbm4b:s17+s0] =	stream.linear.scatter [tilespmem:s19], [sflag:$0x9], $0x80, $0x38;
	[tilespmem:$0x16A00] =	vst v63  }
0x331: {  	s21 =	simm.s32 $0x14CC8;
	s20 =	sadd.s32 $0x10, s17  }
0x332: {  	[hbm4b:s20+s0] =	stream.linear.scatter [tilespmem:s21], [sflag:$0x9], $0x80, $0x38;
	[tilespmem:$0x16A00] =	vst v63  }
0x333: {  	s20 =	sadd.s32 $0x20, s17;
	s21 =	simm.s32 $0x14D50  }
0x334: {  	[hbm4b:s20+s0] =	stream.linear.scatter [tilespmem:s21], [sflag:$0x9], $0x80, $0x38;
	[tilespmem:$0x16A00] =	vst v63  }
0x335: {  	s20 =	sadd.s32 $0x30, s17;
	s21 =	simm.s32 $0x14DD8  }
0x336: {  	[hbm4b:s20+s0] =	stream.linear.scatter [tilespmem:s21], [sflag:$0x9], $0x80, $0x38;
	[tilespmem:$0x16A00] =	vst v63  }
0x337: {  	s20 =	sadd.s32 $0x40, s17;
	s21 =	simm.s32 $0x14E60  }
0x338: {  	[hbm4b:s20+s0] =	stream.linear.scatter [tilespmem:s21], [sflag:$0x9], $0x80, $0x38;
	[tilespmem:$0x16A00] =	vst v63  }
0x339: {  	s20 =	sadd.s32 $0x50, s17;
	s21 =	simm.s32 $0x14EE8  }
0x33a: {  	[hbm4b:s20+s0] =	stream.linear.scatter [tilespmem:s21], [sflag:$0x9], $0x80, $0x38;
	[tilespmem:$0x16A00] =	vst v63  }
0x33b: {  	s19 =	sadd.s32 $0x60, s17;
	s20 =	simm.s32 $0x14F70  }
0x33c: {  	[hbm4b:s19+s0] =	stream.linear.scatter [tilespmem:s20], [sflag:$0x9], $0x80, $0x38;
	[tilespmem:$0x16A00] =	vst v63  }
0x33d: {  	s17 =	sadd.s32 $0x70, s17;
	s21 =	simm.s32 $0x14FF8  }
0x33e: {  	[hbm4b:s17+s0] =	stream.linear.scatter [tilespmem:s21], [sflag:$0x9], $0x80, $0x38;
	[tilespmem:$0x16A00] =	vst v63  }
0x33f: {  	s19 =	simm.s32 $0x15080;
	s17 =	sadd.s32 s16, s10  }
0x340: {  	[hbm4b:s17+s0] =	stream.linear.scatter [tilespmem:s19], [sflag:$0x9], $0x80, $0x38;
	[tilespmem:$0x16A00] =	vst v63  }
0x341: {  	s21 =	simm.s32 $0x15108;
	s20 =	sadd.s32 $0x10, s17  }
0x342: {  	[hbm4b:s20+s0] =	stream.linear.scatter [tilespmem:s21], [sflag:$0x9], $0x80, $0x38;
	[tilespmem:$0x16A00] =	vst v63  }
0x343: {  	s20 =	sadd.s32 $0x20, s17;
	s21 =	simm.s32 $0x15190  }
0x344: {  	[hbm4b:s20+s0] =	stream.linear.scatter [tilespmem:s21], [sflag:$0x9], $0x80, $0x38;
	[tilespmem:$0x16A00] =	vst v63  }
0x345: {  	s20 =	sadd.s32 $0x30, s17;
	s21 =	simm.s32 $0x15218  }
0x346: {  	[hbm4b:s20+s0] =	stream.linear.scatter [tilespmem:s21], [sflag:$0x9], $0x80, $0x38;
	[tilespmem:$0x16A00] =	vst v63  }
0x347: {  	s20 =	sadd.s32 $0x40, s17;
	s21 =	simm.s32 $0x152A0  }
0x348: {  	[hbm4b:s20+s0] =	stream.linear.scatter [tilespmem:s21], [sflag:$0x9], $0x80, $0x38;
	[tilespmem:$0x16A00] =	vst v63  }
0x349: {  	s20 =	sadd.s32 $0x50, s17;
	s21 =	simm.s32 $0x15328  }
0x34a: {  	[hbm4b:s20+s0] =	stream.linear.scatter [tilespmem:s21], [sflag:$0x9], $0x80, $0x38;
	[tilespmem:$0x16A00] =	vst v63  }
0x34b: {  	s20 =	sadd.s32 $0x60, s17;
	s21 =	simm.s32 $0x153B0  }
0x34c: {  	[hbm4b:s20+s0] =	stream.linear.scatter [tilespmem:s21], [sflag:$0x9], $0x80, $0x38;
	[tilespmem:$0x16A00] =	vst v63  }
0x34d: {  	s17 =	sadd.s32 $0x70, s17;
	s20 =	simm.s32 $0x15438  }
0x34e: {  	[hbm4b:s17+s0] =	stream.linear.scatter [tilespmem:s20], [sflag:$0x9], $0x80, $0x38;
	[tilespmem:$0x16A00] =	vst v63  }
0x34f: {  	s16 =	sadd.s32 s16, s11;
	s21 =	simm.s32 $0x154C0  }
0x350: {  	[hbm4b:s16+s0] =	stream.linear.scatter [tilespmem:s21], [sflag:$0x9], $0x80, $0x38;
	[tilespmem:$0x16A00] =	vst v63  }
0x351: {  	s18 =	sadd.s32 $0x10, s16;
	s19 =	simm.s32 $0x15548  }
0x352: {  	[hbm4b:s18+s0] =	stream.linear.scatter [tilespmem:s19], [sflag:$0x9], $0x80, $0x38;
	[tilespmem:$0x16A00] =	vst v63  }
0x353: {  	s20 =	sadd.s32 $0x20, s16;
	s21 =	simm.s32 $0x155D0  }
0x354: {  	[hbm4b:s20+s0] =	stream.linear.scatter [tilespmem:s21], [sflag:$0x9], $0x80, $0x38;
	[tilespmem:$0x16A00] =	vst v63  }
0x355: {  	s18 =	sadd.s32 $0x30, s16;
	s19 =	simm.s32 $0x15658  }
0x356: {  	[hbm4b:s18+s0] =	stream.linear.scatter [tilespmem:s19], [sflag:$0x9], $0x80, $0x38;
	[tilespmem:$0x16A00] =	vst v63  }
0x357: {  	s20 =	sadd.s32 $0x40, s16;
	s21 =	simm.s32 $0x156E0  }
0x358: {  	[hbm4b:s20+s0] =	stream.linear.scatter [tilespmem:s21], [sflag:$0x9], $0x80, $0x38;
	[tilespmem:$0x16A00] =	vst v63  }
0x359: {  	s18 =	sadd.s32 $0x50, s16;
	s19 =	simm.s32 $0x15768  }
0x35a: {  	[hbm4b:s18+s0] =	stream.linear.scatter [tilespmem:s19], [sflag:$0x9], $0x80, $0x38;
	[tilespmem:$0x16A00] =	vst v63  }
0x35b: {  	s20 =	sadd.s32 $0x60, s16;
	s21 =	simm.s32 $0x157F0  }
0x35c: {  	[hbm4b:s20+s0] =	stream.linear.scatter [tilespmem:s21], [sflag:$0x9], $0x80, $0x38;
	[tilespmem:$0x16A00] =	vst v63  }
0x35d: {  	s16 =	sadd.s32 $0x70, s16;
	s18 =	simm.s32 $0x15878  }
0x35e: {  	[hbm4b:s16+s0] =	stream.linear.scatter [tilespmem:s18], [sflag:$0x9], $0x80, $0x38;
	[tilespmem:$0x16A00] =	vst v63  }
0x35f: {  	_ =	swait.ge [sflag:s14], $0x1000  }
0x360: {  	[sflag:s14] =	ssyncset.done $0x0  }
0x361: {  	[sflag:s14] =	ssyncadd.s32 $0xFFFFF000  }
0x362: {  	_ =	swait.ge [sflag:s6], $0x1000  }
0x363: {  	[sflag:s6] =	ssyncset.done $0x0  }
0x364: {  	[sflag:s6] =	ssyncadd.s32 $0xFFFFF000  }
0x365: {  	_ =	swait.ge [sflag:s7], $0x400  }
0x366: {  	[sflag:s7] =	ssyncset.done $0x0  }
0x367: {  	[sflag:s7] =	ssyncadd.s32 $0xFFFFFC00  }
0x368: {  	_ =	swait.ge [sflag:s7], $0x400  }
0x369: {  	[sflag:s7] =	ssyncset.done $0x0  }
0x36a: {  	[sflag:s7] =	ssyncadd.s32 $0xFFFFFC00  }
0x36b: {  	_ =	swait.ge [sflag:s7], $0x400  }
0x36c: {  	[sflag:s7] =	ssyncset.done $0x0  }
0x36d: {  	[sflag:s7] =	ssyncadd.s32 $0xFFFFFC00  }
0x36e: {  	_ =	swait.ge [sflag:s7], $0x400  }
0x36f: {  	v17 =	vmov s0;
	[sflag:s7] =	ssyncset.done $0x0  }
0x370: {  	v17 =	vshrl.u32 v17, $0x3;
	s0 =	simm.s32 $0x138F0;
	[sflag:s7] =	ssyncadd.s32 $0xFFFFFC00  }
0x371: {  	v17 =	vshll.u32 v17, v1;
	s16 =	simm.s32 $0xF8F0;
	v18 =	vld [tilespmem:s0+$0xFFFFFF10]  }
0x372: {  	v17 =	vbroadcast v17, $0x0;
	v19 =	vld [tilespmem:s16+$0xFFFFFF10];
	_ =	sdelay $0x1  }
0x373: {  	v20 =	vadd.s32 v0, v17;
	_ =	sdelay $0x2  }
0x374: {  	v18 =	vadd.f32 v18, v19;
	_ =	sdelay $0x1  }
0x375: {  	[tilespmem:v20+s29+$0x0] =	vst.idx.msk $0xffff, v18  }
0x376: {  	v18 =	vld [tilespmem:s16+$0xFFFFFF20]  }
0x377: {  	v19 =	vld [tilespmem:s0+$0xFFFFFF20];
	_ =	sdelay $0x1  }
0x378: {  	v17 =	vadd.s32 v2, v17;
	_ =	sdelay $0x2  }
0x379: {  	s19 =	simm.s32 $0x1;
	v18 =	vadd.f32 v19, v18  }
0x37a: {  	v19 =	vmov s19  }
0x37b: {  	v19 =	vshrl.u32 v19, $0x3;
	[tilespmem:v17+s29+$0x0] =	vst.idx.msk $0xffff, v18  }
0x37c: {  	v17 =	vshll.u32 v19, v1;
	v18 =	vld [tilespmem:s16+$0xFFFFFF30]  }
0x37d: {  	v17 =	vbroadcast v17, $0x0;
	v19 =	vld [tilespmem:s0+$0xFFFFFF30];
	_ =	sdelay $0x1  }
0x37e: {  	v20 =	vadd.s32 v3, v17;
	_ =	sdelay $0x2  }
0x37f: {  	v18 =	vadd.f32 v19, v18;
	_ =	sdelay $0x1  }
0x380: {  	[tilespmem:v20+s29+$0x0] =	vst.idx.msk $0xffff, v18  }
0x381: {  	v18 =	vld [tilespmem:s16+$0xFFFFFF40]  }
0x382: {  	v19 =	vld [tilespmem:s0+$0xFFFFFF40];
	_ =	sdelay $0x1  }
0x383: {  	v17 =	vadd.s32 v4, v17;
	_ =	sdelay $0x2  }
0x384: {  	s20 =	simm.s32 $0x2;
	v18 =	vadd.f32 v19, v18  }
0x385: {  	v19 =	vmov s20  }
0x386: {  	v19 =	vshrl.u32 v19, $0x3;
	[tilespmem:v17+s29+$0x0] =	vst.idx.msk $0xffff, v18  }
0x387: {  	v17 =	vshll.u32 v19, v1;
	v18 =	vld [tilespmem:s16+$0xFFFFFF50]  }
0x388: {  	v17 =	vbroadcast v17, $0x0;
	v19 =	vld [tilespmem:s0+$0xFFFFFF50];
	_ =	sdelay $0x1  }
0x389: {  	v20 =	vadd.s32 v5, v17;
	_ =	sdelay $0x2  }
0x38a: {  	v18 =	vadd.f32 v19, v18;
	_ =	sdelay $0x1  }
0x38b: {  	[tilespmem:v20+s29+$0x0] =	vst.idx.msk $0xffff, v18  }
0x38c: {  	v18 =	vld [tilespmem:s16+$0xFFFFFF60]  }
0x38d: {  	v19 =	vld [tilespmem:s0+$0xFFFFFF60];
	_ =	sdelay $0x1  }
0x38e: {  	v17 =	vadd.s32 v6, v17;
	_ =	sdelay $0x2  }
0x38f: {  	s21 =	simm.s32 $0x3;
	v18 =	vadd.f32 v19, v18  }
0x390: {  	v19 =	vmov s21  }
0x391: {  	v19 =	vshrl.u32 v19, $0x3;
	[tilespmem:v17+s29+$0x0] =	vst.idx.msk $0xffff, v18  }
0x392: {  	v17 =	vshll.u32 v19, v1;
	v18 =	vld [tilespmem:s16+$0xFFFFFF70]  }
0x393: {  	v17 =	vbroadcast v17, $0x0;
	v19 =	vld [tilespmem:s0+$0xFFFFFF70];
	_ =	sdelay $0x1  }
0x394: {  	v20 =	vadd.s32 v7, v17;
	_ =	sdelay $0x2  }
0x395: {  	v18 =	vadd.f32 v19, v18;
	_ =	sdelay $0x1  }
0x396: {  	[tilespmem:v20+s29+$0x0] =	vst.idx.msk $0xffff, v18  }
0x397: {  	v18 =	vld [tilespmem:s16+$0xFFFFFF80]  }
0x398: {  	v19 =	vld [tilespmem:s0+$0xFFFFFF80];
	_ =	sdelay $0x1  }
0x399: {  	v17 =	vadd.s32 v8, v17;
	_ =	sdelay $0x2  }
0x39a: {  	s18 =	simm.s32 $0x4;
	v18 =	vadd.f32 v19, v18  }
0x39b: {  	v19 =	vmov s18  }
0x39c: {  	v19 =	vshrl.u32 v19, $0x3;
	[tilespmem:v17+s29+$0x0] =	vst.idx.msk $0xffff, v18  }
0x39d: {  	v17 =	vshll.u32 v19, v1;
	v18 =	vld [tilespmem:s16+$0xFFFFFF90]  }
0x39e: {  	v17 =	vbroadcast v17, $0x0;
	v19 =	vld [tilespmem:s0+$0xFFFFFF90];
	_ =	sdelay $0x1  }
0x39f: {  	v20 =	vadd.s32 v9, v17;
	_ =	sdelay $0x2  }
0x3a0: {  	v18 =	vadd.f32 v19, v18;
	_ =	sdelay $0x1  }
0x3a1: {  	[tilespmem:v20+s29+$0x0] =	vst.idx.msk $0xffff, v18  }
0x3a2: {  	v18 =	vld [tilespmem:s16+$0xFFFFFFA0]  }
0x3a3: {  	v19 =	vld [tilespmem:s0+$0xFFFFFFA0];
	_ =	sdelay $0x1  }
0x3a4: {  	v17 =	vadd.s32 v10, v17;
	_ =	sdelay $0x2  }
0x3a5: {  	s19 =	simm.s32 $0x5;
	v18 =	vadd.f32 v19, v18  }
0x3a6: {  	v19 =	vmov s19  }
0x3a7: {  	v19 =	vshrl.u32 v19, $0x3;
	[tilespmem:v17+s29+$0x0] =	vst.idx.msk $0xffff, v18  }
0x3a8: {  	v17 =	vshll.u32 v19, v1;
	v18 =	vld [tilespmem:s16+$0xFFFFFFB0]  }
0x3a9: {  	v17 =	vbroadcast v17, $0x0;
	v19 =	vld [tilespmem:s0+$0xFFFFFFB0];
	_ =	sdelay $0x1  }
0x3aa: {  	v20 =	vadd.s32 v11, v17;
	_ =	sdelay $0x2  }
0x3ab: {  	v18 =	vadd.f32 v19, v18;
	_ =	sdelay $0x1  }
0x3ac: {  	[tilespmem:v20+s29+$0x0] =	vst.idx.msk $0xffff, v18  }
0x3ad: {  	v18 =	vld [tilespmem:s16+$0xFFFFFFC0]  }
0x3ae: {  	v19 =	vld [tilespmem:s0+$0xFFFFFFC0];
	_ =	sdelay $0x1  }
0x3af: {  	v17 =	vadd.s32 v12, v17;
	_ =	sdelay $0x2  }
0x3b0: {  	s20 =	simm.s32 $0x6;
	v18 =	vadd.f32 v19, v18  }
0x3b1: {  	v19 =	vmov s20  }
0x3b2: {  	v19 =	vshrl.u32 v19, $0x3;
	[tilespmem:v17+s29+$0x0] =	vst.idx.msk $0xffff, v18  }
0x3b3: {  	v17 =	vshll.u32 v19, v1;
	v18 =	vld [tilespmem:s16+$0xFFFFFFD0]  }
0x3b4: {  	v17 =	vbroadcast v17, $0x0;
	v19 =	vld [tilespmem:s0+$0xFFFFFFD0];
	_ =	sdelay $0x1  }
0x3b5: {  	v20 =	vadd.s32 v13, v17;
	_ =	sdelay $0x2  }
0x3b6: {  	v18 =	vadd.f32 v19, v18;
	_ =	sdelay $0x1  }
0x3b7: {  	[tilespmem:v20+s29+$0x0] =	vst.idx.msk $0xffff, v18  }
0x3b8: {  	v18 =	vld [tilespmem:s16+$0xFFFFFFE0]  }
0x3b9: {  	v19 =	vld [tilespmem:s0+$0xFFFFFFE0];
	_ =	sdelay $0x1  }
0x3ba: {  	v17 =	vadd.s32 v14, v17  }
0x3bb: {  	s21 =	simm.s32 $0x7  }
0x3bc: {  	v20 =	vmov s21  }
0x3bd: {  	v20 =	vshrl.u32 v20, $0x3;
	v18 =	vadd.f32 v19, v18  }
0x3be: {  	v19 =	vshll.u32 v20, v1  }
0x3bf: {  	v20 =	vbroadcast v19, $0x0;
	[tilespmem:v17+s29+$0x0] =	vst.idx.msk $0xffff, v18  }
0x3c0: {  	v19 =	vld [tilespmem:s16+$0xFFFFFFF0]  }
0x3c1: {  	s17 =	simm.s32 $0x8;
	s18 =	simm.s32 $0xF8F0;
	s19 =	simm.s32 $0x138F0;
	v18 =	vadd.s32 v15, v20;
	v17 =	vadd.s32 v16, v20;
	v20 =	vld [tilespmem:s0+$0xFFFFFFF0]  }
.LBB2_9:
0x3c2: {  	p1 =	slt.u32 s17, $0x78;
	s0 =	sadd.s32 $0x100, s0;
	s16 =	sadd.s32 $0x100, s16  }
0x3c3: {  	s20 =	smov.u32 s17;
	s17 =	sadd.s32 $0x8, s17;
	_ =	sdelay $0x2  }
0x3c4: {  	v19 =	vadd.f32 v20, v19;
	_ =	sdelay $0x1  }
0x3c5: {  	[tilespmem:v18+s29+$0x0] =	vst.idx.msk $0xffff, v19  }
0x3c6: {  	v18 =	vld [tilespmem:s18+$0x0];
	s18 =	smov.u32 s16  }
0x3c7: {  	v19 =	vld [tilespmem:s19+$0x0];
	s19 =	smov.u32 s0;
	_ =	sdelay $0x4  }
0x3c8: {  	v18 =	vadd.f32 v19, v18  }
0x3c9: {  	v19 =	vmov s20  }
0x3ca: {  	v19 =	vshrl.u32 v19, $0x3;
	[tilespmem:v17+s29+$0x0] =	vst.idx.msk $0xffff, v18  }
0x3cb: {  	v18 =	vshll.u32 v19, v1;
	v17 =	vld [tilespmem:s0+$0xFFFFFF10]  }
0x3cc: {  	v18 =	vbroadcast v18, $0x0;
	v19 =	vld [tilespmem:s16+$0xFFFFFF10];
	_ =	sdelay $0x1  }
0x3cd: {  	v20 =	vadd.s32 v0, v18;
	_ =	sdelay $0x2  }
0x3ce: {  	v17 =	vadd.f32 v17, v19;
	_ =	sdelay $0x1  }
0x3cf: {  	[tilespmem:v20+s29+$0x0] =	vst.idx.msk $0xffff, v17  }
0x3d0: {  	v17 =	vld [tilespmem:s16+$0xFFFFFF20]  }
0x3d1: {  	v19 =	vld [tilespmem:s0+$0xFFFFFF20]  }
0x3d2: {  	v18 =	vadd.s32 v2, v18;
	_ =	sdelay $0x1  }
0x3d3: {  	s21 =	sadd.s32 $0x1, s20  }
0x3d4: {  	v20 =	vmov s21  }
0x3d5: {  	v17 =	vadd.f32 v19, v17;
	v19 =	vshrl.u32 v20, $0x3  }
0x3d6: {  	v19 =	vshll.u32 v19, v1  }
0x3d7: {  	[tilespmem:v18+s29+$0x0] =	vst.idx.msk $0xffff, v17;
	v17 =	vbroadcast v19, $0x0  }
0x3d8: {  	v18 =	vld [tilespmem:s16+$0xFFFFFF30]  }
0x3d9: {  	v19 =	vld [tilespmem:s0+$0xFFFFFF30];
	v20 =	vadd.s32 v3, v17;
	_ =	sdelay $0x4  }
0x3da: {  	v18 =	vadd.f32 v19, v18;
	_ =	sdelay $0x1  }
0x3db: {  	[tilespmem:v20+s29+$0x0] =	vst.idx.msk $0xffff, v18  }
0x3dc: {  	v17 =	vadd.s32 v4, v17;
	v18 =	vld [tilespmem:s16+$0xFFFFFF40]  }
0x3dd: {  	v19 =	vld [tilespmem:s0+$0xFFFFFF40]  }
0x3de: {  	s21 =	sadd.s32 $0x2, s20  }
0x3df: {  	v20 =	vmov s21  }
0x3e0: {  	v20 =	vshrl.u32 v20, $0x3  }
0x3e1: {  	v20 =	vshll.u32 v20, v1  }
0x3e2: {  	v18 =	vadd.f32 v19, v18;
	v19 =	vbroadcast v20, $0x0;
	_ =	sdelay $0x1  }
0x3e3: {  	[tilespmem:v17+s29+$0x0] =	vst.idx.msk $0xffff, v18;
	v17 =	vadd.s32 v5, v19  }
0x3e4: {  	v18 =	vld [tilespmem:s16+$0xFFFFFF50]  }
0x3e5: {  	v20 =	vld [tilespmem:s0+$0xFFFFFF50];
	_ =	sdelay $0x4  }
0x3e6: {  	v18 =	vadd.f32 v20, v18  }
0x3e7: {  	v19 =	vadd.s32 v6, v19  }
0x3e8: {  	[tilespmem:v17+s29+$0x0] =	vst.idx.msk $0xffff, v18  }
0x3e9: {  	s21 =	sadd.s32 $0x3, s20;
	v17 =	vld [tilespmem:s16+$0xFFFFFF60]  }
0x3ea: {  	v20 =	vmov s21;
	v18 =	vld [tilespmem:s0+$0xFFFFFF60]  }
0x3eb: {  	v20 =	vshrl.u32 v20, $0x3  }
0x3ec: {  	v20 =	vshll.u32 v20, v1  }
0x3ed: {  	v20 =	vbroadcast v20, $0x0;
	_ =	sdelay $0x1  }
0x3ee: {  	v17 =	vadd.f32 v18, v17;
	v18 =	vadd.s32 v7, v20;
	_ =	sdelay $0x1  }
0x3ef: {  	[tilespmem:v19+s29+$0x0] =	vst.idx.msk $0xffff, v17  }
0x3f0: {  	v17 =	vld [tilespmem:s16+$0xFFFFFF70]  }
0x3f1: {  	v19 =	vld [tilespmem:s0+$0xFFFFFF70];
	_ =	sdelay $0x3  }
0x3f2: {  	v20 =	vadd.s32 v8, v20  }
0x3f3: {  	v17 =	vadd.f32 v19, v17  }
0x3f4: {  	s21 =	sadd.s32 $0x4, s20  }
0x3f5: {  	[tilespmem:v18+s29+$0x0] =	vst.idx.msk $0xffff, v17;
	v17 =	vmov s21  }
0x3f6: {  	v18 =	vld [tilespmem:s16+$0xFFFFFF80];
	v17 =	vshrl.u32 v17, $0x3  }
0x3f7: {  	v19 =	vld [tilespmem:s0+$0xFFFFFF80];
	v17 =	vshll.u32 v17, v1  }
0x3f8: {  	v17 =	vbroadcast v17, $0x0;
	_ =	sdelay $0x1  }
0x3f9: {  	v21 =	vadd.s32 v9, v17;
	_ =	sdelay $0x1  }
0x3fa: {  	v18 =	vadd.f32 v19, v18;
	_ =	sdelay $0x1  }
0x3fb: {  	[tilespmem:v20+s29+$0x0] =	vst.idx.msk $0xffff, v18  }
0x3fc: {  	v18 =	vld [tilespmem:s16+$0xFFFFFF90]  }
0x3fd: {  	v19 =	vld [tilespmem:s0+$0xFFFFFF90];
	_ =	sdelay $0x1  }
0x3fe: {  	v17 =	vadd.s32 v10, v17;
	_ =	sdelay $0x1  }
0x3ff: {  	s21 =	sadd.s32 $0x5, s20  }
0x400: {  	v18 =	vadd.f32 v19, v18;
	v19 =	vmov s21  }
0x401: {  	v19 =	vshrl.u32 v19, $0x3  }
0x402: {  	[tilespmem:v21+s29+$0x0] =	vst.idx.msk $0xffff, v18;
	v18 =	vshll.u32 v19, v1  }
0x403: {  	v19 =	vld [tilespmem:s16+$0xFFFFFFA0];
	v18 =	vbroadcast v18, $0x0  }
0x404: {  	v20 =	vld [tilespmem:s0+$0xFFFFFFA0]  }
0x405: {  	v21 =	vadd.s32 v11, v18;
	_ =	sdelay $0x3  }
0x406: {  	v19 =	vadd.f32 v20, v19;
	_ =	sdelay $0x1  }
0x407: {  	[tilespmem:v17+s29+$0x0] =	vst.idx.msk $0xffff, v19  }
0x408: {  	v17 =	vld [tilespmem:s16+$0xFFFFFFB0]  }
0x409: {  	v18 =	vadd.s32 v12, v18;
	v19 =	vld [tilespmem:s0+$0xFFFFFFB0];
	_ =	sdelay $0x1  }
0x40a: {  	s21 =	sadd.s32 $0x6, s20  }
0x40b: {  	v20 =	vmov s21  }
0x40c: {  	v20 =	vshrl.u32 v20, $0x3  }
0x40d: {  	v17 =	vadd.f32 v19, v17;
	v19 =	vshll.u32 v20, v1  }
0x40e: {  	v19 =	vbroadcast v19, $0x0  }
0x40f: {  	[tilespmem:v21+s29+$0x0] =	vst.idx.msk $0xffff, v17  }
0x410: {  	v17 =	vld [tilespmem:s16+$0xFFFFFFC0];
	v20 =	vadd.s32 v13, v19  }
0x411: {  	v21 =	vld [tilespmem:s0+$0xFFFFFFC0];
	_ =	sdelay $0x4  }
0x412: {  	v17 =	vadd.f32 v21, v17;
	_ =	sdelay $0x1  }
0x413: {  	v19 =	vadd.s32 v14, v19;
	[tilespmem:v18+s29+$0x0] =	vst.idx.msk $0xffff, v17  }
0x414: {  	v17 =	vld [tilespmem:s16+$0xFFFFFFD0]  }
0x415: {  	s20 =	sadd.s32 $0x7, s20;
	v18 =	vld [tilespmem:s0+$0xFFFFFFD0]  }
0x416: {  	v21 =	vmov s20  }
0x417: {  	v21 =	vshrl.u32 v21, $0x3  }
0x418: {  	v21 =	vshll.u32 v21, v1  }
0x419: {  	v21 =	vbroadcast v21, $0x0  }
0x41a: {  	v17 =	vadd.f32 v18, v17  }
0x41b: {  	v18 =	vadd.s32 v15, v21  }
0x41c: {  	[tilespmem:v20+s29+$0x0] =	vst.idx.msk $0xffff, v17  }
0x41d: {  	v17 =	vld [tilespmem:s16+$0xFFFFFFE0]  }
0x41e: {  	v20 =	vld [tilespmem:s0+$0xFFFFFFE0];
	_ =	sdelay $0x4  }
.Ltmp3:
0x41f: {  	v20 =	vadd.f32 v20, v17;
	v17 =	vadd.s32 v16, v21;
	(pc) =	sbr.rel @p1 .LBB2_9-.Ltmp3, $4  }
0x420: {  	_ = 	snop  }
0x421: {  	[tilespmem:v19+s29+$0x0] =	vst.idx.msk $0xffff, v20  }
0x422: {  	v19 =	vld [tilespmem:s16+$0xFFFFFFF0]  }
0x423: {  	v20 =	vld [tilespmem:s0+$0xFFFFFFF0]  }
0x424: {  	_ =	sdelay $0x3  }
0x425: {  	v19 =	vadd.f32 v20, v19;
	_ =	sdelay $0x1  }
0x426: {  	[tilespmem:v18+s29+$0x0] =	vst.idx.msk $0xffff, v19  }
0x427: {  	v18 =	vld [tilespmem:s18+$0x0]  }
0x428: {  	v19 =	vld [tilespmem:s19+$0x0];
	_ =	sdelay $0x4  }
0x429: {  	v18 =	vadd.f32 v19, v18;
	_ =	sdelay $0x1  }
0x42a: {  	s0 =	sadd.s32 @!p0 $0x380, s13;
	s16 =	simm.s32 @!p0 $0x80;
	s17 =	simm.s32 @!p0 $0xF800;
	[tilespmem:v17+s29+$0x0] =	vst.idx.msk $0xffff, v18  }
0x42b: {  	[tilespmem:s17], [sflag:$0x4] =	stream.indirect.gather @!p0 [hbm4b:s4+s16], $0x20, s0, s16, $0xb8;
	[tilespmem:$0x16A00] =	vst v63  }
0x42c: {  	s0 =	sadd.s32 @!p0 $0x6780, s13;
	s13 =	simm.s32 @!p0 $0x13800  }
0x42d: {  	[tilespmem:s13], [sflag:$0x8] =	stream.indirect.gather @!p0 [hbm4b:s5+s16], $0x20, s0, s16, $0xb8;
	[tilespmem:$0x16A00] =	vst v63  }
0x42e: {  	s13 =	sadd.s32 $0x3, s15  }
0x42f: {  	s15 =	sshll.u32 s13, $0x7;
	s0 =	sshll.u32 s13, $0x9  }
0x430: {  	s13 =	sand.u32 $0x3F80, s15;
	s0 =	sand.u32 $0x7FFF0000, s0  }
0x431: {  	s0 =	sor.u32 s13, s0  }
0x432: {  	s13 =	sadd.s32 s2, s0  }
0x433: {  	[hbm4b:s13+s3] =	stream.linear.scatter [tilespmem:s29], [sflag:$0xA], $0x80, $0x38;
	[tilespmem:$0x16A00] =	vst v63  }
0x434: {  	s17 =	simm.s32 $0x15988;
	s16 =	sadd.s32 $0x10, s13  }
0x435: {  	[hbm4b:s16+s3] =	stream.linear.scatter [tilespmem:s17], [sflag:$0xA], $0x80, $0x38;
	[tilespmem:$0x16A00] =	vst v63  }
0x436: {  	s19 =	simm.s32 $0x15A10;
	s18 =	sadd.s32 $0x20, s13  }
0x437: {  	[hbm4b:s18+s3] =	stream.linear.scatter [tilespmem:s19], [sflag:$0xA], $0x80, $0x38;
	[tilespmem:$0x16A00] =	vst v63  }
0x438: {  	s21 =	simm.s32 $0x15A98;
	s20 =	sadd.s32 $0x30, s13  }
0x439: {  	[hbm4b:s20+s3] =	stream.linear.scatter [tilespmem:s21], [sflag:$0xA], $0x80, $0x38;
	[tilespmem:$0x16A00] =	vst v63  }
0x43a: {  	s16 =	sadd.s32 $0x40, s13;
	s17 =	simm.s32 $0x15B20  }
0x43b: {  	[hbm4b:s16+s3] =	stream.linear.scatter [tilespmem:s17], [sflag:$0xA], $0x80, $0x38;
	[tilespmem:$0x16A00] =	vst v63  }
0x43c: {  	s18 =	sadd.s32 $0x50, s13;
	s19 =	simm.s32 $0x15BA8  }
0x43d: {  	[hbm4b:s18+s3] =	stream.linear.scatter [tilespmem:s19], [sflag:$0xA], $0x80, $0x38;
	[tilespmem:$0x16A00] =	vst v63  }
0x43e: {  	s20 =	sadd.s32 $0x60, s13;
	s21 =	simm.s32 $0x15C30  }
0x43f: {  	[hbm4b:s20+s3] =	stream.linear.scatter [tilespmem:s21], [sflag:$0xA], $0x80, $0x38;
	[tilespmem:$0x16A00] =	vst v63  }
0x440: {  	s13 =	sadd.s32 $0x70, s13;
	s16 =	simm.s32 $0x15CB8  }
0x441: {  	[hbm4b:s13+s3] =	stream.linear.scatter [tilespmem:s16], [sflag:$0xA], $0x80, $0x38;
	[tilespmem:$0x16A00] =	vst v63  }
0x442: {  	s17 =	simm.s32 $0x15D40;
	s13 =	sadd.s32 s0, s9  }
0x443: {  	[hbm4b:s13+s3] =	stream.linear.scatter [tilespmem:s17], [sflag:$0xA], $0x80, $0x38;
	[tilespmem:$0x16A00] =	vst v63  }
0x444: {  	s19 =	simm.s32 $0x15DC8;
	s18 =	sadd.s32 $0x10, s13  }
0x445: {  	[hbm4b:s18+s3] =	stream.linear.scatter [tilespmem:s19], [sflag:$0xA], $0x80, $0x38;
	[tilespmem:$0x16A00] =	vst v63  }
0x446: {  	s21 =	simm.s32 $0x15E50;
	s20 =	sadd.s32 $0x20, s13  }
0x447: {  	[hbm4b:s20+s3] =	stream.linear.scatter [tilespmem:s21], [sflag:$0xA], $0x80, $0x38;
	[tilespmem:$0x16A00] =	vst v63  }
0x448: {  	s16 =	sadd.s32 $0x30, s13;
	s17 =	simm.s32 $0x15ED8  }
0x449: {  	[hbm4b:s16+s3] =	stream.linear.scatter [tilespmem:s17], [sflag:$0xA], $0x80, $0x38;
	[tilespmem:$0x16A00] =	vst v63  }
0x44a: {  	s18 =	sadd.s32 $0x40, s13;
	s19 =	simm.s32 $0x15F60  }
0x44b: {  	[hbm4b:s18+s3] =	stream.linear.scatter [tilespmem:s19], [sflag:$0xA], $0x80, $0x38;
	[tilespmem:$0x16A00] =	vst v63  }
0x44c: {  	s20 =	sadd.s32 $0x50, s13;
	s21 =	simm.s32 $0x15FE8  }
0x44d: {  	[hbm4b:s20+s3] =	stream.linear.scatter [tilespmem:s21], [sflag:$0xA], $0x80, $0x38;
	[tilespmem:$0x16A00] =	vst v63  }
0x44e: {  	s16 =	sadd.s32 $0x60, s13;
	s17 =	simm.s32 $0x16070  }
0x44f: {  	[hbm4b:s16+s3] =	stream.linear.scatter [tilespmem:s17], [sflag:$0xA], $0x80, $0x38;
	[tilespmem:$0x16A00] =	vst v63  }
0x450: {  	s13 =	sadd.s32 $0x70, s13;
	s18 =	simm.s32 $0x160F8  }
0x451: {  	[hbm4b:s13+s3] =	stream.linear.scatter [tilespmem:s18], [sflag:$0xA], $0x80, $0x38;
	[tilespmem:$0x16A00] =	vst v63  }
0x452: {  	s19 =	simm.s32 $0x16180;
	s13 =	sadd.s32 s0, s10  }
0x453: {  	[hbm4b:s13+s3] =	stream.linear.scatter [tilespmem:s19], [sflag:$0xA], $0x80, $0x38;
	[tilespmem:$0x16A00] =	vst v63  }
0x454: {  	s21 =	simm.s32 $0x16208;
	s20 =	sadd.s32 $0x10, s13  }
0x455: {  	[hbm4b:s20+s3] =	stream.linear.scatter [tilespmem:s21], [sflag:$0xA], $0x80, $0x38;
	[tilespmem:$0x16A00] =	vst v63  }
0x456: {  	s17 =	simm.s32 $0x16290;
	s16 =	sadd.s32 $0x20, s13  }
0x457: {  	[hbm4b:s16+s3] =	stream.linear.scatter [tilespmem:s17], [sflag:$0xA], $0x80, $0x38;
	[tilespmem:$0x16A00] =	vst v63  }
0x458: {  	s18 =	sadd.s32 $0x30, s13;
	s19 =	simm.s32 $0x16318  }
0x459: {  	[hbm4b:s18+s3] =	stream.linear.scatter [tilespmem:s19], [sflag:$0xA], $0x80, $0x38;
	[tilespmem:$0x16A00] =	vst v63  }
0x45a: {  	s20 =	sadd.s32 $0x40, s13;
	s21 =	simm.s32 $0x163A0  }
0x45b: {  	[hbm4b:s20+s3] =	stream.linear.scatter [tilespmem:s21], [sflag:$0xA], $0x80, $0x38;
	[tilespmem:$0x16A00] =	vst v63  }
0x45c: {  	s17 =	sadd.s32 $0x50, s13;
	s18 =	simm.s32 $0x16428  }
0x45d: {  	[hbm4b:s17+s3] =	stream.linear.scatter [tilespmem:s18], [sflag:$0xA], $0x80, $0x38;
	[tilespmem:$0x16A00] =	vst v63  }
0x45e: {  	s19 =	sadd.s32 $0x60, s13;
	s20 =	simm.s32 $0x164B0  }
0x45f: {  	[hbm4b:s19+s3] =	stream.linear.scatter [tilespmem:s20], [sflag:$0xA], $0x80, $0x38;
	[tilespmem:$0x16A00] =	vst v63  }
0x460: {  	s13 =	sadd.s32 $0x70, s13;
	s21 =	simm.s32 $0x16538  }
0x461: {  	[hbm4b:s13+s3] =	stream.linear.scatter [tilespmem:s21], [sflag:$0xA], $0x80, $0x38;
	[tilespmem:$0x16A00] =	vst v63  }
0x462: {  	s15 =	simm.s32 $0x165C0;
	s0 =	sadd.s32 s0, s11  }
0x463: {  	[hbm4b:s0+s3] =	stream.linear.scatter [tilespmem:s15], [sflag:$0xA], $0x80, $0x38;
	[tilespmem:$0x16A00] =	vst v63  }
0x464: {  	s16 =	sadd.s32 $0x10, s0;
	s17 =	simm.s32 $0x16648  }
0x465: {  	[hbm4b:s16+s3] =	stream.linear.scatter [tilespmem:s17], [sflag:$0xA], $0x80, $0x38;
	[tilespmem:$0x16A00] =	vst v63  }
0x466: {  	s18 =	sadd.s32 $0x20, s0;
	s19 =	simm.s32 $0x166D0  }
0x467: {  	[hbm4b:s18+s3] =	stream.linear.scatter [tilespmem:s19], [sflag:$0xA], $0x80, $0x38;
	[tilespmem:$0x16A00] =	vst v63  }
0x468: {  	s20 =	sadd.s32 $0x30, s0;
	s21 =	simm.s32 $0x16758  }
0x469: {  	[hbm4b:s20+s3] =	stream.linear.scatter [tilespmem:s21], [sflag:$0xA], $0x80, $0x38;
	[tilespmem:$0x16A00] =	vst v63  }
0x46a: {  	s12 =	sadd.s32 $0x1, s12;
	s15 =	sadd.s32 $0x40, s0;
	s16 =	simm.s32 $0x167E0  }
0x46b: {  	[hbm4b:s15+s3] =	stream.linear.scatter [tilespmem:s16], [sflag:$0xA], $0x80, $0x38;
	[tilespmem:$0x16A00] =	vst v63  }
0x46c: {  	p0 =	sne.s32 s12, $0x32;
	s17 =	sadd.s32 $0x50, s0;
	s18 =	simm.s32 $0x16868  }
0x46d: {  	[hbm4b:s17+s3] =	stream.linear.scatter [tilespmem:s18], [sflag:$0xA], $0x80, $0x38;
	[tilespmem:$0x16A00] =	vst v63  }
.Ltmp4:
0x46e: {  	_ = 	snop;
	(pc) =	sbr.rel @p0 .LBB2_2-.Ltmp4, $4  }
0x46f: {  	s19 =	sadd.s32 $0x60, s0;
	s20 =	simm.s32 $0x168F0  }
0x470: {  	[hbm4b:s19+s3] =	stream.linear.scatter [tilespmem:s20], [sflag:$0xA], $0x80, $0x38;
	[tilespmem:$0x16A00] =	vst v63  }
0x471: {  	s0 =	sadd.s32 $0x70, s0;
	s21 =	simm.s32 $0x16978  }
0x472: {  	[hbm4b:s0+s3] =	stream.linear.scatter [tilespmem:s21], [sflag:$0xA], $0x80, $0x38;
	[tilespmem:$0x16A00] =	vst v63  }
0x473: {  	_ =	swait.ge [sflag:s25], $0x400  }
0x474: {  	[sflag:s25] =	ssyncset.done $0x0  }
0x475: {  	[sflag:s25] =	ssyncadd.s32 $0xFFFFFC00  }
0x476: {  	_ =	swait.ge [sflag:s25], $0x400  }
0x477: {  	[sflag:s25] =	ssyncset.done $0x0  }
0x478: {  	[sflag:s25] =	ssyncadd.s32 $0xFFFFFC00  }
0x479: {  	_ =	swait.ge [sflag:s25], $0x400  }
0x47a: {  	[sflag:s25] =	ssyncset.done $0x0  }
0x47b: {  	[sflag:s25] =	ssyncadd.s32 $0xFFFFFC00  }
0x47c: {  	_ =	swait.ge [sflag:s25], $0x400  }
0x47d: {  	[sflag:s25] =	ssyncset.done $0x0  }
0x47e: {  	[sflag:s25] =	ssyncadd.s32 $0xFFFFFC00  }
0x47f: {  	_ =	swait.ge [sflag:s7], $0x400  }
0x480: {  	[sflag:s7] =	ssyncset.done $0x0  }
0x481: {  	[sflag:s7] =	ssyncadd.s32 $0xFFFFFC00  }
0x482: {  	_ =	swait.ge [sflag:s7], $0x400  }
0x483: {  	[sflag:s7] =	ssyncset.done $0x0  }
0x484: {  	[sflag:s7] =	ssyncadd.s32 $0xFFFFFC00  }
0x485: {  	_ =	swait.ge [sflag:s7], $0x400  }
0x486: {  	[sflag:s7] =	ssyncset.done $0x0  }
0x487: {  	[sflag:s7] =	ssyncadd.s32 $0xFFFFFC00  }
0x488: {  	_ =	swait.ge [sflag:s7], $0x400  }
0x489: {  	s12 =	rddreg [dreg:$0x6]  }
0x48a: {  	s0 =	rddreg [dreg:$0x5];
	s12 =	sadd.s32 $0x1, s12  }
0x48b: {  	p0 =	sne.s32 s12, s0  }
.Ltmp5:
0x48c: {  	_ = 	snop;
	(pc) =	sbr.rel @p0 .LBB2_1-.Ltmp5, $3  }
0x48d: {  	_ =	sdelay $0x1  }
0x48e: {  	[sflag:s7] =	ssyncset.done $0x0  }
0x48f: {  	[sflag:s7] =	ssyncadd.s32 $0xFFFFFC00  }
0x490: {  	_ =	sfence.sel $0x180000  }
0x491: {  	[bflag:$0x0] =	sbarrier.arrive $0xFFFF  }
0x492: {  	_ =	strace $0x90000047  }
0x493: {  	s0 =	stileid.u32;
	[bflag:$0x2] =	sbarrier.arrive $0xFFFF  }
0x494: {  	p0 =	sne.s32 s0, $0x0;
	s0 =	rddreg [dreg:$0x2]  }
0x495: {  	s0 =	sadd.s32 @!p0 $0x100000, s0  }
0x496: {  	[sflag:s0] =	ssyncadd.tile.s32 @!p0 $0x1;
	_ =	shalt  }
.Lfunc_end2:
_tile_overlayer_lowered:
.L_overlay_start_2:
0x497: {  	(tag) =	ssettag $0x2  }
0x498: {  	s0 =	rddreg [dreg:$0x0];
	s2 =	stileid.u32  }
0x499: {  	s1 =	rddreg [dreg:$0x1];
	p0 =	sne.s32 s2, $0x0  }
0x49a: {  	s3 =	rddreg [dreg:$0x2];
	[bflag:$0x3] =	sbarrier.arrive $0xFFFF;
	s2 =	simm.s32 @!p0 $0x1C0B  }
0x49b: {  	[timem:s3], [sflag:s2] =	dma.local @!p0 [hbm:s0], s1  }
0x49c: {  	s0 =	simm.s32 @!p0 $0xB  }
0x49d: {  	_ =	swait.ge @!p0 [sflag:s0], s1  }
0x49e: {  	s1 =	ssub.s32 @!p0 $0x0, s1;
	[sflag:s0] =	ssyncset.done @!p0 $0x0  }
0x49f: {  	[sflag:s0] =	ssyncadd.s32 @!p0 s1  }
0x4a0: {  	[bflag:$0x3] =	sbarrier.arrive $0xFFFF  }
0x4a1: {  	_ =	shalt  }

</sc_bundles>
